<compile_context>
chip_gen: v7x
topology: tpu7x:2x2x1
jax: 0.10.2.dev20260603
libtpu: 0.0.44.dev20260713+nightly
codegen_flags: <defaults>
</compile_context>

<pallas_src>
import functools

import jax
import jax.numpy as jnp
from jax import lax
from jax.experimental import pallas as pl
from jax.experimental.pallas import tpu as pltpu
from jax.experimental.pallas import tpu_sc as plsc

N = 10000
E = 320000
F = 128

NC = 2
NS = 16
NW = NC * NS
EPW = E // NW

K = 64
CHUNKS = 160
TOTAL_CHUNKS = E // K
N_PAD = 10240
N_ACC = 10112
ROWS_PER_TILE = N_ACC // NS
RB = 2048

_sc_mesh = plsc.VectorSubcoreMesh(core_axis_name="c", subcore_axis_name="s")


@functools.partial(
    pl.kernel,
    out_type=jax.ShapeDtypeStruct((NW, N_PAD), jnp.float32),
    mesh=_sc_mesh,
    scratch_types=[
        pltpu.VMEM((EPW,), jnp.int32),
        pltpu.VMEM((N_PAD,), jnp.float32),
    ],
    compiler_params=pltpu.CompilerParams(needs_layout_passes=False,
                                         use_tc_tiling_on_sc=False),
)
def _deg_kernel(edge_hbm, out_hbm, dst_v, hist):
    c = lax.axis_index("c")
    s = lax.axis_index("s")
    wid = s * NC + c
    pltpu.sync_copy(edge_hbm.at[1, pl.ds(wid * EPW, EPW)], dst_v)

    zeros16 = jnp.zeros((16,), jnp.float32)

    @pl.loop(0, N_PAD // 16)
    def _zero(i):
        hist[pl.ds(i * 16, 16)] = zeros16

    ones16 = jnp.ones((16,), jnp.float32)

    @plsc.parallel_loop(0, EPW // 16, unroll=4)
    def _accum(i):
        idx = dst_v[pl.ds(i * 16, 16)]
        plsc.addupdate_scatter(hist, [idx], ones16)

    pltpu.sync_copy(hist, out_hbm.at[wid])


@functools.partial(
    pl.kernel,
    out_type=jax.ShapeDtypeStruct((NC, N_ACC, F), jnp.float32),
    mesh=_sc_mesh,
    scratch_types=[
        pltpu.VMEM((8, K), jnp.int32),
        pltpu.VMEM((8, K), jnp.int32),
        pltpu.VMEM((K, F // 2), jnp.int32),
        pltpu.VMEM((K, F // 2), jnp.int32),
        pltpu.VMEM((K, F), jnp.float32),
        pltpu.VMEM((K, F), jnp.float32),
        pltpu.SemaphoreType.DMA,
        pltpu.SemaphoreType.DMA,
        pltpu.SemaphoreType.DMA,
        pltpu.SemaphoreType.DMA,
        pltpu.VMEM_SHARED((N_ACC, F), jnp.float32),
        [pltpu.SemaphoreType.DMA] * 8,
    ],
    compiler_params=pltpu.CompilerParams(needs_layout_passes=False,
                                         use_tc_tiling_on_sc=False),
)
def _agg_kernel(g_hbm, edge_hbm, zeros_hbm, p_hbm,
                src_v, dst_v, raw0, raw1, rf0, rf1,
                sem0, sem1, ssem0, ssem1, acc, isems):
    c = lax.axis_index("c")
    s = lax.axis_index("s")
    wid = s * NC + c
    rsems = (sem0, sem1)
    ssems = (ssem0, ssem1)
    raws = (raw0, raw1)
    rfs = (rf0, rf1)

    base = wid * (CHUNKS * K)
    nch = jnp.minimum(CHUNKS, TOTAL_CHUNKS - wid * CHUNKS)

    def fire_idx(cid, ib):
        off = base + cid * K
        pltpu.async_copy(edge_hbm.at[0, pl.ds(off, K)], src_v.at[ib], isems[ib])
        pltpu.async_copy(edge_hbm.at[1, pl.ds(off, K)], dst_v.at[ib], isems[ib])

    def wait_idx(ib):
        pltpu.make_async_copy(edge_hbm.at[0, pl.ds(0, K)], src_v.at[ib],
                              isems[ib]).wait()
        pltpu.make_async_copy(edge_hbm.at[0, pl.ds(0, K)], dst_v.at[ib],
                              isems[ib]).wait()

    def wait_scatter(rb, ib):
        pltpu.make_async_copy(rfs[rb], acc.at[dst_v.at[ib]], ssems[rb]).wait()

    pltpu.sync_copy(zeros_hbm, acc.at[pl.ds(s * ROWS_PER_TILE, ROWS_PER_TILE)])

    for ib in range(8):
        fire_idx(ib, ib)
    plsc.subcore_barrier()
    wait_idx(0)
    wait_idx(1)
    pltpu.async_copy(g_hbm.at[src_v.at[0]], raw0, sem0)
    pltpu.async_copy(g_hbm.at[src_v.at[1]], raw1, sem1)

    @pl.loop(0, nch, step=8)
    def _step(j):
        for tb in range(8):
            cid = j + tb
            rb = tb % 2
            raw = raws[rb]
            rf = rfs[rb]
            pltpu.make_async_copy(g_hbm.at[src_v.at[tb]], raw,
                                  rsems[rb]).wait()

            @pl.when(cid >= 2)
            def _drain_scatter():
                wait_scatter(rb, (tb + 6) % 8)

            @pl.when((cid >= 2) & (cid + 6 < nch))
            def _fire_idx():
                fire_idx(cid + 6, (tb + 6) % 8)

            @plsc.parallel_loop(0, K, unroll=4)
            def _widen(r):
                for t in range(4):
                    x = raw[r, pl.ds(16 * t, 16)]
                    lo = plsc.bitcast(x << 16, jnp.float32)
                    hi = plsc.bitcast(x & jnp.full((16,), -65536, jnp.int32),
                                      jnp.float32)
                    rf[r, pl.ds(32 * t, 16)] = lo
                    rf[r, pl.ds(32 * t + 16, 16)] = hi

            @pl.when(cid + 2 < nch)
            def _fire_rows():
                wait_idx((tb + 2) % 8)
                pltpu.async_copy(g_hbm.at[src_v.at[(tb + 2) % 8]],
                                 raw, rsems[rb])

            pltpu.async_copy(rf, acc.at[dst_v.at[tb]], ssems[rb], add=True)

    wait_scatter(0, 0)
    wait_scatter(1, 1)
    plsc.subcore_barrier()
    pltpu.sync_copy(
        acc.at[pl.ds(s * ROWS_PER_TILE, ROWS_PER_TILE)],
        p_hbm.at[c, pl.ds(s * ROWS_PER_TILE, ROWS_PER_TILE)],
    )


def _rne16(bits):
    return (bits + 0x7FFF + ((bits >> 16) & 1)) >> 16


def _proj_body(x_ref, w1_ref, b1_ref, w2_ref, hist_ref, g_ref, gp_ref):
    h = lax.dot_general(x_ref[...], w1_ref[...], (((1,), (1,)), ((), ())),
                        preferred_element_type=jnp.float32)
    h = h + b1_ref[...]
    h = lax.dot_general(h, w2_ref[...], (((1,), (1,)), ((), ())),
                        preferred_element_type=jnp.float32)
    deg = jnp.sum(hist_ref[...], axis=0) + 1.0
    dinv = lax.rsqrt(deg)
    g = h * dinv[:, None]
    g_ref[...] = g
    bits = lax.bitcast_convert_type(g, jnp.int32)
    words = []
    for t in range(4):
        lo = _rne16(bits[:, 32 * t:32 * t + 16]) & 0xFFFF
        hi = _rne16(bits[:, 32 * t + 16:32 * t + 32])
        words.append(lo | (hi << 16))
    gp_ref[...] = jnp.concatenate(words, axis=1)


def _proj_call(x, fc1_W, fc1_b2, gc_W, hist):
    return pl.pallas_call(
        _proj_body,
        grid=(N_PAD // RB,),
        in_specs=[
            pl.BlockSpec((RB, F), lambda i: (i, 0)),
            pl.BlockSpec((F, F), lambda i: (0, 0)),
            pl.BlockSpec((1, F), lambda i: (0, 0)),
            pl.BlockSpec((F, F), lambda i: (0, 0)),
            pl.BlockSpec((NW, RB), lambda i: (0, i)),
        ],
        out_specs=[
            pl.BlockSpec((RB, F), lambda i: (i, 0)),
            pl.BlockSpec((RB, F // 2), lambda i: (i, 0)),
        ],
        out_shape=[
            jax.ShapeDtypeStruct((N_PAD, F), jnp.float32),
            jax.ShapeDtypeStruct((N_PAD, F // 2), jnp.int32),
        ],
    )(x, fc1_W, fc1_b2, gc_W, hist)


def _combine_body(p_ref, g_ref, hist_ref, b_ref, o_ref):
    deg = jnp.sum(hist_ref[...], axis=0) + 1.0
    dinv = lax.rsqrt(deg)
    tot = p_ref[0] + p_ref[1] + g_ref[...]
    o_ref[...] = tot * dinv[:, None] + b_ref[...]


def _combine_call(P, g, hist, gc_b2):
    return pl.pallas_call(
        _combine_body,
        grid=(N_PAD // RB,),
        in_specs=[
            pl.BlockSpec((NC, RB, F), lambda i: (0, i, 0)),
            pl.BlockSpec((RB, F), lambda i: (i, 0)),
            pl.BlockSpec((NW, RB), lambda i: (0, i)),
            pl.BlockSpec((1, F), lambda i: (0, 0)),
        ],
        out_specs=pl.BlockSpec((RB, F), lambda i: (i, 0)),
        out_shape=jax.ShapeDtypeStruct((N, F), jnp.float32),
    )(P, g, hist, gc_b2)


@jax.jit
def kernel(x, edge_index_adj, fc1_W, fc1_b, gc_W, gc_b):
    hist = _deg_kernel(edge_index_adj)

    g, g_pack = _proj_call(x, fc1_W, fc1_b.reshape(1, F), gc_W, hist)

    zeros_init = jnp.zeros((ROWS_PER_TILE, F), jnp.float32)
    g_pack = pltpu.with_memory_space_constraint(g_pack, pltpu.MemorySpace.HBM)
    zeros_init = pltpu.with_memory_space_constraint(zeros_init,
                                                    pltpu.MemorySpace.HBM)
    P = _agg_kernel(g_pack, edge_index_adj, zeros_init)

    return _combine_call(P, g, hist, gc_b.reshape(1, F))

# --- scband reference (transcript-rebuilt; emitter-appended) ---
"""Pipeline reference for scband-decoder-gcn-70428873720345 (READ-ONLY COPY).

The authoritative reference and input builder live on the scoring server;
editing this copy changes nothing except your own understanding.
"""

import jax, jax.numpy as jnp
import numpy as np

N = 10000
E = 320000
IN_FEAT = 128
HID_FEAT = 128
OUT_FEAT = 128


def setup_inputs(seed: int = 0) -> dict:
    key = jax.random.key(seed)
    ks = jax.random.split(key, 6)
    x = jax.random.normal(ks[0], (N, IN_FEAT), dtype=jnp.float32)
    edge_index_adj = jax.random.randint(ks[1], (2, E), 0, N, dtype=jnp.int32)
    # fc1: nn.Linear(in_feat, hidden_feat) -> weight [hid, in], bias [hid]
    fc1_W = jax.random.normal(ks[2], (HID_FEAT, IN_FEAT), dtype=jnp.float32) * (1.0 / np.sqrt(IN_FEAT))
    fc1_b = jax.random.normal(ks[3], (HID_FEAT,), dtype=jnp.float32) * (1.0 / np.sqrt(IN_FEAT))
    # gc1: GCNConv(hidden_feat, out_feat) -> lin weight [out, hid] (glorot), bias [out] (zeros init, use small rand)
    gc_W = jax.random.normal(ks[4], (OUT_FEAT, HID_FEAT), dtype=jnp.float32) * np.sqrt(2.0 / (HID_FEAT + OUT_FEAT))
    gc_b = jnp.zeros((OUT_FEAT,), dtype=jnp.float32)
    return {"x": x, "edge_index_adj": edge_index_adj, "fc1_W": fc1_W, "fc1_b": fc1_b, "gc_W": gc_W, "gc_b": gc_b}


def reference(x, edge_index_adj, fc1_W, fc1_b, gc_W, gc_b):
    # fc1
    h = x @ fc1_W.T + fc1_b
    # GCNConv: linear transform first
    h = h @ gc_W.T
    # add self-loops
    loop = jnp.arange(N, dtype=edge_index_adj.dtype)
    src = jnp.concatenate([edge_index_adj[0], loop])
    dst = jnp.concatenate([edge_index_adj[1], loop])
    # symmetric normalization: deg computed over dst (col) with unit edge weights
    deg = jnp.zeros((N,), dtype=jnp.float32).at[dst].add(1.0)
    deg_inv_sqrt = jnp.where(deg > 0, jax.lax.rsqrt(jnp.maximum(deg, 1e-12)), 0.0)
    norm = deg_inv_sqrt[src] * deg_inv_sqrt[dst]
    # message = norm * x_j (gather from src), aggregate sum at dst
    msg = h[src] * norm[:, None]
    out = jnp.zeros((N, OUT_FEAT), dtype=jnp.float32).at[dst].add(msg)
    out = out + gc_b
    return out

if __name__ == "__main__":
    import jax
    _d = setup_inputs()
    print(jax.jit(kernel)(*tuple(_d.values())))

</pallas_src>

<mosaic_0001>
#map = affine_map<(d0, d1) -> (0, 0)>
module attributes {stable_mosaic.version = 14 : i64} {
  func.func @_deg_kernel(%arg0: i32, %arg1: i32, %arg2: memref<2x320000xi32, #tpu.memory_space<hbm>>, %arg3: memref<32x10240xf32, #tpu.memory_space<hbm>>, %arg4: memref<10000xi32, #tpu.memory_space<vmem>>, %arg5: memref<10240xf32, #tpu.memory_space<vmem>>) attributes {dimension_semantics = [#tpu.dimension_semantics<core_parallel>, #tpu.dimension_semantics<subcore_parallel>], iteration_bounds = array<i64: 2, 16>, scalar_prefetch = 0 : i64, scratch_operands = 2 : i64, tpu.core_type = #tpu.core_type<sc_vector_subcore>, window_params = [{transform_indices = #map}, {transform_indices = #map}]} {
    %mul3A = arith.constant 2 : i32
    %mul3A_0 = arith.muli %arg1, %mul3A : i32
    %add3A = arith.addi %mul3A_0, %arg0 : i32
    %mul3A_1 = arith.constant 10000 : i32
    %mul3A_2 = arith.muli %add3A, %mul3A_1 : i32
    %run_scoped3A = arith.constant 1 : i32
    "tpu.region"() ({
      %run_scoped3A_12 = tpu.sem_alloc : memref<!tpu.dma_semaphore, #tpu.memory_space<semaphore_mem>>
      %dma_start3A = tpu.memref_slice %arg2[%run_scoped3A, %mul3A_2] : memref<2x320000xi32, #tpu.memory_space<hbm>> -> memref<1x10000xi32, #tpu.memory_space<hbm>>
      %dma_start3A_13 = tpu.memref_squeeze %dma_start3A : memref<1x10000xi32, #tpu.memory_space<hbm>> -> memref<10000xi32, #tpu.memory_space<hbm>>
      %dma_start3A_14 = tpu.memref_slice %arg2[%run_scoped3A, %mul3A_2] : memref<2x320000xi32, #tpu.memory_space<hbm>> -> memref<1x10000xi32, #tpu.memory_space<hbm>>
      %dma_start3A_15 = tpu.memref_squeeze %dma_start3A_14 : memref<1x10000xi32, #tpu.memory_space<hbm>> -> memref<10000xi32, #tpu.memory_space<hbm>>
      tpu.enqueue_dma source(%dma_start3A_15 : memref<10000xi32, #tpu.memory_space<hbm>>) target(%arg4 : memref<10000xi32, #tpu.memory_space<vmem>>) target_semaphore(%run_scoped3A_12 : memref<!tpu.dma_semaphore, #tpu.memory_space<semaphore_mem>>)
      %dma_wait3A = tpu.memref_slice %arg2[%run_scoped3A, %mul3A_2] : memref<2x320000xi32, #tpu.memory_space<hbm>> -> memref<1x10000xi32, #tpu.memory_space<hbm>>
      %dma_wait3A_16 = tpu.memref_squeeze %dma_wait3A : memref<1x10000xi32, #tpu.memory_space<hbm>> -> memref<10000xi32, #tpu.memory_space<hbm>>
      %dma_wait3A_17 = tpu.memref_slice %arg2[%run_scoped3A, %mul3A_2] : memref<2x320000xi32, #tpu.memory_space<hbm>> -> memref<1x10000xi32, #tpu.memory_space<hbm>>
      %dma_wait3A_18 = tpu.memref_squeeze %dma_wait3A_17 : memref<1x10000xi32, #tpu.memory_space<hbm>> -> memref<10000xi32, #tpu.memory_space<hbm>>
      tpu.wait_dma2 semaphore(%run_scoped3A_12 : memref<!tpu.dma_semaphore, #tpu.memory_space<semaphore_mem>>) src(%dma_wait3A_18 : memref<10000xi32, #tpu.memory_space<hbm>>) dst(%arg4 : memref<10000xi32, #tpu.memory_space<vmem>>)
      tpu.yield
    }) : () -> ()
    %broadcast_in_dim3A = arith.constant 0.000000e+00 : f32
    %broadcast_in_dim3A_3 = vector.broadcast %broadcast_in_dim3A : f32 to vector<16xf32>
    %scan3A = arith.constant 0 : i32
    %scan3A_4 = arith.constant 640 : i32
    %scan3A_5 = arith.addi %scan3A, %scan3A_4 : i32
    %scan3A_6 = arith.constant 1 : i32
    scf.for %scan3A_12 = %scan3A to %scan3A_5 step %scan3A_6  : i32 {
      %mul3A_13 = arith.constant 1 : i32
      %mul3A_14 = arith.muli %scan3A_12, %mul3A_13 : i32
      %add3A_15 = arith.constant 0 : i32
      %add3A_16 = arith.addi %add3A_15, %mul3A_14 : i32
      %mul3A_17 = arith.constant 16 : i32
      %mul3A_18 = arith.muli %add3A_16, %mul3A_17 : i32
      %swap3A = arith.index_cast %mul3A_18 : i32 to index
      %swap3A_19 = tpu.vector_load %arg5[%swap3A] {strides = array<i32>} : memref<10240xf32, #tpu.memory_space<vmem>>, vector<16xf32>,
      tpu.vector_store %arg5[%swap3A], %broadcast_in_dim3A_3 {strides = array<i32>} : memref<10240xf32, #tpu.memory_space<vmem>>, vector<16xf32>,
    }
    %scan3A_7 = arith.constant 640 : i32
    %broadcast_in_dim3A_8 = arith.constant 1.000000e+00 : f32
    %broadcast_in_dim3A_9 = vector.broadcast %broadcast_in_dim3A_8 : f32 to vector<16xf32>
    %parallel_loop3A = arith.constant 0 : i32
    %parallel_loop3A_10 = arith.constant 625 : i32
    %parallel_loop3A_11 = arith.constant 1 : i32
    scf.for %parallel_loop3A_12 = %parallel_loop3A to %parallel_loop3A_10 step %parallel_loop3A_11  : i32 {
      %parallel_loop3A_13 = arith.constant 16 : i32
      %parallel_loop3A_14 = arith.muli %parallel_loop3A_12, %parallel_loop3A_13 : i32
      %parallel_loop3A_15 = arith.index_cast %parallel_loop3A_14 : i32 to index
      %parallel_loop3A_16 = tpu.vector_load %arg4[%parallel_loop3A_15] {strides = array<i32>} : memref<10000xi32, #tpu.memory_space<vmem>>, vector<16xi32>,
      tpu.vector_store_idx %arg5[%parallel_loop3A_16], %broadcast_in_dim3A_9 {add = true} : memref<10240xf32, #tpu.memory_space<vmem>>[vector<16xi32>], vector<16xf32>,
    } {sc.loop_unroll_factor = 4 : i64, sc.parallel_access}
    "tpu.region"() ({
      %run_scoped3A_12 = tpu.sem_alloc : memref<!tpu.dma_semaphore, #tpu.memory_space<semaphore_mem>>
      %dma_start3A = arith.constant 0 : i32
      %dma_start3A_13 = tpu.memref_slice %arg3[%add3A, %dma_start3A] : memref<32x10240xf32, #tpu.memory_space<hbm>> -> memref<1x10240xf32, #tpu.memory_space<hbm>>
      %dma_start3A_14 = tpu.memref_squeeze %dma_start3A_13 : memref<1x10240xf32, #tpu.memory_space<hbm>> -> memref<10240xf32, #tpu.memory_space<hbm>>
      %dma_start3A_15 = arith.constant 0 : i32
      %dma_start3A_16 = tpu.memref_slice %arg3[%add3A, %dma_start3A_15] : memref<32x10240xf32, #tpu.memory_space<hbm>> -> memref<1x10240xf32, #tpu.memory_space<hbm>>
      %dma_start3A_17 = tpu.memref_squeeze %dma_start3A_16 : memref<1x10240xf32, #tpu.memory_space<hbm>> -> memref<10240xf32, #tpu.memory_space<hbm>>
      tpu.enqueue_dma source(%arg5 : memref<10240xf32, #tpu.memory_space<vmem>>) target(%dma_start3A_17 : memref<10240xf32, #tpu.memory_space<hbm>>) target_semaphore(%run_scoped3A_12 : memref<!tpu.dma_semaphore, #tpu.memory_space<semaphore_mem>>)
      %dma_wait3A = arith.constant 0 : i32
      %dma_wait3A_18 = tpu.memref_slice %arg3[%add3A, %dma_wait3A] : memref<32x10240xf32, #tpu.memory_space<hbm>> -> memref<1x10240xf32, #tpu.memory_space<hbm>>
      %dma_wait3A_19 = tpu.memref_squeeze %dma_wait3A_18 : memref<1x10240xf32, #tpu.memory_space<hbm>> -> memref<10240xf32, #tpu.memory_space<hbm>>
      %dma_wait3A_20 = arith.constant 0 : i32
      %dma_wait3A_21 = tpu.memref_slice %arg3[%add3A, %dma_wait3A_20] : memref<32x10240xf32, #tpu.memory_space<hbm>> -> memref<1x10240xf32, #tpu.memory_space<hbm>>
      %dma_wait3A_22 = tpu.memref_squeeze %dma_wait3A_21 : memref<1x10240xf32, #tpu.memory_space<hbm>> -> memref<10240xf32, #tpu.memory_space<hbm>>
      tpu.wait_dma2 semaphore(%run_scoped3A_12 : memref<!tpu.dma_semaphore, #tpu.memory_space<semaphore_mem>>) src(%arg5 : memref<10240xf32, #tpu.memory_space<vmem>>) dst(%dma_wait3A_22 : memref<10240xf32, #tpu.memory_space<hbm>>)
      tpu.yield
    }) : () -> ()
    return
  }
}

#map = affine_map<(d0, d1) -> (0, 0)>
#map1 = affine_map<(d0, d1) -> (0, 0, 0)>
module attributes {stable_mosaic.version = 14 : i64} {
  func.func @_agg_kernel(%arg0: i32, %arg1: i32, %arg2: memref<10240x64xi32, #tpu.memory_space<hbm>>, %arg3: memref<2x320000xi32, #tpu.memory_space<hbm>>, %arg4: memref<632x128xf32, #tpu.memory_space<hbm>>, %arg5: memref<2x10112x128xf32, #tpu.memory_space<hbm>>, %arg6: memref<8x64xi32, #tpu.memory_space<vmem>>, %arg7: memref<8x64xi32, #tpu.memory_space<vmem>>, %arg8: memref<64x64xi32, #tpu.memory_space<vmem>>, %arg9: memref<64x64xi32, #tpu.memory_space<vmem>>, %arg10: memref<64x128xf32, #tpu.memory_space<vmem>>, %arg11: memref<64x128xf32, #tpu.memory_space<vmem>>, %arg12: memref<!tpu.dma_semaphore, #tpu.memory_space<semaphore_mem>>, %arg13: memref<!tpu.dma_semaphore, #tpu.memory_space<semaphore_mem>>, %arg14: memref<!tpu.dma_semaphore, #tpu.memory_space<semaphore_mem>>, %arg15: memref<!tpu.dma_semaphore, #tpu.memory_space<semaphore_mem>>, %arg16: memref<10112x128xf32, #tpu.memory_space<vmem_shared>>, %arg17: memref<!tpu.dma_semaphore, #tpu.memory_space<semaphore_mem>>, %arg18: memref<!tpu.dma_semaphore, #tpu.memory_space<semaphore_mem>>, %arg19: memref<!tpu.dma_semaphore, #tpu.memory_space<semaphore_mem>>, %arg20: memref<!tpu.dma_semaphore, #tpu.memory_space<semaphore_mem>>, %arg21: memref<!tpu.dma_semaphore, #tpu.memory_space<semaphore_mem>>, %arg22: memref<!tpu.dma_semaphore, #tpu.memory_space<semaphore_mem>>, %arg23: memref<!tpu.dma_semaphore, #tpu.memory_space<semaphore_mem>>, %arg24: memref<!tpu.dma_semaphore, #tpu.memory_space<semaphore_mem>>) attributes {dimension_semantics = [#tpu.dimension_semantics<core_parallel>, #tpu.dimension_semantics<subcore_parallel>], iteration_bounds = array<i64: 2, 16>, scalar_prefetch = 0 : i64, scratch_operands = 19 : i64, tpu.core_type = #tpu.core_type<sc_vector_subcore>, window_params = [{transform_indices = #map}, {transform_indices = #map}, {transform_indices = #map}, {transform_indices = #map1}]} {
    %mul3A = arith.constant 2 : i32
    %mul3A_0 = arith.muli %arg1, %mul3A : i32
    %add3A = arith.addi %mul3A_0, %arg0 : i32
    %mul3A_1 = arith.constant 10240 : i32
    %mul3A_2 = arith.muli %add3A, %mul3A_1 : i32
    %mul3A_3 = arith.constant 160 : i32
    %mul3A_4 = arith.muli %add3A, %mul3A_3 : i32
    %sub3A = arith.constant 5000 : i32
    %sub3A_5 = arith.subi %sub3A, %mul3A_4 : i32
    %min3A = arith.constant 160 : i32
    %min3A_6 = arith.minsi %min3A, %sub3A_5 : i32
    %mul3A_7 = arith.constant 632 : i32
    %mul3A_8 = arith.muli %arg1, %mul3A_7 : i32
    "tpu.region"() ({
      %run_scoped3A = tpu.sem_alloc : memref<!tpu.dma_semaphore, #tpu.memory_space<semaphore_mem>>
      %dma_start3A_321 = arith.constant 0 : i32
      %dma_start3A_322 = tpu.memref_slice %arg16[%mul3A_8, %dma_start3A_321] : memref<10112x128xf32, #tpu.memory_space<vmem_shared>> -> memref<632x128xf32, #tpu.memory_space<vmem_shared>>
      tpu.enqueue_dma source(%arg4 : memref<632x128xf32, #tpu.memory_space<hbm>>) target(%dma_start3A_322 : memref<632x128xf32, #tpu.memory_space<vmem_shared>>) target_semaphore(%run_scoped3A : memref<!tpu.dma_semaphore, #tpu.memory_space<semaphore_mem>>)
      %dma_wait3A_323 = arith.constant 0 : i32
      %dma_wait3A_324 = tpu.memref_slice %arg16[%mul3A_8, %dma_wait3A_323] : memref<10112x128xf32, #tpu.memory_space<vmem_shared>> -> memref<632x128xf32, #tpu.memory_space<vmem_shared>>
      tpu.wait_dma2 semaphore(%run_scoped3A : memref<!tpu.dma_semaphore, #tpu.memory_space<semaphore_mem>>) src(%arg4 : memref<632x128xf32, #tpu.memory_space<hbm>>) dst(%dma_wait3A_324 : memref<632x128xf32, #tpu.memory_space<vmem_shared>>)
      tpu.yield
    }) : () -> ()
    %add3A_9 = arith.constant 0 : i32
    %add3A_10 = arith.addi %mul3A_2, %add3A_9 : i32
    %dma_start3A = arith.constant 0 : i32
    %dma_start3A_11 = arith.constant 0 : i32
    %dma_start3A_12 = arith.constant 0 : i32
    %dma_start3A_13 = tpu.memref_slice %arg6[%dma_start3A_11, %dma_start3A_12] : memref<8x64xi32, #tpu.memory_space<vmem>> -> memref<1x64xi32, #tpu.memory_space<vmem>>
    %dma_start3A_14 = tpu.memref_squeeze %dma_start3A_13 : memref<1x64xi32, #tpu.memory_space<vmem>> -> memref<64xi32, #tpu.memory_space<vmem>>
    %dma_start3A_15 = tpu.memref_slice %arg3[%dma_start3A, %add3A_10] : memref<2x320000xi32, #tpu.memory_space<hbm>> -> memref<1x64xi32, #tpu.memory_space<hbm>>
    %dma_start3A_16 = tpu.memref_squeeze %dma_start3A_15 : memref<1x64xi32, #tpu.memory_space<hbm>> -> memref<64xi32, #tpu.memory_space<hbm>>
    %dma_start3A_17 = arith.constant 0 : i32
    %dma_start3A_18 = tpu.memref_slice %arg6[%dma_start3A_11, %dma_start3A_17] : memref<8x64xi32, #tpu.memory_space<vmem>> -> memref<1x64xi32, #tpu.memory_space<vmem>>
    %dma_start3A_19 = tpu.memref_squeeze %dma_start3A_18 : memref<1x64xi32, #tpu.memory_space<vmem>> -> memref<64xi32, #tpu.memory_space<vmem>>
    %dma_start3A_20 = tpu.memref_slice %arg3[%dma_start3A, %add3A_10] : memref<2x320000xi32, #tpu.memory_space<hbm>> -> memref<1x64xi32, #tpu.memory_space<hbm>>
    %dma_start3A_21 = tpu.memref_squeeze %dma_start3A_20 : memref<1x64xi32, #tpu.memory_space<hbm>> -> memref<64xi32, #tpu.memory_space<hbm>>
    tpu.enqueue_dma source(%dma_start3A_21 : memref<64xi32, #tpu.memory_space<hbm>>) target(%dma_start3A_19 : memref<64xi32, #tpu.memory_space<vmem>>) target_semaphore(%arg17 : memref<!tpu.dma_semaphore, #tpu.memory_space<semaphore_mem>>)
    %dma_start3A_22 = arith.constant 1 : i32
    %dma_start3A_23 = arith.constant 0 : i32
    %dma_start3A_24 = arith.constant 0 : i32
    %dma_start3A_25 = tpu.memref_slice %arg7[%dma_start3A_23, %dma_start3A_24] : memref<8x64xi32, #tpu.memory_space<vmem>> -> memref<1x64xi32, #tpu.memory_space<vmem>>
    %dma_start3A_26 = tpu.memref_squeeze %dma_start3A_25 : memref<1x64xi32, #tpu.memory_space<vmem>> -> memref<64xi32, #tpu.memory_space<vmem>>
    %dma_start3A_27 = tpu.memref_slice %arg3[%dma_start3A_22, %add3A_10] : memref<2x320000xi32, #tpu.memory_space<hbm>> -> memref<1x64xi32, #tpu.memory_space<hbm>>
    %dma_start3A_28 = tpu.memref_squeeze %dma_start3A_27 : memref<1x64xi32, #tpu.memory_space<hbm>> -> memref<64xi32, #tpu.memory_space<hbm>>
    %dma_start3A_29 = arith.constant 0 : i32
    %dma_start3A_30 = tpu.memref_slice %arg7[%dma_start3A_23, %dma_start3A_29] : memref<8x64xi32, #tpu.memory_space<vmem>> -> memref<1x64xi32, #tpu.memory_space<vmem>>
    %dma_start3A_31 = tpu.memref_squeeze %dma_start3A_30 : memref<1x64xi32, #tpu.memory_space<vmem>> -> memref<64xi32, #tpu.memory_space<vmem>>
    %dma_start3A_32 = tpu.memref_slice %arg3[%dma_start3A_22, %add3A_10] : memref<2x320000xi32, #tpu.memory_space<hbm>> -> memref<1x64xi32, #tpu.memory_space<hbm>>
    %dma_start3A_33 = tpu.memref_squeeze %dma_start3A_32 : memref<1x64xi32, #tpu.memory_space<hbm>> -> memref<64xi32, #tpu.memory_space<hbm>>
    tpu.enqueue_dma source(%dma_start3A_33 : memref<64xi32, #tpu.memory_space<hbm>>) target(%dma_start3A_31 : memref<64xi32, #tpu.memory_space<vmem>>) target_semaphore(%arg17 : memref<!tpu.dma_semaphore, #tpu.memory_space<semaphore_mem>>)
    %add3A_34 = arith.constant 64 : i32
    %add3A_35 = arith.addi %mul3A_2, %add3A_34 : i32
    %dma_start3A_36 = arith.constant 0 : i32
    %dma_start3A_37 = arith.constant 1 : i32
    %dma_start3A_38 = arith.constant 0 : i32
    %dma_start3A_39 = tpu.memref_slice %arg6[%dma_start3A_37, %dma_start3A_38] : memref<8x64xi32, #tpu.memory_space<vmem>> -> memref<1x64xi32, #tpu.memory_space<vmem>>
    %dma_start3A_40 = tpu.memref_squeeze %dma_start3A_39 : memref<1x64xi32, #tpu.memory_space<vmem>> -> memref<64xi32, #tpu.memory_space<vmem>>
    %dma_start3A_41 = tpu.memref_slice %arg3[%dma_start3A_36, %add3A_35] : memref<2x320000xi32, #tpu.memory_space<hbm>> -> memref<1x64xi32, #tpu.memory_space<hbm>>
    %dma_start3A_42 = tpu.memref_squeeze %dma_start3A_41 : memref<1x64xi32, #tpu.memory_space<hbm>> -> memref<64xi32, #tpu.memory_space<hbm>>
    %dma_start3A_43 = arith.constant 0 : i32
    %dma_start3A_44 = tpu.memref_slice %arg6[%dma_start3A_37, %dma_start3A_43] : memref<8x64xi32, #tpu.memory_space<vmem>> -> memref<1x64xi32, #tpu.memory_space<vmem>>
    %dma_start3A_45 = tpu.memref_squeeze %dma_start3A_44 : memref<1x64xi32, #tpu.memory_space<vmem>> -> memref<64xi32, #tpu.memory_space<vmem>>
    %dma_start3A_46 = tpu.memref_slice %arg3[%dma_start3A_36, %add3A_35] : memref<2x320000xi32, #tpu.memory_space<hbm>> -> memref<1x64xi32, #tpu.memory_space<hbm>>
    %dma_start3A_47 = tpu.memref_squeeze %dma_start3A_46 : memref<1x64xi32, #tpu.memory_space<hbm>> -> memref<64xi32, #tpu.memory_space<hbm>>
    tpu.enqueue_dma source(%dma_start3A_47 : memref<64xi32, #tpu.memory_space<hbm>>) target(%dma_start3A_45 : memref<64xi32, #tpu.memory_space<vmem>>) target_semaphore(%arg18 : memref<!tpu.dma_semaphore, #tpu.memory_space<semaphore_mem>>)
    %dma_start3A_48 = arith.constant 1 : i32
    %dma_start3A_49 = arith.constant 1 : i32
    %dma_start3A_50 = arith.constant 0 : i32
    %dma_start3A_51 = tpu.memref_slice %arg7[%dma_start3A_49, %dma_start3A_50] : memref<8x64xi32, #tpu.memory_space<vmem>> -> memref<1x64xi32, #tpu.memory_space<vmem>>
    %dma_start3A_52 = tpu.memref_squeeze %dma_start3A_51 : memref<1x64xi32, #tpu.memory_space<vmem>> -> memref<64xi32, #tpu.memory_space<vmem>>
    %dma_start3A_53 = tpu.memref_slice %arg3[%dma_start3A_48, %add3A_35] : memref<2x320000xi32, #tpu.memory_space<hbm>> -> memref<1x64xi32, #tpu.memory_space<hbm>>
    %dma_start3A_54 = tpu.memref_squeeze %dma_start3A_53 : memref<1x64xi32, #tpu.memory_space<hbm>> -> memref<64xi32, #tpu.memory_space<hbm>>
    %dma_start3A_55 = arith.constant 0 : i32
    %dma_start3A_56 = tpu.memref_slice %arg7[%dma_start3A_49, %dma_start3A_55] : memref<8x64xi32, #tpu.memory_space<vmem>> -> memref<1x64xi32, #tpu.memory_space<vmem>>
    %dma_start3A_57 = tpu.memref_squeeze %dma_start3A_56 : memref<1x64xi32, #tpu.memory_space<vmem>> -> memref<64xi32, #tpu.memory_space<vmem>>
    %dma_start3A_58 = tpu.memref_slice %arg3[%dma_start3A_48, %add3A_35] : memref<2x320000xi32, #tpu.memory_space<hbm>> -> memref<1x64xi32, #tpu.memory_space<hbm>>
    %dma_start3A_59 = tpu.memref_squeeze %dma_start3A_58 : memref<1x64xi32, #tpu.memory_space<hbm>> -> memref<64xi32, #tpu.memory_space<hbm>>
    tpu.enqueue_dma source(%dma_start3A_59 : memref<64xi32, #tpu.memory_space<hbm>>) target(%dma_start3A_57 : memref<64xi32, #tpu.memory_space<vmem>>) target_semaphore(%arg18 : memref<!tpu.dma_semaphore, #tpu.memory_space<semaphore_mem>>)
    %add3A_60 = arith.constant 128 : i32
    %add3A_61 = arith.addi %mul3A_2, %add3A_60 : i32
    %dma_start3A_62 = arith.constant 0 : i32
    %dma_start3A_63 = arith.constant 2 : i32
    %dma_start3A_64 = arith.constant 0 : i32
    %dma_start3A_65 = tpu.memref_slice %arg6[%dma_start3A_63, %dma_start3A_64] : memref<8x64xi32, #tpu.memory_space<vmem>> -> memref<1x64xi32, #tpu.memory_space<vmem>>
    %dma_start3A_66 = tpu.memref_squeeze %dma_start3A_65 : memref<1x64xi32, #tpu.memory_space<vmem>> -> memref<64xi32, #tpu.memory_space<vmem>>
    %dma_start3A_67 = tpu.memref_slice %arg3[%dma_start3A_62, %add3A_61] : memref<2x320000xi32, #tpu.memory_space<hbm>> -> memref<1x64xi32, #tpu.memory_space<hbm>>
    %dma_start3A_68 = tpu.memref_squeeze %dma_start3A_67 : memref<1x64xi32, #tpu.memory_space<hbm>> -> memref<64xi32, #tpu.memory_space<hbm>>
    %dma_start3A_69 = arith.constant 0 : i32
    %dma_start3A_70 = tpu.memref_slice %arg6[%dma_start3A_63, %dma_start3A_69] : memref<8x64xi32, #tpu.memory_space<vmem>> -> memref<1x64xi32, #tpu.memory_space<vmem>>
    %dma_start3A_71 = tpu.memref_squeeze %dma_start3A_70 : memref<1x64xi32, #tpu.memory_space<vmem>> -> memref<64xi32, #tpu.memory_space<vmem>>
    %dma_start3A_72 = tpu.memref_slice %arg3[%dma_start3A_62, %add3A_61] : memref<2x320000xi32, #tpu.memory_space<hbm>> -> memref<1x64xi32, #tpu.memory_space<hbm>>
    %dma_start3A_73 = tpu.memref_squeeze %dma_start3A_72 : memref<1x64xi32, #tpu.memory_space<hbm>> -> memref<64xi32, #tpu.memory_space<hbm>>
    tpu.enqueue_dma source(%dma_start3A_73 : memref<64xi32, #tpu.memory_space<hbm>>) target(%dma_start3A_71 : memref<64xi32, #tpu.memory_space<vmem>>) target_semaphore(%arg19 : memref<!tpu.dma_semaphore, #tpu.memory_space<semaphore_mem>>)
    %dma_start3A_74 = arith.constant 1 : i32
    %dma_start3A_75 = arith.constant 2 : i32
    %dma_start3A_76 = arith.constant 0 : i32
    %dma_start3A_77 = tpu.memref_slice %arg7[%dma_start3A_75, %dma_start3A_76] : memref<8x64xi32, #tpu.memory_space<vmem>> -> memref<1x64xi32, #tpu.memory_space<vmem>>
    %dma_start3A_78 = tpu.memref_squeeze %dma_start3A_77 : memref<1x64xi32, #tpu.memory_space<vmem>> -> memref<64xi32, #tpu.memory_space<vmem>>
    %dma_start3A_79 = tpu.memref_slice %arg3[%dma_start3A_74, %add3A_61] : memref<2x320000xi32, #tpu.memory_space<hbm>> -> memref<1x64xi32, #tpu.memory_space<hbm>>
    %dma_start3A_80 = tpu.memref_squeeze %dma_start3A_79 : memref<1x64xi32, #tpu.memory_space<hbm>> -> memref<64xi32, #tpu.memory_space<hbm>>
    %dma_start3A_81 = arith.constant 0 : i32
    %dma_start3A_82 = tpu.memref_slice %arg7[%dma_start3A_75, %dma_start3A_81] : memref<8x64xi32, #tpu.memory_space<vmem>> -> memref<1x64xi32, #tpu.memory_space<vmem>>
    %dma_start3A_83 = tpu.memref_squeeze %dma_start3A_82 : memref<1x64xi32, #tpu.memory_space<vmem>> -> memref<64xi32, #tpu.memory_space<vmem>>
    %dma_start3A_84 = tpu.memref_slice %arg3[%dma_start3A_74, %add3A_61] : memref<2x320000xi32, #tpu.memory_space<hbm>> -> memref<1x64xi32, #tpu.memory_space<hbm>>
    %dma_start3A_85 = tpu.memref_squeeze %dma_start3A_84 : memref<1x64xi32, #tpu.memory_space<hbm>> -> memref<64xi32, #tpu.memory_space<hbm>>
    tpu.enqueue_dma source(%dma_start3A_85 : memref<64xi32, #tpu.memory_space<hbm>>) target(%dma_start3A_83 : memref<64xi32, #tpu.memory_space<vmem>>) target_semaphore(%arg19 : memref<!tpu.dma_semaphore, #tpu.memory_space<semaphore_mem>>)
    %add3A_86 = arith.constant 192 : i32
    %add3A_87 = arith.addi %mul3A_2, %add3A_86 : i32
    %dma_start3A_88 = arith.constant 0 : i32
    %dma_start3A_89 = arith.constant 3 : i32
    %dma_start3A_90 = arith.constant 0 : i32
    %dma_start3A_91 = tpu.memref_slice %arg6[%dma_start3A_89, %dma_start3A_90] : memref<8x64xi32, #tpu.memory_space<vmem>> -> memref<1x64xi32, #tpu.memory_space<vmem>>
    %dma_start3A_92 = tpu.memref_squeeze %dma_start3A_91 : memref<1x64xi32, #tpu.memory_space<vmem>> -> memref<64xi32, #tpu.memory_space<vmem>>
    %dma_start3A_93 = tpu.memref_slice %arg3[%dma_start3A_88, %add3A_87] : memref<2x320000xi32, #tpu.memory_space<hbm>> -> memref<1x64xi32, #tpu.memory_space<hbm>>
    %dma_start3A_94 = tpu.memref_squeeze %dma_start3A_93 : memref<1x64xi32, #tpu.memory_space<hbm>> -> memref<64xi32, #tpu.memory_space<hbm>>
    %dma_start3A_95 = arith.constant 0 : i32
    %dma_start3A_96 = tpu.memref_slice %arg6[%dma_start3A_89, %dma_start3A_95] : memref<8x64xi32, #tpu.memory_space<vmem>> -> memref<1x64xi32, #tpu.memory_space<vmem>>
    %dma_start3A_97 = tpu.memref_squeeze %dma_start3A_96 : memref<1x64xi32, #tpu.memory_space<vmem>> -> memref<64xi32, #tpu.memory_space<vmem>>
    %dma_start3A_98 = tpu.memref_slice %arg3[%dma_start3A_88, %add3A_87] : memref<2x320000xi32, #tpu.memory_space<hbm>> -> memref<1x64xi32, #tpu.memory_space<hbm>>
    %dma_start3A_99 = tpu.memref_squeeze %dma_start3A_98 : memref<1x64xi32, #tpu.memory_space<hbm>> -> memref<64xi32, #tpu.memory_space<hbm>>
    tpu.enqueue_dma source(%dma_start3A_99 : memref<64xi32, #tpu.memory_space<hbm>>) target(%dma_start3A_97 : memref<64xi32, #tpu.memory_space<vmem>>) target_semaphore(%arg20 : memref<!tpu.dma_semaphore, #tpu.memory_space<semaphore_mem>>)
    %dma_start3A_100 = arith.constant 1 : i32
    %dma_start3A_101 = arith.constant 3 : i32
    %dma_start3A_102 = arith.constant 0 : i32
    %dma_start3A_103 = tpu.memref_slice %arg7[%dma_start3A_101, %dma_start3A_102] : memref<8x64xi32, #tpu.memory_space<vmem>> -> memref<1x64xi32, #tpu.memory_space<vmem>>
    %dma_start3A_104 = tpu.memref_squeeze %dma_start3A_103 : memref<1x64xi32, #tpu.memory_space<vmem>> -> memref<64xi32, #tpu.memory_space<vmem>>
    %dma_start3A_105 = tpu.memref_slice %arg3[%dma_start3A_100, %add3A_87] : memref<2x320000xi32, #tpu.memory_space<hbm>> -> memref<1x64xi32, #tpu.memory_space<hbm>>
    %dma_start3A_106 = tpu.memref_squeeze %dma_start3A_105 : memref<1x64xi32, #tpu.memory_space<hbm>> -> memref<64xi32, #tpu.memory_space<hbm>>
    %dma_start3A_107 = arith.constant 0 : i32
    %dma_start3A_108 = tpu.memref_slice %arg7[%dma_start3A_101, %dma_start3A_107] : memref<8x64xi32, #tpu.memory_space<vmem>> -> memref<1x64xi32, #tpu.memory_space<vmem>>
    %dma_start3A_109 = tpu.memref_squeeze %dma_start3A_108 : memref<1x64xi32, #tpu.memory_space<vmem>> -> memref<64xi32, #tpu.memory_space<vmem>>
    %dma_start3A_110 = tpu.memref_slice %arg3[%dma_start3A_100, %add3A_87] : memref<2x320000xi32, #tpu.memory_space<hbm>> -> memref<1x64xi32, #tpu.memory_space<hbm>>
    %dma_start3A_111 = tpu.memref_squeeze %dma_start3A_110 : memref<1x64xi32, #tpu.memory_space<hbm>> -> memref<64xi32, #tpu.memory_space<hbm>>
    tpu.enqueue_dma source(%dma_start3A_111 : memref<64xi32, #tpu.memory_space<hbm>>) target(%dma_start3A_109 : memref<64xi32, #tpu.memory_space<vmem>>) target_semaphore(%arg20 : memref<!tpu.dma_semaphore, #tpu.memory_space<semaphore_mem>>)
    %add3A_112 = arith.constant 256 : i32
    %add3A_113 = arith.addi %mul3A_2, %add3A_112 : i32
    %dma_start3A_114 = arith.constant 0 : i32
    %dma_start3A_115 = arith.constant 4 : i32
    %dma_start3A_116 = arith.constant 0 : i32
    %dma_start3A_117 = tpu.memref_slice %arg6[%dma_start3A_115, %dma_start3A_116] : memref<8x64xi32, #tpu.memory_space<vmem>> -> memref<1x64xi32, #tpu.memory_space<vmem>>
    %dma_start3A_118 = tpu.memref_squeeze %dma_start3A_117 : memref<1x64xi32, #tpu.memory_space<vmem>> -> memref<64xi32, #tpu.memory_space<vmem>>
    %dma_start3A_119 = tpu.memref_slice %arg3[%dma_start3A_114, %add3A_113] : memref<2x320000xi32, #tpu.memory_space<hbm>> -> memref<1x64xi32, #tpu.memory_space<hbm>>
    %dma_start3A_120 = tpu.memref_squeeze %dma_start3A_119 : memref<1x64xi32, #tpu.memory_space<hbm>> -> memref<64xi32, #tpu.memory_space<hbm>>
    %dma_start3A_121 = arith.constant 0 : i32
    %dma_start3A_122 = tpu.memref_slice %arg6[%dma_start3A_115, %dma_start3A_121] : memref<8x64xi32, #tpu.memory_space<vmem>> -> memref<1x64xi32, #tpu.memory_space<vmem>>
    %dma_start3A_123 = tpu.memref_squeeze %dma_start3A_122 : memref<1x64xi32, #tpu.memory_space<vmem>> -> memref<64xi32, #tpu.memory_space<vmem>>
    %dma_start3A_124 = tpu.memref_slice %arg3[%dma_start3A_114, %add3A_113] : memref<2x320000xi32, #tpu.memory_space<hbm>> -> memref<1x64xi32, #tpu.memory_space<hbm>>
    %dma_start3A_125 = tpu.memref_squeeze %dma_start3A_124 : memref<1x64xi32, #tpu.memory_space<hbm>> -> memref<64xi32, #tpu.memory_space<hbm>>
    tpu.enqueue_dma source(%dma_start3A_125 : memref<64xi32, #tpu.memory_space<hbm>>) target(%dma_start3A_123 : memref<64xi32, #tpu.memory_space<vmem>>) target_semaphore(%arg21 : memref<!tpu.dma_semaphore, #tpu.memory_space<semaphore_mem>>)
    %dma_start3A_126 = arith.constant 1 : i32
    %dma_start3A_127 = arith.constant 4 : i32
    %dma_start3A_128 = arith.constant 0 : i32
    %dma_start3A_129 = tpu.memref_slice %arg7[%dma_start3A_127, %dma_start3A_128] : memref<8x64xi32, #tpu.memory_space<vmem>> -> memref<1x64xi32, #tpu.memory_space<vmem>>
    %dma_start3A_130 = tpu.memref_squeeze %dma_start3A_129 : memref<1x64xi32, #tpu.memory_space<vmem>> -> memref<64xi32, #tpu.memory_space<vmem>>
    %dma_start3A_131 = tpu.memref_slice %arg3[%dma_start3A_126, %add3A_113] : memref<2x320000xi32, #tpu.memory_space<hbm>> -> memref<1x64xi32, #tpu.memory_space<hbm>>
    %dma_start3A_132 = tpu.memref_squeeze %dma_start3A_131 : memref<1x64xi32, #tpu.memory_space<hbm>> -> memref<64xi32, #tpu.memory_space<hbm>>
    %dma_start3A_133 = arith.constant 0 : i32
    %dma_start3A_134 = tpu.memref_slice %arg7[%dma_start3A_127, %dma_start3A_133] : memref<8x64xi32, #tpu.memory_space<vmem>> -> memref<1x64xi32, #tpu.memory_space<vmem>>
    %dma_start3A_135 = tpu.memref_squeeze %dma_start3A_134 : memref<1x64xi32, #tpu.memory_space<vmem>> -> memref<64xi32, #tpu.memory_space<vmem>>
    %dma_start3A_136 = tpu.memref_slice %arg3[%dma_start3A_126, %add3A_113] : memref<2x320000xi32, #tpu.memory_space<hbm>> -> memref<1x64xi32, #tpu.memory_space<hbm>>
    %dma_start3A_137 = tpu.memref_squeeze %dma_start3A_136 : memref<1x64xi32, #tpu.memory_space<hbm>> -> memref<64xi32, #tpu.memory_space<hbm>>
    tpu.enqueue_dma source(%dma_start3A_137 : memref<64xi32, #tpu.memory_space<hbm>>) target(%dma_start3A_135 : memref<64xi32, #tpu.memory_space<vmem>>) target_semaphore(%arg21 : memref<!tpu.dma_semaphore, #tpu.memory_space<semaphore_mem>>)
    %add3A_138 = arith.constant 320 : i32
    %add3A_139 = arith.addi %mul3A_2, %add3A_138 : i32
    %dma_start3A_140 = arith.constant 0 : i32
    %dma_start3A_141 = arith.constant 5 : i32
    %dma_start3A_142 = arith.constant 0 : i32
    %dma_start3A_143 = tpu.memref_slice %arg6[%dma_start3A_141, %dma_start3A_142] : memref<8x64xi32, #tpu.memory_space<vmem>> -> memref<1x64xi32, #tpu.memory_space<vmem>>
    %dma_start3A_144 = tpu.memref_squeeze %dma_start3A_143 : memref<1x64xi32, #tpu.memory_space<vmem>> -> memref<64xi32, #tpu.memory_space<vmem>>
    %dma_start3A_145 = tpu.memref_slice %arg3[%dma_start3A_140, %add3A_139] : memref<2x320000xi32, #tpu.memory_space<hbm>> -> memref<1x64xi32, #tpu.memory_space<hbm>>
    %dma_start3A_146 = tpu.memref_squeeze %dma_start3A_145 : memref<1x64xi32, #tpu.memory_space<hbm>> -> memref<64xi32, #tpu.memory_space<hbm>>
    %dma_start3A_147 = arith.constant 0 : i32
    %dma_start3A_148 = tpu.memref_slice %arg6[%dma_start3A_141, %dma_start3A_147] : memref<8x64xi32, #tpu.memory_space<vmem>> -> memref<1x64xi32, #tpu.memory_space<vmem>>
    %dma_start3A_149 = tpu.memref_squeeze %dma_start3A_148 : memref<1x64xi32, #tpu.memory_space<vmem>> -> memref<64xi32, #tpu.memory_space<vmem>>
    %dma_start3A_150 = tpu.memref_slice %arg3[%dma_start3A_140, %add3A_139] : memref<2x320000xi32, #tpu.memory_space<hbm>> -> memref<1x64xi32, #tpu.memory_space<hbm>>
    %dma_start3A_151 = tpu.memref_squeeze %dma_start3A_150 : memref<1x64xi32, #tpu.memory_space<hbm>> -> memref<64xi32, #tpu.memory_space<hbm>>
    tpu.enqueue_dma source(%dma_start3A_151 : memref<64xi32, #tpu.memory_space<hbm>>) target(%dma_start3A_149 : memref<64xi32, #tpu.memory_space<vmem>>) target_semaphore(%arg22 : memref<!tpu.dma_semaphore, #tpu.memory_space<semaphore_mem>>)
    %dma_start3A_152 = arith.constant 1 : i32
    %dma_start3A_153 = arith.constant 5 : i32
    %dma_start3A_154 = arith.constant 0 : i32
    %dma_start3A_155 = tpu.memref_slice %arg7[%dma_start3A_153, %dma_start3A_154] : memref<8x64xi32, #tpu.memory_space<vmem>> -> memref<1x64xi32, #tpu.memory_space<vmem>>
    %dma_start3A_156 = tpu.memref_squeeze %dma_start3A_155 : memref<1x64xi32, #tpu.memory_space<vmem>> -> memref<64xi32, #tpu.memory_space<vmem>>
    %dma_start3A_157 = tpu.memref_slice %arg3[%dma_start3A_152, %add3A_139] : memref<2x320000xi32, #tpu.memory_space<hbm>> -> memref<1x64xi32, #tpu.memory_space<hbm>>
    %dma_start3A_158 = tpu.memref_squeeze %dma_start3A_157 : memref<1x64xi32, #tpu.memory_space<hbm>> -> memref<64xi32, #tpu.memory_space<hbm>>
    %dma_start3A_159 = arith.constant 0 : i32
    %dma_start3A_160 = tpu.memref_slice %arg7[%dma_start3A_153, %dma_start3A_159] : memref<8x64xi32, #tpu.memory_space<vmem>> -> memref<1x64xi32, #tpu.memory_space<vmem>>
    %dma_start3A_161 = tpu.memref_squeeze %dma_start3A_160 : memref<1x64xi32, #tpu.memory_space<vmem>> -> memref<64xi32, #tpu.memory_space<vmem>>
    %dma_start3A_162 = tpu.memref_slice %arg3[%dma_start3A_152, %add3A_139] : memref<2x320000xi32, #tpu.memory_space<hbm>> -> memref<1x64xi32, #tpu.memory_space<hbm>>
    %dma_start3A_163 = tpu.memref_squeeze %dma_start3A_162 : memref<1x64xi32, #tpu.memory_space<hbm>> -> memref<64xi32, #tpu.memory_space<hbm>>
    tpu.enqueue_dma source(%dma_start3A_163 : memref<64xi32, #tpu.memory_space<hbm>>) target(%dma_start3A_161 : memref<64xi32, #tpu.memory_space<vmem>>) target_semaphore(%arg22 : memref<!tpu.dma_semaphore, #tpu.memory_space<semaphore_mem>>)
    %add3A_164 = arith.constant 384 : i32
    %add3A_165 = arith.addi %mul3A_2, %add3A_164 : i32
    %dma_start3A_166 = arith.constant 0 : i32
    %dma_start3A_167 = arith.constant 6 : i32
    %dma_start3A_168 = arith.constant 0 : i32
    %dma_start3A_169 = tpu.memref_slice %arg6[%dma_start3A_167, %dma_start3A_168] : memref<8x64xi32, #tpu.memory_space<vmem>> -> memref<1x64xi32, #tpu.memory_space<vmem>>
    %dma_start3A_170 = tpu.memref_squeeze %dma_start3A_169 : memref<1x64xi32, #tpu.memory_space<vmem>> -> memref<64xi32, #tpu.memory_space<vmem>>
    %dma_start3A_171 = tpu.memref_slice %arg3[%dma_start3A_166, %add3A_165] : memref<2x320000xi32, #tpu.memory_space<hbm>> -> memref<1x64xi32, #tpu.memory_space<hbm>>
    %dma_start3A_172 = tpu.memref_squeeze %dma_start3A_171 : memref<1x64xi32, #tpu.memory_space<hbm>> -> memref<64xi32, #tpu.memory_space<hbm>>
    %dma_start3A_173 = arith.constant 0 : i32
    %dma_start3A_174 = tpu.memref_slice %arg6[%dma_start3A_167, %dma_start3A_173] : memref<8x64xi32, #tpu.memory_space<vmem>> -> memref<1x64xi32, #tpu.memory_space<vmem>>
    %dma_start3A_175 = tpu.memref_squeeze %dma_start3A_174 : memref<1x64xi32, #tpu.memory_space<vmem>> -> memref<64xi32, #tpu.memory_space<vmem>>
    %dma_start3A_176 = tpu.memref_slice %arg3[%dma_start3A_166, %add3A_165] : memref<2x320000xi32, #tpu.memory_space<hbm>> -> memref<1x64xi32, #tpu.memory_space<hbm>>
    %dma_start3A_177 = tpu.memref_squeeze %dma_start3A_176 : memref<1x64xi32, #tpu.memory_space<hbm>> -> memref<64xi32, #tpu.memory_space<hbm>>
    tpu.enqueue_dma source(%dma_start3A_177 : memref<64xi32, #tpu.memory_space<hbm>>) target(%dma_start3A_175 : memref<64xi32, #tpu.memory_space<vmem>>) target_semaphore(%arg23 : memref<!tpu.dma_semaphore, #tpu.memory_space<semaphore_mem>>)
    %dma_start3A_178 = arith.constant 1 : i32
    %dma_start3A_179 = arith.constant 6 : i32
    %dma_start3A_180 = arith.constant 0 : i32
    %dma_start3A_181 = tpu.memref_slice %arg7[%dma_start3A_179, %dma_start3A_180] : memref<8x64xi32, #tpu.memory_space<vmem>> -> memref<1x64xi32, #tpu.memory_space<vmem>>
    %dma_start3A_182 = tpu.memref_squeeze %dma_start3A_181 : memref<1x64xi32, #tpu.memory_space<vmem>> -> memref<64xi32, #tpu.memory_space<vmem>>
    %dma_start3A_183 = tpu.memref_slice %arg3[%dma_start3A_178, %add3A_165] : memref<2x320000xi32, #tpu.memory_space<hbm>> -> memref<1x64xi32, #tpu.memory_space<hbm>>
    %dma_start3A_184 = tpu.memref_squeeze %dma_start3A_183 : memref<1x64xi32, #tpu.memory_space<hbm>> -> memref<64xi32, #tpu.memory_space<hbm>>
    %dma_start3A_185 = arith.constant 0 : i32
    %dma_start3A_186 = tpu.memref_slice %arg7[%dma_start3A_179, %dma_start3A_185] : memref<8x64xi32, #tpu.memory_space<vmem>> -> memref<1x64xi32, #tpu.memory_space<vmem>>
    %dma_start3A_187 = tpu.memref_squeeze %dma_start3A_186 : memref<1x64xi32, #tpu.memory_space<vmem>> -> memref<64xi32, #tpu.memory_space<vmem>>
    %dma_start3A_188 = tpu.memref_slice %arg3[%dma_start3A_178, %add3A_165] : memref<2x320000xi32, #tpu.memory_space<hbm>> -> memref<1x64xi32, #tpu.memory_space<hbm>>
    %dma_start3A_189 = tpu.memref_squeeze %dma_start3A_188 : memref<1x64xi32, #tpu.memory_space<hbm>> -> memref<64xi32, #tpu.memory_space<hbm>>
    tpu.enqueue_dma source(%dma_start3A_189 : memref<64xi32, #tpu.memory_space<hbm>>) target(%dma_start3A_187 : memref<64xi32, #tpu.memory_space<vmem>>) target_semaphore(%arg23 : memref<!tpu.dma_semaphore, #tpu.memory_space<semaphore_mem>>)
    %add3A_190 = arith.constant 448 : i32
    %add3A_191 = arith.addi %mul3A_2, %add3A_190 : i32
    %dma_start3A_192 = arith.constant 0 : i32
    %dma_start3A_193 = arith.constant 7 : i32
    %dma_start3A_194 = arith.constant 0 : i32
    %dma_start3A_195 = tpu.memref_slice %arg6[%dma_start3A_193, %dma_start3A_194] : memref<8x64xi32, #tpu.memory_space<vmem>> -> memref<1x64xi32, #tpu.memory_space<vmem>>
    %dma_start3A_196 = tpu.memref_squeeze %dma_start3A_195 : memref<1x64xi32, #tpu.memory_space<vmem>> -> memref<64xi32, #tpu.memory_space<vmem>>
    %dma_start3A_197 = tpu.memref_slice %arg3[%dma_start3A_192, %add3A_191] : memref<2x320000xi32, #tpu.memory_space<hbm>> -> memref<1x64xi32, #tpu.memory_space<hbm>>
    %dma_start3A_198 = tpu.memref_squeeze %dma_start3A_197 : memref<1x64xi32, #tpu.memory_space<hbm>> -> memref<64xi32, #tpu.memory_space<hbm>>
    %dma_start3A_199 = arith.constant 0 : i32
    %dma_start3A_200 = tpu.memref_slice %arg6[%dma_start3A_193, %dma_start3A_199] : memref<8x64xi32, #tpu.memory_space<vmem>> -> memref<1x64xi32, #tpu.memory_space<vmem>>
    %dma_start3A_201 = tpu.memref_squeeze %dma_start3A_200 : memref<1x64xi32, #tpu.memory_space<vmem>> -> memref<64xi32, #tpu.memory_space<vmem>>
    %dma_start3A_202 = tpu.memref_slice %arg3[%dma_start3A_192, %add3A_191] : memref<2x320000xi32, #tpu.memory_space<hbm>> -> memref<1x64xi32, #tpu.memory_space<hbm>>
    %dma_start3A_203 = tpu.memref_squeeze %dma_start3A_202 : memref<1x64xi32, #tpu.memory_space<hbm>> -> memref<64xi32, #tpu.memory_space<hbm>>
    tpu.enqueue_dma source(%dma_start3A_203 : memref<64xi32, #tpu.memory_space<hbm>>) target(%dma_start3A_201 : memref<64xi32, #tpu.memory_space<vmem>>) target_semaphore(%arg24 : memref<!tpu.dma_semaphore, #tpu.memory_space<semaphore_mem>>)
    %dma_start3A_204 = arith.constant 1 : i32
    %dma_start3A_205 = arith.constant 7 : i32
    %dma_start3A_206 = arith.constant 0 : i32
    %dma_start3A_207 = tpu.memref_slice %arg7[%dma_start3A_205, %dma_start3A_206] : memref<8x64xi32, #tpu.memory_space<vmem>> -> memref<1x64xi32, #tpu.memory_space<vmem>>
    %dma_start3A_208 = tpu.memref_squeeze %dma_start3A_207 : memref<1x64xi32, #tpu.memory_space<vmem>> -> memref<64xi32, #tpu.memory_space<vmem>>
    %dma_start3A_209 = tpu.memref_slice %arg3[%dma_start3A_204, %add3A_191] : memref<2x320000xi32, #tpu.memory_space<hbm>> -> memref<1x64xi32, #tpu.memory_space<hbm>>
    %dma_start3A_210 = tpu.memref_squeeze %dma_start3A_209 : memref<1x64xi32, #tpu.memory_space<hbm>> -> memref<64xi32, #tpu.memory_space<hbm>>
    %dma_start3A_211 = arith.constant 0 : i32
    %dma_start3A_212 = tpu.memref_slice %arg7[%dma_start3A_205, %dma_start3A_211] : memref<8x64xi32, #tpu.memory_space<vmem>> -> memref<1x64xi32, #tpu.memory_space<vmem>>
    %dma_start3A_213 = tpu.memref_squeeze %dma_start3A_212 : memref<1x64xi32, #tpu.memory_space<vmem>> -> memref<64xi32, #tpu.memory_space<vmem>>
    %dma_start3A_214 = tpu.memref_slice %arg3[%dma_start3A_204, %add3A_191] : memref<2x320000xi32, #tpu.memory_space<hbm>> -> memref<1x64xi32, #tpu.memory_space<hbm>>
    %dma_start3A_215 = tpu.memref_squeeze %dma_start3A_214 : memref<1x64xi32, #tpu.memory_space<hbm>> -> memref<64xi32, #tpu.memory_space<hbm>>
    tpu.enqueue_dma source(%dma_start3A_215 : memref<64xi32, #tpu.memory_space<hbm>>) target(%dma_start3A_213 : memref<64xi32, #tpu.memory_space<vmem>>) target_semaphore(%arg24 : memref<!tpu.dma_semaphore, #tpu.memory_space<semaphore_mem>>)
    %barrier3A = arith.constant 0 : index
    tpu.barrier barrier_id(%barrier3A)
    %dma_wait3A = arith.constant 0 : i32
    %dma_wait3A_216 = arith.constant 0 : i32
    %dma_wait3A_217 = arith.constant 0 : i32
    %dma_wait3A_218 = tpu.memref_slice %arg6[%dma_wait3A_216, %dma_wait3A_217] : memref<8x64xi32, #tpu.memory_space<vmem>> -> memref<1x64xi32, #tpu.memory_space<vmem>>
    %dma_wait3A_219 = tpu.memref_squeeze %dma_wait3A_218 : memref<1x64xi32, #tpu.memory_space<vmem>> -> memref<64xi32, #tpu.memory_space<vmem>>
    %dma_wait3A_220 = arith.constant 0 : i32
    %dma_wait3A_221 = tpu.memref_slice %arg3[%dma_wait3A, %dma_wait3A_220] : memref<2x320000xi32, #tpu.memory_space<hbm>> -> memref<1x64xi32, #tpu.memory_space<hbm>>
    %dma_wait3A_222 = tpu.memref_squeeze %dma_wait3A_221 : memref<1x64xi32, #tpu.memory_space<hbm>> -> memref<64xi32, #tpu.memory_space<hbm>>
    %dma_wait3A_223 = arith.constant 0 : i32
    %dma_wait3A_224 = tpu.memref_slice %arg6[%dma_wait3A_216, %dma_wait3A_223] : memref<8x64xi32, #tpu.memory_space<vmem>> -> memref<1x64xi32, #tpu.memory_space<vmem>>
    %dma_wait3A_225 = tpu.memref_squeeze %dma_wait3A_224 : memref<1x64xi32, #tpu.memory_space<vmem>> -> memref<64xi32, #tpu.memory_space<vmem>>
    %dma_wait3A_226 = arith.constant 0 : i32
    %dma_wait3A_227 = tpu.memref_slice %arg3[%dma_wait3A, %dma_wait3A_226] : memref<2x320000xi32, #tpu.memory_space<hbm>> -> memref<1x64xi32, #tpu.memory_space<hbm>>
    %dma_wait3A_228 = tpu.memref_squeeze %dma_wait3A_227 : memref<1x64xi32, #tpu.memory_space<hbm>> -> memref<64xi32, #tpu.memory_space<hbm>>
    tpu.wait_dma2 semaphore(%arg17 : memref<!tpu.dma_semaphore, #tpu.memory_space<semaphore_mem>>) src(%dma_wait3A_228 : memref<64xi32, #tpu.memory_space<hbm>>) dst(%dma_wait3A_225 : memref<64xi32, #tpu.memory_space<vmem>>)
    %dma_wait3A_229 = arith.constant 0 : i32
    %dma_wait3A_230 = arith.constant 0 : i32
    %dma_wait3A_231 = arith.constant 0 : i32
    %dma_wait3A_232 = tpu.memref_slice %arg7[%dma_wait3A_230, %dma_wait3A_231] : memref<8x64xi32, #tpu.memory_space<vmem>> -> memref<1x64xi32, #tpu.memory_space<vmem>>
    %dma_wait3A_233 = tpu.memref_squeeze %dma_wait3A_232 : memref<1x64xi32, #tpu.memory_space<vmem>> -> memref<64xi32, #tpu.memory_space<vmem>>
    %dma_wait3A_234 = arith.constant 0 : i32
    %dma_wait3A_235 = tpu.memref_slice %arg3[%dma_wait3A_229, %dma_wait3A_234] : memref<2x320000xi32, #tpu.memory_space<hbm>> -> memref<1x64xi32, #tpu.memory_space<hbm>>
    %dma_wait3A_236 = tpu.memref_squeeze %dma_wait3A_235 : memref<1x64xi32, #tpu.memory_space<hbm>> -> memref<64xi32, #tpu.memory_space<hbm>>
    %dma_wait3A_237 = arith.constant 0 : i32
    %dma_wait3A_238 = tpu.memref_slice %arg7[%dma_wait3A_230, %dma_wait3A_237] : memref<8x64xi32, #tpu.memory_space<vmem>> -> memref<1x64xi32, #tpu.memory_space<vmem>>
    %dma_wait3A_239 = tpu.memref_squeeze %dma_wait3A_238 : memref<1x64xi32, #tpu.memory_space<vmem>> -> memref<64xi32, #tpu.memory_space<vmem>>
    %dma_wait3A_240 = arith.constant 0 : i32
    %dma_wait3A_241 = tpu.memref_slice %arg3[%dma_wait3A_229, %dma_wait3A_240] : memref<2x320000xi32, #tpu.memory_space<hbm>> -> memref<1x64xi32, #tpu.memory_space<hbm>>
    %dma_wait3A_242 = tpu.memref_squeeze %dma_wait3A_241 : memref<1x64xi32, #tpu.memory_space<hbm>> -> memref<64xi32, #tpu.memory_space<hbm>>
    tpu.wait_dma2 semaphore(%arg17 : memref<!tpu.dma_semaphore, #tpu.memory_space<semaphore_mem>>) src(%dma_wait3A_242 : memref<64xi32, #tpu.memory_space<hbm>>) dst(%dma_wait3A_239 : memref<64xi32, #tpu.memory_space<vmem>>)
    %dma_wait3A_243 = arith.constant 0 : i32
    %dma_wait3A_244 = arith.constant 1 : i32
    %dma_wait3A_245 = arith.constant 0 : i32
    %dma_wait3A_246 = tpu.memref_slice %arg6[%dma_wait3A_244, %dma_wait3A_245] : memref<8x64xi32, #tpu.memory_space<vmem>> -> memref<1x64xi32, #tpu.memory_space<vmem>>
    %dma_wait3A_247 = tpu.memref_squeeze %dma_wait3A_246 : memref<1x64xi32, #tpu.memory_space<vmem>> -> memref<64xi32, #tpu.memory_space<vmem>>
    %dma_wait3A_248 = arith.constant 0 : i32
    %dma_wait3A_249 = tpu.memref_slice %arg3[%dma_wait3A_243, %dma_wait3A_248] : memref<2x320000xi32, #tpu.memory_space<hbm>> -> memref<1x64xi32, #tpu.memory_space<hbm>>
    %dma_wait3A_250 = tpu.memref_squeeze %dma_wait3A_249 : memref<1x64xi32, #tpu.memory_space<hbm>> -> memref<64xi32, #tpu.memory_space<hbm>>
    %dma_wait3A_251 = arith.constant 0 : i32
    %dma_wait3A_252 = tpu.memref_slice %arg6[%dma_wait3A_244, %dma_wait3A_251] : memref<8x64xi32, #tpu.memory_space<vmem>> -> memref<1x64xi32, #tpu.memory_space<vmem>>
    %dma_wait3A_253 = tpu.memref_squeeze %dma_wait3A_252 : memref<1x64xi32, #tpu.memory_space<vmem>> -> memref<64xi32, #tpu.memory_space<vmem>>
    %dma_wait3A_254 = arith.constant 0 : i32
    %dma_wait3A_255 = tpu.memref_slice %arg3[%dma_wait3A_243, %dma_wait3A_254] : memref<2x320000xi32, #tpu.memory_space<hbm>> -> memref<1x64xi32, #tpu.memory_space<hbm>>
    %dma_wait3A_256 = tpu.memref_squeeze %dma_wait3A_255 : memref<1x64xi32, #tpu.memory_space<hbm>> -> memref<64xi32, #tpu.memory_space<hbm>>
    tpu.wait_dma2 semaphore(%arg18 : memref<!tpu.dma_semaphore, #tpu.memory_space<semaphore_mem>>) src(%dma_wait3A_256 : memref<64xi32, #tpu.memory_space<hbm>>) dst(%dma_wait3A_253 : memref<64xi32, #tpu.memory_space<vmem>>)
    %dma_wait3A_257 = arith.constant 0 : i32
    %dma_wait3A_258 = arith.constant 1 : i32
    %dma_wait3A_259 = arith.constant 0 : i32
    %dma_wait3A_260 = tpu.memref_slice %arg7[%dma_wait3A_258, %dma_wait3A_259] : memref<8x64xi32, #tpu.memory_space<vmem>> -> memref<1x64xi32, #tpu.memory_space<vmem>>
    %dma_wait3A_261 = tpu.memref_squeeze %dma_wait3A_260 : memref<1x64xi32, #tpu.memory_space<vmem>> -> memref<64xi32, #tpu.memory_space<vmem>>
    %dma_wait3A_262 = arith.constant 0 : i32
    %dma_wait3A_263 = tpu.memref_slice %arg3[%dma_wait3A_257, %dma_wait3A_262] : memref<2x320000xi32, #tpu.memory_space<hbm>> -> memref<1x64xi32, #tpu.memory_space<hbm>>
    %dma_wait3A_264 = tpu.memref_squeeze %dma_wait3A_263 : memref<1x64xi32, #tpu.memory_space<hbm>> -> memref<64xi32, #tpu.memory_space<hbm>>
    %dma_wait3A_265 = arith.constant 0 : i32
    %dma_wait3A_266 = tpu.memref_slice %arg7[%dma_wait3A_258, %dma_wait3A_265] : memref<8x64xi32, #tpu.memory_space<vmem>> -> memref<1x64xi32, #tpu.memory_space<vmem>>
    %dma_wait3A_267 = tpu.memref_squeeze %dma_wait3A_266 : memref<1x64xi32, #tpu.memory_space<vmem>> -> memref<64xi32, #tpu.memory_space<vmem>>
    %dma_wait3A_268 = arith.constant 0 : i32
    %dma_wait3A_269 = tpu.memref_slice %arg3[%dma_wait3A_257, %dma_wait3A_268] : memref<2x320000xi32, #tpu.memory_space<hbm>> -> memref<1x64xi32, #tpu.memory_space<hbm>>
    %dma_wait3A_270 = tpu.memref_squeeze %dma_wait3A_269 : memref<1x64xi32, #tpu.memory_space<hbm>> -> memref<64xi32, #tpu.memory_space<hbm>>
    tpu.wait_dma2 semaphore(%arg18 : memref<!tpu.dma_semaphore, #tpu.memory_space<semaphore_mem>>) src(%dma_wait3A_270 : memref<64xi32, #tpu.memory_space<hbm>>) dst(%dma_wait3A_267 : memref<64xi32, #tpu.memory_space<vmem>>)
    %dma_start3A_271 = arith.constant 0 : i32
    %dma_start3A_272 = arith.constant 0 : i32
    %dma_start3A_273 = tpu.memref_slice %arg6[%dma_start3A_271, %dma_start3A_272] : memref<8x64xi32, #tpu.memory_space<vmem>> -> memref<1x64xi32, #tpu.memory_space<vmem>>
    %dma_start3A_274 = tpu.memref_squeeze %dma_start3A_273 : memref<1x64xi32, #tpu.memory_space<vmem>> -> memref<64xi32, #tpu.memory_space<vmem>>
    %dma_start3A_275 = arith.constant 0 : i32
    %dma_start3A_276 = arith.constant 0 : i32
    %dma_start3A_277 = tpu.memref_slice %arg2[%dma_start3A_275, %dma_start3A_276] : memref<10240x64xi32, #tpu.memory_space<hbm>> -> memref<10240x64xi32, #tpu.memory_space<hbm>>
    tpu.enqueue_indirect_dma source(%dma_start3A_277 : memref<10240x64xi32, #tpu.memory_space<hbm>>) target(%arg8 : memref<64x64xi32, #tpu.memory_space<vmem>>) offsets(%dma_start3A_274 : memref<64xi32, #tpu.memory_space<vmem>>) semaphore(%arg12 : memref<!tpu.dma_semaphore, #tpu.memory_space<semaphore_mem>>)
    %dma_start3A_278 = arith.constant 1 : i32
    %dma_start3A_279 = arith.constant 0 : i32
    %dma_start3A_280 = tpu.memref_slice %arg6[%dma_start3A_278, %dma_start3A_279] : memref<8x64xi32, #tpu.memory_space<vmem>> -> memref<1x64xi32, #tpu.memory_space<vmem>>
    %dma_start3A_281 = tpu.memref_squeeze %dma_start3A_280 : memref<1x64xi32, #tpu.memory_space<vmem>> -> memref<64xi32, #tpu.memory_space<vmem>>
    %dma_start3A_282 = arith.constant 0 : i32
    %dma_start3A_283 = arith.constant 0 : i32
    %dma_start3A_284 = tpu.memref_slice %arg2[%dma_start3A_282, %dma_start3A_283] : memref<10240x64xi32, #tpu.memory_space<hbm>> -> memref<10240x64xi32, #tpu.memory_space<hbm>>
    tpu.enqueue_indirect_dma source(%dma_start3A_284 : memref<10240x64xi32, #tpu.memory_space<hbm>>) target(%arg9 : memref<64x64xi32, #tpu.memory_space<vmem>>) offsets(%dma_start3A_281 : memref<64xi32, #tpu.memory_space<vmem>>) semaphore(%arg13 : memref<!tpu.dma_semaphore, #tpu.memory_space<semaphore_mem>>)
    %sub3A_285 = arith.constant 0 : i32
    %sub3A_286 = arith.subi %min3A_6, %sub3A_285 : i32
    %sub3A_287 = arith.constant 8 : i32
    %sub3A_288 = arith.constant 1 : i32
    %sub3A_289 = arith.subi %sub3A_287, %sub3A_288 : i32
    %add3A_290 = arith.addi %sub3A_286, %sub3A_289 : i32
    %div3A = arith.constant 8 : i32
    %div3A_291 = arith.divsi %add3A_290, %div3A : i32
    %while3A = arith.constant 8 : i32
    %while3A_292 = arith.constant 0 : i32
    %while3A_293 = arith.constant 0 : i32
    %while3A_294 = arith.subi %div3A_291, %while3A_293 : i32
    %while3A_295 = arith.addi %while3A_293, %while3A_294 : i32
    %while3A_296 = arith.constant 1 : i32
    %while3A_297 = arith.divsi %while3A_294, %while3A_296 : i32
    %while3A_298 = arith.muli %while3A_297, %while3A_296 : i32
    %while3A_299 = arith.addi %while3A_293, %while3A_298 : i32
    %while3A_300 = arith.constant 1 : i32
    scf.for %while3A_321 = %while3A_293 to %while3A_299 step %while3A_300  : i32 {
      %mul3A_322 = arith.muli %while3A_321, %while3A : i32
      %add3A_323 = arith.addi %while3A_292, %mul3A_322 : i32
      %add3A_324 = arith.constant 0 : i32
      %add3A_325 = arith.addi %add3A_323, %add3A_324 : i32
      %dma_wait3A_326 = arith.constant 0 : i32
      %dma_wait3A_327 = arith.constant 0 : i32
      %dma_wait3A_328 = tpu.memref_slice %arg6[%dma_wait3A_326, %dma_wait3A_327] : memref<8x64xi32, #tpu.memory_space<vmem>> -> memref<1x64xi32, #tpu.memory_space<vmem>>
      %dma_wait3A_329 = tpu.memref_squeeze %dma_wait3A_328 : memref<1x64xi32, #tpu.memory_space<vmem>> -> memref<64xi32, #tpu.memory_space<vmem>>
      %dma_wait3A_330 = arith.constant 0 : i32
      %dma_wait3A_331 = arith.constant 0 : i32
      %dma_wait3A_332 = tpu.memref_slice %arg2[%dma_wait3A_330, %dma_wait3A_331] : memref<10240x64xi32, #tpu.memory_space<hbm>> -> memref<10240x64xi32, #tpu.memory_space<hbm>>
      tpu.wait_indirect_dma semaphore(%arg12 : memref<!tpu.dma_semaphore, #tpu.memory_space<semaphore_mem>>) src(%dma_wait3A_332 : memref<10240x64xi32, #tpu.memory_space<hbm>>) dst(%arg8 : memref<64x64xi32, #tpu.memory_space<vmem>>)
      %ge3A = arith.constant 2 : i32
      %ge3A_333 = arith.cmpi sge, %add3A_325, %ge3A : i32
      %convert_element_type3A = arith.extui %ge3A_333 : i1 to i32
      %cond3A = arith.constant 0 : i32
      %cond3A_334 = arith.cmpi ne, %convert_element_type3A, %cond3A : i32
      scf.if %cond3A_334 {
        %dma_wait3A_630 = arith.constant 6 : i32
        %dma_wait3A_631 = arith.constant 0 : i32
        %dma_wait3A_632 = tpu.memref_slice %arg7[%dma_wait3A_630, %dma_wait3A_631] : memref<8x64xi32, #tpu.memory_space<vmem>> -> memref<1x64xi32, #tpu.memory_space<vmem>>
        %dma_wait3A_633 = tpu.memref_squeeze %dma_wait3A_632 : memref<1x64xi32, #tpu.memory_space<vmem>> -> memref<64xi32, #tpu.memory_space<vmem>>
        %dma_wait3A_634 = arith.constant 0 : i32
        %dma_wait3A_635 = arith.constant 0 : i32
        %dma_wait3A_636 = tpu.memref_slice %arg16[%dma_wait3A_634, %dma_wait3A_635] : memref<10112x128xf32, #tpu.memory_space<vmem_shared>> -> memref<10112x128xf32, #tpu.memory_space<vmem_shared>>
        tpu.wait_indirect_dma semaphore(%arg14 : memref<!tpu.dma_semaphore, #tpu.memory_space<semaphore_mem>>) src(%arg10 : memref<64x128xf32, #tpu.memory_space<vmem>>) dst(%dma_wait3A_636 : memref<10112x128xf32, #tpu.memory_space<vmem_shared>>)
      } else {
      }
      %ge3A_335 = arith.constant 2 : i32
      %ge3A_336 = arith.cmpi sge, %add3A_325, %ge3A_335 : i32
      %add3A_337 = arith.constant 6 : i32
      %add3A_338 = arith.addi %add3A_325, %add3A_337 : i32
      %lt3A = arith.cmpi slt, %add3A_338, %min3A_6 : i32
      %and3A = arith.andi %ge3A_336, %lt3A : i1
      %convert_element_type3A_339 = arith.extui %and3A : i1 to i32
      %cond3A_340 = arith.constant 0 : i32
      %cond3A_341 = arith.cmpi ne, %convert_element_type3A_339, %cond3A_340 : i32
      scf.if %cond3A_341 {
        %add3A_630 = arith.constant 6 : i32
        %add3A_631 = arith.addi %add3A_325, %add3A_630 : i32
        %mul3A_632 = arith.constant 64 : i32
        %mul3A_633 = arith.muli %add3A_631, %mul3A_632 : i32
        %add3A_634 = arith.addi %mul3A_2, %mul3A_633 : i32
        %dma_start3A_635 = arith.constant 0 : i32
        %dma_start3A_636 = arith.constant 6 : i32
        %dma_start3A_637 = arith.constant 0 : i32
        %dma_start3A_638 = tpu.memref_slice %arg6[%dma_start3A_636, %dma_start3A_637] : memref<8x64xi32, #tpu.memory_space<vmem>> -> memref<1x64xi32, #tpu.memory_space<vmem>>
        %dma_start3A_639 = tpu.memref_squeeze %dma_start3A_638 : memref<1x64xi32, #tpu.memory_space<vmem>> -> memref<64xi32, #tpu.memory_space<vmem>>
        %dma_start3A_640 = tpu.memref_slice %arg3[%dma_start3A_635, %add3A_634] : memref<2x320000xi32, #tpu.memory_space<hbm>> -> memref<1x64xi32, #tpu.memory_space<hbm>>
        %dma_start3A_641 = tpu.memref_squeeze %dma_start3A_640 : memref<1x64xi32, #tpu.memory_space<hbm>> -> memref<64xi32, #tpu.memory_space<hbm>>
        %dma_start3A_642 = arith.constant 0 : i32
        %dma_start3A_643 = tpu.memref_slice %arg6[%dma_start3A_636, %dma_start3A_642] : memref<8x64xi32, #tpu.memory_space<vmem>> -> memref<1x64xi32, #tpu.memory_space<vmem>>
        %dma_start3A_644 = tpu.memref_squeeze %dma_start3A_643 : memref<1x64xi32, #tpu.memory_space<vmem>> -> memref<64xi32, #tpu.memory_space<vmem>>
        %dma_start3A_645 = tpu.memref_slice %arg3[%dma_start3A_635, %add3A_634] : memref<2x320000xi32, #tpu.memory_space<hbm>> -> memref<1x64xi32, #tpu.memory_space<hbm>>
        %dma_start3A_646 = tpu.memref_squeeze %dma_start3A_645 : memref<1x64xi32, #tpu.memory_space<hbm>> -> memref<64xi32, #tpu.memory_space<hbm>>
        tpu.enqueue_dma source(%dma_start3A_646 : memref<64xi32, #tpu.memory_space<hbm>>) target(%dma_start3A_644 : memref<64xi32, #tpu.memory_space<vmem>>) target_semaphore(%arg23 : memref<!tpu.dma_semaphore, #tpu.memory_space<semaphore_mem>>)
        %dma_start3A_647 = arith.constant 1 : i32
        %dma_start3A_648 = arith.constant 6 : i32
        %dma_start3A_649 = arith.constant 0 : i32
        %dma_start3A_650 = tpu.memref_slice %arg7[%dma_start3A_648, %dma_start3A_649] : memref<8x64xi32, #tpu.memory_space<vmem>> -> memref<1x64xi32, #tpu.memory_space<vmem>>
        %dma_start3A_651 = tpu.memref_squeeze %dma_start3A_650 : memref<1x64xi32, #tpu.memory_space<vmem>> -> memref<64xi32, #tpu.memory_space<vmem>>
        %dma_start3A_652 = tpu.memref_slice %arg3[%dma_start3A_647, %add3A_634] : memref<2x320000xi32, #tpu.memory_space<hbm>> -> memref<1x64xi32, #tpu.memory_space<hbm>>
        %dma_start3A_653 = tpu.memref_squeeze %dma_start3A_652 : memref<1x64xi32, #tpu.memory_space<hbm>> -> memref<64xi32, #tpu.memory_space<hbm>>
        %dma_start3A_654 = arith.constant 0 : i32
        %dma_start3A_655 = tpu.memref_slice %arg7[%dma_start3A_648, %dma_start3A_654] : memref<8x64xi32, #tpu.memory_space<vmem>> -> memref<1x64xi32, #tpu.memory_space<vmem>>
        %dma_start3A_656 = tpu.memref_squeeze %dma_start3A_655 : memref<1x64xi32, #tpu.memory_space<vmem>> -> memref<64xi32, #tpu.memory_space<vmem>>
        %dma_start3A_657 = tpu.memref_slice %arg3[%dma_start3A_647, %add3A_634] : memref<2x320000xi32, #tpu.memory_space<hbm>> -> memref<1x64xi32, #tpu.memory_space<hbm>>
        %dma_start3A_658 = tpu.memref_squeeze %dma_start3A_657 : memref<1x64xi32, #tpu.memory_space<hbm>> -> memref<64xi32, #tpu.memory_space<hbm>>
        tpu.enqueue_dma source(%dma_start3A_658 : memref<64xi32, #tpu.memory_space<hbm>>) target(%dma_start3A_656 : memref<64xi32, #tpu.memory_space<vmem>>) target_semaphore(%arg23 : memref<!tpu.dma_semaphore, #tpu.memory_space<semaphore_mem>>)
      } else {
      }
      %parallel_loop3A = arith.constant 0 : i32
      %parallel_loop3A_342 = arith.constant 64 : i32
      %parallel_loop3A_343 = arith.constant 1 : i32
      scf.for %parallel_loop3A_630 = %parallel_loop3A to %parallel_loop3A_342 step %parallel_loop3A_343  : i32 {
        %parallel_loop3A_631 = arith.index_cast %parallel_loop3A_630 : i32 to index
        %parallel_loop3A_632 = arith.constant 0 : index
        %parallel_loop3A_633 = tpu.vector_load %arg8[%parallel_loop3A_631, %parallel_loop3A_632] {strides = array<i32>} : memref<64x64xi32, #tpu.memory_space<vmem>>, vector<16xi32>,
        %parallel_loop3A_634 = arith.constant 16 : i32
        %parallel_loop3A_635 = vector.broadcast %parallel_loop3A_634 : i32 to vector<16xi32>
        %parallel_loop3A_636 = arith.shli %parallel_loop3A_633, %parallel_loop3A_635 : vector<16xi32>
        %parallel_loop3A_637 = vector.bitcast %parallel_loop3A_636 : vector<16xi32> to vector<16xf32>
        %parallel_loop3A_638 = arith.constant -65536 : i32
        %parallel_loop3A_639 = vector.broadcast %parallel_loop3A_638 : i32 to vector<16xi32>
        %parallel_loop3A_640 = arith.andi %parallel_loop3A_633, %parallel_loop3A_639 : vector<16xi32>
        %parallel_loop3A_641 = vector.bitcast %parallel_loop3A_640 : vector<16xi32> to vector<16xf32>
        %parallel_loop3A_642 = arith.index_cast %parallel_loop3A_630 : i32 to index
        %parallel_loop3A_643 = arith.constant 0 : index
        %parallel_loop3A_644 = tpu.vector_load %arg10[%parallel_loop3A_642, %parallel_loop3A_643] {strides = array<i32>} : memref<64x128xf32, #tpu.memory_space<vmem>>, vector<16xf32>,
        tpu.vector_store %arg10[%parallel_loop3A_642, %parallel_loop3A_643], %parallel_loop3A_637 {strides = array<i32>} : memref<64x128xf32, #tpu.memory_space<vmem>>, vector<16xf32>,
        %parallel_loop3A_645 = arith.index_cast %parallel_loop3A_630 : i32 to index
        %parallel_loop3A_646 = arith.constant 16 : index
        %parallel_loop3A_647 = tpu.vector_load %arg10[%parallel_loop3A_645, %parallel_loop3A_646] {strides = array<i32>} : memref<64x128xf32, #tpu.memory_space<vmem>>, vector<16xf32>,
        tpu.vector_store %arg10[%parallel_loop3A_645, %parallel_loop3A_646], %parallel_loop3A_641 {strides = array<i32>} : memref<64x128xf32, #tpu.memory_space<vmem>>, vector<16xf32>,
        %parallel_loop3A_648 = arith.index_cast %parallel_loop3A_630 : i32 to index
        %parallel_loop3A_649 = arith.constant 16 : index
        %parallel_loop3A_650 = tpu.vector_load %arg8[%parallel_loop3A_648, %parallel_loop3A_649] {strides = array<i32>} : memref<64x64xi32, #tpu.memory_space<vmem>>, vector<16xi32>,
        %parallel_loop3A_651 = arith.constant 16 : i32
        %parallel_loop3A_652 = vector.broadcast %parallel_loop3A_651 : i32 to vector<16xi32>
        %parallel_loop3A_653 = arith.shli %parallel_loop3A_650, %parallel_loop3A_652 : vector<16xi32>
        %parallel_loop3A_654 = vector.bitcast %parallel_loop3A_653 : vector<16xi32> to vector<16xf32>
        %parallel_loop3A_655 = arith.constant -65536 : i32
        %parallel_loop3A_656 = vector.broadcast %parallel_loop3A_655 : i32 to vector<16xi32>
        %parallel_loop3A_657 = arith.andi %parallel_loop3A_650, %parallel_loop3A_656 : vector<16xi32>
        %parallel_loop3A_658 = vector.bitcast %parallel_loop3A_657 : vector<16xi32> to vector<16xf32>
        %parallel_loop3A_659 = arith.index_cast %parallel_loop3A_630 : i32 to index
        %parallel_loop3A_660 = arith.constant 32 : index
        %parallel_loop3A_661 = tpu.vector_load %arg10[%parallel_loop3A_659, %parallel_loop3A_660] {strides = array<i32>} : memref<64x128xf32, #tpu.memory_space<vmem>>, vector<16xf32>,
        tpu.vector_store %arg10[%parallel_loop3A_659, %parallel_loop3A_660], %parallel_loop3A_654 {strides = array<i32>} : memref<64x128xf32, #tpu.memory_space<vmem>>, vector<16xf32>,
        %parallel_loop3A_662 = arith.index_cast %parallel_loop3A_630 : i32 to index
        %parallel_loop3A_663 = arith.constant 48 : index
        %parallel_loop3A_664 = tpu.vector_load %arg10[%parallel_loop3A_662, %parallel_loop3A_663] {strides = array<i32>} : memref<64x128xf32, #tpu.memory_space<vmem>>, vector<16xf32>,
        tpu.vector_store %arg10[%parallel_loop3A_662, %parallel_loop3A_663], %parallel_loop3A_658 {strides = array<i32>} : memref<64x128xf32, #tpu.memory_space<vmem>>, vector<16xf32>,
        %parallel_loop3A_665 = arith.index_cast %parallel_loop3A_630 : i32 to index
        %parallel_loop3A_666 = arith.constant 32 : index
        %parallel_loop3A_667 = tpu.vector_load %arg8[%parallel_loop3A_665, %parallel_loop3A_666] {strides = array<i32>} : memref<64x64xi32, #tpu.memory_space<vmem>>, vector<16xi32>,
        %parallel_loop3A_668 = arith.constant 16 : i32
        %parallel_loop3A_669 = vector.broadcast %parallel_loop3A_668 : i32 to vector<16xi32>
        %parallel_loop3A_670 = arith.shli %parallel_loop3A_667, %parallel_loop3A_669 : vector<16xi32>
        %parallel_loop3A_671 = vector.bitcast %parallel_loop3A_670 : vector<16xi32> to vector<16xf32>
        %parallel_loop3A_672 = arith.constant -65536 : i32
        %parallel_loop3A_673 = vector.broadcast %parallel_loop3A_672 : i32 to vector<16xi32>
        %parallel_loop3A_674 = arith.andi %parallel_loop3A_667, %parallel_loop3A_673 : vector<16xi32>
        %parallel_loop3A_675 = vector.bitcast %parallel_loop3A_674 : vector<16xi32> to vector<16xf32>
        %parallel_loop3A_676 = arith.index_cast %parallel_loop3A_630 : i32 to index
        %parallel_loop3A_677 = arith.constant 64 : index
        %parallel_loop3A_678 = tpu.vector_load %arg10[%parallel_loop3A_676, %parallel_loop3A_677] {strides = array<i32>} : memref<64x128xf32, #tpu.memory_space<vmem>>, vector<16xf32>,
        tpu.vector_store %arg10[%parallel_loop3A_676, %parallel_loop3A_677], %parallel_loop3A_671 {strides = array<i32>} : memref<64x128xf32, #tpu.memory_space<vmem>>, vector<16xf32>,
        %parallel_loop3A_679 = arith.index_cast %parallel_loop3A_630 : i32 to index
        %parallel_loop3A_680 = arith.constant 80 : index
        %parallel_loop3A_681 = tpu.vector_load %arg10[%parallel_loop3A_679, %parallel_loop3A_680] {strides = array<i32>} : memref<64x128xf32, #tpu.memory_space<vmem>>, vector<16xf32>,
        tpu.vector_store %arg10[%parallel_loop3A_679, %parallel_loop3A_680], %parallel_loop3A_675 {strides = array<i32>} : memref<64x128xf32, #tpu.memory_space<vmem>>, vector<16xf32>,
        %parallel_loop3A_682 = arith.index_cast %parallel_loop3A_630 : i32 to index
        %parallel_loop3A_683 = arith.constant 48 : index
        %parallel_loop3A_684 = tpu.vector_load %arg8[%parallel_loop3A_682, %parallel_loop3A_683] {strides = array<i32>} : memref<64x64xi32, #tpu.memory_space<vmem>>, vector<16xi32>,
        %parallel_loop3A_685 = arith.constant 16 : i32
        %parallel_loop3A_686 = vector.broadcast %parallel_loop3A_685 : i32 to vector<16xi32>
        %parallel_loop3A_687 = arith.shli %parallel_loop3A_684, %parallel_loop3A_686 : vector<16xi32>
        %parallel_loop3A_688 = vector.bitcast %parallel_loop3A_687 : vector<16xi32> to vector<16xf32>
        %parallel_loop3A_689 = arith.constant -65536 : i32
        %parallel_loop3A_690 = vector.broadcast %parallel_loop3A_689 : i32 to vector<16xi32>
        %parallel_loop3A_691 = arith.andi %parallel_loop3A_684, %parallel_loop3A_690 : vector<16xi32>
        %parallel_loop3A_692 = vector.bitcast %parallel_loop3A_691 : vector<16xi32> to vector<16xf32>
        %parallel_loop3A_693 = arith.index_cast %parallel_loop3A_630 : i32 to index
        %parallel_loop3A_694 = arith.constant 96 : index
        %parallel_loop3A_695 = tpu.vector_load %arg10[%parallel_loop3A_693, %parallel_loop3A_694] {strides = array<i32>} : memref<64x128xf32, #tpu.memory_space<vmem>>, vector<16xf32>,
        tpu.vector_store %arg10[%parallel_loop3A_693, %parallel_loop3A_694], %parallel_loop3A_688 {strides = array<i32>} : memref<64x128xf32, #tpu.memory_space<vmem>>, vector<16xf32>,
        %parallel_loop3A_696 = arith.index_cast %parallel_loop3A_630 : i32 to index
        %parallel_loop3A_697 = arith.constant 112 : index
        %parallel_loop3A_698 = tpu.vector_load %arg10[%parallel_loop3A_696, %parallel_loop3A_697] {strides = array<i32>} : memref<64x128xf32, #tpu.memory_space<vmem>>, vector<16xf32>,
        tpu.vector_store %arg10[%parallel_loop3A_696, %parallel_loop3A_697], %parallel_loop3A_692 {strides = array<i32>} : memref<64x128xf32, #tpu.memory_space<vmem>>, vector<16xf32>,
      } {sc.loop_unroll_factor = 4 : i64, sc.parallel_access}
      %add3A_344 = arith.constant 2 : i32
      %add3A_345 = arith.addi %add3A_325, %add3A_344 : i32
      %lt3A_346 = arith.cmpi slt, %add3A_345, %min3A_6 : i32
      %convert_element_type3A_347 = arith.extui %lt3A_346 : i1 to i32
      %cond3A_348 = arith.constant 0 : i32
      %cond3A_349 = arith.cmpi ne, %convert_element_type3A_347, %cond3A_348 : i32
      scf.if %cond3A_349 {
        %dma_wait3A_630 = arith.constant 0 : i32
        %dma_wait3A_631 = arith.constant 2 : i32
        %dma_wait3A_632 = arith.constant 0 : i32
        %dma_wait3A_633 = tpu.memref_slice %arg6[%dma_wait3A_631, %dma_wait3A_632] : memref<8x64xi32, #tpu.memory_space<vmem>> -> memref<1x64xi32, #tpu.memory_space<vmem>>
        %dma_wait3A_634 = tpu.memref_squeeze %dma_wait3A_633 : memref<1x64xi32, #tpu.memory_space<vmem>> -> memref<64xi32, #tpu.memory_space<vmem>>
        %dma_wait3A_635 = arith.constant 0 : i32
        %dma_wait3A_636 = tpu.memref_slice %arg3[%dma_wait3A_630, %dma_wait3A_635] : memref<2x320000xi32, #tpu.memory_space<hbm>> -> memref<1x64xi32, #tpu.memory_space<hbm>>
        %dma_wait3A_637 = tpu.memref_squeeze %dma_wait3A_636 : memref<1x64xi32, #tpu.memory_space<hbm>> -> memref<64xi32, #tpu.memory_space<hbm>>
        %dma_wait3A_638 = arith.constant 0 : i32
        %dma_wait3A_639 = tpu.memref_slice %arg6[%dma_wait3A_631, %dma_wait3A_638] : memref<8x64xi32, #tpu.memory_space<vmem>> -> memref<1x64xi32, #tpu.memory_space<vmem>>
        %dma_wait3A_640 = tpu.memref_squeeze %dma_wait3A_639 : memref<1x64xi32, #tpu.memory_space<vmem>> -> memref<64xi32, #tpu.memory_space<vmem>>
        %dma_wait3A_641 = arith.constant 0 : i32
        %dma_wait3A_642 = tpu.memref_slice %arg3[%dma_wait3A_630, %dma_wait3A_641] : memref<2x320000xi32, #tpu.memory_space<hbm>> -> memref<1x64xi32, #tpu.memory_space<hbm>>
        %dma_wait3A_643 = tpu.memref_squeeze %dma_wait3A_642 : memref<1x64xi32, #tpu.memory_space<hbm>> -> memref<64xi32, #tpu.memory_space<hbm>>
        tpu.wait_dma2 semaphore(%arg19 : memref<!tpu.dma_semaphore, #tpu.memory_space<semaphore_mem>>) src(%dma_wait3A_643 : memref<64xi32, #tpu.memory_space<hbm>>) dst(%dma_wait3A_640 : memref<64xi32, #tpu.memory_space<vmem>>)
        %dma_wait3A_644 = arith.constant 0 : i32
        %dma_wait3A_645 = arith.constant 2 : i32
        %dma_wait3A_646 = arith.constant 0 : i32
        %dma_wait3A_647 = tpu.memref_slice %arg7[%dma_wait3A_645, %dma_wait3A_646] : memref<8x64xi32, #tpu.memory_space<vmem>> -> memref<1x64xi32, #tpu.memory_space<vmem>>
        %dma_wait3A_648 = tpu.memref_squeeze %dma_wait3A_647 : memref<1x64xi32, #tpu.memory_space<vmem>> -> memref<64xi32, #tpu.memory_space<vmem>>
        %dma_wait3A_649 = arith.constant 0 : i32
        %dma_wait3A_650 = tpu.memref_slice %arg3[%dma_wait3A_644, %dma_wait3A_649] : memref<2x320000xi32, #tpu.memory_space<hbm>> -> memref<1x64xi32, #tpu.memory_space<hbm>>
        %dma_wait3A_651 = tpu.memref_squeeze %dma_wait3A_650 : memref<1x64xi32, #tpu.memory_space<hbm>> -> memref<64xi32, #tpu.memory_space<hbm>>
        %dma_wait3A_652 = arith.constant 0 : i32
        %dma_wait3A_653 = tpu.memref_slice %arg7[%dma_wait3A_645, %dma_wait3A_652] : memref<8x64xi32, #tpu.memory_space<vmem>> -> memref<1x64xi32, #tpu.memory_space<vmem>>
        %dma_wait3A_654 = tpu.memref_squeeze %dma_wait3A_653 : memref<1x64xi32, #tpu.memory_space<vmem>> -> memref<64xi32, #tpu.memory_space<vmem>>
        %dma_wait3A_655 = arith.constant 0 : i32
        %dma_wait3A_656 = tpu.memref_slice %arg3[%dma_wait3A_644, %dma_wait3A_655] : memref<2x320000xi32, #tpu.memory_space<hbm>> -> memref<1x64xi32, #tpu.memory_space<hbm>>
        %dma_wait3A_657 = tpu.memref_squeeze %dma_wait3A_656 : memref<1x64xi32, #tpu.memory_space<hbm>> -> memref<64xi32, #tpu.memory_space<hbm>>
        tpu.wait_dma2 semaphore(%arg19 : memref<!tpu.dma_semaphore, #tpu.memory_space<semaphore_mem>>) src(%dma_wait3A_657 : memref<64xi32, #tpu.memory_space<hbm>>) dst(%dma_wait3A_654 : memref<64xi32, #tpu.memory_space<vmem>>)
        %dma_start3A_658 = arith.constant 2 : i32
        %dma_start3A_659 = arith.constant 0 : i32
        %dma_start3A_660 = tpu.memref_slice %arg6[%dma_start3A_658, %dma_start3A_659] : memref<8x64xi32, #tpu.memory_space<vmem>> -> memref<1x64xi32, #tpu.memory_space<vmem>>
        %dma_start3A_661 = tpu.memref_squeeze %dma_start3A_660 : memref<1x64xi32, #tpu.memory_space<vmem>> -> memref<64xi32, #tpu.memory_space<vmem>>
        %dma_start3A_662 = arith.constant 0 : i32
        %dma_start3A_663 = arith.constant 0 : i32
        %dma_start3A_664 = tpu.memref_slice %arg2[%dma_start3A_662, %dma_start3A_663] : memref<10240x64xi32, #tpu.memory_space<hbm>> -> memref<10240x64xi32, #tpu.memory_space<hbm>>
        tpu.enqueue_indirect_dma source(%dma_start3A_664 : memref<10240x64xi32, #tpu.memory_space<hbm>>) target(%arg8 : memref<64x64xi32, #tpu.memory_space<vmem>>) offsets(%dma_start3A_661 : memref<64xi32, #tpu.memory_space<vmem>>) semaphore(%arg12 : memref<!tpu.dma_semaphore, #tpu.memory_space<semaphore_mem>>)
      } else {
      }
      %dma_start3A_350 = arith.constant 0 : i32
      %dma_start3A_351 = arith.constant 0 : i32
      %dma_start3A_352 = tpu.memref_slice %arg7[%dma_start3A_350, %dma_start3A_351] : memref<8x64xi32, #tpu.memory_space<vmem>> -> memref<1x64xi32, #tpu.memory_space<vmem>>
      %dma_start3A_353 = tpu.memref_squeeze %dma_start3A_352 : memref<1x64xi32, #tpu.memory_space<vmem>> -> memref<64xi32, #tpu.memory_space<vmem>>
      %dma_start3A_354 = arith.constant 0 : i32
      %dma_start3A_355 = arith.constant 0 : i32
      %dma_start3A_356 = tpu.memref_slice %arg16[%dma_start3A_354, %dma_start3A_355] : memref<10112x128xf32, #tpu.memory_space<vmem_shared>> -> memref<10112x128xf32, #tpu.memory_space<vmem_shared>>
      tpu.enqueue_indirect_dma source(%arg10 : memref<64x128xf32, #tpu.memory_space<vmem>>) target(%dma_start3A_356 : memref<10112x128xf32, #tpu.memory_space<vmem_shared>>) offsets(%dma_start3A_353 : memref<64xi32, #tpu.memory_space<vmem>>) semaphore(%arg14 : memref<!tpu.dma_semaphore, #tpu.memory_space<semaphore_mem>>) {add = true}
      %add3A_357 = arith.constant 1 : i32
      %add3A_358 = arith.addi %add3A_323, %add3A_357 : i32
      %dma_wait3A_359 = arith.constant 1 : i32
      %dma_wait3A_360 = arith.constant 0 : i32
      %dma_wait3A_361 = tpu.memref_slice %arg6[%dma_wait3A_359, %dma_wait3A_360] : memref<8x64xi32, #tpu.memory_space<vmem>> -> memref<1x64xi32, #tpu.memory_space<vmem>>
      %dma_wait3A_362 = tpu.memref_squeeze %dma_wait3A_361 : memref<1x64xi32, #tpu.memory_space<vmem>> -> memref<64xi32, #tpu.memory_space<vmem>>
      %dma_wait3A_363 = arith.constant 0 : i32
      %dma_wait3A_364 = arith.constant 0 : i32
      %dma_wait3A_365 = tpu.memref_slice %arg2[%dma_wait3A_363, %dma_wait3A_364] : memref<10240x64xi32, #tpu.memory_space<hbm>> -> memref<10240x64xi32, #tpu.memory_space<hbm>>
      tpu.wait_indirect_dma semaphore(%arg13 : memref<!tpu.dma_semaphore, #tpu.memory_space<semaphore_mem>>) src(%dma_wait3A_365 : memref<10240x64xi32, #tpu.memory_space<hbm>>) dst(%arg9 : memref<64x64xi32, #tpu.memory_space<vmem>>)
      %ge3A_366 = arith.constant 2 : i32
      %ge3A_367 = arith.cmpi sge, %add3A_358, %ge3A_366 : i32
      %convert_element_type3A_368 = arith.extui %ge3A_367 : i1 to i32
      %cond3A_369 = arith.constant 0 : i32
      %cond3A_370 = arith.cmpi ne, %convert_element_type3A_368, %cond3A_369 : i32
      scf.if %cond3A_370 {
        %dma_wait3A_630 = arith.constant 7 : i32
        %dma_wait3A_631 = arith.constant 0 : i32
        %dma_wait3A_632 = tpu.memref_slice %arg7[%dma_wait3A_630, %dma_wait3A_631] : memref<8x64xi32, #tpu.memory_space<vmem>> -> memref<1x64xi32, #tpu.memory_space<vmem>>
        %dma_wait3A_633 = tpu.memref_squeeze %dma_wait3A_632 : memref<1x64xi32, #tpu.memory_space<vmem>> -> memref<64xi32, #tpu.memory_space<vmem>>
        %dma_wait3A_634 = arith.constant 0 : i32
        %dma_wait3A_635 = arith.constant 0 : i32
        %dma_wait3A_636 = tpu.memref_slice %arg16[%dma_wait3A_634, %dma_wait3A_635] : memref<10112x128xf32, #tpu.memory_space<vmem_shared>> -> memref<10112x128xf32, #tpu.memory_space<vmem_shared>>
        tpu.wait_indirect_dma semaphore(%arg15 : memref<!tpu.dma_semaphore, #tpu.memory_space<semaphore_mem>>) src(%arg11 : memref<64x128xf32, #tpu.memory_space<vmem>>) dst(%dma_wait3A_636 : memref<10112x128xf32, #tpu.memory_space<vmem_shared>>)
      } else {
      }
      %ge3A_371 = arith.constant 2 : i32
      %ge3A_372 = arith.cmpi sge, %add3A_358, %ge3A_371 : i32
      %add3A_373 = arith.constant 6 : i32
      %add3A_374 = arith.addi %add3A_358, %add3A_373 : i32
      %lt3A_375 = arith.cmpi slt, %add3A_374, %min3A_6 : i32
      %and3A_376 = arith.andi %ge3A_372, %lt3A_375 : i1
      %convert_element_type3A_377 = arith.extui %and3A_376 : i1 to i32
      %cond3A_378 = arith.constant 0 : i32
      %cond3A_379 = arith.cmpi ne, %convert_element_type3A_377, %cond3A_378 : i32
      scf.if %cond3A_379 {
        %add3A_630 = arith.constant 6 : i32
        %add3A_631 = arith.addi %add3A_358, %add3A_630 : i32
        %mul3A_632 = arith.constant 64 : i32
        %mul3A_633 = arith.muli %add3A_631, %mul3A_632 : i32
        %add3A_634 = arith.addi %mul3A_2, %mul3A_633 : i32
        %dma_start3A_635 = arith.constant 0 : i32
        %dma_start3A_636 = arith.constant 7 : i32
        %dma_start3A_637 = arith.constant 0 : i32
        %dma_start3A_638 = tpu.memref_slice %arg6[%dma_start3A_636, %dma_start3A_637] : memref<8x64xi32, #tpu.memory_space<vmem>> -> memref<1x64xi32, #tpu.memory_space<vmem>>
        %dma_start3A_639 = tpu.memref_squeeze %dma_start3A_638 : memref<1x64xi32, #tpu.memory_space<vmem>> -> memref<64xi32, #tpu.memory_space<vmem>>
        %dma_start3A_640 = tpu.memref_slice %arg3[%dma_start3A_635, %add3A_634] : memref<2x320000xi32, #tpu.memory_space<hbm>> -> memref<1x64xi32, #tpu.memory_space<hbm>>
        %dma_start3A_641 = tpu.memref_squeeze %dma_start3A_640 : memref<1x64xi32, #tpu.memory_space<hbm>> -> memref<64xi32, #tpu.memory_space<hbm>>
        %dma_start3A_642 = arith.constant 0 : i32
        %dma_start3A_643 = tpu.memref_slice %arg6[%dma_start3A_636, %dma_start3A_642] : memref<8x64xi32, #tpu.memory_space<vmem>> -> memref<1x64xi32, #tpu.memory_space<vmem>>
        %dma_start3A_644 = tpu.memref_squeeze %dma_start3A_643 : memref<1x64xi32, #tpu.memory_space<vmem>> -> memref<64xi32, #tpu.memory_space<vmem>>
        %dma_start3A_645 = tpu.memref_slice %arg3[%dma_start3A_635, %add3A_634] : memref<2x320000xi32, #tpu.memory_space<hbm>> -> memref<1x64xi32, #tpu.memory_space<hbm>>
        %dma_start3A_646 = tpu.memref_squeeze %dma_start3A_645 : memref<1x64xi32, #tpu.memory_space<hbm>> -> memref<64xi32, #tpu.memory_space<hbm>>
        tpu.enqueue_dma source(%dma_start3A_646 : memref<64xi32, #tpu.memory_space<hbm>>) target(%dma_start3A_644 : memref<64xi32, #tpu.memory_space<vmem>>) target_semaphore(%arg24 : memref<!tpu.dma_semaphore, #tpu.memory_space<semaphore_mem>>)
        %dma_start3A_647 = arith.constant 1 : i32
        %dma_start3A_648 = arith.constant 7 : i32
        %dma_start3A_649 = arith.constant 0 : i32
        %dma_start3A_650 = tpu.memref_slice %arg7[%dma_start3A_648, %dma_start3A_649] : memref<8x64xi32, #tpu.memory_space<vmem>> -> memref<1x64xi32, #tpu.memory_space<vmem>>
        %dma_start3A_651 = tpu.memref_squeeze %dma_start3A_650 : memref<1x64xi32, #tpu.memory_space<vmem>> -> memref<64xi32, #tpu.memory_space<vmem>>
        %dma_start3A_652 = tpu.memref_slice %arg3[%dma_start3A_647, %add3A_634] : memref<2x320000xi32, #tpu.memory_space<hbm>> -> memref<1x64xi32, #tpu.memory_space<hbm>>
        %dma_start3A_653 = tpu.memref_squeeze %dma_start3A_652 : memref<1x64xi32, #tpu.memory_space<hbm>> -> memref<64xi32, #tpu.memory_space<hbm>>
        %dma_start3A_654 = arith.constant 0 : i32
        %dma_start3A_655 = tpu.memref_slice %arg7[%dma_start3A_648, %dma_start3A_654] : memref<8x64xi32, #tpu.memory_space<vmem>> -> memref<1x64xi32, #tpu.memory_space<vmem>>
        %dma_start3A_656 = tpu.memref_squeeze %dma_start3A_655 : memref<1x64xi32, #tpu.memory_space<vmem>> -> memref<64xi32, #tpu.memory_space<vmem>>
        %dma_start3A_657 = tpu.memref_slice %arg3[%dma_start3A_647, %add3A_634] : memref<2x320000xi32, #tpu.memory_space<hbm>> -> memref<1x64xi32, #tpu.memory_space<hbm>>
        %dma_start3A_658 = tpu.memref_squeeze %dma_start3A_657 : memref<1x64xi32, #tpu.memory_space<hbm>> -> memref<64xi32, #tpu.memory_space<hbm>>
        tpu.enqueue_dma source(%dma_start3A_658 : memref<64xi32, #tpu.memory_space<hbm>>) target(%dma_start3A_656 : memref<64xi32, #tpu.memory_space<vmem>>) target_semaphore(%arg24 : memref<!tpu.dma_semaphore, #tpu.memory_space<semaphore_mem>>)
      } else {
      }
      %parallel_loop3A_380 = arith.constant 0 : i32
      %parallel_loop3A_381 = arith.constant 64 : i32
      %parallel_loop3A_382 = arith.constant 1 : i32
      scf.for %parallel_loop3A_630 = %parallel_loop3A_380 to %parallel_loop3A_381 step %parallel_loop3A_382  : i32 {
        %parallel_loop3A_631 = arith.index_cast %parallel_loop3A_630 : i32 to index
        %parallel_loop3A_632 = arith.constant 0 : index
        %parallel_loop3A_633 = tpu.vector_load %arg9[%parallel_loop3A_631, %parallel_loop3A_632] {strides = array<i32>} : memref<64x64xi32, #tpu.memory_space<vmem>>, vector<16xi32>,
        %parallel_loop3A_634 = arith.constant 16 : i32
        %parallel_loop3A_635 = vector.broadcast %parallel_loop3A_634 : i32 to vector<16xi32>
        %parallel_loop3A_636 = arith.shli %parallel_loop3A_633, %parallel_loop3A_635 : vector<16xi32>
        %parallel_loop3A_637 = vector.bitcast %parallel_loop3A_636 : vector<16xi32> to vector<16xf32>
        %parallel_loop3A_638 = arith.constant -65536 : i32
        %parallel_loop3A_639 = vector.broadcast %parallel_loop3A_638 : i32 to vector<16xi32>
        %parallel_loop3A_640 = arith.andi %parallel_loop3A_633, %parallel_loop3A_639 : vector<16xi32>
        %parallel_loop3A_641 = vector.bitcast %parallel_loop3A_640 : vector<16xi32> to vector<16xf32>
        %parallel_loop3A_642 = arith.index_cast %parallel_loop3A_630 : i32 to index
        %parallel_loop3A_643 = arith.constant 0 : index
        %parallel_loop3A_644 = tpu.vector_load %arg11[%parallel_loop3A_642, %parallel_loop3A_643] {strides = array<i32>} : memref<64x128xf32, #tpu.memory_space<vmem>>, vector<16xf32>,
        tpu.vector_store %arg11[%parallel_loop3A_642, %parallel_loop3A_643], %parallel_loop3A_637 {strides = array<i32>} : memref<64x128xf32, #tpu.memory_space<vmem>>, vector<16xf32>,
        %parallel_loop3A_645 = arith.index_cast %parallel_loop3A_630 : i32 to index
        %parallel_loop3A_646 = arith.constant 16 : index
        %parallel_loop3A_647 = tpu.vector_load %arg11[%parallel_loop3A_645, %parallel_loop3A_646] {strides = array<i32>} : memref<64x128xf32, #tpu.memory_space<vmem>>, vector<16xf32>,
        tpu.vector_store %arg11[%parallel_loop3A_645, %parallel_loop3A_646], %parallel_loop3A_641 {strides = array<i32>} : memref<64x128xf32, #tpu.memory_space<vmem>>, vector<16xf32>,
        %parallel_loop3A_648 = arith.index_cast %parallel_loop3A_630 : i32 to index
        %parallel_loop3A_649 = arith.constant 16 : index
        %parallel_loop3A_650 = tpu.vector_load %arg9[%parallel_loop3A_648, %parallel_loop3A_649] {strides = array<i32>} : memref<64x64xi32, #tpu.memory_space<vmem>>, vector<16xi32>,
        %parallel_loop3A_651 = arith.constant 16 : i32
        %parallel_loop3A_652 = vector.broadcast %parallel_loop3A_651 : i32 to vector<16xi32>
        %parallel_loop3A_653 = arith.shli %parallel_loop3A_650, %parallel_loop3A_652 : vector<16xi32>
        %parallel_loop3A_654 = vector.bitcast %parallel_loop3A_653 : vector<16xi32> to vector<16xf32>
        %parallel_loop3A_655 = arith.constant -65536 : i32
        %parallel_loop3A_656 = vector.broadcast %parallel_loop3A_655 : i32 to vector<16xi32>
        %parallel_loop3A_657 = arith.andi %parallel_loop3A_650, %parallel_loop3A_656 : vector<16xi32>
        %parallel_loop3A_658 = vector.bitcast %parallel_loop3A_657 : vector<16xi32> to vector<16xf32>
        %parallel_loop3A_659 = arith.index_cast %parallel_loop3A_630 : i32 to index
        %parallel_loop3A_660 = arith.constant 32 : index
        %parallel_loop3A_661 = tpu.vector_load %arg11[%parallel_loop3A_659, %parallel_loop3A_660] {strides = array<i32>} : memref<64x128xf32, #tpu.memory_space<vmem>>, vector<16xf32>,
        tpu.vector_store %arg11[%parallel_loop3A_659, %parallel_loop3A_660], %parallel_loop3A_654 {strides = array<i32>} : memref<64x128xf32, #tpu.memory_space<vmem>>, vector<16xf32>,
        %parallel_loop3A_662 = arith.index_cast %parallel_loop3A_630 : i32 to index
        %parallel_loop3A_663 = arith.constant 48 : index
        %parallel_loop3A_664 = tpu.vector_load %arg11[%parallel_loop3A_662, %parallel_loop3A_663] {strides = array<i32>} : memref<64x128xf32, #tpu.memory_space<vmem>>, vector<16xf32>,
        tpu.vector_store %arg11[%parallel_loop3A_662, %parallel_loop3A_663], %parallel_loop3A_658 {strides = array<i32>} : memref<64x128xf32, #tpu.memory_space<vmem>>, vector<16xf32>,
        %parallel_loop3A_665 = arith.index_cast %parallel_loop3A_630 : i32 to index
        %parallel_loop3A_666 = arith.constant 32 : index
        %parallel_loop3A_667 = tpu.vector_load %arg9[%parallel_loop3A_665, %parallel_loop3A_666] {strides = array<i32>} : memref<64x64xi32, #tpu.memory_space<vmem>>, vector<16xi32>,
        %parallel_loop3A_668 = arith.constant 16 : i32
        %parallel_loop3A_669 = vector.broadcast %parallel_loop3A_668 : i32 to vector<16xi32>
        %parallel_loop3A_670 = arith.shli %parallel_loop3A_667, %parallel_loop3A_669 : vector<16xi32>
        %parallel_loop3A_671 = vector.bitcast %parallel_loop3A_670 : vector<16xi32> to vector<16xf32>
        %parallel_loop3A_672 = arith.constant -65536 : i32
        %parallel_loop3A_673 = vector.broadcast %parallel_loop3A_672 : i32 to vector<16xi32>
        %parallel_loop3A_674 = arith.andi %parallel_loop3A_667, %parallel_loop3A_673 : vector<16xi32>
        %parallel_loop3A_675 = vector.bitcast %parallel_loop3A_674 : vector<16xi32> to vector<16xf32>
        %parallel_loop3A_676 = arith.index_cast %parallel_loop3A_630 : i32 to index
        %parallel_loop3A_677 = arith.constant 64 : index
        %parallel_loop3A_678 = tpu.vector_load %arg11[%parallel_loop3A_676, %parallel_loop3A_677] {strides = array<i32>} : memref<64x128xf32, #tpu.memory_space<vmem>>, vector<16xf32>,
        tpu.vector_store %arg11[%parallel_loop3A_676, %parallel_loop3A_677], %parallel_loop3A_671 {strides = array<i32>} : memref<64x128xf32, #tpu.memory_space<vmem>>, vector<16xf32>,
        %parallel_loop3A_679 = arith.index_cast %parallel_loop3A_630 : i32 to index
        %parallel_loop3A_680 = arith.constant 80 : index
        %parallel_loop3A_681 = tpu.vector_load %arg11[%parallel_loop3A_679, %parallel_loop3A_680] {strides = array<i32>} : memref<64x128xf32, #tpu.memory_space<vmem>>, vector<16xf32>,
        tpu.vector_store %arg11[%parallel_loop3A_679, %parallel_loop3A_680], %parallel_loop3A_675 {strides = array<i32>} : memref<64x128xf32, #tpu.memory_space<vmem>>, vector<16xf32>,
        %parallel_loop3A_682 = arith.index_cast %parallel_loop3A_630 : i32 to index
        %parallel_loop3A_683 = arith.constant 48 : index
        %parallel_loop3A_684 = tpu.vector_load %arg9[%parallel_loop3A_682, %parallel_loop3A_683] {strides = array<i32>} : memref<64x64xi32, #tpu.memory_space<vmem>>, vector<16xi32>,
        %parallel_loop3A_685 = arith.constant 16 : i32
        %parallel_loop3A_686 = vector.broadcast %parallel_loop3A_685 : i32 to vector<16xi32>
        %parallel_loop3A_687 = arith.shli %parallel_loop3A_684, %parallel_loop3A_686 : vector<16xi32>
        %parallel_loop3A_688 = vector.bitcast %parallel_loop3A_687 : vector<16xi32> to vector<16xf32>
        %parallel_loop3A_689 = arith.constant -65536 : i32
        %parallel_loop3A_690 = vector.broadcast %parallel_loop3A_689 : i32 to vector<16xi32>
        %parallel_loop3A_691 = arith.andi %parallel_loop3A_684, %parallel_loop3A_690 : vector<16xi32>
        %parallel_loop3A_692 = vector.bitcast %parallel_loop3A_691 : vector<16xi32> to vector<16xf32>
        %parallel_loop3A_693 = arith.index_cast %parallel_loop3A_630 : i32 to index
        %parallel_loop3A_694 = arith.constant 96 : index
        %parallel_loop3A_695 = tpu.vector_load %arg11[%parallel_loop3A_693, %parallel_loop3A_694] {strides = array<i32>} : memref<64x128xf32, #tpu.memory_space<vmem>>, vector<16xf32>,
        tpu.vector_store %arg11[%parallel_loop3A_693, %parallel_loop3A_694], %parallel_loop3A_688 {strides = array<i32>} : memref<64x128xf32, #tpu.memory_space<vmem>>, vector<16xf32>,
        %parallel_loop3A_696 = arith.index_cast %parallel_loop3A_630 : i32 to index
        %parallel_loop3A_697 = arith.constant 112 : index
        %parallel_loop3A_698 = tpu.vector_load %arg11[%parallel_loop3A_696, %parallel_loop3A_697] {strides = array<i32>} : memref<64x128xf32, #tpu.memory_space<vmem>>, vector<16xf32>,
        tpu.vector_store %arg11[%parallel_loop3A_696, %parallel_loop3A_697], %parallel_loop3A_692 {strides = array<i32>} : memref<64x128xf32, #tpu.memory_space<vmem>>, vector<16xf32>,
      } {sc.loop_unroll_factor = 4 : i64, sc.parallel_access}
      %add3A_383 = arith.constant 2 : i32
      %add3A_384 = arith.addi %add3A_358, %add3A_383 : i32
      %lt3A_385 = arith.cmpi slt, %add3A_384, %min3A_6 : i32
      %convert_element_type3A_386 = arith.extui %lt3A_385 : i1 to i32
      %cond3A_387 = arith.constant 0 : i32
      %cond3A_388 = arith.cmpi ne, %convert_element_type3A_386, %cond3A_387 : i32
      scf.if %cond3A_388 {
        %dma_wait3A_630 = arith.constant 0 : i32
        %dma_wait3A_631 = arith.constant 3 : i32
        %dma_wait3A_632 = arith.constant 0 : i32
        %dma_wait3A_633 = tpu.memref_slice %arg6[%dma_wait3A_631, %dma_wait3A_632] : memref<8x64xi32, #tpu.memory_space<vmem>> -> memref<1x64xi32, #tpu.memory_space<vmem>>
        %dma_wait3A_634 = tpu.memref_squeeze %dma_wait3A_633 : memref<1x64xi32, #tpu.memory_space<vmem>> -> memref<64xi32, #tpu.memory_space<vmem>>
        %dma_wait3A_635 = arith.constant 0 : i32
        %dma_wait3A_636 = tpu.memref_slice %arg3[%dma_wait3A_630, %dma_wait3A_635] : memref<2x320000xi32, #tpu.memory_space<hbm>> -> memref<1x64xi32, #tpu.memory_space<hbm>>
        %dma_wait3A_637 = tpu.memref_squeeze %dma_wait3A_636 : memref<1x64xi32, #tpu.memory_space<hbm>> -> memref<64xi32, #tpu.memory_space<hbm>>
        %dma_wait3A_638 = arith.constant 0 : i32
        %dma_wait3A_639 = tpu.memref_slice %arg6[%dma_wait3A_631, %dma_wait3A_638] : memref<8x64xi32, #tpu.memory_space<vmem>> -> memref<1x64xi32, #tpu.memory_space<vmem>>
        %dma_wait3A_640 = tpu.memref_squeeze %dma_wait3A_639 : memref<1x64xi32, #tpu.memory_space<vmem>> -> memref<64xi32, #tpu.memory_space<vmem>>
        %dma_wait3A_641 = arith.constant 0 : i32
        %dma_wait3A_642 = tpu.memref_slice %arg3[%dma_wait3A_630, %dma_wait3A_641] : memref<2x320000xi32, #tpu.memory_space<hbm>> -> memref<1x64xi32, #tpu.memory_space<hbm>>
        %dma_wait3A_643 = tpu.memref_squeeze %dma_wait3A_642 : memref<1x64xi32, #tpu.memory_space<hbm>> -> memref<64xi32, #tpu.memory_space<hbm>>
        tpu.wait_dma2 semaphore(%arg20 : memref<!tpu.dma_semaphore, #tpu.memory_space<semaphore_mem>>) src(%dma_wait3A_643 : memref<64xi32, #tpu.memory_space<hbm>>) dst(%dma_wait3A_640 : memref<64xi32, #tpu.memory_space<vmem>>)
        %dma_wait3A_644 = arith.constant 0 : i32
        %dma_wait3A_645 = arith.constant 3 : i32
        %dma_wait3A_646 = arith.constant 0 : i32
        %dma_wait3A_647 = tpu.memref_slice %arg7[%dma_wait3A_645, %dma_wait3A_646] : memref<8x64xi32, #tpu.memory_space<vmem>> -> memref<1x64xi32, #tpu.memory_space<vmem>>
        %dma_wait3A_648 = tpu.memref_squeeze %dma_wait3A_647 : memref<1x64xi32, #tpu.memory_space<vmem>> -> memref<64xi32, #tpu.memory_space<vmem>>
        %dma_wait3A_649 = arith.constant 0 : i32
        %dma_wait3A_650 = tpu.memref_slice %arg3[%dma_wait3A_644, %dma_wait3A_649] : memref<2x320000xi32, #tpu.memory_space<hbm>> -> memref<1x64xi32, #tpu.memory_space<hbm>>
        %dma_wait3A_651 = tpu.memref_squeeze %dma_wait3A_650 : memref<1x64xi32, #tpu.memory_space<hbm>> -> memref<64xi32, #tpu.memory_space<hbm>>
        %dma_wait3A_652 = arith.constant 0 : i32
        %dma_wait3A_653 = tpu.memref_slice %arg7[%dma_wait3A_645, %dma_wait3A_652] : memref<8x64xi32, #tpu.memory_space<vmem>> -> memref<1x64xi32, #tpu.memory_space<vmem>>
        %dma_wait3A_654 = tpu.memref_squeeze %dma_wait3A_653 : memref<1x64xi32, #tpu.memory_space<vmem>> -> memref<64xi32, #tpu.memory_space<vmem>>
        %dma_wait3A_655 = arith.constant 0 : i32
        %dma_wait3A_656 = tpu.memref_slice %arg3[%dma_wait3A_644, %dma_wait3A_655] : memref<2x320000xi32, #tpu.memory_space<hbm>> -> memref<1x64xi32, #tpu.memory_space<hbm>>
        %dma_wait3A_657 = tpu.memref_squeeze %dma_wait3A_656 : memref<1x64xi32, #tpu.memory_space<hbm>> -> memref<64xi32, #tpu.memory_space<hbm>>
        tpu.wait_dma2 semaphore(%arg20 : memref<!tpu.dma_semaphore, #tpu.memory_space<semaphore_mem>>) src(%dma_wait3A_657 : memref<64xi32, #tpu.memory_space<hbm>>) dst(%dma_wait3A_654 : memref<64xi32, #tpu.memory_space<vmem>>)
        %dma_start3A_658 = arith.constant 3 : i32
        %dma_start3A_659 = arith.constant 0 : i32
        %dma_start3A_660 = tpu.memref_slice %arg6[%dma_start3A_658, %dma_start3A_659] : memref<8x64xi32, #tpu.memory_space<vmem>> -> memref<1x64xi32, #tpu.memory_space<vmem>>
        %dma_start3A_661 = tpu.memref_squeeze %dma_start3A_660 : memref<1x64xi32, #tpu.memory_space<vmem>> -> memref<64xi32, #tpu.memory_space<vmem>>
        %dma_start3A_662 = arith.constant 0 : i32
        %dma_start3A_663 = arith.constant 0 : i32
        %dma_start3A_664 = tpu.memref_slice %arg2[%dma_start3A_662, %dma_start3A_663] : memref<10240x64xi32, #tpu.memory_space<hbm>> -> memref<10240x64xi32, #tpu.memory_space<hbm>>
        tpu.enqueue_indirect_dma source(%dma_start3A_664 : memref<10240x64xi32, #tpu.memory_space<hbm>>) target(%arg9 : memref<64x64xi32, #tpu.memory_space<vmem>>) offsets(%dma_start3A_661 : memref<64xi32, #tpu.memory_space<vmem>>) semaphore(%arg13 : memref<!tpu.dma_semaphore, #tpu.memory_space<semaphore_mem>>)
      } else {
      }
      %dma_start3A_389 = arith.constant 1 : i32
      %dma_start3A_390 = arith.constant 0 : i32
      %dma_start3A_391 = tpu.memref_slice %arg7[%dma_start3A_389, %dma_start3A_390] : memref<8x64xi32, #tpu.memory_space<vmem>> -> memref<1x64xi32, #tpu.memory_space<vmem>>
      %dma_start3A_392 = tpu.memref_squeeze %dma_start3A_391 : memref<1x64xi32, #tpu.memory_space<vmem>> -> memref<64xi32, #tpu.memory_space<vmem>>
      %dma_start3A_393 = arith.constant 0 : i32
      %dma_start3A_394 = arith.constant 0 : i32
      %dma_start3A_395 = tpu.memref_slice %arg16[%dma_start3A_393, %dma_start3A_394] : memref<10112x128xf32, #tpu.memory_space<vmem_shared>> -> memref<10112x128xf32, #tpu.memory_space<vmem_shared>>
      tpu.enqueue_indirect_dma source(%arg11 : memref<64x128xf32, #tpu.memory_space<vmem>>) target(%dma_start3A_395 : memref<10112x128xf32, #tpu.memory_space<vmem_shared>>) offsets(%dma_start3A_392 : memref<64xi32, #tpu.memory_space<vmem>>) semaphore(%arg15 : memref<!tpu.dma_semaphore, #tpu.memory_space<semaphore_mem>>) {add = true}
      %add3A_396 = arith.constant 2 : i32
      %add3A_397 = arith.addi %add3A_323, %add3A_396 : i32
      %dma_wait3A_398 = arith.constant 2 : i32
      %dma_wait3A_399 = arith.constant 0 : i32
      %dma_wait3A_400 = tpu.memref_slice %arg6[%dma_wait3A_398, %dma_wait3A_399] : memref<8x64xi32, #tpu.memory_space<vmem>> -> memref<1x64xi32, #tpu.memory_space<vmem>>
      %dma_wait3A_401 = tpu.memref_squeeze %dma_wait3A_400 : memref<1x64xi32, #tpu.memory_space<vmem>> -> memref<64xi32, #tpu.memory_space<vmem>>
      %dma_wait3A_402 = arith.constant 0 : i32
      %dma_wait3A_403 = arith.constant 0 : i32
      %dma_wait3A_404 = tpu.memref_slice %arg2[%dma_wait3A_402, %dma_wait3A_403] : memref<10240x64xi32, #tpu.memory_space<hbm>> -> memref<10240x64xi32, #tpu.memory_space<hbm>>
      tpu.wait_indirect_dma semaphore(%arg12 : memref<!tpu.dma_semaphore, #tpu.memory_space<semaphore_mem>>) src(%dma_wait3A_404 : memref<10240x64xi32, #tpu.memory_space<hbm>>) dst(%arg8 : memref<64x64xi32, #tpu.memory_space<vmem>>)
      %ge3A_405 = arith.constant 2 : i32
      %ge3A_406 = arith.cmpi sge, %add3A_397, %ge3A_405 : i32
      %convert_element_type3A_407 = arith.extui %ge3A_406 : i1 to i32
      %cond3A_408 = arith.constant 0 : i32
      %cond3A_409 = arith.cmpi ne, %convert_element_type3A_407, %cond3A_408 : i32
      scf.if %cond3A_409 {
        %dma_wait3A_630 = arith.constant 0 : i32
        %dma_wait3A_631 = arith.constant 0 : i32
        %dma_wait3A_632 = tpu.memref_slice %arg7[%dma_wait3A_630, %dma_wait3A_631] : memref<8x64xi32, #tpu.memory_space<vmem>> -> memref<1x64xi32, #tpu.memory_space<vmem>>
        %dma_wait3A_633 = tpu.memref_squeeze %dma_wait3A_632 : memref<1x64xi32, #tpu.memory_space<vmem>> -> memref<64xi32, #tpu.memory_space<vmem>>
        %dma_wait3A_634 = arith.constant 0 : i32
        %dma_wait3A_635 = arith.constant 0 : i32
        %dma_wait3A_636 = tpu.memref_slice %arg16[%dma_wait3A_634, %dma_wait3A_635] : memref<10112x128xf32, #tpu.memory_space<vmem_shared>> -> memref<10112x128xf32, #tpu.memory_space<vmem_shared>>
        tpu.wait_indirect_dma semaphore(%arg14 : memref<!tpu.dma_semaphore, #tpu.memory_space<semaphore_mem>>) src(%arg10 : memref<64x128xf32, #tpu.memory_space<vmem>>) dst(%dma_wait3A_636 : memref<10112x128xf32, #tpu.memory_space<vmem_shared>>)
      } else {
      }
      %ge3A_410 = arith.constant 2 : i32
      %ge3A_411 = arith.cmpi sge, %add3A_397, %ge3A_410 : i32
      %add3A_412 = arith.constant 6 : i32
      %add3A_413 = arith.addi %add3A_397, %add3A_412 : i32
      %lt3A_414 = arith.cmpi slt, %add3A_413, %min3A_6 : i32
      %and3A_415 = arith.andi %ge3A_411, %lt3A_414 : i1
      %convert_element_type3A_416 = arith.extui %and3A_415 : i1 to i32
      %cond3A_417 = arith.constant 0 : i32
      %cond3A_418 = arith.cmpi ne, %convert_element_type3A_416, %cond3A_417 : i32
      scf.if %cond3A_418 {
        %add3A_630 = arith.constant 6 : i32
        %add3A_631 = arith.addi %add3A_397, %add3A_630 : i32
        %mul3A_632 = arith.constant 64 : i32
        %mul3A_633 = arith.muli %add3A_631, %mul3A_632 : i32
        %add3A_634 = arith.addi %mul3A_2, %mul3A_633 : i32
        %dma_start3A_635 = arith.constant 0 : i32
        %dma_start3A_636 = arith.constant 0 : i32
        %dma_start3A_637 = arith.constant 0 : i32
        %dma_start3A_638 = tpu.memref_slice %arg6[%dma_start3A_636, %dma_start3A_637] : memref<8x64xi32, #tpu.memory_space<vmem>> -> memref<1x64xi32, #tpu.memory_space<vmem>>
        %dma_start3A_639 = tpu.memref_squeeze %dma_start3A_638 : memref<1x64xi32, #tpu.memory_space<vmem>> -> memref<64xi32, #tpu.memory_space<vmem>>
        %dma_start3A_640 = tpu.memref_slice %arg3[%dma_start3A_635, %add3A_634] : memref<2x320000xi32, #tpu.memory_space<hbm>> -> memref<1x64xi32, #tpu.memory_space<hbm>>
        %dma_start3A_641 = tpu.memref_squeeze %dma_start3A_640 : memref<1x64xi32, #tpu.memory_space<hbm>> -> memref<64xi32, #tpu.memory_space<hbm>>
        %dma_start3A_642 = arith.constant 0 : i32
        %dma_start3A_643 = tpu.memref_slice %arg6[%dma_start3A_636, %dma_start3A_642] : memref<8x64xi32, #tpu.memory_space<vmem>> -> memref<1x64xi32, #tpu.memory_space<vmem>>
        %dma_start3A_644 = tpu.memref_squeeze %dma_start3A_643 : memref<1x64xi32, #tpu.memory_space<vmem>> -> memref<64xi32, #tpu.memory_space<vmem>>
        %dma_start3A_645 = tpu.memref_slice %arg3[%dma_start3A_635, %add3A_634] : memref<2x320000xi32, #tpu.memory_space<hbm>> -> memref<1x64xi32, #tpu.memory_space<hbm>>
        %dma_start3A_646 = tpu.memref_squeeze %dma_start3A_645 : memref<1x64xi32, #tpu.memory_space<hbm>> -> memref<64xi32, #tpu.memory_space<hbm>>
        tpu.enqueue_dma source(%dma_start3A_646 : memref<64xi32, #tpu.memory_space<hbm>>) target(%dma_start3A_644 : memref<64xi32, #tpu.memory_space<vmem>>) target_semaphore(%arg17 : memref<!tpu.dma_semaphore, #tpu.memory_space<semaphore_mem>>)
        %dma_start3A_647 = arith.constant 1 : i32
        %dma_start3A_648 = arith.constant 0 : i32
        %dma_start3A_649 = arith.constant 0 : i32
        %dma_start3A_650 = tpu.memref_slice %arg7[%dma_start3A_648, %dma_start3A_649] : memref<8x64xi32, #tpu.memory_space<vmem>> -> memref<1x64xi32, #tpu.memory_space<vmem>>
        %dma_start3A_651 = tpu.memref_squeeze %dma_start3A_650 : memref<1x64xi32, #tpu.memory_space<vmem>> -> memref<64xi32, #tpu.memory_space<vmem>>
        %dma_start3A_652 = tpu.memref_slice %arg3[%dma_start3A_647, %add3A_634] : memref<2x320000xi32, #tpu.memory_space<hbm>> -> memref<1x64xi32, #tpu.memory_space<hbm>>
        %dma_start3A_653 = tpu.memref_squeeze %dma_start3A_652 : memref<1x64xi32, #tpu.memory_space<hbm>> -> memref<64xi32, #tpu.memory_space<hbm>>
        %dma_start3A_654 = arith.constant 0 : i32
        %dma_start3A_655 = tpu.memref_slice %arg7[%dma_start3A_648, %dma_start3A_654] : memref<8x64xi32, #tpu.memory_space<vmem>> -> memref<1x64xi32, #tpu.memory_space<vmem>>
        %dma_start3A_656 = tpu.memref_squeeze %dma_start3A_655 : memref<1x64xi32, #tpu.memory_space<vmem>> -> memref<64xi32, #tpu.memory_space<vmem>>
        %dma_start3A_657 = tpu.memref_slice %arg3[%dma_start3A_647, %add3A_634] : memref<2x320000xi32, #tpu.memory_space<hbm>> -> memref<1x64xi32, #tpu.memory_space<hbm>>
        %dma_start3A_658 = tpu.memref_squeeze %dma_start3A_657 : memref<1x64xi32, #tpu.memory_space<hbm>> -> memref<64xi32, #tpu.memory_space<hbm>>
        tpu.enqueue_dma source(%dma_start3A_658 : memref<64xi32, #tpu.memory_space<hbm>>) target(%dma_start3A_656 : memref<64xi32, #tpu.memory_space<vmem>>) target_semaphore(%arg17 : memref<!tpu.dma_semaphore, #tpu.memory_space<semaphore_mem>>)
      } else {
      }
      %parallel_loop3A_419 = arith.constant 0 : i32
      %parallel_loop3A_420 = arith.constant 64 : i32
      %parallel_loop3A_421 = arith.constant 1 : i32
      scf.for %parallel_loop3A_630 = %parallel_loop3A_419 to %parallel_loop3A_420 step %parallel_loop3A_421  : i32 {
        %parallel_loop3A_631 = arith.index_cast %parallel_loop3A_630 : i32 to index
        %parallel_loop3A_632 = arith.constant 0 : index
        %parallel_loop3A_633 = tpu.vector_load %arg8[%parallel_loop3A_631, %parallel_loop3A_632] {strides = array<i32>} : memref<64x64xi32, #tpu.memory_space<vmem>>, vector<16xi32>,
        %parallel_loop3A_634 = arith.constant 16 : i32
        %parallel_loop3A_635 = vector.broadcast %parallel_loop3A_634 : i32 to vector<16xi32>
        %parallel_loop3A_636 = arith.shli %parallel_loop3A_633, %parallel_loop3A_635 : vector<16xi32>
        %parallel_loop3A_637 = vector.bitcast %parallel_loop3A_636 : vector<16xi32> to vector<16xf32>
        %parallel_loop3A_638 = arith.constant -65536 : i32
        %parallel_loop3A_639 = vector.broadcast %parallel_loop3A_638 : i32 to vector<16xi32>
        %parallel_loop3A_640 = arith.andi %parallel_loop3A_633, %parallel_loop3A_639 : vector<16xi32>
        %parallel_loop3A_641 = vector.bitcast %parallel_loop3A_640 : vector<16xi32> to vector<16xf32>
        %parallel_loop3A_642 = arith.index_cast %parallel_loop3A_630 : i32 to index
        %parallel_loop3A_643 = arith.constant 0 : index
        %parallel_loop3A_644 = tpu.vector_load %arg10[%parallel_loop3A_642, %parallel_loop3A_643] {strides = array<i32>} : memref<64x128xf32, #tpu.memory_space<vmem>>, vector<16xf32>,
        tpu.vector_store %arg10[%parallel_loop3A_642, %parallel_loop3A_643], %parallel_loop3A_637 {strides = array<i32>} : memref<64x128xf32, #tpu.memory_space<vmem>>, vector<16xf32>,
        %parallel_loop3A_645 = arith.index_cast %parallel_loop3A_630 : i32 to index
        %parallel_loop3A_646 = arith.constant 16 : index
        %parallel_loop3A_647 = tpu.vector_load %arg10[%parallel_loop3A_645, %parallel_loop3A_646] {strides = array<i32>} : memref<64x128xf32, #tpu.memory_space<vmem>>, vector<16xf32>,
        tpu.vector_store %arg10[%parallel_loop3A_645, %parallel_loop3A_646], %parallel_loop3A_641 {strides = array<i32>} : memref<64x128xf32, #tpu.memory_space<vmem>>, vector<16xf32>,
        %parallel_loop3A_648 = arith.index_cast %parallel_loop3A_630 : i32 to index
        %parallel_loop3A_649 = arith.constant 16 : index
        %parallel_loop3A_650 = tpu.vector_load %arg8[%parallel_loop3A_648, %parallel_loop3A_649] {strides = array<i32>} : memref<64x64xi32, #tpu.memory_space<vmem>>, vector<16xi32>,
        %parallel_loop3A_651 = arith.constant 16 : i32
        %parallel_loop3A_652 = vector.broadcast %parallel_loop3A_651 : i32 to vector<16xi32>
        %parallel_loop3A_653 = arith.shli %parallel_loop3A_650, %parallel_loop3A_652 : vector<16xi32>
        %parallel_loop3A_654 = vector.bitcast %parallel_loop3A_653 : vector<16xi32> to vector<16xf32>
        %parallel_loop3A_655 = arith.constant -65536 : i32
        %parallel_loop3A_656 = vector.broadcast %parallel_loop3A_655 : i32 to vector<16xi32>
        %parallel_loop3A_657 = arith.andi %parallel_loop3A_650, %parallel_loop3A_656 : vector<16xi32>
        %parallel_loop3A_658 = vector.bitcast %parallel_loop3A_657 : vector<16xi32> to vector<16xf32>
        %parallel_loop3A_659 = arith.index_cast %parallel_loop3A_630 : i32 to index
        %parallel_loop3A_660 = arith.constant 32 : index
        %parallel_loop3A_661 = tpu.vector_load %arg10[%parallel_loop3A_659, %parallel_loop3A_660] {strides = array<i32>} : memref<64x128xf32, #tpu.memory_space<vmem>>, vector<16xf32>,
        tpu.vector_store %arg10[%parallel_loop3A_659, %parallel_loop3A_660], %parallel_loop3A_654 {strides = array<i32>} : memref<64x128xf32, #tpu.memory_space<vmem>>, vector<16xf32>,
        %parallel_loop3A_662 = arith.index_cast %parallel_loop3A_630 : i32 to index
        %parallel_loop3A_663 = arith.constant 48 : index
        %parallel_loop3A_664 = tpu.vector_load %arg10[%parallel_loop3A_662, %parallel_loop3A_663] {strides = array<i32>} : memref<64x128xf32, #tpu.memory_space<vmem>>, vector<16xf32>,
        tpu.vector_store %arg10[%parallel_loop3A_662, %parallel_loop3A_663], %parallel_loop3A_658 {strides = array<i32>} : memref<64x128xf32, #tpu.memory_space<vmem>>, vector<16xf32>,
        %parallel_loop3A_665 = arith.index_cast %parallel_loop3A_630 : i32 to index
        %parallel_loop3A_666 = arith.constant 32 : index
        %parallel_loop3A_667 = tpu.vector_load %arg8[%parallel_loop3A_665, %parallel_loop3A_666] {strides = array<i32>} : memref<64x64xi32, #tpu.memory_space<vmem>>, vector<16xi32>,
        %parallel_loop3A_668 = arith.constant 16 : i32
        %parallel_loop3A_669 = vector.broadcast %parallel_loop3A_668 : i32 to vector<16xi32>
        %parallel_loop3A_670 = arith.shli %parallel_loop3A_667, %parallel_loop3A_669 : vector<16xi32>
        %parallel_loop3A_671 = vector.bitcast %parallel_loop3A_670 : vector<16xi32> to vector<16xf32>
        %parallel_loop3A_672 = arith.constant -65536 : i32
        %parallel_loop3A_673 = vector.broadcast %parallel_loop3A_672 : i32 to vector<16xi32>
        %parallel_loop3A_674 = arith.andi %parallel_loop3A_667, %parallel_loop3A_673 : vector<16xi32>
        %parallel_loop3A_675 = vector.bitcast %parallel_loop3A_674 : vector<16xi32> to vector<16xf32>
        %parallel_loop3A_676 = arith.index_cast %parallel_loop3A_630 : i32 to index
        %parallel_loop3A_677 = arith.constant 64 : index
        %parallel_loop3A_678 = tpu.vector_load %arg10[%parallel_loop3A_676, %parallel_loop3A_677] {strides = array<i32>} : memref<64x128xf32, #tpu.memory_space<vmem>>, vector<16xf32>,
        tpu.vector_store %arg10[%parallel_loop3A_676, %parallel_loop3A_677], %parallel_loop3A_671 {strides = array<i32>} : memref<64x128xf32, #tpu.memory_space<vmem>>, vector<16xf32>,
        %parallel_loop3A_679 = arith.index_cast %parallel_loop3A_630 : i32 to index
        %parallel_loop3A_680 = arith.constant 80 : index
        %parallel_loop3A_681 = tpu.vector_load %arg10[%parallel_loop3A_679, %parallel_loop3A_680] {strides = array<i32>} : memref<64x128xf32, #tpu.memory_space<vmem>>, vector<16xf32>,
        tpu.vector_store %arg10[%parallel_loop3A_679, %parallel_loop3A_680], %parallel_loop3A_675 {strides = array<i32>} : memref<64x128xf32, #tpu.memory_space<vmem>>, vector<16xf32>,
        %parallel_loop3A_682 = arith.index_cast %parallel_loop3A_630 : i32 to index
        %parallel_loop3A_683 = arith.constant 48 : index
        %parallel_loop3A_684 = tpu.vector_load %arg8[%parallel_loop3A_682, %parallel_loop3A_683] {strides = array<i32>} : memref<64x64xi32, #tpu.memory_space<vmem>>, vector<16xi32>,
        %parallel_loop3A_685 = arith.constant 16 : i32
        %parallel_loop3A_686 = vector.broadcast %parallel_loop3A_685 : i32 to vector<16xi32>
        %parallel_loop3A_687 = arith.shli %parallel_loop3A_684, %parallel_loop3A_686 : vector<16xi32>
        %parallel_loop3A_688 = vector.bitcast %parallel_loop3A_687 : vector<16xi32> to vector<16xf32>
        %parallel_loop3A_689 = arith.constant -65536 : i32
        %parallel_loop3A_690 = vector.broadcast %parallel_loop3A_689 : i32 to vector<16xi32>
        %parallel_loop3A_691 = arith.andi %parallel_loop3A_684, %parallel_loop3A_690 : vector<16xi32>
        %parallel_loop3A_692 = vector.bitcast %parallel_loop3A_691 : vector<16xi32> to vector<16xf32>
        %parallel_loop3A_693 = arith.index_cast %parallel_loop3A_630 : i32 to index
        %parallel_loop3A_694 = arith.constant 96 : index
        %parallel_loop3A_695 = tpu.vector_load %arg10[%parallel_loop3A_693, %parallel_loop3A_694] {strides = array<i32>} : memref<64x128xf32, #tpu.memory_space<vmem>>, vector<16xf32>,
        tpu.vector_store %arg10[%parallel_loop3A_693, %parallel_loop3A_694], %parallel_loop3A_688 {strides = array<i32>} : memref<64x128xf32, #tpu.memory_space<vmem>>, vector<16xf32>,
        %parallel_loop3A_696 = arith.index_cast %parallel_loop3A_630 : i32 to index
        %parallel_loop3A_697 = arith.constant 112 : index
        %parallel_loop3A_698 = tpu.vector_load %arg10[%parallel_loop3A_696, %parallel_loop3A_697] {strides = array<i32>} : memref<64x128xf32, #tpu.memory_space<vmem>>, vector<16xf32>,
        tpu.vector_store %arg10[%parallel_loop3A_696, %parallel_loop3A_697], %parallel_loop3A_692 {strides = array<i32>} : memref<64x128xf32, #tpu.memory_space<vmem>>, vector<16xf32>,
      } {sc.loop_unroll_factor = 4 : i64, sc.parallel_access}
      %add3A_422 = arith.constant 2 : i32
      %add3A_423 = arith.addi %add3A_397, %add3A_422 : i32
      %lt3A_424 = arith.cmpi slt, %add3A_423, %min3A_6 : i32
      %convert_element_type3A_425 = arith.extui %lt3A_424 : i1 to i32
      %cond3A_426 = arith.constant 0 : i32
      %cond3A_427 = arith.cmpi ne, %convert_element_type3A_425, %cond3A_426 : i32
      scf.if %cond3A_427 {
        %dma_wait3A_630 = arith.constant 0 : i32
        %dma_wait3A_631 = arith.constant 4 : i32
        %dma_wait3A_632 = arith.constant 0 : i32
        %dma_wait3A_633 = tpu.memref_slice %arg6[%dma_wait3A_631, %dma_wait3A_632] : memref<8x64xi32, #tpu.memory_space<vmem>> -> memref<1x64xi32, #tpu.memory_space<vmem>>
        %dma_wait3A_634 = tpu.memref_squeeze %dma_wait3A_633 : memref<1x64xi32, #tpu.memory_space<vmem>> -> memref<64xi32, #tpu.memory_space<vmem>>
        %dma_wait3A_635 = arith.constant 0 : i32
        %dma_wait3A_636 = tpu.memref_slice %arg3[%dma_wait3A_630, %dma_wait3A_635] : memref<2x320000xi32, #tpu.memory_space<hbm>> -> memref<1x64xi32, #tpu.memory_space<hbm>>
        %dma_wait3A_637 = tpu.memref_squeeze %dma_wait3A_636 : memref<1x64xi32, #tpu.memory_space<hbm>> -> memref<64xi32, #tpu.memory_space<hbm>>
        %dma_wait3A_638 = arith.constant 0 : i32
        %dma_wait3A_639 = tpu.memref_slice %arg6[%dma_wait3A_631, %dma_wait3A_638] : memref<8x64xi32, #tpu.memory_space<vmem>> -> memref<1x64xi32, #tpu.memory_space<vmem>>
        %dma_wait3A_640 = tpu.memref_squeeze %dma_wait3A_639 : memref<1x64xi32, #tpu.memory_space<vmem>> -> memref<64xi32, #tpu.memory_space<vmem>>
        %dma_wait3A_641 = arith.constant 0 : i32
        %dma_wait3A_642 = tpu.memref_slice %arg3[%dma_wait3A_630, %dma_wait3A_641] : memref<2x320000xi32, #tpu.memory_space<hbm>> -> memref<1x64xi32, #tpu.memory_space<hbm>>
        %dma_wait3A_643 = tpu.memref_squeeze %dma_wait3A_642 : memref<1x64xi32, #tpu.memory_space<hbm>> -> memref<64xi32, #tpu.memory_space<hbm>>
        tpu.wait_dma2 semaphore(%arg21 : memref<!tpu.dma_semaphore, #tpu.memory_space<semaphore_mem>>) src(%dma_wait3A_643 : memref<64xi32, #tpu.memory_space<hbm>>) dst(%dma_wait3A_640 : memref<64xi32, #tpu.memory_space<vmem>>)
        %dma_wait3A_644 = arith.constant 0 : i32
        %dma_wait3A_645 = arith.constant 4 : i32
        %dma_wait3A_646 = arith.constant 0 : i32
        %dma_wait3A_647 = tpu.memref_slice %arg7[%dma_wait3A_645, %dma_wait3A_646] : memref<8x64xi32, #tpu.memory_space<vmem>> -> memref<1x64xi32, #tpu.memory_space<vmem>>
        %dma_wait3A_648 = tpu.memref_squeeze %dma_wait3A_647 : memref<1x64xi32, #tpu.memory_space<vmem>> -> memref<64xi32, #tpu.memory_space<vmem>>
        %dma_wait3A_649 = arith.constant 0 : i32
        %dma_wait3A_650 = tpu.memref_slice %arg3[%dma_wait3A_644, %dma_wait3A_649] : memref<2x320000xi32, #tpu.memory_space<hbm>> -> memref<1x64xi32, #tpu.memory_space<hbm>>
        %dma_wait3A_651 = tpu.memref_squeeze %dma_wait3A_650 : memref<1x64xi32, #tpu.memory_space<hbm>> -> memref<64xi32, #tpu.memory_space<hbm>>
        %dma_wait3A_652 = arith.constant 0 : i32
        %dma_wait3A_653 = tpu.memref_slice %arg7[%dma_wait3A_645, %dma_wait3A_652] : memref<8x64xi32, #tpu.memory_space<vmem>> -> memref<1x64xi32, #tpu.memory_space<vmem>>
        %dma_wait3A_654 = tpu.memref_squeeze %dma_wait3A_653 : memref<1x64xi32, #tpu.memory_space<vmem>> -> memref<64xi32, #tpu.memory_space<vmem>>
        %dma_wait3A_655 = arith.constant 0 : i32
        %dma_wait3A_656 = tpu.memref_slice %arg3[%dma_wait3A_644, %dma_wait3A_655] : memref<2x320000xi32, #tpu.memory_space<hbm>> -> memref<1x64xi32, #tpu.memory_space<hbm>>
        %dma_wait3A_657 = tpu.memref_squeeze %dma_wait3A_656 : memref<1x64xi32, #tpu.memory_space<hbm>> -> memref<64xi32, #tpu.memory_space<hbm>>
        tpu.wait_dma2 semaphore(%arg21 : memref<!tpu.dma_semaphore, #tpu.memory_space<semaphore_mem>>) src(%dma_wait3A_657 : memref<64xi32, #tpu.memory_space<hbm>>) dst(%dma_wait3A_654 : memref<64xi32, #tpu.memory_space<vmem>>)
        %dma_start3A_658 = arith.constant 4 : i32
        %dma_start3A_659 = arith.constant 0 : i32
        %dma_start3A_660 = tpu.memref_slice %arg6[%dma_start3A_658, %dma_start3A_659] : memref<8x64xi32, #tpu.memory_space<vmem>> -> memref<1x64xi32, #tpu.memory_space<vmem>>
        %dma_start3A_661 = tpu.memref_squeeze %dma_start3A_660 : memref<1x64xi32, #tpu.memory_space<vmem>> -> memref<64xi32, #tpu.memory_space<vmem>>
        %dma_start3A_662 = arith.constant 0 : i32
        %dma_start3A_663 = arith.constant 0 : i32
        %dma_start3A_664 = tpu.memref_slice %arg2[%dma_start3A_662, %dma_start3A_663] : memref<10240x64xi32, #tpu.memory_space<hbm>> -> memref<10240x64xi32, #tpu.memory_space<hbm>>
        tpu.enqueue_indirect_dma source(%dma_start3A_664 : memref<10240x64xi32, #tpu.memory_space<hbm>>) target(%arg8 : memref<64x64xi32, #tpu.memory_space<vmem>>) offsets(%dma_start3A_661 : memref<64xi32, #tpu.memory_space<vmem>>) semaphore(%arg12 : memref<!tpu.dma_semaphore, #tpu.memory_space<semaphore_mem>>)
      } else {
      }
      %dma_start3A_428 = arith.constant 2 : i32
      %dma_start3A_429 = arith.constant 0 : i32
      %dma_start3A_430 = tpu.memref_slice %arg7[%dma_start3A_428, %dma_start3A_429] : memref<8x64xi32, #tpu.memory_space<vmem>> -> memref<1x64xi32, #tpu.memory_space<vmem>>
      %dma_start3A_431 = tpu.memref_squeeze %dma_start3A_430 : memref<1x64xi32, #tpu.memory_space<vmem>> -> memref<64xi32, #tpu.memory_space<vmem>>
      %dma_start3A_432 = arith.constant 0 : i32
      %dma_start3A_433 = arith.constant 0 : i32
      %dma_start3A_434 = tpu.memref_slice %arg16[%dma_start3A_432, %dma_start3A_433] : memref<10112x128xf32, #tpu.memory_space<vmem_shared>> -> memref<10112x128xf32, #tpu.memory_space<vmem_shared>>
      tpu.enqueue_indirect_dma source(%arg10 : memref<64x128xf32, #tpu.memory_space<vmem>>) target(%dma_start3A_434 : memref<10112x128xf32, #tpu.memory_space<vmem_shared>>) offsets(%dma_start3A_431 : memref<64xi32, #tpu.memory_space<vmem>>) semaphore(%arg14 : memref<!tpu.dma_semaphore, #tpu.memory_space<semaphore_mem>>) {add = true}
      %add3A_435 = arith.constant 3 : i32
      %add3A_436 = arith.addi %add3A_323, %add3A_435 : i32
      %dma_wait3A_437 = arith.constant 3 : i32
      %dma_wait3A_438 = arith.constant 0 : i32
      %dma_wait3A_439 = tpu.memref_slice %arg6[%dma_wait3A_437, %dma_wait3A_438] : memref<8x64xi32, #tpu.memory_space<vmem>> -> memref<1x64xi32, #tpu.memory_space<vmem>>
      %dma_wait3A_440 = tpu.memref_squeeze %dma_wait3A_439 : memref<1x64xi32, #tpu.memory_space<vmem>> -> memref<64xi32, #tpu.memory_space<vmem>>
      %dma_wait3A_441 = arith.constant 0 : i32
      %dma_wait3A_442 = arith.constant 0 : i32
      %dma_wait3A_443 = tpu.memref_slice %arg2[%dma_wait3A_441, %dma_wait3A_442] : memref<10240x64xi32, #tpu.memory_space<hbm>> -> memref<10240x64xi32, #tpu.memory_space<hbm>>
      tpu.wait_indirect_dma semaphore(%arg13 : memref<!tpu.dma_semaphore, #tpu.memory_space<semaphore_mem>>) src(%dma_wait3A_443 : memref<10240x64xi32, #tpu.memory_space<hbm>>) dst(%arg9 : memref<64x64xi32, #tpu.memory_space<vmem>>)
      %ge3A_444 = arith.constant 2 : i32
      %ge3A_445 = arith.cmpi sge, %add3A_436, %ge3A_444 : i32
      %convert_element_type3A_446 = arith.extui %ge3A_445 : i1 to i32
      %cond3A_447 = arith.constant 0 : i32
      %cond3A_448 = arith.cmpi ne, %convert_element_type3A_446, %cond3A_447 : i32
      scf.if %cond3A_448 {
        %dma_wait3A_630 = arith.constant 1 : i32
        %dma_wait3A_631 = arith.constant 0 : i32
        %dma_wait3A_632 = tpu.memref_slice %arg7[%dma_wait3A_630, %dma_wait3A_631] : memref<8x64xi32, #tpu.memory_space<vmem>> -> memref<1x64xi32, #tpu.memory_space<vmem>>
        %dma_wait3A_633 = tpu.memref_squeeze %dma_wait3A_632 : memref<1x64xi32, #tpu.memory_space<vmem>> -> memref<64xi32, #tpu.memory_space<vmem>>
        %dma_wait3A_634 = arith.constant 0 : i32
        %dma_wait3A_635 = arith.constant 0 : i32
        %dma_wait3A_636 = tpu.memref_slice %arg16[%dma_wait3A_634, %dma_wait3A_635] : memref<10112x128xf32, #tpu.memory_space<vmem_shared>> -> memref<10112x128xf32, #tpu.memory_space<vmem_shared>>
        tpu.wait_indirect_dma semaphore(%arg15 : memref<!tpu.dma_semaphore, #tpu.memory_space<semaphore_mem>>) src(%arg11 : memref<64x128xf32, #tpu.memory_space<vmem>>) dst(%dma_wait3A_636 : memref<10112x128xf32, #tpu.memory_space<vmem_shared>>)
      } else {
      }
      %ge3A_449 = arith.constant 2 : i32
      %ge3A_450 = arith.cmpi sge, %add3A_436, %ge3A_449 : i32
      %add3A_451 = arith.constant 6 : i32
      %add3A_452 = arith.addi %add3A_436, %add3A_451 : i32
      %lt3A_453 = arith.cmpi slt, %add3A_452, %min3A_6 : i32
      %and3A_454 = arith.andi %ge3A_450, %lt3A_453 : i1
      %convert_element_type3A_455 = arith.extui %and3A_454 : i1 to i32
      %cond3A_456 = arith.constant 0 : i32
      %cond3A_457 = arith.cmpi ne, %convert_element_type3A_455, %cond3A_456 : i32
      scf.if %cond3A_457 {
        %add3A_630 = arith.constant 6 : i32
        %add3A_631 = arith.addi %add3A_436, %add3A_630 : i32
        %mul3A_632 = arith.constant 64 : i32
        %mul3A_633 = arith.muli %add3A_631, %mul3A_632 : i32
        %add3A_634 = arith.addi %mul3A_2, %mul3A_633 : i32
        %dma_start3A_635 = arith.constant 0 : i32
        %dma_start3A_636 = arith.constant 1 : i32
        %dma_start3A_637 = arith.constant 0 : i32
        %dma_start3A_638 = tpu.memref_slice %arg6[%dma_start3A_636, %dma_start3A_637] : memref<8x64xi32, #tpu.memory_space<vmem>> -> memref<1x64xi32, #tpu.memory_space<vmem>>
        %dma_start3A_639 = tpu.memref_squeeze %dma_start3A_638 : memref<1x64xi32, #tpu.memory_space<vmem>> -> memref<64xi32, #tpu.memory_space<vmem>>
        %dma_start3A_640 = tpu.memref_slice %arg3[%dma_start3A_635, %add3A_634] : memref<2x320000xi32, #tpu.memory_space<hbm>> -> memref<1x64xi32, #tpu.memory_space<hbm>>
        %dma_start3A_641 = tpu.memref_squeeze %dma_start3A_640 : memref<1x64xi32, #tpu.memory_space<hbm>> -> memref<64xi32, #tpu.memory_space<hbm>>
        %dma_start3A_642 = arith.constant 0 : i32
        %dma_start3A_643 = tpu.memref_slice %arg6[%dma_start3A_636, %dma_start3A_642] : memref<8x64xi32, #tpu.memory_space<vmem>> -> memref<1x64xi32, #tpu.memory_space<vmem>>
        %dma_start3A_644 = tpu.memref_squeeze %dma_start3A_643 : memref<1x64xi32, #tpu.memory_space<vmem>> -> memref<64xi32, #tpu.memory_space<vmem>>
        %dma_start3A_645 = tpu.memref_slice %arg3[%dma_start3A_635, %add3A_634] : memref<2x320000xi32, #tpu.memory_space<hbm>> -> memref<1x64xi32, #tpu.memory_space<hbm>>
        %dma_start3A_646 = tpu.memref_squeeze %dma_start3A_645 : memref<1x64xi32, #tpu.memory_space<hbm>> -> memref<64xi32, #tpu.memory_space<hbm>>
        tpu.enqueue_dma source(%dma_start3A_646 : memref<64xi32, #tpu.memory_space<hbm>>) target(%dma_start3A_644 : memref<64xi32, #tpu.memory_space<vmem>>) target_semaphore(%arg18 : memref<!tpu.dma_semaphore, #tpu.memory_space<semaphore_mem>>)
        %dma_start3A_647 = arith.constant 1 : i32
        %dma_start3A_648 = arith.constant 1 : i32
        %dma_start3A_649 = arith.constant 0 : i32
        %dma_start3A_650 = tpu.memref_slice %arg7[%dma_start3A_648, %dma_start3A_649] : memref<8x64xi32, #tpu.memory_space<vmem>> -> memref<1x64xi32, #tpu.memory_space<vmem>>
        %dma_start3A_651 = tpu.memref_squeeze %dma_start3A_650 : memref<1x64xi32, #tpu.memory_space<vmem>> -> memref<64xi32, #tpu.memory_space<vmem>>
        %dma_start3A_652 = tpu.memref_slice %arg3[%dma_start3A_647, %add3A_634] : memref<2x320000xi32, #tpu.memory_space<hbm>> -> memref<1x64xi32, #tpu.memory_space<hbm>>
        %dma_start3A_653 = tpu.memref_squeeze %dma_start3A_652 : memref<1x64xi32, #tpu.memory_space<hbm>> -> memref<64xi32, #tpu.memory_space<hbm>>
        %dma_start3A_654 = arith.constant 0 : i32
        %dma_start3A_655 = tpu.memref_slice %arg7[%dma_start3A_648, %dma_start3A_654] : memref<8x64xi32, #tpu.memory_space<vmem>> -> memref<1x64xi32, #tpu.memory_space<vmem>>
        %dma_start3A_656 = tpu.memref_squeeze %dma_start3A_655 : memref<1x64xi32, #tpu.memory_space<vmem>> -> memref<64xi32, #tpu.memory_space<vmem>>
        %dma_start3A_657 = tpu.memref_slice %arg3[%dma_start3A_647, %add3A_634] : memref<2x320000xi32, #tpu.memory_space<hbm>> -> memref<1x64xi32, #tpu.memory_space<hbm>>
        %dma_start3A_658 = tpu.memref_squeeze %dma_start3A_657 : memref<1x64xi32, #tpu.memory_space<hbm>> -> memref<64xi32, #tpu.memory_space<hbm>>
        tpu.enqueue_dma source(%dma_start3A_658 : memref<64xi32, #tpu.memory_space<hbm>>) target(%dma_start3A_656 : memref<64xi32, #tpu.memory_space<vmem>>) target_semaphore(%arg18 : memref<!tpu.dma_semaphore, #tpu.memory_space<semaphore_mem>>)
      } else {
      }
      %parallel_loop3A_458 = arith.constant 0 : i32
      %parallel_loop3A_459 = arith.constant 64 : i32
      %parallel_loop3A_460 = arith.constant 1 : i32
      scf.for %parallel_loop3A_630 = %parallel_loop3A_458 to %parallel_loop3A_459 step %parallel_loop3A_460  : i32 {
        %parallel_loop3A_631 = arith.index_cast %parallel_loop3A_630 : i32 to index
        %parallel_loop3A_632 = arith.constant 0 : index
        %parallel_loop3A_633 = tpu.vector_load %arg9[%parallel_loop3A_631, %parallel_loop3A_632] {strides = array<i32>} : memref<64x64xi32, #tpu.memory_space<vmem>>, vector<16xi32>,
        %parallel_loop3A_634 = arith.constant 16 : i32
        %parallel_loop3A_635 = vector.broadcast %parallel_loop3A_634 : i32 to vector<16xi32>
        %parallel_loop3A_636 = arith.shli %parallel_loop3A_633, %parallel_loop3A_635 : vector<16xi32>
        %parallel_loop3A_637 = vector.bitcast %parallel_loop3A_636 : vector<16xi32> to vector<16xf32>
        %parallel_loop3A_638 = arith.constant -65536 : i32
        %parallel_loop3A_639 = vector.broadcast %parallel_loop3A_638 : i32 to vector<16xi32>
        %parallel_loop3A_640 = arith.andi %parallel_loop3A_633, %parallel_loop3A_639 : vector<16xi32>
        %parallel_loop3A_641 = vector.bitcast %parallel_loop3A_640 : vector<16xi32> to vector<16xf32>
        %parallel_loop3A_642 = arith.index_cast %parallel_loop3A_630 : i32 to index
        %parallel_loop3A_643 = arith.constant 0 : index
        %parallel_loop3A_644 = tpu.vector_load %arg11[%parallel_loop3A_642, %parallel_loop3A_643] {strides = array<i32>} : memref<64x128xf32, #tpu.memory_space<vmem>>, vector<16xf32>,
        tpu.vector_store %arg11[%parallel_loop3A_642, %parallel_loop3A_643], %parallel_loop3A_637 {strides = array<i32>} : memref<64x128xf32, #tpu.memory_space<vmem>>, vector<16xf32>,
        %parallel_loop3A_645 = arith.index_cast %parallel_loop3A_630 : i32 to index
        %parallel_loop3A_646 = arith.constant 16 : index
        %parallel_loop3A_647 = tpu.vector_load %arg11[%parallel_loop3A_645, %parallel_loop3A_646] {strides = array<i32>} : memref<64x128xf32, #tpu.memory_space<vmem>>, vector<16xf32>,
        tpu.vector_store %arg11[%parallel_loop3A_645, %parallel_loop3A_646], %parallel_loop3A_641 {strides = array<i32>} : memref<64x128xf32, #tpu.memory_space<vmem>>, vector<16xf32>,
        %parallel_loop3A_648 = arith.index_cast %parallel_loop3A_630 : i32 to index
        %parallel_loop3A_649 = arith.constant 16 : index
        %parallel_loop3A_650 = tpu.vector_load %arg9[%parallel_loop3A_648, %parallel_loop3A_649] {strides = array<i32>} : memref<64x64xi32, #tpu.memory_space<vmem>>, vector<16xi32>,
        %parallel_loop3A_651 = arith.constant 16 : i32
        %parallel_loop3A_652 = vector.broadcast %parallel_loop3A_651 : i32 to vector<16xi32>
        %parallel_loop3A_653 = arith.shli %parallel_loop3A_650, %parallel_loop3A_652 : vector<16xi32>
        %parallel_loop3A_654 = vector.bitcast %parallel_loop3A_653 : vector<16xi32> to vector<16xf32>
        %parallel_loop3A_655 = arith.constant -65536 : i32
        %parallel_loop3A_656 = vector.broadcast %parallel_loop3A_655 : i32 to vector<16xi32>
        %parallel_loop3A_657 = arith.andi %parallel_loop3A_650, %parallel_loop3A_656 : vector<16xi32>
        %parallel_loop3A_658 = vector.bitcast %parallel_loop3A_657 : vector<16xi32> to vector<16xf32>
        %parallel_loop3A_659 = arith.index_cast %parallel_loop3A_630 : i32 to index
        %parallel_loop3A_660 = arith.constant 32 : index
        %parallel_loop3A_661 = tpu.vector_load %arg11[%parallel_loop3A_659, %parallel_loop3A_660] {strides = array<i32>} : memref<64x128xf32, #tpu.memory_space<vmem>>, vector<16xf32>,
        tpu.vector_store %arg11[%parallel_loop3A_659, %parallel_loop3A_660], %parallel_loop3A_654 {strides = array<i32>} : memref<64x128xf32, #tpu.memory_space<vmem>>, vector<16xf32>,
        %parallel_loop3A_662 = arith.index_cast %parallel_loop3A_630 : i32 to index
        %parallel_loop3A_663 = arith.constant 48 : index
        %parallel_loop3A_664 = tpu.vector_load %arg11[%parallel_loop3A_662, %parallel_loop3A_663] {strides = array<i32>} : memref<64x128xf32, #tpu.memory_space<vmem>>, vector<16xf32>,
        tpu.vector_store %arg11[%parallel_loop3A_662, %parallel_loop3A_663], %parallel_loop3A_658 {strides = array<i32>} : memref<64x128xf32, #tpu.memory_space<vmem>>, vector<16xf32>,
        %parallel_loop3A_665 = arith.index_cast %parallel_loop3A_630 : i32 to index
        %parallel_loop3A_666 = arith.constant 32 : index
        %parallel_loop3A_667 = tpu.vector_load %arg9[%parallel_loop3A_665, %parallel_loop3A_666] {strides = array<i32>} : memref<64x64xi32, #tpu.memory_space<vmem>>, vector<16xi32>,
        %parallel_loop3A_668 = arith.constant 16 : i32
        %parallel_loop3A_669 = vector.broadcast %parallel_loop3A_668 : i32 to vector<16xi32>
        %parallel_loop3A_670 = arith.shli %parallel_loop3A_667, %parallel_loop3A_669 : vector<16xi32>
        %parallel_loop3A_671 = vector.bitcast %parallel_loop3A_670 : vector<16xi32> to vector<16xf32>
        %parallel_loop3A_672 = arith.constant -65536 : i32
        %parallel_loop3A_673 = vector.broadcast %parallel_loop3A_672 : i32 to vector<16xi32>
        %parallel_loop3A_674 = arith.andi %parallel_loop3A_667, %parallel_loop3A_673 : vector<16xi32>
        %parallel_loop3A_675 = vector.bitcast %parallel_loop3A_674 : vector<16xi32> to vector<16xf32>
        %parallel_loop3A_676 = arith.index_cast %parallel_loop3A_630 : i32 to index
        %parallel_loop3A_677 = arith.constant 64 : index
        %parallel_loop3A_678 = tpu.vector_load %arg11[%parallel_loop3A_676, %parallel_loop3A_677] {strides = array<i32>} : memref<64x128xf32, #tpu.memory_space<vmem>>, vector<16xf32>,
        tpu.vector_store %arg11[%parallel_loop3A_676, %parallel_loop3A_677], %parallel_loop3A_671 {strides = array<i32>} : memref<64x128xf32, #tpu.memory_space<vmem>>, vector<16xf32>,
        %parallel_loop3A_679 = arith.index_cast %parallel_loop3A_630 : i32 to index
        %parallel_loop3A_680 = arith.constant 80 : index
        %parallel_loop3A_681 = tpu.vector_load %arg11[%parallel_loop3A_679, %parallel_loop3A_680] {strides = array<i32>} : memref<64x128xf32, #tpu.memory_space<vmem>>, vector<16xf32>,
        tpu.vector_store %arg11[%parallel_loop3A_679, %parallel_loop3A_680], %parallel_loop3A_675 {strides = array<i32>} : memref<64x128xf32, #tpu.memory_space<vmem>>, vector<16xf32>,
        %parallel_loop3A_682 = arith.index_cast %parallel_loop3A_630 : i32 to index
        %parallel_loop3A_683 = arith.constant 48 : index
        %parallel_loop3A_684 = tpu.vector_load %arg9[%parallel_loop3A_682, %parallel_loop3A_683] {strides = array<i32>} : memref<64x64xi32, #tpu.memory_space<vmem>>, vector<16xi32>,
        %parallel_loop3A_685 = arith.constant 16 : i32
        %parallel_loop3A_686 = vector.broadcast %parallel_loop3A_685 : i32 to vector<16xi32>
        %parallel_loop3A_687 = arith.shli %parallel_loop3A_684, %parallel_loop3A_686 : vector<16xi32>
        %parallel_loop3A_688 = vector.bitcast %parallel_loop3A_687 : vector<16xi32> to vector<16xf32>
        %parallel_loop3A_689 = arith.constant -65536 : i32
        %parallel_loop3A_690 = vector.broadcast %parallel_loop3A_689 : i32 to vector<16xi32>
        %parallel_loop3A_691 = arith.andi %parallel_loop3A_684, %parallel_loop3A_690 : vector<16xi32>
        %parallel_loop3A_692 = vector.bitcast %parallel_loop3A_691 : vector<16xi32> to vector<16xf32>
        %parallel_loop3A_693 = arith.index_cast %parallel_loop3A_630 : i32 to index
        %parallel_loop3A_694 = arith.constant 96 : index
        %parallel_loop3A_695 = tpu.vector_load %arg11[%parallel_loop3A_693, %parallel_loop3A_694] {strides = array<i32>} : memref<64x128xf32, #tpu.memory_space<vmem>>, vector<16xf32>,
        tpu.vector_store %arg11[%parallel_loop3A_693, %parallel_loop3A_694], %parallel_loop3A_688 {strides = array<i32>} : memref<64x128xf32, #tpu.memory_space<vmem>>, vector<16xf32>,
        %parallel_loop3A_696 = arith.index_cast %parallel_loop3A_630 : i32 to index
        %parallel_loop3A_697 = arith.constant 112 : index
        %parallel_loop3A_698 = tpu.vector_load %arg11[%parallel_loop3A_696, %parallel_loop3A_697] {strides = array<i32>} : memref<64x128xf32, #tpu.memory_space<vmem>>, vector<16xf32>,
        tpu.vector_store %arg11[%parallel_loop3A_696, %parallel_loop3A_697], %parallel_loop3A_692 {strides = array<i32>} : memref<64x128xf32, #tpu.memory_space<vmem>>, vector<16xf32>,
      } {sc.loop_unroll_factor = 4 : i64, sc.parallel_access}
      %add3A_461 = arith.constant 2 : i32
      %add3A_462 = arith.addi %add3A_436, %add3A_461 : i32
      %lt3A_463 = arith.cmpi slt, %add3A_462, %min3A_6 : i32
      %convert_element_type3A_464 = arith.extui %lt3A_463 : i1 to i32
      %cond3A_465 = arith.constant 0 : i32
      %cond3A_466 = arith.cmpi ne, %convert_element_type3A_464, %cond3A_465 : i32
      scf.if %cond3A_466 {
        %dma_wait3A_630 = arith.constant 0 : i32
        %dma_wait3A_631 = arith.constant 5 : i32
        %dma_wait3A_632 = arith.constant 0 : i32
        %dma_wait3A_633 = tpu.memref_slice %arg6[%dma_wait3A_631, %dma_wait3A_632] : memref<8x64xi32, #tpu.memory_space<vmem>> -> memref<1x64xi32, #tpu.memory_space<vmem>>
        %dma_wait3A_634 = tpu.memref_squeeze %dma_wait3A_633 : memref<1x64xi32, #tpu.memory_space<vmem>> -> memref<64xi32, #tpu.memory_space<vmem>>
        %dma_wait3A_635 = arith.constant 0 : i32
        %dma_wait3A_636 = tpu.memref_slice %arg3[%dma_wait3A_630, %dma_wait3A_635] : memref<2x320000xi32, #tpu.memory_space<hbm>> -> memref<1x64xi32, #tpu.memory_space<hbm>>
        %dma_wait3A_637 = tpu.memref_squeeze %dma_wait3A_636 : memref<1x64xi32, #tpu.memory_space<hbm>> -> memref<64xi32, #tpu.memory_space<hbm>>
        %dma_wait3A_638 = arith.constant 0 : i32
        %dma_wait3A_639 = tpu.memref_slice %arg6[%dma_wait3A_631, %dma_wait3A_638] : memref<8x64xi32, #tpu.memory_space<vmem>> -> memref<1x64xi32, #tpu.memory_space<vmem>>
        %dma_wait3A_640 = tpu.memref_squeeze %dma_wait3A_639 : memref<1x64xi32, #tpu.memory_space<vmem>> -> memref<64xi32, #tpu.memory_space<vmem>>
        %dma_wait3A_641 = arith.constant 0 : i32
        %dma_wait3A_642 = tpu.memref_slice %arg3[%dma_wait3A_630, %dma_wait3A_641] : memref<2x320000xi32, #tpu.memory_space<hbm>> -> memref<1x64xi32, #tpu.memory_space<hbm>>
        %dma_wait3A_643 = tpu.memref_squeeze %dma_wait3A_642 : memref<1x64xi32, #tpu.memory_space<hbm>> -> memref<64xi32, #tpu.memory_space<hbm>>
        tpu.wait_dma2 semaphore(%arg22 : memref<!tpu.dma_semaphore, #tpu.memory_space<semaphore_mem>>) src(%dma_wait3A_643 : memref<64xi32, #tpu.memory_space<hbm>>) dst(%dma_wait3A_640 : memref<64xi32, #tpu.memory_space<vmem>>)
        %dma_wait3A_644 = arith.constant 0 : i32
        %dma_wait3A_645 = arith.constant 5 : i32
        %dma_wait3A_646 = arith.constant 0 : i32
        %dma_wait3A_647 = tpu.memref_slice %arg7[%dma_wait3A_645, %dma_wait3A_646] : memref<8x64xi32, #tpu.memory_space<vmem>> -> memref<1x64xi32, #tpu.memory_space<vmem>>
        %dma_wait3A_648 = tpu.memref_squeeze %dma_wait3A_647 : memref<1x64xi32, #tpu.memory_space<vmem>> -> memref<64xi32, #tpu.memory_space<vmem>>
        %dma_wait3A_649 = arith.constant 0 : i32
        %dma_wait3A_650 = tpu.memref_slice %arg3[%dma_wait3A_644, %dma_wait3A_649] : memref<2x320000xi32, #tpu.memory_space<hbm>> -> memref<1x64xi32, #tpu.memory_space<hbm>>
        %dma_wait3A_651 = tpu.memref_squeeze %dma_wait3A_650 : memref<1x64xi32, #tpu.memory_space<hbm>> -> memref<64xi32, #tpu.memory_space<hbm>>
        %dma_wait3A_652 = arith.constant 0 : i32
        %dma_wait3A_653 = tpu.memref_slice %arg7[%dma_wait3A_645, %dma_wait3A_652] : memref<8x64xi32, #tpu.memory_space<vmem>> -> memref<1x64xi32, #tpu.memory_space<vmem>>
        %dma_wait3A_654 = tpu.memref_squeeze %dma_wait3A_653 : memref<1x64xi32, #tpu.memory_space<vmem>> -> memref<64xi32, #tpu.memory_space<vmem>>
        %dma_wait3A_655 = arith.constant 0 : i32
        %dma_wait3A_656 = tpu.memref_slice %arg3[%dma_wait3A_644, %dma_wait3A_655] : memref<2x320000xi32, #tpu.memory_space<hbm>> -> memref<1x64xi32, #tpu.memory_space<hbm>>
        %dma_wait3A_657 = tpu.memref_squeeze %dma_wait3A_656 : memref<1x64xi32, #tpu.memory_space<hbm>> -> memref<64xi32, #tpu.memory_space<hbm>>
        tpu.wait_dma2 semaphore(%arg22 : memref<!tpu.dma_semaphore, #tpu.memory_space<semaphore_mem>>) src(%dma_wait3A_657 : memref<64xi32, #tpu.memory_space<hbm>>) dst(%dma_wait3A_654 : memref<64xi32, #tpu.memory_space<vmem>>)
        %dma_start3A_658 = arith.constant 5 : i32
        %dma_start3A_659 = arith.constant 0 : i32
        %dma_start3A_660 = tpu.memref_slice %arg6[%dma_start3A_658, %dma_start3A_659] : memref<8x64xi32, #tpu.memory_space<vmem>> -> memref<1x64xi32, #tpu.memory_space<vmem>>
        %dma_start3A_661 = tpu.memref_squeeze %dma_start3A_660 : memref<1x64xi32, #tpu.memory_space<vmem>> -> memref<64xi32, #tpu.memory_space<vmem>>
        %dma_start3A_662 = arith.constant 0 : i32
        %dma_start3A_663 = arith.constant 0 : i32
        %dma_start3A_664 = tpu.memref_slice %arg2[%dma_start3A_662, %dma_start3A_663] : memref<10240x64xi32, #tpu.memory_space<hbm>> -> memref<10240x64xi32, #tpu.memory_space<hbm>>
        tpu.enqueue_indirect_dma source(%dma_start3A_664 : memref<10240x64xi32, #tpu.memory_space<hbm>>) target(%arg9 : memref<64x64xi32, #tpu.memory_space<vmem>>) offsets(%dma_start3A_661 : memref<64xi32, #tpu.memory_space<vmem>>) semaphore(%arg13 : memref<!tpu.dma_semaphore, #tpu.memory_space<semaphore_mem>>)
      } else {
      }
      %dma_start3A_467 = arith.constant 3 : i32
      %dma_start3A_468 = arith.constant 0 : i32
      %dma_start3A_469 = tpu.memref_slice %arg7[%dma_start3A_467, %dma_start3A_468] : memref<8x64xi32, #tpu.memory_space<vmem>> -> memref<1x64xi32, #tpu.memory_space<vmem>>
      %dma_start3A_470 = tpu.memref_squeeze %dma_start3A_469 : memref<1x64xi32, #tpu.memory_space<vmem>> -> memref<64xi32, #tpu.memory_space<vmem>>
      %dma_start3A_471 = arith.constant 0 : i32
      %dma_start3A_472 = arith.constant 0 : i32
      %dma_start3A_473 = tpu.memref_slice %arg16[%dma_start3A_471, %dma_start3A_472] : memref<10112x128xf32, #tpu.memory_space<vmem_shared>> -> memref<10112x128xf32, #tpu.memory_space<vmem_shared>>
      tpu.enqueue_indirect_dma source(%arg11 : memref<64x128xf32, #tpu.memory_space<vmem>>) target(%dma_start3A_473 : memref<10112x128xf32, #tpu.memory_space<vmem_shared>>) offsets(%dma_start3A_470 : memref<64xi32, #tpu.memory_space<vmem>>) semaphore(%arg15 : memref<!tpu.dma_semaphore, #tpu.memory_space<semaphore_mem>>) {add = true}
      %add3A_474 = arith.constant 4 : i32
      %add3A_475 = arith.addi %add3A_323, %add3A_474 : i32
      %dma_wait3A_476 = arith.constant 4 : i32
      %dma_wait3A_477 = arith.constant 0 : i32
      %dma_wait3A_478 = tpu.memref_slice %arg6[%dma_wait3A_476, %dma_wait3A_477] : memref<8x64xi32, #tpu.memory_space<vmem>> -> memref<1x64xi32, #tpu.memory_space<vmem>>
      %dma_wait3A_479 = tpu.memref_squeeze %dma_wait3A_478 : memref<1x64xi32, #tpu.memory_space<vmem>> -> memref<64xi32, #tpu.memory_space<vmem>>
      %dma_wait3A_480 = arith.constant 0 : i32
      %dma_wait3A_481 = arith.constant 0 : i32
      %dma_wait3A_482 = tpu.memref_slice %arg2[%dma_wait3A_480, %dma_wait3A_481] : memref<10240x64xi32, #tpu.memory_space<hbm>> -> memref<10240x64xi32, #tpu.memory_space<hbm>>
      tpu.wait_indirect_dma semaphore(%arg12 : memref<!tpu.dma_semaphore, #tpu.memory_space<semaphore_mem>>) src(%dma_wait3A_482 : memref<10240x64xi32, #tpu.memory_space<hbm>>) dst(%arg8 : memref<64x64xi32, #tpu.memory_space<vmem>>)
      %ge3A_483 = arith.constant 2 : i32
      %ge3A_484 = arith.cmpi sge, %add3A_475, %ge3A_483 : i32
      %convert_element_type3A_485 = arith.extui %ge3A_484 : i1 to i32
      %cond3A_486 = arith.constant 0 : i32
      %cond3A_487 = arith.cmpi ne, %convert_element_type3A_485, %cond3A_486 : i32
      scf.if %cond3A_487 {
        %dma_wait3A_630 = arith.constant 2 : i32
        %dma_wait3A_631 = arith.constant 0 : i32
        %dma_wait3A_632 = tpu.memref_slice %arg7[%dma_wait3A_630, %dma_wait3A_631] : memref<8x64xi32, #tpu.memory_space<vmem>> -> memref<1x64xi32, #tpu.memory_space<vmem>>
        %dma_wait3A_633 = tpu.memref_squeeze %dma_wait3A_632 : memref<1x64xi32, #tpu.memory_space<vmem>> -> memref<64xi32, #tpu.memory_space<vmem>>
        %dma_wait3A_634 = arith.constant 0 : i32
        %dma_wait3A_635 = arith.constant 0 : i32
        %dma_wait3A_636 = tpu.memref_slice %arg16[%dma_wait3A_634, %dma_wait3A_635] : memref<10112x128xf32, #tpu.memory_space<vmem_shared>> -> memref<10112x128xf32, #tpu.memory_space<vmem_shared>>
        tpu.wait_indirect_dma semaphore(%arg14 : memref<!tpu.dma_semaphore, #tpu.memory_space<semaphore_mem>>) src(%arg10 : memref<64x128xf32, #tpu.memory_space<vmem>>) dst(%dma_wait3A_636 : memref<10112x128xf32, #tpu.memory_space<vmem_shared>>)
      } else {
      }
      %ge3A_488 = arith.constant 2 : i32
      %ge3A_489 = arith.cmpi sge, %add3A_475, %ge3A_488 : i32
      %add3A_490 = arith.constant 6 : i32
      %add3A_491 = arith.addi %add3A_475, %add3A_490 : i32
      %lt3A_492 = arith.cmpi slt, %add3A_491, %min3A_6 : i32
      %and3A_493 = arith.andi %ge3A_489, %lt3A_492 : i1
      %convert_element_type3A_494 = arith.extui %and3A_493 : i1 to i32
      %cond3A_495 = arith.constant 0 : i32
      %cond3A_496 = arith.cmpi ne, %convert_element_type3A_494, %cond3A_495 : i32
      scf.if %cond3A_496 {
        %add3A_630 = arith.constant 6 : i32
        %add3A_631 = arith.addi %add3A_475, %add3A_630 : i32
        %mul3A_632 = arith.constant 64 : i32
        %mul3A_633 = arith.muli %add3A_631, %mul3A_632 : i32
        %add3A_634 = arith.addi %mul3A_2, %mul3A_633 : i32
        %dma_start3A_635 = arith.constant 0 : i32
        %dma_start3A_636 = arith.constant 2 : i32
        %dma_start3A_637 = arith.constant 0 : i32
        %dma_start3A_638 = tpu.memref_slice %arg6[%dma_start3A_636, %dma_start3A_637] : memref<8x64xi32, #tpu.memory_space<vmem>> -> memref<1x64xi32, #tpu.memory_space<vmem>>
        %dma_start3A_639 = tpu.memref_squeeze %dma_start3A_638 : memref<1x64xi32, #tpu.memory_space<vmem>> -> memref<64xi32, #tpu.memory_space<vmem>>
        %dma_start3A_640 = tpu.memref_slice %arg3[%dma_start3A_635, %add3A_634] : memref<2x320000xi32, #tpu.memory_space<hbm>> -> memref<1x64xi32, #tpu.memory_space<hbm>>
        %dma_start3A_641 = tpu.memref_squeeze %dma_start3A_640 : memref<1x64xi32, #tpu.memory_space<hbm>> -> memref<64xi32, #tpu.memory_space<hbm>>
        %dma_start3A_642 = arith.constant 0 : i32
        %dma_start3A_643 = tpu.memref_slice %arg6[%dma_start3A_636, %dma_start3A_642] : memref<8x64xi32, #tpu.memory_space<vmem>> -> memref<1x64xi32, #tpu.memory_space<vmem>>
        %dma_start3A_644 = tpu.memref_squeeze %dma_start3A_643 : memref<1x64xi32, #tpu.memory_space<vmem>> -> memref<64xi32, #tpu.memory_space<vmem>>
        %dma_start3A_645 = tpu.memref_slice %arg3[%dma_start3A_635, %add3A_634] : memref<2x320000xi32, #tpu.memory_space<hbm>> -> memref<1x64xi32, #tpu.memory_space<hbm>>
        %dma_start3A_646 = tpu.memref_squeeze %dma_start3A_645 : memref<1x64xi32, #tpu.memory_space<hbm>> -> memref<64xi32, #tpu.memory_space<hbm>>
        tpu.enqueue_dma source(%dma_start3A_646 : memref<64xi32, #tpu.memory_space<hbm>>) target(%dma_start3A_644 : memref<64xi32, #tpu.memory_space<vmem>>) target_semaphore(%arg19 : memref<!tpu.dma_semaphore, #tpu.memory_space<semaphore_mem>>)
        %dma_start3A_647 = arith.constant 1 : i32
        %dma_start3A_648 = arith.constant 2 : i32
        %dma_start3A_649 = arith.constant 0 : i32
        %dma_start3A_650 = tpu.memref_slice %arg7[%dma_start3A_648, %dma_start3A_649] : memref<8x64xi32, #tpu.memory_space<vmem>> -> memref<1x64xi32, #tpu.memory_space<vmem>>
        %dma_start3A_651 = tpu.memref_squeeze %dma_start3A_650 : memref<1x64xi32, #tpu.memory_space<vmem>> -> memref<64xi32, #tpu.memory_space<vmem>>
        %dma_start3A_652 = tpu.memref_slice %arg3[%dma_start3A_647, %add3A_634] : memref<2x320000xi32, #tpu.memory_space<hbm>> -> memref<1x64xi32, #tpu.memory_space<hbm>>
        %dma_start3A_653 = tpu.memref_squeeze %dma_start3A_652 : memref<1x64xi32, #tpu.memory_space<hbm>> -> memref<64xi32, #tpu.memory_space<hbm>>
        %dma_start3A_654 = arith.constant 0 : i32
        %dma_start3A_655 = tpu.memref_slice %arg7[%dma_start3A_648, %dma_start3A_654] : memref<8x64xi32, #tpu.memory_space<vmem>> -> memref<1x64xi32, #tpu.memory_space<vmem>>
        %dma_start3A_656 = tpu.memref_squeeze %dma_start3A_655 : memref<1x64xi32, #tpu.memory_space<vmem>> -> memref<64xi32, #tpu.memory_space<vmem>>
        %dma_start3A_657 = tpu.memref_slice %arg3[%dma_start3A_647, %add3A_634] : memref<2x320000xi32, #tpu.memory_space<hbm>> -> memref<1x64xi32, #tpu.memory_space<hbm>>
        %dma_start3A_658 = tpu.memref_squeeze %dma_start3A_657 : memref<1x64xi32, #tpu.memory_space<hbm>> -> memref<64xi32, #tpu.memory_space<hbm>>
        tpu.enqueue_dma source(%dma_start3A_658 : memref<64xi32, #tpu.memory_space<hbm>>) target(%dma_start3A_656 : memref<64xi32, #tpu.memory_space<vmem>>) target_semaphore(%arg19 : memref<!tpu.dma_semaphore, #tpu.memory_space<semaphore_mem>>)
      } else {
      }
      %parallel_loop3A_497 = arith.constant 0 : i32
      %parallel_loop3A_498 = arith.constant 64 : i32
      %parallel_loop3A_499 = arith.constant 1 : i32
      scf.for %parallel_loop3A_630 = %parallel_loop3A_497 to %parallel_loop3A_498 step %parallel_loop3A_499  : i32 {
        %parallel_loop3A_631 = arith.index_cast %parallel_loop3A_630 : i32 to index
        %parallel_loop3A_632 = arith.constant 0 : index
        %parallel_loop3A_633 = tpu.vector_load %arg8[%parallel_loop3A_631, %parallel_loop3A_632] {strides = array<i32>} : memref<64x64xi32, #tpu.memory_space<vmem>>, vector<16xi32>,
        %parallel_loop3A_634 = arith.constant 16 : i32
        %parallel_loop3A_635 = vector.broadcast %parallel_loop3A_634 : i32 to vector<16xi32>
        %parallel_loop3A_636 = arith.shli %parallel_loop3A_633, %parallel_loop3A_635 : vector<16xi32>
        %parallel_loop3A_637 = vector.bitcast %parallel_loop3A_636 : vector<16xi32> to vector<16xf32>
        %parallel_loop3A_638 = arith.constant -65536 : i32
        %parallel_loop3A_639 = vector.broadcast %parallel_loop3A_638 : i32 to vector<16xi32>
        %parallel_loop3A_640 = arith.andi %parallel_loop3A_633, %parallel_loop3A_639 : vector<16xi32>
        %parallel_loop3A_641 = vector.bitcast %parallel_loop3A_640 : vector<16xi32> to vector<16xf32>
        %parallel_loop3A_642 = arith.index_cast %parallel_loop3A_630 : i32 to index
        %parallel_loop3A_643 = arith.constant 0 : index
        %parallel_loop3A_644 = tpu.vector_load %arg10[%parallel_loop3A_642, %parallel_loop3A_643] {strides = array<i32>} : memref<64x128xf32, #tpu.memory_space<vmem>>, vector<16xf32>,
        tpu.vector_store %arg10[%parallel_loop3A_642, %parallel_loop3A_643], %parallel_loop3A_637 {strides = array<i32>} : memref<64x128xf32, #tpu.memory_space<vmem>>, vector<16xf32>,
        %parallel_loop3A_645 = arith.index_cast %parallel_loop3A_630 : i32 to index
        %parallel_loop3A_646 = arith.constant 16 : index
        %parallel_loop3A_647 = tpu.vector_load %arg10[%parallel_loop3A_645, %parallel_loop3A_646] {strides = array<i32>} : memref<64x128xf32, #tpu.memory_space<vmem>>, vector<16xf32>,
        tpu.vector_store %arg10[%parallel_loop3A_645, %parallel_loop3A_646], %parallel_loop3A_641 {strides = array<i32>} : memref<64x128xf32, #tpu.memory_space<vmem>>, vector<16xf32>,
        %parallel_loop3A_648 = arith.index_cast %parallel_loop3A_630 : i32 to index
        %parallel_loop3A_649 = arith.constant 16 : index
        %parallel_loop3A_650 = tpu.vector_load %arg8[%parallel_loop3A_648, %parallel_loop3A_649] {strides = array<i32>} : memref<64x64xi32, #tpu.memory_space<vmem>>, vector<16xi32>,
        %parallel_loop3A_651 = arith.constant 16 : i32
        %parallel_loop3A_652 = vector.broadcast %parallel_loop3A_651 : i32 to vector<16xi32>
        %parallel_loop3A_653 = arith.shli %parallel_loop3A_650, %parallel_loop3A_652 : vector<16xi32>
        %parallel_loop3A_654 = vector.bitcast %parallel_loop3A_653 : vector<16xi32> to vector<16xf32>
        %parallel_loop3A_655 = arith.constant -65536 : i32
        %parallel_loop3A_656 = vector.broadcast %parallel_loop3A_655 : i32 to vector<16xi32>
        %parallel_loop3A_657 = arith.andi %parallel_loop3A_650, %parallel_loop3A_656 : vector<16xi32>
        %parallel_loop3A_658 = vector.bitcast %parallel_loop3A_657 : vector<16xi32> to vector<16xf32>
        %parallel_loop3A_659 = arith.index_cast %parallel_loop3A_630 : i32 to index
        %parallel_loop3A_660 = arith.constant 32 : index
        %parallel_loop3A_661 = tpu.vector_load %arg10[%parallel_loop3A_659, %parallel_loop3A_660] {strides = array<i32>} : memref<64x128xf32, #tpu.memory_space<vmem>>, vector<16xf32>,
        tpu.vector_store %arg10[%parallel_loop3A_659, %parallel_loop3A_660], %parallel_loop3A_654 {strides = array<i32>} : memref<64x128xf32, #tpu.memory_space<vmem>>, vector<16xf32>,
        %parallel_loop3A_662 = arith.index_cast %parallel_loop3A_630 : i32 to index
        %parallel_loop3A_663 = arith.constant 48 : index
        %parallel_loop3A_664 = tpu.vector_load %arg10[%parallel_loop3A_662, %parallel_loop3A_663] {strides = array<i32>} : memref<64x128xf32, #tpu.memory_space<vmem>>, vector<16xf32>,
        tpu.vector_store %arg10[%parallel_loop3A_662, %parallel_loop3A_663], %parallel_loop3A_658 {strides = array<i32>} : memref<64x128xf32, #tpu.memory_space<vmem>>, vector<16xf32>,
        %parallel_loop3A_665 = arith.index_cast %parallel_loop3A_630 : i32 to index
        %parallel_loop3A_666 = arith.constant 32 : index
        %parallel_loop3A_667 = tpu.vector_load %arg8[%parallel_loop3A_665, %parallel_loop3A_666] {strides = array<i32>} : memref<64x64xi32, #tpu.memory_space<vmem>>, vector<16xi32>,
        %parallel_loop3A_668 = arith.constant 16 : i32
        %parallel_loop3A_669 = vector.broadcast %parallel_loop3A_668 : i32 to vector<16xi32>
        %parallel_loop3A_670 = arith.shli %parallel_loop3A_667, %parallel_loop3A_669 : vector<16xi32>
        %parallel_loop3A_671 = vector.bitcast %parallel_loop3A_670 : vector<16xi32> to vector<16xf32>
        %parallel_loop3A_672 = arith.constant -65536 : i32
        %parallel_loop3A_673 = vector.broadcast %parallel_loop3A_672 : i32 to vector<16xi32>
        %parallel_loop3A_674 = arith.andi %parallel_loop3A_667, %parallel_loop3A_673 : vector<16xi32>
        %parallel_loop3A_675 = vector.bitcast %parallel_loop3A_674 : vector<16xi32> to vector<16xf32>
        %parallel_loop3A_676 = arith.index_cast %parallel_loop3A_630 : i32 to index
        %parallel_loop3A_677 = arith.constant 64 : index
        %parallel_loop3A_678 = tpu.vector_load %arg10[%parallel_loop3A_676, %parallel_loop3A_677] {strides = array<i32>} : memref<64x128xf32, #tpu.memory_space<vmem>>, vector<16xf32>,
        tpu.vector_store %arg10[%parallel_loop3A_676, %parallel_loop3A_677], %parallel_loop3A_671 {strides = array<i32>} : memref<64x128xf32, #tpu.memory_space<vmem>>, vector<16xf32>,
        %parallel_loop3A_679 = arith.index_cast %parallel_loop3A_630 : i32 to index
        %parallel_loop3A_680 = arith.constant 80 : index
        %parallel_loop3A_681 = tpu.vector_load %arg10[%parallel_loop3A_679, %parallel_loop3A_680] {strides = array<i32>} : memref<64x128xf32, #tpu.memory_space<vmem>>, vector<16xf32>,
        tpu.vector_store %arg10[%parallel_loop3A_679, %parallel_loop3A_680], %parallel_loop3A_675 {strides = array<i32>} : memref<64x128xf32, #tpu.memory_space<vmem>>, vector<16xf32>,
        %parallel_loop3A_682 = arith.index_cast %parallel_loop3A_630 : i32 to index
        %parallel_loop3A_683 = arith.constant 48 : index
        %parallel_loop3A_684 = tpu.vector_load %arg8[%parallel_loop3A_682, %parallel_loop3A_683] {strides = array<i32>} : memref<64x64xi32, #tpu.memory_space<vmem>>, vector<16xi32>,
        %parallel_loop3A_685 = arith.constant 16 : i32
        %parallel_loop3A_686 = vector.broadcast %parallel_loop3A_685 : i32 to vector<16xi32>
        %parallel_loop3A_687 = arith.shli %parallel_loop3A_684, %parallel_loop3A_686 : vector<16xi32>
        %parallel_loop3A_688 = vector.bitcast %parallel_loop3A_687 : vector<16xi32> to vector<16xf32>
        %parallel_loop3A_689 = arith.constant -65536 : i32
        %parallel_loop3A_690 = vector.broadcast %parallel_loop3A_689 : i32 to vector<16xi32>
        %parallel_loop3A_691 = arith.andi %parallel_loop3A_684, %parallel_loop3A_690 : vector<16xi32>
        %parallel_loop3A_692 = vector.bitcast %parallel_loop3A_691 : vector<16xi32> to vector<16xf32>
        %parallel_loop3A_693 = arith.index_cast %parallel_loop3A_630 : i32 to index
        %parallel_loop3A_694 = arith.constant 96 : index
        %parallel_loop3A_695 = tpu.vector_load %arg10[%parallel_loop3A_693, %parallel_loop3A_694] {strides = array<i32>} : memref<64x128xf32, #tpu.memory_space<vmem>>, vector<16xf32>,
        tpu.vector_store %arg10[%parallel_loop3A_693, %parallel_loop3A_694], %parallel_loop3A_688 {strides = array<i32>} : memref<64x128xf32, #tpu.memory_space<vmem>>, vector<16xf32>,
        %parallel_loop3A_696 = arith.index_cast %parallel_loop3A_630 : i32 to index
        %parallel_loop3A_697 = arith.constant 112 : index
        %parallel_loop3A_698 = tpu.vector_load %arg10[%parallel_loop3A_696, %parallel_loop3A_697] {strides = array<i32>} : memref<64x128xf32, #tpu.memory_space<vmem>>, vector<16xf32>,
        tpu.vector_store %arg10[%parallel_loop3A_696, %parallel_loop3A_697], %parallel_loop3A_692 {strides = array<i32>} : memref<64x128xf32, #tpu.memory_space<vmem>>, vector<16xf32>,
      } {sc.loop_unroll_factor = 4 : i64, sc.parallel_access}
      %add3A_500 = arith.constant 2 : i32
      %add3A_501 = arith.addi %add3A_475, %add3A_500 : i32
      %lt3A_502 = arith.cmpi slt, %add3A_501, %min3A_6 : i32
      %convert_element_type3A_503 = arith.extui %lt3A_502 : i1 to i32
      %cond3A_504 = arith.constant 0 : i32
      %cond3A_505 = arith.cmpi ne, %convert_element_type3A_503, %cond3A_504 : i32
      scf.if %cond3A_505 {
        %dma_wait3A_630 = arith.constant 0 : i32
        %dma_wait3A_631 = arith.constant 6 : i32
        %dma_wait3A_632 = arith.constant 0 : i32
        %dma_wait3A_633 = tpu.memref_slice %arg6[%dma_wait3A_631, %dma_wait3A_632] : memref<8x64xi32, #tpu.memory_space<vmem>> -> memref<1x64xi32, #tpu.memory_space<vmem>>
        %dma_wait3A_634 = tpu.memref_squeeze %dma_wait3A_633 : memref<1x64xi32, #tpu.memory_space<vmem>> -> memref<64xi32, #tpu.memory_space<vmem>>
        %dma_wait3A_635 = arith.constant 0 : i32
        %dma_wait3A_636 = tpu.memref_slice %arg3[%dma_wait3A_630, %dma_wait3A_635] : memref<2x320000xi32, #tpu.memory_space<hbm>> -> memref<1x64xi32, #tpu.memory_space<hbm>>
        %dma_wait3A_637 = tpu.memref_squeeze %dma_wait3A_636 : memref<1x64xi32, #tpu.memory_space<hbm>> -> memref<64xi32, #tpu.memory_space<hbm>>
        %dma_wait3A_638 = arith.constant 0 : i32
        %dma_wait3A_639 = tpu.memref_slice %arg6[%dma_wait3A_631, %dma_wait3A_638] : memref<8x64xi32, #tpu.memory_space<vmem>> -> memref<1x64xi32, #tpu.memory_space<vmem>>
        %dma_wait3A_640 = tpu.memref_squeeze %dma_wait3A_639 : memref<1x64xi32, #tpu.memory_space<vmem>> -> memref<64xi32, #tpu.memory_space<vmem>>
        %dma_wait3A_641 = arith.constant 0 : i32
        %dma_wait3A_642 = tpu.memref_slice %arg3[%dma_wait3A_630, %dma_wait3A_641] : memref<2x320000xi32, #tpu.memory_space<hbm>> -> memref<1x64xi32, #tpu.memory_space<hbm>>
        %dma_wait3A_643 = tpu.memref_squeeze %dma_wait3A_642 : memref<1x64xi32, #tpu.memory_space<hbm>> -> memref<64xi32, #tpu.memory_space<hbm>>
        tpu.wait_dma2 semaphore(%arg23 : memref<!tpu.dma_semaphore, #tpu.memory_space<semaphore_mem>>) src(%dma_wait3A_643 : memref<64xi32, #tpu.memory_space<hbm>>) dst(%dma_wait3A_640 : memref<64xi32, #tpu.memory_space<vmem>>)
        %dma_wait3A_644 = arith.constant 0 : i32
        %dma_wait3A_645 = arith.constant 6 : i32
        %dma_wait3A_646 = arith.constant 0 : i32
        %dma_wait3A_647 = tpu.memref_slice %arg7[%dma_wait3A_645, %dma_wait3A_646] : memref<8x64xi32, #tpu.memory_space<vmem>> -> memref<1x64xi32, #tpu.memory_space<vmem>>
        %dma_wait3A_648 = tpu.memref_squeeze %dma_wait3A_647 : memref<1x64xi32, #tpu.memory_space<vmem>> -> memref<64xi32, #tpu.memory_space<vmem>>
        %dma_wait3A_649 = arith.constant 0 : i32
        %dma_wait3A_650 = tpu.memref_slice %arg3[%dma_wait3A_644, %dma_wait3A_649] : memref<2x320000xi32, #tpu.memory_space<hbm>> -> memref<1x64xi32, #tpu.memory_space<hbm>>
        %dma_wait3A_651 = tpu.memref_squeeze %dma_wait3A_650 : memref<1x64xi32, #tpu.memory_space<hbm>> -> memref<64xi32, #tpu.memory_space<hbm>>
        %dma_wait3A_652 = arith.constant 0 : i32
        %dma_wait3A_653 = tpu.memref_slice %arg7[%dma_wait3A_645, %dma_wait3A_652] : memref<8x64xi32, #tpu.memory_space<vmem>> -> memref<1x64xi32, #tpu.memory_space<vmem>>
        %dma_wait3A_654 = tpu.memref_squeeze %dma_wait3A_653 : memref<1x64xi32, #tpu.memory_space<vmem>> -> memref<64xi32, #tpu.memory_space<vmem>>
        %dma_wait3A_655 = arith.constant 0 : i32
        %dma_wait3A_656 = tpu.memref_slice %arg3[%dma_wait3A_644, %dma_wait3A_655] : memref<2x320000xi32, #tpu.memory_space<hbm>> -> memref<1x64xi32, #tpu.memory_space<hbm>>
        %dma_wait3A_657 = tpu.memref_squeeze %dma_wait3A_656 : memref<1x64xi32, #tpu.memory_space<hbm>> -> memref<64xi32, #tpu.memory_space<hbm>>
        tpu.wait_dma2 semaphore(%arg23 : memref<!tpu.dma_semaphore, #tpu.memory_space<semaphore_mem>>) src(%dma_wait3A_657 : memref<64xi32, #tpu.memory_space<hbm>>) dst(%dma_wait3A_654 : memref<64xi32, #tpu.memory_space<vmem>>)
        %dma_start3A_658 = arith.constant 6 : i32
        %dma_start3A_659 = arith.constant 0 : i32
        %dma_start3A_660 = tpu.memref_slice %arg6[%dma_start3A_658, %dma_start3A_659] : memref<8x64xi32, #tpu.memory_space<vmem>> -> memref<1x64xi32, #tpu.memory_space<vmem>>
        %dma_start3A_661 = tpu.memref_squeeze %dma_start3A_660 : memref<1x64xi32, #tpu.memory_space<vmem>> -> memref<64xi32, #tpu.memory_space<vmem>>
        %dma_start3A_662 = arith.constant 0 : i32
        %dma_start3A_663 = arith.constant 0 : i32
        %dma_start3A_664 = tpu.memref_slice %arg2[%dma_start3A_662, %dma_start3A_663] : memref<10240x64xi32, #tpu.memory_space<hbm>> -> memref<10240x64xi32, #tpu.memory_space<hbm>>
        tpu.enqueue_indirect_dma source(%dma_start3A_664 : memref<10240x64xi32, #tpu.memory_space<hbm>>) target(%arg8 : memref<64x64xi32, #tpu.memory_space<vmem>>) offsets(%dma_start3A_661 : memref<64xi32, #tpu.memory_space<vmem>>) semaphore(%arg12 : memref<!tpu.dma_semaphore, #tpu.memory_space<semaphore_mem>>)
      } else {
      }
      %dma_start3A_506 = arith.constant 4 : i32
      %dma_start3A_507 = arith.constant 0 : i32
      %dma_start3A_508 = tpu.memref_slice %arg7[%dma_start3A_506, %dma_start3A_507] : memref<8x64xi32, #tpu.memory_space<vmem>> -> memref<1x64xi32, #tpu.memory_space<vmem>>
      %dma_start3A_509 = tpu.memref_squeeze %dma_start3A_508 : memref<1x64xi32, #tpu.memory_space<vmem>> -> memref<64xi32, #tpu.memory_space<vmem>>
      %dma_start3A_510 = arith.constant 0 : i32
      %dma_start3A_511 = arith.constant 0 : i32
      %dma_start3A_512 = tpu.memref_slice %arg16[%dma_start3A_510, %dma_start3A_511] : memref<10112x128xf32, #tpu.memory_space<vmem_shared>> -> memref<10112x128xf32, #tpu.memory_space<vmem_shared>>
      tpu.enqueue_indirect_dma source(%arg10 : memref<64x128xf32, #tpu.memory_space<vmem>>) target(%dma_start3A_512 : memref<10112x128xf32, #tpu.memory_space<vmem_shared>>) offsets(%dma_start3A_509 : memref<64xi32, #tpu.memory_space<vmem>>) semaphore(%arg14 : memref<!tpu.dma_semaphore, #tpu.memory_space<semaphore_mem>>) {add = true}
      %add3A_513 = arith.constant 5 : i32
      %add3A_514 = arith.addi %add3A_323, %add3A_513 : i32
      %dma_wait3A_515 = arith.constant 5 : i32
      %dma_wait3A_516 = arith.constant 0 : i32
      %dma_wait3A_517 = tpu.memref_slice %arg6[%dma_wait3A_515, %dma_wait3A_516] : memref<8x64xi32, #tpu.memory_space<vmem>> -> memref<1x64xi32, #tpu.memory_space<vmem>>
      %dma_wait3A_518 = tpu.memref_squeeze %dma_wait3A_517 : memref<1x64xi32, #tpu.memory_space<vmem>> -> memref<64xi32, #tpu.memory_space<vmem>>
      %dma_wait3A_519 = arith.constant 0 : i32
      %dma_wait3A_520 = arith.constant 0 : i32
      %dma_wait3A_521 = tpu.memref_slice %arg2[%dma_wait3A_519, %dma_wait3A_520] : memref<10240x64xi32, #tpu.memory_space<hbm>> -> memref<10240x64xi32, #tpu.memory_space<hbm>>
      tpu.wait_indirect_dma semaphore(%arg13 : memref<!tpu.dma_semaphore, #tpu.memory_space<semaphore_mem>>) src(%dma_wait3A_521 : memref<10240x64xi32, #tpu.memory_space<hbm>>) dst(%arg9 : memref<64x64xi32, #tpu.memory_space<vmem>>)
      %ge3A_522 = arith.constant 2 : i32
      %ge3A_523 = arith.cmpi sge, %add3A_514, %ge3A_522 : i32
      %convert_element_type3A_524 = arith.extui %ge3A_523 : i1 to i32
      %cond3A_525 = arith.constant 0 : i32
      %cond3A_526 = arith.cmpi ne, %convert_element_type3A_524, %cond3A_525 : i32
      scf.if %cond3A_526 {
        %dma_wait3A_630 = arith.constant 3 : i32
        %dma_wait3A_631 = arith.constant 0 : i32
        %dma_wait3A_632 = tpu.memref_slice %arg7[%dma_wait3A_630, %dma_wait3A_631] : memref<8x64xi32, #tpu.memory_space<vmem>> -> memref<1x64xi32, #tpu.memory_space<vmem>>
        %dma_wait3A_633 = tpu.memref_squeeze %dma_wait3A_632 : memref<1x64xi32, #tpu.memory_space<vmem>> -> memref<64xi32, #tpu.memory_space<vmem>>
        %dma_wait3A_634 = arith.constant 0 : i32
        %dma_wait3A_635 = arith.constant 0 : i32
        %dma_wait3A_636 = tpu.memref_slice %arg16[%dma_wait3A_634, %dma_wait3A_635] : memref<10112x128xf32, #tpu.memory_space<vmem_shared>> -> memref<10112x128xf32, #tpu.memory_space<vmem_shared>>
        tpu.wait_indirect_dma semaphore(%arg15 : memref<!tpu.dma_semaphore, #tpu.memory_space<semaphore_mem>>) src(%arg11 : memref<64x128xf32, #tpu.memory_space<vmem>>) dst(%dma_wait3A_636 : memref<10112x128xf32, #tpu.memory_space<vmem_shared>>)
      } else {
      }
      %ge3A_527 = arith.constant 2 : i32
      %ge3A_528 = arith.cmpi sge, %add3A_514, %ge3A_527 : i32
      %add3A_529 = arith.constant 6 : i32
      %add3A_530 = arith.addi %add3A_514, %add3A_529 : i32
      %lt3A_531 = arith.cmpi slt, %add3A_530, %min3A_6 : i32
      %and3A_532 = arith.andi %ge3A_528, %lt3A_531 : i1
      %convert_element_type3A_533 = arith.extui %and3A_532 : i1 to i32
      %cond3A_534 = arith.constant 0 : i32
      %cond3A_535 = arith.cmpi ne, %convert_element_type3A_533, %cond3A_534 : i32
      scf.if %cond3A_535 {
        %add3A_630 = arith.constant 6 : i32
        %add3A_631 = arith.addi %add3A_514, %add3A_630 : i32
        %mul3A_632 = arith.constant 64 : i32
        %mul3A_633 = arith.muli %add3A_631, %mul3A_632 : i32
        %add3A_634 = arith.addi %mul3A_2, %mul3A_633 : i32
        %dma_start3A_635 = arith.constant 0 : i32
        %dma_start3A_636 = arith.constant 3 : i32
        %dma_start3A_637 = arith.constant 0 : i32
        %dma_start3A_638 = tpu.memref_slice %arg6[%dma_start3A_636, %dma_start3A_637] : memref<8x64xi32, #tpu.memory_space<vmem>> -> memref<1x64xi32, #tpu.memory_space<vmem>>
        %dma_start3A_639 = tpu.memref_squeeze %dma_start3A_638 : memref<1x64xi32, #tpu.memory_space<vmem>> -> memref<64xi32, #tpu.memory_space<vmem>>
        %dma_start3A_640 = tpu.memref_slice %arg3[%dma_start3A_635, %add3A_634] : memref<2x320000xi32, #tpu.memory_space<hbm>> -> memref<1x64xi32, #tpu.memory_space<hbm>>
        %dma_start3A_641 = tpu.memref_squeeze %dma_start3A_640 : memref<1x64xi32, #tpu.memory_space<hbm>> -> memref<64xi32, #tpu.memory_space<hbm>>
        %dma_start3A_642 = arith.constant 0 : i32
        %dma_start3A_643 = tpu.memref_slice %arg6[%dma_start3A_636, %dma_start3A_642] : memref<8x64xi32, #tpu.memory_space<vmem>> -> memref<1x64xi32, #tpu.memory_space<vmem>>
        %dma_start3A_644 = tpu.memref_squeeze %dma_start3A_643 : memref<1x64xi32, #tpu.memory_space<vmem>> -> memref<64xi32, #tpu.memory_space<vmem>>
        %dma_start3A_645 = tpu.memref_slice %arg3[%dma_start3A_635, %add3A_634] : memref<2x320000xi32, #tpu.memory_space<hbm>> -> memref<1x64xi32, #tpu.memory_space<hbm>>
        %dma_start3A_646 = tpu.memref_squeeze %dma_start3A_645 : memref<1x64xi32, #tpu.memory_space<hbm>> -> memref<64xi32, #tpu.memory_space<hbm>>
        tpu.enqueue_dma source(%dma_start3A_646 : memref<64xi32, #tpu.memory_space<hbm>>) target(%dma_start3A_644 : memref<64xi32, #tpu.memory_space<vmem>>) target_semaphore(%arg20 : memref<!tpu.dma_semaphore, #tpu.memory_space<semaphore_mem>>)
        %dma_start3A_647 = arith.constant 1 : i32
        %dma_start3A_648 = arith.constant 3 : i32
        %dma_start3A_649 = arith.constant 0 : i32
        %dma_start3A_650 = tpu.memref_slice %arg7[%dma_start3A_648, %dma_start3A_649] : memref<8x64xi32, #tpu.memory_space<vmem>> -> memref<1x64xi32, #tpu.memory_space<vmem>>
        %dma_start3A_651 = tpu.memref_squeeze %dma_start3A_650 : memref<1x64xi32, #tpu.memory_space<vmem>> -> memref<64xi32, #tpu.memory_space<vmem>>
        %dma_start3A_652 = tpu.memref_slice %arg3[%dma_start3A_647, %add3A_634] : memref<2x320000xi32, #tpu.memory_space<hbm>> -> memref<1x64xi32, #tpu.memory_space<hbm>>
        %dma_start3A_653 = tpu.memref_squeeze %dma_start3A_652 : memref<1x64xi32, #tpu.memory_space<hbm>> -> memref<64xi32, #tpu.memory_space<hbm>>
        %dma_start3A_654 = arith.constant 0 : i32
        %dma_start3A_655 = tpu.memref_slice %arg7[%dma_start3A_648, %dma_start3A_654] : memref<8x64xi32, #tpu.memory_space<vmem>> -> memref<1x64xi32, #tpu.memory_space<vmem>>
        %dma_start3A_656 = tpu.memref_squeeze %dma_start3A_655 : memref<1x64xi32, #tpu.memory_space<vmem>> -> memref<64xi32, #tpu.memory_space<vmem>>
        %dma_start3A_657 = tpu.memref_slice %arg3[%dma_start3A_647, %add3A_634] : memref<2x320000xi32, #tpu.memory_space<hbm>> -> memref<1x64xi32, #tpu.memory_space<hbm>>
        %dma_start3A_658 = tpu.memref_squeeze %dma_start3A_657 : memref<1x64xi32, #tpu.memory_space<hbm>> -> memref<64xi32, #tpu.memory_space<hbm>>
        tpu.enqueue_dma source(%dma_start3A_658 : memref<64xi32, #tpu.memory_space<hbm>>) target(%dma_start3A_656 : memref<64xi32, #tpu.memory_space<vmem>>) target_semaphore(%arg20 : memref<!tpu.dma_semaphore, #tpu.memory_space<semaphore_mem>>)
      } else {
      }
      %parallel_loop3A_536 = arith.constant 0 : i32
      %parallel_loop3A_537 = arith.constant 64 : i32
      %parallel_loop3A_538 = arith.constant 1 : i32
      scf.for %parallel_loop3A_630 = %parallel_loop3A_536 to %parallel_loop3A_537 step %parallel_loop3A_538  : i32 {
        %parallel_loop3A_631 = arith.index_cast %parallel_loop3A_630 : i32 to index
        %parallel_loop3A_632 = arith.constant 0 : index
        %parallel_loop3A_633 = tpu.vector_load %arg9[%parallel_loop3A_631, %parallel_loop3A_632] {strides = array<i32>} : memref<64x64xi32, #tpu.memory_space<vmem>>, vector<16xi32>,
        %parallel_loop3A_634 = arith.constant 16 : i32
        %parallel_loop3A_635 = vector.broadcast %parallel_loop3A_634 : i32 to vector<16xi32>
        %parallel_loop3A_636 = arith.shli %parallel_loop3A_633, %parallel_loop3A_635 : vector<16xi32>
        %parallel_loop3A_637 = vector.bitcast %parallel_loop3A_636 : vector<16xi32> to vector<16xf32>
        %parallel_loop3A_638 = arith.constant -65536 : i32
        %parallel_loop3A_639 = vector.broadcast %parallel_loop3A_638 : i32 to vector<16xi32>
        %parallel_loop3A_640 = arith.andi %parallel_loop3A_633, %parallel_loop3A_639 : vector<16xi32>
        %parallel_loop3A_641 = vector.bitcast %parallel_loop3A_640 : vector<16xi32> to vector<16xf32>
        %parallel_loop3A_642 = arith.index_cast %parallel_loop3A_630 : i32 to index
        %parallel_loop3A_643 = arith.constant 0 : index
        %parallel_loop3A_644 = tpu.vector_load %arg11[%parallel_loop3A_642, %parallel_loop3A_643] {strides = array<i32>} : memref<64x128xf32, #tpu.memory_space<vmem>>, vector<16xf32>,
        tpu.vector_store %arg11[%parallel_loop3A_642, %parallel_loop3A_643], %parallel_loop3A_637 {strides = array<i32>} : memref<64x128xf32, #tpu.memory_space<vmem>>, vector<16xf32>,
        %parallel_loop3A_645 = arith.index_cast %parallel_loop3A_630 : i32 to index
        %parallel_loop3A_646 = arith.constant 16 : index
        %parallel_loop3A_647 = tpu.vector_load %arg11[%parallel_loop3A_645, %parallel_loop3A_646] {strides = array<i32>} : memref<64x128xf32, #tpu.memory_space<vmem>>, vector<16xf32>,
        tpu.vector_store %arg11[%parallel_loop3A_645, %parallel_loop3A_646], %parallel_loop3A_641 {strides = array<i32>} : memref<64x128xf32, #tpu.memory_space<vmem>>, vector<16xf32>,
        %parallel_loop3A_648 = arith.index_cast %parallel_loop3A_630 : i32 to index
        %parallel_loop3A_649 = arith.constant 16 : index
        %parallel_loop3A_650 = tpu.vector_load %arg9[%parallel_loop3A_648, %parallel_loop3A_649] {strides = array<i32>} : memref<64x64xi32, #tpu.memory_space<vmem>>, vector<16xi32>,
        %parallel_loop3A_651 = arith.constant 16 : i32
        %parallel_loop3A_652 = vector.broadcast %parallel_loop3A_651 : i32 to vector<16xi32>
        %parallel_loop3A_653 = arith.shli %parallel_loop3A_650, %parallel_loop3A_652 : vector<16xi32>
        %parallel_loop3A_654 = vector.bitcast %parallel_loop3A_653 : vector<16xi32> to vector<16xf32>
        %parallel_loop3A_655 = arith.constant -65536 : i32
        %parallel_loop3A_656 = vector.broadcast %parallel_loop3A_655 : i32 to vector<16xi32>
        %parallel_loop3A_657 = arith.andi %parallel_loop3A_650, %parallel_loop3A_656 : vector<16xi32>
        %parallel_loop3A_658 = vector.bitcast %parallel_loop3A_657 : vector<16xi32> to vector<16xf32>
        %parallel_loop3A_659 = arith.index_cast %parallel_loop3A_630 : i32 to index
        %parallel_loop3A_660 = arith.constant 32 : index
        %parallel_loop3A_661 = tpu.vector_load %arg11[%parallel_loop3A_659, %parallel_loop3A_660] {strides = array<i32>} : memref<64x128xf32, #tpu.memory_space<vmem>>, vector<16xf32>,
        tpu.vector_store %arg11[%parallel_loop3A_659, %parallel_loop3A_660], %parallel_loop3A_654 {strides = array<i32>} : memref<64x128xf32, #tpu.memory_space<vmem>>, vector<16xf32>,
        %parallel_loop3A_662 = arith.index_cast %parallel_loop3A_630 : i32 to index
        %parallel_loop3A_663 = arith.constant 48 : index
        %parallel_loop3A_664 = tpu.vector_load %arg11[%parallel_loop3A_662, %parallel_loop3A_663] {strides = array<i32>} : memref<64x128xf32, #tpu.memory_space<vmem>>, vector<16xf32>,
        tpu.vector_store %arg11[%parallel_loop3A_662, %parallel_loop3A_663], %parallel_loop3A_658 {strides = array<i32>} : memref<64x128xf32, #tpu.memory_space<vmem>>, vector<16xf32>,
        %parallel_loop3A_665 = arith.index_cast %parallel_loop3A_630 : i32 to index
        %parallel_loop3A_666 = arith.constant 32 : index
        %parallel_loop3A_667 = tpu.vector_load %arg9[%parallel_loop3A_665, %parallel_loop3A_666] {strides = array<i32>} : memref<64x64xi32, #tpu.memory_space<vmem>>, vector<16xi32>,
        %parallel_loop3A_668 = arith.constant 16 : i32
        %parallel_loop3A_669 = vector.broadcast %parallel_loop3A_668 : i32 to vector<16xi32>
        %parallel_loop3A_670 = arith.shli %parallel_loop3A_667, %parallel_loop3A_669 : vector<16xi32>
        %parallel_loop3A_671 = vector.bitcast %parallel_loop3A_670 : vector<16xi32> to vector<16xf32>
        %parallel_loop3A_672 = arith.constant -65536 : i32
        %parallel_loop3A_673 = vector.broadcast %parallel_loop3A_672 : i32 to vector<16xi32>
        %parallel_loop3A_674 = arith.andi %parallel_loop3A_667, %parallel_loop3A_673 : vector<16xi32>
        %parallel_loop3A_675 = vector.bitcast %parallel_loop3A_674 : vector<16xi32> to vector<16xf32>
        %parallel_loop3A_676 = arith.index_cast %parallel_loop3A_630 : i32 to index
        %parallel_loop3A_677 = arith.constant 64 : index
        %parallel_loop3A_678 = tpu.vector_load %arg11[%parallel_loop3A_676, %parallel_loop3A_677] {strides = array<i32>} : memref<64x128xf32, #tpu.memory_space<vmem>>, vector<16xf32>,
        tpu.vector_store %arg11[%parallel_loop3A_676, %parallel_loop3A_677], %parallel_loop3A_671 {strides = array<i32>} : memref<64x128xf32, #tpu.memory_space<vmem>>, vector<16xf32>,
        %parallel_loop3A_679 = arith.index_cast %parallel_loop3A_630 : i32 to index
        %parallel_loop3A_680 = arith.constant 80 : index
        %parallel_loop3A_681 = tpu.vector_load %arg11[%parallel_loop3A_679, %parallel_loop3A_680] {strides = array<i32>} : memref<64x128xf32, #tpu.memory_space<vmem>>, vector<16xf32>,
        tpu.vector_store %arg11[%parallel_loop3A_679, %parallel_loop3A_680], %parallel_loop3A_675 {strides = array<i32>} : memref<64x128xf32, #tpu.memory_space<vmem>>, vector<16xf32>,
        %parallel_loop3A_682 = arith.index_cast %parallel_loop3A_630 : i32 to index
        %parallel_loop3A_683 = arith.constant 48 : index
        %parallel_loop3A_684 = tpu.vector_load %arg9[%parallel_loop3A_682, %parallel_loop3A_683] {strides = array<i32>} : memref<64x64xi32, #tpu.memory_space<vmem>>, vector<16xi32>,
        %parallel_loop3A_685 = arith.constant 16 : i32
        %parallel_loop3A_686 = vector.broadcast %parallel_loop3A_685 : i32 to vector<16xi32>
        %parallel_loop3A_687 = arith.shli %parallel_loop3A_684, %parallel_loop3A_686 : vector<16xi32>
        %parallel_loop3A_688 = vector.bitcast %parallel_loop3A_687 : vector<16xi32> to vector<16xf32>
        %parallel_loop3A_689 = arith.constant -65536 : i32
        %parallel_loop3A_690 = vector.broadcast %parallel_loop3A_689 : i32 to vector<16xi32>
        %parallel_loop3A_691 = arith.andi %parallel_loop3A_684, %parallel_loop3A_690 : vector<16xi32>
        %parallel_loop3A_692 = vector.bitcast %parallel_loop3A_691 : vector<16xi32> to vector<16xf32>
        %parallel_loop3A_693 = arith.index_cast %parallel_loop3A_630 : i32 to index
        %parallel_loop3A_694 = arith.constant 96 : index
        %parallel_loop3A_695 = tpu.vector_load %arg11[%parallel_loop3A_693, %parallel_loop3A_694] {strides = array<i32>} : memref<64x128xf32, #tpu.memory_space<vmem>>, vector<16xf32>,
        tpu.vector_store %arg11[%parallel_loop3A_693, %parallel_loop3A_694], %parallel_loop3A_688 {strides = array<i32>} : memref<64x128xf32, #tpu.memory_space<vmem>>, vector<16xf32>,
        %parallel_loop3A_696 = arith.index_cast %parallel_loop3A_630 : i32 to index
        %parallel_loop3A_697 = arith.constant 112 : index
        %parallel_loop3A_698 = tpu.vector_load %arg11[%parallel_loop3A_696, %parallel_loop3A_697] {strides = array<i32>} : memref<64x128xf32, #tpu.memory_space<vmem>>, vector<16xf32>,
        tpu.vector_store %arg11[%parallel_loop3A_696, %parallel_loop3A_697], %parallel_loop3A_692 {strides = array<i32>} : memref<64x128xf32, #tpu.memory_space<vmem>>, vector<16xf32>,
      } {sc.loop_unroll_factor = 4 : i64, sc.parallel_access}
      %add3A_539 = arith.constant 2 : i32
      %add3A_540 = arith.addi %add3A_514, %add3A_539 : i32
      %lt3A_541 = arith.cmpi slt, %add3A_540, %min3A_6 : i32
      %convert_element_type3A_542 = arith.extui %lt3A_541 : i1 to i32
      %cond3A_543 = arith.constant 0 : i32
      %cond3A_544 = arith.cmpi ne, %convert_element_type3A_542, %cond3A_543 : i32
      scf.if %cond3A_544 {
        %dma_wait3A_630 = arith.constant 0 : i32
        %dma_wait3A_631 = arith.constant 7 : i32
        %dma_wait3A_632 = arith.constant 0 : i32
        %dma_wait3A_633 = tpu.memref_slice %arg6[%dma_wait3A_631, %dma_wait3A_632] : memref<8x64xi32, #tpu.memory_space<vmem>> -> memref<1x64xi32, #tpu.memory_space<vmem>>
        %dma_wait3A_634 = tpu.memref_squeeze %dma_wait3A_633 : memref<1x64xi32, #tpu.memory_space<vmem>> -> memref<64xi32, #tpu.memory_space<vmem>>
        %dma_wait3A_635 = arith.constant 0 : i32
        %dma_wait3A_636 = tpu.memref_slice %arg3[%dma_wait3A_630, %dma_wait3A_635] : memref<2x320000xi32, #tpu.memory_space<hbm>> -> memref<1x64xi32, #tpu.memory_space<hbm>>
        %dma_wait3A_637 = tpu.memref_squeeze %dma_wait3A_636 : memref<1x64xi32, #tpu.memory_space<hbm>> -> memref<64xi32, #tpu.memory_space<hbm>>
        %dma_wait3A_638 = arith.constant 0 : i32
        %dma_wait3A_639 = tpu.memref_slice %arg6[%dma_wait3A_631, %dma_wait3A_638] : memref<8x64xi32, #tpu.memory_space<vmem>> -> memref<1x64xi32, #tpu.memory_space<vmem>>
        %dma_wait3A_640 = tpu.memref_squeeze %dma_wait3A_639 : memref<1x64xi32, #tpu.memory_space<vmem>> -> memref<64xi32, #tpu.memory_space<vmem>>
        %dma_wait3A_641 = arith.constant 0 : i32
        %dma_wait3A_642 = tpu.memref_slice %arg3[%dma_wait3A_630, %dma_wait3A_641] : memref<2x320000xi32, #tpu.memory_space<hbm>> -> memref<1x64xi32, #tpu.memory_space<hbm>>
        %dma_wait3A_643 = tpu.memref_squeeze %dma_wait3A_642 : memref<1x64xi32, #tpu.memory_space<hbm>> -> memref<64xi32, #tpu.memory_space<hbm>>
        tpu.wait_dma2 semaphore(%arg24 : memref<!tpu.dma_semaphore, #tpu.memory_space<semaphore_mem>>) src(%dma_wait3A_643 : memref<64xi32, #tpu.memory_space<hbm>>) dst(%dma_wait3A_640 : memref<64xi32, #tpu.memory_space<vmem>>)
        %dma_wait3A_644 = arith.constant 0 : i32
        %dma_wait3A_645 = arith.constant 7 : i32
        %dma_wait3A_646 = arith.constant 0 : i32
        %dma_wait3A_647 = tpu.memref_slice %arg7[%dma_wait3A_645, %dma_wait3A_646] : memref<8x64xi32, #tpu.memory_space<vmem>> -> memref<1x64xi32, #tpu.memory_space<vmem>>
        %dma_wait3A_648 = tpu.memref_squeeze %dma_wait3A_647 : memref<1x64xi32, #tpu.memory_space<vmem>> -> memref<64xi32, #tpu.memory_space<vmem>>
        %dma_wait3A_649 = arith.constant 0 : i32
        %dma_wait3A_650 = tpu.memref_slice %arg3[%dma_wait3A_644, %dma_wait3A_649] : memref<2x320000xi32, #tpu.memory_space<hbm>> -> memref<1x64xi32, #tpu.memory_space<hbm>>
        %dma_wait3A_651 = tpu.memref_squeeze %dma_wait3A_650 : memref<1x64xi32, #tpu.memory_space<hbm>> -> memref<64xi32, #tpu.memory_space<hbm>>
        %dma_wait3A_652 = arith.constant 0 : i32
        %dma_wait3A_653 = tpu.memref_slice %arg7[%dma_wait3A_645, %dma_wait3A_652] : memref<8x64xi32, #tpu.memory_space<vmem>> -> memref<1x64xi32, #tpu.memory_space<vmem>>
        %dma_wait3A_654 = tpu.memref_squeeze %dma_wait3A_653 : memref<1x64xi32, #tpu.memory_space<vmem>> -> memref<64xi32, #tpu.memory_space<vmem>>
        %dma_wait3A_655 = arith.constant 0 : i32
        %dma_wait3A_656 = tpu.memref_slice %arg3[%dma_wait3A_644, %dma_wait3A_655] : memref<2x320000xi32, #tpu.memory_space<hbm>> -> memref<1x64xi32, #tpu.memory_space<hbm>>
        %dma_wait3A_657 = tpu.memref_squeeze %dma_wait3A_656 : memref<1x64xi32, #tpu.memory_space<hbm>> -> memref<64xi32, #tpu.memory_space<hbm>>
        tpu.wait_dma2 semaphore(%arg24 : memref<!tpu.dma_semaphore, #tpu.memory_space<semaphore_mem>>) src(%dma_wait3A_657 : memref<64xi32, #tpu.memory_space<hbm>>) dst(%dma_wait3A_654 : memref<64xi32, #tpu.memory_space<vmem>>)
        %dma_start3A_658 = arith.constant 7 : i32
        %dma_start3A_659 = arith.constant 0 : i32
        %dma_start3A_660 = tpu.memref_slice %arg6[%dma_start3A_658, %dma_start3A_659] : memref<8x64xi32, #tpu.memory_space<vmem>> -> memref<1x64xi32, #tpu.memory_space<vmem>>
        %dma_start3A_661 = tpu.memref_squeeze %dma_start3A_660 : memref<1x64xi32, #tpu.memory_space<vmem>> -> memref<64xi32, #tpu.memory_space<vmem>>
        %dma_start3A_662 = arith.constant 0 : i32
        %dma_start3A_663 = arith.constant 0 : i32
        %dma_start3A_664 = tpu.memref_slice %arg2[%dma_start3A_662, %dma_start3A_663] : memref<10240x64xi32, #tpu.memory_space<hbm>> -> memref<10240x64xi32, #tpu.memory_space<hbm>>
        tpu.enqueue_indirect_dma source(%dma_start3A_664 : memref<10240x64xi32, #tpu.memory_space<hbm>>) target(%arg9 : memref<64x64xi32, #tpu.memory_space<vmem>>) offsets(%dma_start3A_661 : memref<64xi32, #tpu.memory_space<vmem>>) semaphore(%arg13 : memref<!tpu.dma_semaphore, #tpu.memory_space<semaphore_mem>>)
      } else {
      }
      %dma_start3A_545 = arith.constant 5 : i32
      %dma_start3A_546 = arith.constant 0 : i32
      %dma_start3A_547 = tpu.memref_slice %arg7[%dma_start3A_545, %dma_start3A_546] : memref<8x64xi32, #tpu.memory_space<vmem>> -> memref<1x64xi32, #tpu.memory_space<vmem>>
      %dma_start3A_548 = tpu.memref_squeeze %dma_start3A_547 : memref<1x64xi32, #tpu.memory_space<vmem>> -> memref<64xi32, #tpu.memory_space<vmem>>
      %dma_start3A_549 = arith.constant 0 : i32
      %dma_start3A_550 = arith.constant 0 : i32
      %dma_start3A_551 = tpu.memref_slice %arg16[%dma_start3A_549, %dma_start3A_550] : memref<10112x128xf32, #tpu.memory_space<vmem_shared>> -> memref<10112x128xf32, #tpu.memory_space<vmem_shared>>
      tpu.enqueue_indirect_dma source(%arg11 : memref<64x128xf32, #tpu.memory_space<vmem>>) target(%dma_start3A_551 : memref<10112x128xf32, #tpu.memory_space<vmem_shared>>) offsets(%dma_start3A_548 : memref<64xi32, #tpu.memory_space<vmem>>) semaphore(%arg15 : memref<!tpu.dma_semaphore, #tpu.memory_space<semaphore_mem>>) {add = true}
      %add3A_552 = arith.constant 6 : i32
      %add3A_553 = arith.addi %add3A_323, %add3A_552 : i32
      %dma_wait3A_554 = arith.constant 6 : i32
      %dma_wait3A_555 = arith.constant 0 : i32
      %dma_wait3A_556 = tpu.memref_slice %arg6[%dma_wait3A_554, %dma_wait3A_555] : memref<8x64xi32, #tpu.memory_space<vmem>> -> memref<1x64xi32, #tpu.memory_space<vmem>>
      %dma_wait3A_557 = tpu.memref_squeeze %dma_wait3A_556 : memref<1x64xi32, #tpu.memory_space<vmem>> -> memref<64xi32, #tpu.memory_space<vmem>>
      %dma_wait3A_558 = arith.constant 0 : i32
      %dma_wait3A_559 = arith.constant 0 : i32
      %dma_wait3A_560 = tpu.memref_slice %arg2[%dma_wait3A_558, %dma_wait3A_559] : memref<10240x64xi32, #tpu.memory_space<hbm>> -> memref<10240x64xi32, #tpu.memory_space<hbm>>
      tpu.wait_indirect_dma semaphore(%arg12 : memref<!tpu.dma_semaphore, #tpu.memory_space<semaphore_mem>>) src(%dma_wait3A_560 : memref<10240x64xi32, #tpu.memory_space<hbm>>) dst(%arg8 : memref<64x64xi32, #tpu.memory_space<vmem>>)
      %ge3A_561 = arith.constant 2 : i32
      %ge3A_562 = arith.cmpi sge, %add3A_553, %ge3A_561 : i32
      %convert_element_type3A_563 = arith.extui %ge3A_562 : i1 to i32
      %cond3A_564 = arith.constant 0 : i32
      %cond3A_565 = arith.cmpi ne, %convert_element_type3A_563, %cond3A_564 : i32
      scf.if %cond3A_565 {
        %dma_wait3A_630 = arith.constant 4 : i32
        %dma_wait3A_631 = arith.constant 0 : i32
        %dma_wait3A_632 = tpu.memref_slice %arg7[%dma_wait3A_630, %dma_wait3A_631] : memref<8x64xi32, #tpu.memory_space<vmem>> -> memref<1x64xi32, #tpu.memory_space<vmem>>
        %dma_wait3A_633 = tpu.memref_squeeze %dma_wait3A_632 : memref<1x64xi32, #tpu.memory_space<vmem>> -> memref<64xi32, #tpu.memory_space<vmem>>
        %dma_wait3A_634 = arith.constant 0 : i32
        %dma_wait3A_635 = arith.constant 0 : i32
        %dma_wait3A_636 = tpu.memref_slice %arg16[%dma_wait3A_634, %dma_wait3A_635] : memref<10112x128xf32, #tpu.memory_space<vmem_shared>> -> memref<10112x128xf32, #tpu.memory_space<vmem_shared>>
        tpu.wait_indirect_dma semaphore(%arg14 : memref<!tpu.dma_semaphore, #tpu.memory_space<semaphore_mem>>) src(%arg10 : memref<64x128xf32, #tpu.memory_space<vmem>>) dst(%dma_wait3A_636 : memref<10112x128xf32, #tpu.memory_space<vmem_shared>>)
      } else {
      }
      %ge3A_566 = arith.constant 2 : i32
      %ge3A_567 = arith.cmpi sge, %add3A_553, %ge3A_566 : i32
      %add3A_568 = arith.constant 6 : i32
      %add3A_569 = arith.addi %add3A_553, %add3A_568 : i32
      %lt3A_570 = arith.cmpi slt, %add3A_569, %min3A_6 : i32
      %and3A_571 = arith.andi %ge3A_567, %lt3A_570 : i1
      %convert_element_type3A_572 = arith.extui %and3A_571 : i1 to i32
      %cond3A_573 = arith.constant 0 : i32
      %cond3A_574 = arith.cmpi ne, %convert_element_type3A_572, %cond3A_573 : i32
      scf.if %cond3A_574 {
        %add3A_630 = arith.constant 6 : i32
        %add3A_631 = arith.addi %add3A_553, %add3A_630 : i32
        %mul3A_632 = arith.constant 64 : i32
        %mul3A_633 = arith.muli %add3A_631, %mul3A_632 : i32
        %add3A_634 = arith.addi %mul3A_2, %mul3A_633 : i32
        %dma_start3A_635 = arith.constant 0 : i32
        %dma_start3A_636 = arith.constant 4 : i32
        %dma_start3A_637 = arith.constant 0 : i32
        %dma_start3A_638 = tpu.memref_slice %arg6[%dma_start3A_636, %dma_start3A_637] : memref<8x64xi32, #tpu.memory_space<vmem>> -> memref<1x64xi32, #tpu.memory_space<vmem>>
        %dma_start3A_639 = tpu.memref_squeeze %dma_start3A_638 : memref<1x64xi32, #tpu.memory_space<vmem>> -> memref<64xi32, #tpu.memory_space<vmem>>
        %dma_start3A_640 = tpu.memref_slice %arg3[%dma_start3A_635, %add3A_634] : memref<2x320000xi32, #tpu.memory_space<hbm>> -> memref<1x64xi32, #tpu.memory_space<hbm>>
        %dma_start3A_641 = tpu.memref_squeeze %dma_start3A_640 : memref<1x64xi32, #tpu.memory_space<hbm>> -> memref<64xi32, #tpu.memory_space<hbm>>
        %dma_start3A_642 = arith.constant 0 : i32
        %dma_start3A_643 = tpu.memref_slice %arg6[%dma_start3A_636, %dma_start3A_642] : memref<8x64xi32, #tpu.memory_space<vmem>> -> memref<1x64xi32, #tpu.memory_space<vmem>>
        %dma_start3A_644 = tpu.memref_squeeze %dma_start3A_643 : memref<1x64xi32, #tpu.memory_space<vmem>> -> memref<64xi32, #tpu.memory_space<vmem>>
        %dma_start3A_645 = tpu.memref_slice %arg3[%dma_start3A_635, %add3A_634] : memref<2x320000xi32, #tpu.memory_space<hbm>> -> memref<1x64xi32, #tpu.memory_space<hbm>>
        %dma_start3A_646 = tpu.memref_squeeze %dma_start3A_645 : memref<1x64xi32, #tpu.memory_space<hbm>> -> memref<64xi32, #tpu.memory_space<hbm>>
        tpu.enqueue_dma source(%dma_start3A_646 : memref<64xi32, #tpu.memory_space<hbm>>) target(%dma_start3A_644 : memref<64xi32, #tpu.memory_space<vmem>>) target_semaphore(%arg21 : memref<!tpu.dma_semaphore, #tpu.memory_space<semaphore_mem>>)
        %dma_start3A_647 = arith.constant 1 : i32
        %dma_start3A_648 = arith.constant 4 : i32
        %dma_start3A_649 = arith.constant 0 : i32
        %dma_start3A_650 = tpu.memref_slice %arg7[%dma_start3A_648, %dma_start3A_649] : memref<8x64xi32, #tpu.memory_space<vmem>> -> memref<1x64xi32, #tpu.memory_space<vmem>>
        %dma_start3A_651 = tpu.memref_squeeze %dma_start3A_650 : memref<1x64xi32, #tpu.memory_space<vmem>> -> memref<64xi32, #tpu.memory_space<vmem>>
        %dma_start3A_652 = tpu.memref_slice %arg3[%dma_start3A_647, %add3A_634] : memref<2x320000xi32, #tpu.memory_space<hbm>> -> memref<1x64xi32, #tpu.memory_space<hbm>>
        %dma_start3A_653 = tpu.memref_squeeze %dma_start3A_652 : memref<1x64xi32, #tpu.memory_space<hbm>> -> memref<64xi32, #tpu.memory_space<hbm>>
        %dma_start3A_654 = arith.constant 0 : i32
        %dma_start3A_655 = tpu.memref_slice %arg7[%dma_start3A_648, %dma_start3A_654] : memref<8x64xi32, #tpu.memory_space<vmem>> -> memref<1x64xi32, #tpu.memory_space<vmem>>
        %dma_start3A_656 = tpu.memref_squeeze %dma_start3A_655 : memref<1x64xi32, #tpu.memory_space<vmem>> -> memref<64xi32, #tpu.memory_space<vmem>>
        %dma_start3A_657 = tpu.memref_slice %arg3[%dma_start3A_647, %add3A_634] : memref<2x320000xi32, #tpu.memory_space<hbm>> -> memref<1x64xi32, #tpu.memory_space<hbm>>
        %dma_start3A_658 = tpu.memref_squeeze %dma_start3A_657 : memref<1x64xi32, #tpu.memory_space<hbm>> -> memref<64xi32, #tpu.memory_space<hbm>>
        tpu.enqueue_dma source(%dma_start3A_658 : memref<64xi32, #tpu.memory_space<hbm>>) target(%dma_start3A_656 : memref<64xi32, #tpu.memory_space<vmem>>) target_semaphore(%arg21 : memref<!tpu.dma_semaphore, #tpu.memory_space<semaphore_mem>>)
      } else {
      }
      %parallel_loop3A_575 = arith.constant 0 : i32
      %parallel_loop3A_576 = arith.constant 64 : i32
      %parallel_loop3A_577 = arith.constant 1 : i32
      scf.for %parallel_loop3A_630 = %parallel_loop3A_575 to %parallel_loop3A_576 step %parallel_loop3A_577  : i32 {
        %parallel_loop3A_631 = arith.index_cast %parallel_loop3A_630 : i32 to index
        %parallel_loop3A_632 = arith.constant 0 : index
        %parallel_loop3A_633 = tpu.vector_load %arg8[%parallel_loop3A_631, %parallel_loop3A_632] {strides = array<i32>} : memref<64x64xi32, #tpu.memory_space<vmem>>, vector<16xi32>,
        %parallel_loop3A_634 = arith.constant 16 : i32
        %parallel_loop3A_635 = vector.broadcast %parallel_loop3A_634 : i32 to vector<16xi32>
        %parallel_loop3A_636 = arith.shli %parallel_loop3A_633, %parallel_loop3A_635 : vector<16xi32>
        %parallel_loop3A_637 = vector.bitcast %parallel_loop3A_636 : vector<16xi32> to vector<16xf32>
        %parallel_loop3A_638 = arith.constant -65536 : i32
        %parallel_loop3A_639 = vector.broadcast %parallel_loop3A_638 : i32 to vector<16xi32>
        %parallel_loop3A_640 = arith.andi %parallel_loop3A_633, %parallel_loop3A_639 : vector<16xi32>
        %parallel_loop3A_641 = vector.bitcast %parallel_loop3A_640 : vector<16xi32> to vector<16xf32>
        %parallel_loop3A_642 = arith.index_cast %parallel_loop3A_630 : i32 to index
        %parallel_loop3A_643 = arith.constant 0 : index
        %parallel_loop3A_644 = tpu.vector_load %arg10[%parallel_loop3A_642, %parallel_loop3A_643] {strides = array<i32>} : memref<64x128xf32, #tpu.memory_space<vmem>>, vector<16xf32>,
        tpu.vector_store %arg10[%parallel_loop3A_642, %parallel_loop3A_643], %parallel_loop3A_637 {strides = array<i32>} : memref<64x128xf32, #tpu.memory_space<vmem>>, vector<16xf32>,
        %parallel_loop3A_645 = arith.index_cast %parallel_loop3A_630 : i32 to index
        %parallel_loop3A_646 = arith.constant 16 : index
        %parallel_loop3A_647 = tpu.vector_load %arg10[%parallel_loop3A_645, %parallel_loop3A_646] {strides = array<i32>} : memref<64x128xf32, #tpu.memory_space<vmem>>, vector<16xf32>,
        tpu.vector_store %arg10[%parallel_loop3A_645, %parallel_loop3A_646], %parallel_loop3A_641 {strides = array<i32>} : memref<64x128xf32, #tpu.memory_space<vmem>>, vector<16xf32>,
        %parallel_loop3A_648 = arith.index_cast %parallel_loop3A_630 : i32 to index
        %parallel_loop3A_649 = arith.constant 16 : index
        %parallel_loop3A_650 = tpu.vector_load %arg8[%parallel_loop3A_648, %parallel_loop3A_649] {strides = array<i32>} : memref<64x64xi32, #tpu.memory_space<vmem>>, vector<16xi32>,
        %parallel_loop3A_651 = arith.constant 16 : i32
        %parallel_loop3A_652 = vector.broadcast %parallel_loop3A_651 : i32 to vector<16xi32>
        %parallel_loop3A_653 = arith.shli %parallel_loop3A_650, %parallel_loop3A_652 : vector<16xi32>
        %parallel_loop3A_654 = vector.bitcast %parallel_loop3A_653 : vector<16xi32> to vector<16xf32>
        %parallel_loop3A_655 = arith.constant -65536 : i32
        %parallel_loop3A_656 = vector.broadcast %parallel_loop3A_655 : i32 to vector<16xi32>
        %parallel_loop3A_657 = arith.andi %parallel_loop3A_650, %parallel_loop3A_656 : vector<16xi32>
        %parallel_loop3A_658 = vector.bitcast %parallel_loop3A_657 : vector<16xi32> to vector<16xf32>
        %parallel_loop3A_659 = arith.index_cast %parallel_loop3A_630 : i32 to index
        %parallel_loop3A_660 = arith.constant 32 : index
        %parallel_loop3A_661 = tpu.vector_load %arg10[%parallel_loop3A_659, %parallel_loop3A_660] {strides = array<i32>} : memref<64x128xf32, #tpu.memory_space<vmem>>, vector<16xf32>,
        tpu.vector_store %arg10[%parallel_loop3A_659, %parallel_loop3A_660], %parallel_loop3A_654 {strides = array<i32>} : memref<64x128xf32, #tpu.memory_space<vmem>>, vector<16xf32>,
        %parallel_loop3A_662 = arith.index_cast %parallel_loop3A_630 : i32 to index
        %parallel_loop3A_663 = arith.constant 48 : index
        %parallel_loop3A_664 = tpu.vector_load %arg10[%parallel_loop3A_662, %parallel_loop3A_663] {strides = array<i32>} : memref<64x128xf32, #tpu.memory_space<vmem>>, vector<16xf32>,
        tpu.vector_store %arg10[%parallel_loop3A_662, %parallel_loop3A_663], %parallel_loop3A_658 {strides = array<i32>} : memref<64x128xf32, #tpu.memory_space<vmem>>, vector<16xf32>,
        %parallel_loop3A_665 = arith.index_cast %parallel_loop3A_630 : i32 to index
        %parallel_loop3A_666 = arith.constant 32 : index
        %parallel_loop3A_667 = tpu.vector_load %arg8[%parallel_loop3A_665, %parallel_loop3A_666] {strides = array<i32>} : memref<64x64xi32, #tpu.memory_space<vmem>>, vector<16xi32>,
        %parallel_loop3A_668 = arith.constant 16 : i32
        %parallel_loop3A_669 = vector.broadcast %parallel_loop3A_668 : i32 to vector<16xi32>
        %parallel_loop3A_670 = arith.shli %parallel_loop3A_667, %parallel_loop3A_669 : vector<16xi32>
        %parallel_loop3A_671 = vector.bitcast %parallel_loop3A_670 : vector<16xi32> to vector<16xf32>
        %parallel_loop3A_672 = arith.constant -65536 : i32
        %parallel_loop3A_673 = vector.broadcast %parallel_loop3A_672 : i32 to vector<16xi32>
        %parallel_loop3A_674 = arith.andi %parallel_loop3A_667, %parallel_loop3A_673 : vector<16xi32>
        %parallel_loop3A_675 = vector.bitcast %parallel_loop3A_674 : vector<16xi32> to vector<16xf32>
        %parallel_loop3A_676 = arith.index_cast %parallel_loop3A_630 : i32 to index
        %parallel_loop3A_677 = arith.constant 64 : index
        %parallel_loop3A_678 = tpu.vector_load %arg10[%parallel_loop3A_676, %parallel_loop3A_677] {strides = array<i32>} : memref<64x128xf32, #tpu.memory_space<vmem>>, vector<16xf32>,
        tpu.vector_store %arg10[%parallel_loop3A_676, %parallel_loop3A_677], %parallel_loop3A_671 {strides = array<i32>} : memref<64x128xf32, #tpu.memory_space<vmem>>, vector<16xf32>,
        %parallel_loop3A_679 = arith.index_cast %parallel_loop3A_630 : i32 to index
        %parallel_loop3A_680 = arith.constant 80 : index
        %parallel_loop3A_681 = tpu.vector_load %arg10[%parallel_loop3A_679, %parallel_loop3A_680] {strides = array<i32>} : memref<64x128xf32, #tpu.memory_space<vmem>>, vector<16xf32>,
        tpu.vector_store %arg10[%parallel_loop3A_679, %parallel_loop3A_680], %parallel_loop3A_675 {strides = array<i32>} : memref<64x128xf32, #tpu.memory_space<vmem>>, vector<16xf32>,
        %parallel_loop3A_682 = arith.index_cast %parallel_loop3A_630 : i32 to index
        %parallel_loop3A_683 = arith.constant 48 : index
        %parallel_loop3A_684 = tpu.vector_load %arg8[%parallel_loop3A_682, %parallel_loop3A_683] {strides = array<i32>} : memref<64x64xi32, #tpu.memory_space<vmem>>, vector<16xi32>,
        %parallel_loop3A_685 = arith.constant 16 : i32
        %parallel_loop3A_686 = vector.broadcast %parallel_loop3A_685 : i32 to vector<16xi32>
        %parallel_loop3A_687 = arith.shli %parallel_loop3A_684, %parallel_loop3A_686 : vector<16xi32>
        %parallel_loop3A_688 = vector.bitcast %parallel_loop3A_687 : vector<16xi32> to vector<16xf32>
        %parallel_loop3A_689 = arith.constant -65536 : i32
        %parallel_loop3A_690 = vector.broadcast %parallel_loop3A_689 : i32 to vector<16xi32>
        %parallel_loop3A_691 = arith.andi %parallel_loop3A_684, %parallel_loop3A_690 : vector<16xi32>
        %parallel_loop3A_692 = vector.bitcast %parallel_loop3A_691 : vector<16xi32> to vector<16xf32>
        %parallel_loop3A_693 = arith.index_cast %parallel_loop3A_630 : i32 to index
        %parallel_loop3A_694 = arith.constant 96 : index
        %parallel_loop3A_695 = tpu.vector_load %arg10[%parallel_loop3A_693, %parallel_loop3A_694] {strides = array<i32>} : memref<64x128xf32, #tpu.memory_space<vmem>>, vector<16xf32>,
        tpu.vector_store %arg10[%parallel_loop3A_693, %parallel_loop3A_694], %parallel_loop3A_688 {strides = array<i32>} : memref<64x128xf32, #tpu.memory_space<vmem>>, vector<16xf32>,
        %parallel_loop3A_696 = arith.index_cast %parallel_loop3A_630 : i32 to index
        %parallel_loop3A_697 = arith.constant 112 : index
        %parallel_loop3A_698 = tpu.vector_load %arg10[%parallel_loop3A_696, %parallel_loop3A_697] {strides = array<i32>} : memref<64x128xf32, #tpu.memory_space<vmem>>, vector<16xf32>,
        tpu.vector_store %arg10[%parallel_loop3A_696, %parallel_loop3A_697], %parallel_loop3A_692 {strides = array<i32>} : memref<64x128xf32, #tpu.memory_space<vmem>>, vector<16xf32>,
      } {sc.loop_unroll_factor = 4 : i64, sc.parallel_access}
      %add3A_578 = arith.constant 2 : i32
      %add3A_579 = arith.addi %add3A_553, %add3A_578 : i32
      %lt3A_580 = arith.cmpi slt, %add3A_579, %min3A_6 : i32
      %convert_element_type3A_581 = arith.extui %lt3A_580 : i1 to i32
      %cond3A_582 = arith.constant 0 : i32
      %cond3A_583 = arith.cmpi ne, %convert_element_type3A_581, %cond3A_582 : i32
      scf.if %cond3A_583 {
        %dma_wait3A_630 = arith.constant 0 : i32
        %dma_wait3A_631 = arith.constant 0 : i32
        %dma_wait3A_632 = arith.constant 0 : i32
        %dma_wait3A_633 = tpu.memref_slice %arg6[%dma_wait3A_631, %dma_wait3A_632] : memref<8x64xi32, #tpu.memory_space<vmem>> -> memref<1x64xi32, #tpu.memory_space<vmem>>
        %dma_wait3A_634 = tpu.memref_squeeze %dma_wait3A_633 : memref<1x64xi32, #tpu.memory_space<vmem>> -> memref<64xi32, #tpu.memory_space<vmem>>
        %dma_wait3A_635 = arith.constant 0 : i32
        %dma_wait3A_636 = tpu.memref_slice %arg3[%dma_wait3A_630, %dma_wait3A_635] : memref<2x320000xi32, #tpu.memory_space<hbm>> -> memref<1x64xi32, #tpu.memory_space<hbm>>
        %dma_wait3A_637 = tpu.memref_squeeze %dma_wait3A_636 : memref<1x64xi32, #tpu.memory_space<hbm>> -> memref<64xi32, #tpu.memory_space<hbm>>
        %dma_wait3A_638 = arith.constant 0 : i32
        %dma_wait3A_639 = tpu.memref_slice %arg6[%dma_wait3A_631, %dma_wait3A_638] : memref<8x64xi32, #tpu.memory_space<vmem>> -> memref<1x64xi32, #tpu.memory_space<vmem>>
        %dma_wait3A_640 = tpu.memref_squeeze %dma_wait3A_639 : memref<1x64xi32, #tpu.memory_space<vmem>> -> memref<64xi32, #tpu.memory_space<vmem>>
        %dma_wait3A_641 = arith.constant 0 : i32
        %dma_wait3A_642 = tpu.memref_slice %arg3[%dma_wait3A_630, %dma_wait3A_641] : memref<2x320000xi32, #tpu.memory_space<hbm>> -> memref<1x64xi32, #tpu.memory_space<hbm>>
        %dma_wait3A_643 = tpu.memref_squeeze %dma_wait3A_642 : memref<1x64xi32, #tpu.memory_space<hbm>> -> memref<64xi32, #tpu.memory_space<hbm>>
        tpu.wait_dma2 semaphore(%arg17 : memref<!tpu.dma_semaphore, #tpu.memory_space<semaphore_mem>>) src(%dma_wait3A_643 : memref<64xi32, #tpu.memory_space<hbm>>) dst(%dma_wait3A_640 : memref<64xi32, #tpu.memory_space<vmem>>)
        %dma_wait3A_644 = arith.constant 0 : i32
        %dma_wait3A_645 = arith.constant 0 : i32
        %dma_wait3A_646 = arith.constant 0 : i32
        %dma_wait3A_647 = tpu.memref_slice %arg7[%dma_wait3A_645, %dma_wait3A_646] : memref<8x64xi32, #tpu.memory_space<vmem>> -> memref<1x64xi32, #tpu.memory_space<vmem>>
        %dma_wait3A_648 = tpu.memref_squeeze %dma_wait3A_647 : memref<1x64xi32, #tpu.memory_space<vmem>> -> memref<64xi32, #tpu.memory_space<vmem>>
        %dma_wait3A_649 = arith.constant 0 : i32
        %dma_wait3A_650 = tpu.memref_slice %arg3[%dma_wait3A_644, %dma_wait3A_649] : memref<2x320000xi32, #tpu.memory_space<hbm>> -> memref<1x64xi32, #tpu.memory_space<hbm>>
        %dma_wait3A_651 = tpu.memref_squeeze %dma_wait3A_650 : memref<1x64xi32, #tpu.memory_space<hbm>> -> memref<64xi32, #tpu.memory_space<hbm>>
        %dma_wait3A_652 = arith.constant 0 : i32
        %dma_wait3A_653 = tpu.memref_slice %arg7[%dma_wait3A_645, %dma_wait3A_652] : memref<8x64xi32, #tpu.memory_space<vmem>> -> memref<1x64xi32, #tpu.memory_space<vmem>>
        %dma_wait3A_654 = tpu.memref_squeeze %dma_wait3A_653 : memref<1x64xi32, #tpu.memory_space<vmem>> -> memref<64xi32, #tpu.memory_space<vmem>>
        %dma_wait3A_655 = arith.constant 0 : i32
        %dma_wait3A_656 = tpu.memref_slice %arg3[%dma_wait3A_644, %dma_wait3A_655] : memref<2x320000xi32, #tpu.memory_space<hbm>> -> memref<1x64xi32, #tpu.memory_space<hbm>>
        %dma_wait3A_657 = tpu.memref_squeeze %dma_wait3A_656 : memref<1x64xi32, #tpu.memory_space<hbm>> -> memref<64xi32, #tpu.memory_space<hbm>>
        tpu.wait_dma2 semaphore(%arg17 : memref<!tpu.dma_semaphore, #tpu.memory_space<semaphore_mem>>) src(%dma_wait3A_657 : memref<64xi32, #tpu.memory_space<hbm>>) dst(%dma_wait3A_654 : memref<64xi32, #tpu.memory_space<vmem>>)
        %dma_start3A_658 = arith.constant 0 : i32
        %dma_start3A_659 = arith.constant 0 : i32
        %dma_start3A_660 = tpu.memref_slice %arg6[%dma_start3A_658, %dma_start3A_659] : memref<8x64xi32, #tpu.memory_space<vmem>> -> memref<1x64xi32, #tpu.memory_space<vmem>>
        %dma_start3A_661 = tpu.memref_squeeze %dma_start3A_660 : memref<1x64xi32, #tpu.memory_space<vmem>> -> memref<64xi32, #tpu.memory_space<vmem>>
        %dma_start3A_662 = arith.constant 0 : i32
        %dma_start3A_663 = arith.constant 0 : i32
        %dma_start3A_664 = tpu.memref_slice %arg2[%dma_start3A_662, %dma_start3A_663] : memref<10240x64xi32, #tpu.memory_space<hbm>> -> memref<10240x64xi32, #tpu.memory_space<hbm>>
        tpu.enqueue_indirect_dma source(%dma_start3A_664 : memref<10240x64xi32, #tpu.memory_space<hbm>>) target(%arg8 : memref<64x64xi32, #tpu.memory_space<vmem>>) offsets(%dma_start3A_661 : memref<64xi32, #tpu.memory_space<vmem>>) semaphore(%arg12 : memref<!tpu.dma_semaphore, #tpu.memory_space<semaphore_mem>>)
      } else {
      }
      %dma_start3A_584 = arith.constant 6 : i32
      %dma_start3A_585 = arith.constant 0 : i32
      %dma_start3A_586 = tpu.memref_slice %arg7[%dma_start3A_584, %dma_start3A_585] : memref<8x64xi32, #tpu.memory_space<vmem>> -> memref<1x64xi32, #tpu.memory_space<vmem>>
      %dma_start3A_587 = tpu.memref_squeeze %dma_start3A_586 : memref<1x64xi32, #tpu.memory_space<vmem>> -> memref<64xi32, #tpu.memory_space<vmem>>
      %dma_start3A_588 = arith.constant 0 : i32
      %dma_start3A_589 = arith.constant 0 : i32
      %dma_start3A_590 = tpu.memref_slice %arg16[%dma_start3A_588, %dma_start3A_589] : memref<10112x128xf32, #tpu.memory_space<vmem_shared>> -> memref<10112x128xf32, #tpu.memory_space<vmem_shared>>
      tpu.enqueue_indirect_dma source(%arg10 : memref<64x128xf32, #tpu.memory_space<vmem>>) target(%dma_start3A_590 : memref<10112x128xf32, #tpu.memory_space<vmem_shared>>) offsets(%dma_start3A_587 : memref<64xi32, #tpu.memory_space<vmem>>) semaphore(%arg14 : memref<!tpu.dma_semaphore, #tpu.memory_space<semaphore_mem>>) {add = true}
      %add3A_591 = arith.constant 7 : i32
      %add3A_592 = arith.addi %add3A_323, %add3A_591 : i32
      %dma_wait3A_593 = arith.constant 7 : i32
      %dma_wait3A_594 = arith.constant 0 : i32
      %dma_wait3A_595 = tpu.memref_slice %arg6[%dma_wait3A_593, %dma_wait3A_594] : memref<8x64xi32, #tpu.memory_space<vmem>> -> memref<1x64xi32, #tpu.memory_space<vmem>>
      %dma_wait3A_596 = tpu.memref_squeeze %dma_wait3A_595 : memref<1x64xi32, #tpu.memory_space<vmem>> -> memref<64xi32, #tpu.memory_space<vmem>>
      %dma_wait3A_597 = arith.constant 0 : i32
      %dma_wait3A_598 = arith.constant 0 : i32
      %dma_wait3A_599 = tpu.memref_slice %arg2[%dma_wait3A_597, %dma_wait3A_598] : memref<10240x64xi32, #tpu.memory_space<hbm>> -> memref<10240x64xi32, #tpu.memory_space<hbm>>
      tpu.wait_indirect_dma semaphore(%arg13 : memref<!tpu.dma_semaphore, #tpu.memory_space<semaphore_mem>>) src(%dma_wait3A_599 : memref<10240x64xi32, #tpu.memory_space<hbm>>) dst(%arg9 : memref<64x64xi32, #tpu.memory_space<vmem>>)
      %ge3A_600 = arith.constant 2 : i32
      %ge3A_601 = arith.cmpi sge, %add3A_592, %ge3A_600 : i32
      %convert_element_type3A_602 = arith.extui %ge3A_601 : i1 to i32
      %cond3A_603 = arith.constant 0 : i32
      %cond3A_604 = arith.cmpi ne, %convert_element_type3A_602, %cond3A_603 : i32
      scf.if %cond3A_604 {
        %dma_wait3A_630 = arith.constant 5 : i32
        %dma_wait3A_631 = arith.constant 0 : i32
        %dma_wait3A_632 = tpu.memref_slice %arg7[%dma_wait3A_630, %dma_wait3A_631] : memref<8x64xi32, #tpu.memory_space<vmem>> -> memref<1x64xi32, #tpu.memory_space<vmem>>
        %dma_wait3A_633 = tpu.memref_squeeze %dma_wait3A_632 : memref<1x64xi32, #tpu.memory_space<vmem>> -> memref<64xi32, #tpu.memory_space<vmem>>
        %dma_wait3A_634 = arith.constant 0 : i32
        %dma_wait3A_635 = arith.constant 0 : i32
        %dma_wait3A_636 = tpu.memref_slice %arg16[%dma_wait3A_634, %dma_wait3A_635] : memref<10112x128xf32, #tpu.memory_space<vmem_shared>> -> memref<10112x128xf32, #tpu.memory_space<vmem_shared>>
        tpu.wait_indirect_dma semaphore(%arg15 : memref<!tpu.dma_semaphore, #tpu.memory_space<semaphore_mem>>) src(%arg11 : memref<64x128xf32, #tpu.memory_space<vmem>>) dst(%dma_wait3A_636 : memref<10112x128xf32, #tpu.memory_space<vmem_shared>>)
      } else {
      }
      %ge3A_605 = arith.constant 2 : i32
      %ge3A_606 = arith.cmpi sge, %add3A_592, %ge3A_605 : i32
      %add3A_607 = arith.constant 6 : i32
      %add3A_608 = arith.addi %add3A_592, %add3A_607 : i32
      %lt3A_609 = arith.cmpi slt, %add3A_608, %min3A_6 : i32
      %and3A_610 = arith.andi %ge3A_606, %lt3A_609 : i1
      %convert_element_type3A_611 = arith.extui %and3A_610 : i1 to i32
      %cond3A_612 = arith.constant 0 : i32
      %cond3A_613 = arith.cmpi ne, %convert_element_type3A_611, %cond3A_612 : i32
      scf.if %cond3A_613 {
        %add3A_630 = arith.constant 6 : i32
        %add3A_631 = arith.addi %add3A_592, %add3A_630 : i32
        %mul3A_632 = arith.constant 64 : i32
        %mul3A_633 = arith.muli %add3A_631, %mul3A_632 : i32
        %add3A_634 = arith.addi %mul3A_2, %mul3A_633 : i32
        %dma_start3A_635 = arith.constant 0 : i32
        %dma_start3A_636 = arith.constant 5 : i32
        %dma_start3A_637 = arith.constant 0 : i32
        %dma_start3A_638 = tpu.memref_slice %arg6[%dma_start3A_636, %dma_start3A_637] : memref<8x64xi32, #tpu.memory_space<vmem>> -> memref<1x64xi32, #tpu.memory_space<vmem>>
        %dma_start3A_639 = tpu.memref_squeeze %dma_start3A_638 : memref<1x64xi32, #tpu.memory_space<vmem>> -> memref<64xi32, #tpu.memory_space<vmem>>
        %dma_start3A_640 = tpu.memref_slice %arg3[%dma_start3A_635, %add3A_634] : memref<2x320000xi32, #tpu.memory_space<hbm>> -> memref<1x64xi32, #tpu.memory_space<hbm>>
        %dma_start3A_641 = tpu.memref_squeeze %dma_start3A_640 : memref<1x64xi32, #tpu.memory_space<hbm>> -> memref<64xi32, #tpu.memory_space<hbm>>
        %dma_start3A_642 = arith.constant 0 : i32
        %dma_start3A_643 = tpu.memref_slice %arg6[%dma_start3A_636, %dma_start3A_642] : memref<8x64xi32, #tpu.memory_space<vmem>> -> memref<1x64xi32, #tpu.memory_space<vmem>>
        %dma_start3A_644 = tpu.memref_squeeze %dma_start3A_643 : memref<1x64xi32, #tpu.memory_space<vmem>> -> memref<64xi32, #tpu.memory_space<vmem>>
        %dma_start3A_645 = tpu.memref_slice %arg3[%dma_start3A_635, %add3A_634] : memref<2x320000xi32, #tpu.memory_space<hbm>> -> memref<1x64xi32, #tpu.memory_space<hbm>>
        %dma_start3A_646 = tpu.memref_squeeze %dma_start3A_645 : memref<1x64xi32, #tpu.memory_space<hbm>> -> memref<64xi32, #tpu.memory_space<hbm>>
        tpu.enqueue_dma source(%dma_start3A_646 : memref<64xi32, #tpu.memory_space<hbm>>) target(%dma_start3A_644 : memref<64xi32, #tpu.memory_space<vmem>>) target_semaphore(%arg22 : memref<!tpu.dma_semaphore, #tpu.memory_space<semaphore_mem>>)
        %dma_start3A_647 = arith.constant 1 : i32
        %dma_start3A_648 = arith.constant 5 : i32
        %dma_start3A_649 = arith.constant 0 : i32
        %dma_start3A_650 = tpu.memref_slice %arg7[%dma_start3A_648, %dma_start3A_649] : memref<8x64xi32, #tpu.memory_space<vmem>> -> memref<1x64xi32, #tpu.memory_space<vmem>>
        %dma_start3A_651 = tpu.memref_squeeze %dma_start3A_650 : memref<1x64xi32, #tpu.memory_space<vmem>> -> memref<64xi32, #tpu.memory_space<vmem>>
        %dma_start3A_652 = tpu.memref_slice %arg3[%dma_start3A_647, %add3A_634] : memref<2x320000xi32, #tpu.memory_space<hbm>> -> memref<1x64xi32, #tpu.memory_space<hbm>>
        %dma_start3A_653 = tpu.memref_squeeze %dma_start3A_652 : memref<1x64xi32, #tpu.memory_space<hbm>> -> memref<64xi32, #tpu.memory_space<hbm>>
        %dma_start3A_654 = arith.constant 0 : i32
        %dma_start3A_655 = tpu.memref_slice %arg7[%dma_start3A_648, %dma_start3A_654] : memref<8x64xi32, #tpu.memory_space<vmem>> -> memref<1x64xi32, #tpu.memory_space<vmem>>
        %dma_start3A_656 = tpu.memref_squeeze %dma_start3A_655 : memref<1x64xi32, #tpu.memory_space<vmem>> -> memref<64xi32, #tpu.memory_space<vmem>>
        %dma_start3A_657 = tpu.memref_slice %arg3[%dma_start3A_647, %add3A_634] : memref<2x320000xi32, #tpu.memory_space<hbm>> -> memref<1x64xi32, #tpu.memory_space<hbm>>
        %dma_start3A_658 = tpu.memref_squeeze %dma_start3A_657 : memref<1x64xi32, #tpu.memory_space<hbm>> -> memref<64xi32, #tpu.memory_space<hbm>>
        tpu.enqueue_dma source(%dma_start3A_658 : memref<64xi32, #tpu.memory_space<hbm>>) target(%dma_start3A_656 : memref<64xi32, #tpu.memory_space<vmem>>) target_semaphore(%arg22 : memref<!tpu.dma_semaphore, #tpu.memory_space<semaphore_mem>>)
      } else {
      }
      %parallel_loop3A_614 = arith.constant 0 : i32
      %parallel_loop3A_615 = arith.constant 64 : i32
      %parallel_loop3A_616 = arith.constant 1 : i32
      scf.for %parallel_loop3A_630 = %parallel_loop3A_614 to %parallel_loop3A_615 step %parallel_loop3A_616  : i32 {
        %parallel_loop3A_631 = arith.index_cast %parallel_loop3A_630 : i32 to index
        %parallel_loop3A_632 = arith.constant 0 : index
        %parallel_loop3A_633 = tpu.vector_load %arg9[%parallel_loop3A_631, %parallel_loop3A_632] {strides = array<i32>} : memref<64x64xi32, #tpu.memory_space<vmem>>, vector<16xi32>,
        %parallel_loop3A_634 = arith.constant 16 : i32
        %parallel_loop3A_635 = vector.broadcast %parallel_loop3A_634 : i32 to vector<16xi32>
        %parallel_loop3A_636 = arith.shli %parallel_loop3A_633, %parallel_loop3A_635 : vector<16xi32>
        %parallel_loop3A_637 = vector.bitcast %parallel_loop3A_636 : vector<16xi32> to vector<16xf32>
        %parallel_loop3A_638 = arith.constant -65536 : i32
        %parallel_loop3A_639 = vector.broadcast %parallel_loop3A_638 : i32 to vector<16xi32>
        %parallel_loop3A_640 = arith.andi %parallel_loop3A_633, %parallel_loop3A_639 : vector<16xi32>
        %parallel_loop3A_641 = vector.bitcast %parallel_loop3A_640 : vector<16xi32> to vector<16xf32>
        %parallel_loop3A_642 = arith.index_cast %parallel_loop3A_630 : i32 to index
        %parallel_loop3A_643 = arith.constant 0 : index
        %parallel_loop3A_644 = tpu.vector_load %arg11[%parallel_loop3A_642, %parallel_loop3A_643] {strides = array<i32>} : memref<64x128xf32, #tpu.memory_space<vmem>>, vector<16xf32>,
        tpu.vector_store %arg11[%parallel_loop3A_642, %parallel_loop3A_643], %parallel_loop3A_637 {strides = array<i32>} : memref<64x128xf32, #tpu.memory_space<vmem>>, vector<16xf32>,
        %parallel_loop3A_645 = arith.index_cast %parallel_loop3A_630 : i32 to index
        %parallel_loop3A_646 = arith.constant 16 : index
        %parallel_loop3A_647 = tpu.vector_load %arg11[%parallel_loop3A_645, %parallel_loop3A_646] {strides = array<i32>} : memref<64x128xf32, #tpu.memory_space<vmem>>, vector<16xf32>,
        tpu.vector_store %arg11[%parallel_loop3A_645, %parallel_loop3A_646], %parallel_loop3A_641 {strides = array<i32>} : memref<64x128xf32, #tpu.memory_space<vmem>>, vector<16xf32>,
        %parallel_loop3A_648 = arith.index_cast %parallel_loop3A_630 : i32 to index
        %parallel_loop3A_649 = arith.constant 16 : index
        %parallel_loop3A_650 = tpu.vector_load %arg9[%parallel_loop3A_648, %parallel_loop3A_649] {strides = array<i32>} : memref<64x64xi32, #tpu.memory_space<vmem>>, vector<16xi32>,
        %parallel_loop3A_651 = arith.constant 16 : i32
        %parallel_loop3A_652 = vector.broadcast %parallel_loop3A_651 : i32 to vector<16xi32>
        %parallel_loop3A_653 = arith.shli %parallel_loop3A_650, %parallel_loop3A_652 : vector<16xi32>
        %parallel_loop3A_654 = vector.bitcast %parallel_loop3A_653 : vector<16xi32> to vector<16xf32>
        %parallel_loop3A_655 = arith.constant -65536 : i32
        %parallel_loop3A_656 = vector.broadcast %parallel_loop3A_655 : i32 to vector<16xi32>
        %parallel_loop3A_657 = arith.andi %parallel_loop3A_650, %parallel_loop3A_656 : vector<16xi32>
        %parallel_loop3A_658 = vector.bitcast %parallel_loop3A_657 : vector<16xi32> to vector<16xf32>
        %parallel_loop3A_659 = arith.index_cast %parallel_loop3A_630 : i32 to index
        %parallel_loop3A_660 = arith.constant 32 : index
        %parallel_loop3A_661 = tpu.vector_load %arg11[%parallel_loop3A_659, %parallel_loop3A_660] {strides = array<i32>} : memref<64x128xf32, #tpu.memory_space<vmem>>, vector<16xf32>,
        tpu.vector_store %arg11[%parallel_loop3A_659, %parallel_loop3A_660], %parallel_loop3A_654 {strides = array<i32>} : memref<64x128xf32, #tpu.memory_space<vmem>>, vector<16xf32>,
        %parallel_loop3A_662 = arith.index_cast %parallel_loop3A_630 : i32 to index
        %parallel_loop3A_663 = arith.constant 48 : index
        %parallel_loop3A_664 = tpu.vector_load %arg11[%parallel_loop3A_662, %parallel_loop3A_663] {strides = array<i32>} : memref<64x128xf32, #tpu.memory_space<vmem>>, vector<16xf32>,
        tpu.vector_store %arg11[%parallel_loop3A_662, %parallel_loop3A_663], %parallel_loop3A_658 {strides = array<i32>} : memref<64x128xf32, #tpu.memory_space<vmem>>, vector<16xf32>,
        %parallel_loop3A_665 = arith.index_cast %parallel_loop3A_630 : i32 to index
        %parallel_loop3A_666 = arith.constant 32 : index
        %parallel_loop3A_667 = tpu.vector_load %arg9[%parallel_loop3A_665, %parallel_loop3A_666] {strides = array<i32>} : memref<64x64xi32, #tpu.memory_space<vmem>>, vector<16xi32>,
        %parallel_loop3A_668 = arith.constant 16 : i32
        %parallel_loop3A_669 = vector.broadcast %parallel_loop3A_668 : i32 to vector<16xi32>
        %parallel_loop3A_670 = arith.shli %parallel_loop3A_667, %parallel_loop3A_669 : vector<16xi32>
        %parallel_loop3A_671 = vector.bitcast %parallel_loop3A_670 : vector<16xi32> to vector<16xf32>
        %parallel_loop3A_672 = arith.constant -65536 : i32
        %parallel_loop3A_673 = vector.broadcast %parallel_loop3A_672 : i32 to vector<16xi32>
        %parallel_loop3A_674 = arith.andi %parallel_loop3A_667, %parallel_loop3A_673 : vector<16xi32>
        %parallel_loop3A_675 = vector.bitcast %parallel_loop3A_674 : vector<16xi32> to vector<16xf32>
        %parallel_loop3A_676 = arith.index_cast %parallel_loop3A_630 : i32 to index
        %parallel_loop3A_677 = arith.constant 64 : index
        %parallel_loop3A_678 = tpu.vector_load %arg11[%parallel_loop3A_676, %parallel_loop3A_677] {strides = array<i32>} : memref<64x128xf32, #tpu.memory_space<vmem>>, vector<16xf32>,
        tpu.vector_store %arg11[%parallel_loop3A_676, %parallel_loop3A_677], %parallel_loop3A_671 {strides = array<i32>} : memref<64x128xf32, #tpu.memory_space<vmem>>, vector<16xf32>,
        %parallel_loop3A_679 = arith.index_cast %parallel_loop3A_630 : i32 to index
        %parallel_loop3A_680 = arith.constant 80 : index
        %parallel_loop3A_681 = tpu.vector_load %arg11[%parallel_loop3A_679, %parallel_loop3A_680] {strides = array<i32>} : memref<64x128xf32, #tpu.memory_space<vmem>>, vector<16xf32>,
        tpu.vector_store %arg11[%parallel_loop3A_679, %parallel_loop3A_680], %parallel_loop3A_675 {strides = array<i32>} : memref<64x128xf32, #tpu.memory_space<vmem>>, vector<16xf32>,
        %parallel_loop3A_682 = arith.index_cast %parallel_loop3A_630 : i32 to index
        %parallel_loop3A_683 = arith.constant 48 : index
        %parallel_loop3A_684 = tpu.vector_load %arg9[%parallel_loop3A_682, %parallel_loop3A_683] {strides = array<i32>} : memref<64x64xi32, #tpu.memory_space<vmem>>, vector<16xi32>,
        %parallel_loop3A_685 = arith.constant 16 : i32
        %parallel_loop3A_686 = vector.broadcast %parallel_loop3A_685 : i32 to vector<16xi32>
        %parallel_loop3A_687 = arith.shli %parallel_loop3A_684, %parallel_loop3A_686 : vector<16xi32>
        %parallel_loop3A_688 = vector.bitcast %parallel_loop3A_687 : vector<16xi32> to vector<16xf32>
        %parallel_loop3A_689 = arith.constant -65536 : i32
        %parallel_loop3A_690 = vector.broadcast %parallel_loop3A_689 : i32 to vector<16xi32>
        %parallel_loop3A_691 = arith.andi %parallel_loop3A_684, %parallel_loop3A_690 : vector<16xi32>
        %parallel_loop3A_692 = vector.bitcast %parallel_loop3A_691 : vector<16xi32> to vector<16xf32>
        %parallel_loop3A_693 = arith.index_cast %parallel_loop3A_630 : i32 to index
        %parallel_loop3A_694 = arith.constant 96 : index
        %parallel_loop3A_695 = tpu.vector_load %arg11[%parallel_loop3A_693, %parallel_loop3A_694] {strides = array<i32>} : memref<64x128xf32, #tpu.memory_space<vmem>>, vector<16xf32>,
        tpu.vector_store %arg11[%parallel_loop3A_693, %parallel_loop3A_694], %parallel_loop3A_688 {strides = array<i32>} : memref<64x128xf32, #tpu.memory_space<vmem>>, vector<16xf32>,
        %parallel_loop3A_696 = arith.index_cast %parallel_loop3A_630 : i32 to index
        %parallel_loop3A_697 = arith.constant 112 : index
        %parallel_loop3A_698 = tpu.vector_load %arg11[%parallel_loop3A_696, %parallel_loop3A_697] {strides = array<i32>} : memref<64x128xf32, #tpu.memory_space<vmem>>, vector<16xf32>,
        tpu.vector_store %arg11[%parallel_loop3A_696, %parallel_loop3A_697], %parallel_loop3A_692 {strides = array<i32>} : memref<64x128xf32, #tpu.memory_space<vmem>>, vector<16xf32>,
      } {sc.loop_unroll_factor = 4 : i64, sc.parallel_access}
      %add3A_617 = arith.constant 2 : i32
      %add3A_618 = arith.addi %add3A_592, %add3A_617 : i32
      %lt3A_619 = arith.cmpi slt, %add3A_618, %min3A_6 : i32
      %convert_element_type3A_620 = arith.extui %lt3A_619 : i1 to i32
      %cond3A_621 = arith.constant 0 : i32
      %cond3A_622 = arith.cmpi ne, %convert_element_type3A_620, %cond3A_621 : i32
      scf.if %cond3A_622 {
        %dma_wait3A_630 = arith.constant 0 : i32
        %dma_wait3A_631 = arith.constant 1 : i32
        %dma_wait3A_632 = arith.constant 0 : i32
        %dma_wait3A_633 = tpu.memref_slice %arg6[%dma_wait3A_631, %dma_wait3A_632] : memref<8x64xi32, #tpu.memory_space<vmem>> -> memref<1x64xi32, #tpu.memory_space<vmem>>
        %dma_wait3A_634 = tpu.memref_squeeze %dma_wait3A_633 : memref<1x64xi32, #tpu.memory_space<vmem>> -> memref<64xi32, #tpu.memory_space<vmem>>
        %dma_wait3A_635 = arith.constant 0 : i32
        %dma_wait3A_636 = tpu.memref_slice %arg3[%dma_wait3A_630, %dma_wait3A_635] : memref<2x320000xi32, #tpu.memory_space<hbm>> -> memref<1x64xi32, #tpu.memory_space<hbm>>
        %dma_wait3A_637 = tpu.memref_squeeze %dma_wait3A_636 : memref<1x64xi32, #tpu.memory_space<hbm>> -> memref<64xi32, #tpu.memory_space<hbm>>
        %dma_wait3A_638 = arith.constant 0 : i32
        %dma_wait3A_639 = tpu.memref_slice %arg6[%dma_wait3A_631, %dma_wait3A_638] : memref<8x64xi32, #tpu.memory_space<vmem>> -> memref<1x64xi32, #tpu.memory_space<vmem>>
        %dma_wait3A_640 = tpu.memref_squeeze %dma_wait3A_639 : memref<1x64xi32, #tpu.memory_space<vmem>> -> memref<64xi32, #tpu.memory_space<vmem>>
        %dma_wait3A_641 = arith.constant 0 : i32
        %dma_wait3A_642 = tpu.memref_slice %arg3[%dma_wait3A_630, %dma_wait3A_641] : memref<2x320000xi32, #tpu.memory_space<hbm>> -> memref<1x64xi32, #tpu.memory_space<hbm>>
        %dma_wait3A_643 = tpu.memref_squeeze %dma_wait3A_642 : memref<1x64xi32, #tpu.memory_space<hbm>> -> memref<64xi32, #tpu.memory_space<hbm>>
        tpu.wait_dma2 semaphore(%arg18 : memref<!tpu.dma_semaphore, #tpu.memory_space<semaphore_mem>>) src(%dma_wait3A_643 : memref<64xi32, #tpu.memory_space<hbm>>) dst(%dma_wait3A_640 : memref<64xi32, #tpu.memory_space<vmem>>)
        %dma_wait3A_644 = arith.constant 0 : i32
        %dma_wait3A_645 = arith.constant 1 : i32
        %dma_wait3A_646 = arith.constant 0 : i32
        %dma_wait3A_647 = tpu.memref_slice %arg7[%dma_wait3A_645, %dma_wait3A_646] : memref<8x64xi32, #tpu.memory_space<vmem>> -> memref<1x64xi32, #tpu.memory_space<vmem>>
        %dma_wait3A_648 = tpu.memref_squeeze %dma_wait3A_647 : memref<1x64xi32, #tpu.memory_space<vmem>> -> memref<64xi32, #tpu.memory_space<vmem>>
        %dma_wait3A_649 = arith.constant 0 : i32
        %dma_wait3A_650 = tpu.memref_slice %arg3[%dma_wait3A_644, %dma_wait3A_649] : memref<2x320000xi32, #tpu.memory_space<hbm>> -> memref<1x64xi32, #tpu.memory_space<hbm>>
        %dma_wait3A_651 = tpu.memref_squeeze %dma_wait3A_650 : memref<1x64xi32, #tpu.memory_space<hbm>> -> memref<64xi32, #tpu.memory_space<hbm>>
        %dma_wait3A_652 = arith.constant 0 : i32
        %dma_wait3A_653 = tpu.memref_slice %arg7[%dma_wait3A_645, %dma_wait3A_652] : memref<8x64xi32, #tpu.memory_space<vmem>> -> memref<1x64xi32, #tpu.memory_space<vmem>>
        %dma_wait3A_654 = tpu.memref_squeeze %dma_wait3A_653 : memref<1x64xi32, #tpu.memory_space<vmem>> -> memref<64xi32, #tpu.memory_space<vmem>>
        %dma_wait3A_655 = arith.constant 0 : i32
        %dma_wait3A_656 = tpu.memref_slice %arg3[%dma_wait3A_644, %dma_wait3A_655] : memref<2x320000xi32, #tpu.memory_space<hbm>> -> memref<1x64xi32, #tpu.memory_space<hbm>>
        %dma_wait3A_657 = tpu.memref_squeeze %dma_wait3A_656 : memref<1x64xi32, #tpu.memory_space<hbm>> -> memref<64xi32, #tpu.memory_space<hbm>>
        tpu.wait_dma2 semaphore(%arg18 : memref<!tpu.dma_semaphore, #tpu.memory_space<semaphore_mem>>) src(%dma_wait3A_657 : memref<64xi32, #tpu.memory_space<hbm>>) dst(%dma_wait3A_654 : memref<64xi32, #tpu.memory_space<vmem>>)
        %dma_start3A_658 = arith.constant 1 : i32
        %dma_start3A_659 = arith.constant 0 : i32
        %dma_start3A_660 = tpu.memref_slice %arg6[%dma_start3A_658, %dma_start3A_659] : memref<8x64xi32, #tpu.memory_space<vmem>> -> memref<1x64xi32, #tpu.memory_space<vmem>>
        %dma_start3A_661 = tpu.memref_squeeze %dma_start3A_660 : memref<1x64xi32, #tpu.memory_space<vmem>> -> memref<64xi32, #tpu.memory_space<vmem>>
        %dma_start3A_662 = arith.constant 0 : i32
        %dma_start3A_663 = arith.constant 0 : i32
        %dma_start3A_664 = tpu.memref_slice %arg2[%dma_start3A_662, %dma_start3A_663] : memref<10240x64xi32, #tpu.memory_space<hbm>> -> memref<10240x64xi32, #tpu.memory_space<hbm>>
        tpu.enqueue_indirect_dma source(%dma_start3A_664 : memref<10240x64xi32, #tpu.memory_space<hbm>>) target(%arg9 : memref<64x64xi32, #tpu.memory_space<vmem>>) offsets(%dma_start3A_661 : memref<64xi32, #tpu.memory_space<vmem>>) semaphore(%arg13 : memref<!tpu.dma_semaphore, #tpu.memory_space<semaphore_mem>>)
      } else {
      }
      %dma_start3A_623 = arith.constant 7 : i32
      %dma_start3A_624 = arith.constant 0 : i32
      %dma_start3A_625 = tpu.memref_slice %arg7[%dma_start3A_623, %dma_start3A_624] : memref<8x64xi32, #tpu.memory_space<vmem>> -> memref<1x64xi32, #tpu.memory_space<vmem>>
      %dma_start3A_626 = tpu.memref_squeeze %dma_start3A_625 : memref<1x64xi32, #tpu.memory_space<vmem>> -> memref<64xi32, #tpu.memory_space<vmem>>
      %dma_start3A_627 = arith.constant 0 : i32
      %dma_start3A_628 = arith.constant 0 : i32
      %dma_start3A_629 = tpu.memref_slice %arg16[%dma_start3A_627, %dma_start3A_628] : memref<10112x128xf32, #tpu.memory_space<vmem_shared>> -> memref<10112x128xf32, #tpu.memory_space<vmem_shared>>
      tpu.enqueue_indirect_dma source(%arg11 : memref<64x128xf32, #tpu.memory_space<vmem>>) target(%dma_start3A_629 : memref<10112x128xf32, #tpu.memory_space<vmem_shared>>) offsets(%dma_start3A_626 : memref<64xi32, #tpu.memory_space<vmem>>) semaphore(%arg15 : memref<!tpu.dma_semaphore, #tpu.memory_space<semaphore_mem>>) {add = true}
    }
    %while3A_301 = arith.constant 1 : i32
    scf.for %while3A_321 = %while3A_299 to %while3A_295 step %while3A_301  : i32 {
      %mul3A_322 = arith.muli %while3A_321, %while3A : i32
      %add3A_323 = arith.addi %while3A_292, %mul3A_322 : i32
      %add3A_324 = arith.constant 0 : i32
      %add3A_325 = arith.addi %add3A_323, %add3A_324 : i32
      %dma_wait3A_326 = arith.constant 0 : i32
      %dma_wait3A_327 = arith.constant 0 : i32
      %dma_wait3A_328 = tpu.memref_slice %arg6[%dma_wait3A_326, %dma_wait3A_327] : memref<8x64xi32, #tpu.memory_space<vmem>> -> memref<1x64xi32, #tpu.memory_space<vmem>>
      %dma_wait3A_329 = tpu.memref_squeeze %dma_wait3A_328 : memref<1x64xi32, #tpu.memory_space<vmem>> -> memref<64xi32, #tpu.memory_space<vmem>>
      %dma_wait3A_330 = arith.constant 0 : i32
      %dma_wait3A_331 = arith.constant 0 : i32
      %dma_wait3A_332 = tpu.memref_slice %arg2[%dma_wait3A_330, %dma_wait3A_331] : memref<10240x64xi32, #tpu.memory_space<hbm>> -> memref<10240x64xi32, #tpu.memory_space<hbm>>
      tpu.wait_indirect_dma semaphore(%arg12 : memref<!tpu.dma_semaphore, #tpu.memory_space<semaphore_mem>>) src(%dma_wait3A_332 : memref<10240x64xi32, #tpu.memory_space<hbm>>) dst(%arg8 : memref<64x64xi32, #tpu.memory_space<vmem>>)
      %ge3A = arith.constant 2 : i32
      %ge3A_333 = arith.cmpi sge, %add3A_325, %ge3A : i32
      %convert_element_type3A = arith.extui %ge3A_333 : i1 to i32
      %cond3A = arith.constant 0 : i32
      %cond3A_334 = arith.cmpi ne, %convert_element_type3A, %cond3A : i32
      scf.if %cond3A_334 {
        %dma_wait3A_630 = arith.constant 6 : i32
        %dma_wait3A_631 = arith.constant 0 : i32
        %dma_wait3A_632 = tpu.memref_slice %arg7[%dma_wait3A_630, %dma_wait3A_631] : memref<8x64xi32, #tpu.memory_space<vmem>> -> memref<1x64xi32, #tpu.memory_space<vmem>>
        %dma_wait3A_633 = tpu.memref_squeeze %dma_wait3A_632 : memref<1x64xi32, #tpu.memory_space<vmem>> -> memref<64xi32, #tpu.memory_space<vmem>>
        %dma_wait3A_634 = arith.constant 0 : i32
        %dma_wait3A_635 = arith.constant 0 : i32
        %dma_wait3A_636 = tpu.memref_slice %arg16[%dma_wait3A_634, %dma_wait3A_635] : memref<10112x128xf32, #tpu.memory_space<vmem_shared>> -> memref<10112x128xf32, #tpu.memory_space<vmem_shared>>
        tpu.wait_indirect_dma semaphore(%arg14 : memref<!tpu.dma_semaphore, #tpu.memory_space<semaphore_mem>>) src(%arg10 : memref<64x128xf32, #tpu.memory_space<vmem>>) dst(%dma_wait3A_636 : memref<10112x128xf32, #tpu.memory_space<vmem_shared>>)
      } else {
      }
      %ge3A_335 = arith.constant 2 : i32
      %ge3A_336 = arith.cmpi sge, %add3A_325, %ge3A_335 : i32
      %add3A_337 = arith.constant 6 : i32
      %add3A_338 = arith.addi %add3A_325, %add3A_337 : i32
      %lt3A = arith.cmpi slt, %add3A_338, %min3A_6 : i32
      %and3A = arith.andi %ge3A_336, %lt3A : i1
      %convert_element_type3A_339 = arith.extui %and3A : i1 to i32
      %cond3A_340 = arith.constant 0 : i32
      %cond3A_341 = arith.cmpi ne, %convert_element_type3A_339, %cond3A_340 : i32
      scf.if %cond3A_341 {
        %add3A_630 = arith.constant 6 : i32
        %add3A_631 = arith.addi %add3A_325, %add3A_630 : i32
        %mul3A_632 = arith.constant 64 : i32
        %mul3A_633 = arith.muli %add3A_631, %mul3A_632 : i32
        %add3A_634 = arith.addi %mul3A_2, %mul3A_633 : i32
        %dma_start3A_635 = arith.constant 0 : i32
        %dma_start3A_636 = arith.constant 6 : i32
        %dma_start3A_637 = arith.constant 0 : i32
        %dma_start3A_638 = tpu.memref_slice %arg6[%dma_start3A_636, %dma_start3A_637] : memref<8x64xi32, #tpu.memory_space<vmem>> -> memref<1x64xi32, #tpu.memory_space<vmem>>
        %dma_start3A_639 = tpu.memref_squeeze %dma_start3A_638 : memref<1x64xi32, #tpu.memory_space<vmem>> -> memref<64xi32, #tpu.memory_space<vmem>>
        %dma_start3A_640 = tpu.memref_slice %arg3[%dma_start3A_635, %add3A_634] : memref<2x320000xi32, #tpu.memory_space<hbm>> -> memref<1x64xi32, #tpu.memory_space<hbm>>
        %dma_start3A_641 = tpu.memref_squeeze %dma_start3A_640 : memref<1x64xi32, #tpu.memory_space<hbm>> -> memref<64xi32, #tpu.memory_space<hbm>>
        %dma_start3A_642 = arith.constant 0 : i32
        %dma_start3A_643 = tpu.memref_slice %arg6[%dma_start3A_636, %dma_start3A_642] : memref<8x64xi32, #tpu.memory_space<vmem>> -> memref<1x64xi32, #tpu.memory_space<vmem>>
        %dma_start3A_644 = tpu.memref_squeeze %dma_start3A_643 : memref<1x64xi32, #tpu.memory_space<vmem>> -> memref<64xi32, #tpu.memory_space<vmem>>
        %dma_start3A_645 = tpu.memref_slice %arg3[%dma_start3A_635, %add3A_634] : memref<2x320000xi32, #tpu.memory_space<hbm>> -> memref<1x64xi32, #tpu.memory_space<hbm>>
        %dma_start3A_646 = tpu.memref_squeeze %dma_start3A_645 : memref<1x64xi32, #tpu.memory_space<hbm>> -> memref<64xi32, #tpu.memory_space<hbm>>
        tpu.enqueue_dma source(%dma_start3A_646 : memref<64xi32, #tpu.memory_space<hbm>>) target(%dma_start3A_644 : memref<64xi32, #tpu.memory_space<vmem>>) target_semaphore(%arg23 : memref<!tpu.dma_semaphore, #tpu.memory_space<semaphore_mem>>)
        %dma_start3A_647 = arith.constant 1 : i32
        %dma_start3A_648 = arith.constant 6 : i32
        %dma_start3A_649 = arith.constant 0 : i32
        %dma_start3A_650 = tpu.memref_slice %arg7[%dma_start3A_648, %dma_start3A_649] : memref<8x64xi32, #tpu.memory_space<vmem>> -> memref<1x64xi32, #tpu.memory_space<vmem>>
        %dma_start3A_651 = tpu.memref_squeeze %dma_start3A_650 : memref<1x64xi32, #tpu.memory_space<vmem>> -> memref<64xi32, #tpu.memory_space<vmem>>
        %dma_start3A_652 = tpu.memref_slice %arg3[%dma_start3A_647, %add3A_634] : memref<2x320000xi32, #tpu.memory_space<hbm>> -> memref<1x64xi32, #tpu.memory_space<hbm>>
        %dma_start3A_653 = tpu.memref_squeeze %dma_start3A_652 : memref<1x64xi32, #tpu.memory_space<hbm>> -> memref<64xi32, #tpu.memory_space<hbm>>
        %dma_start3A_654 = arith.constant 0 : i32
        %dma_start3A_655 = tpu.memref_slice %arg7[%dma_start3A_648, %dma_start3A_654] : memref<8x64xi32, #tpu.memory_space<vmem>> -> memref<1x64xi32, #tpu.memory_space<vmem>>
        %dma_start3A_656 = tpu.memref_squeeze %dma_start3A_655 : memref<1x64xi32, #tpu.memory_space<vmem>> -> memref<64xi32, #tpu.memory_space<vmem>>
        %dma_start3A_657 = tpu.memref_slice %arg3[%dma_start3A_647, %add3A_634] : memref<2x320000xi32, #tpu.memory_space<hbm>> -> memref<1x64xi32, #tpu.memory_space<hbm>>
        %dma_start3A_658 = tpu.memref_squeeze %dma_start3A_657 : memref<1x64xi32, #tpu.memory_space<hbm>> -> memref<64xi32, #tpu.memory_space<hbm>>
        tpu.enqueue_dma source(%dma_start3A_658 : memref<64xi32, #tpu.memory_space<hbm>>) target(%dma_start3A_656 : memref<64xi32, #tpu.memory_space<vmem>>) target_semaphore(%arg23 : memref<!tpu.dma_semaphore, #tpu.memory_space<semaphore_mem>>)
      } else {
      }
      %parallel_loop3A = arith.constant 0 : i32
      %parallel_loop3A_342 = arith.constant 64 : i32
      %parallel_loop3A_343 = arith.constant 1 : i32
      scf.for %parallel_loop3A_630 = %parallel_loop3A to %parallel_loop3A_342 step %parallel_loop3A_343  : i32 {
        %parallel_loop3A_631 = arith.index_cast %parallel_loop3A_630 : i32 to index
        %parallel_loop3A_632 = arith.constant 0 : index
        %parallel_loop3A_633 = tpu.vector_load %arg8[%parallel_loop3A_631, %parallel_loop3A_632] {strides = array<i32>} : memref<64x64xi32, #tpu.memory_space<vmem>>, vector<16xi32>,
        %parallel_loop3A_634 = arith.constant 16 : i32
        %parallel_loop3A_635 = vector.broadcast %parallel_loop3A_634 : i32 to vector<16xi32>
        %parallel_loop3A_636 = arith.shli %parallel_loop3A_633, %parallel_loop3A_635 : vector<16xi32>
        %parallel_loop3A_637 = vector.bitcast %parallel_loop3A_636 : vector<16xi32> to vector<16xf32>
        %parallel_loop3A_638 = arith.constant -65536 : i32
        %parallel_loop3A_639 = vector.broadcast %parallel_loop3A_638 : i32 to vector<16xi32>
        %parallel_loop3A_640 = arith.andi %parallel_loop3A_633, %parallel_loop3A_639 : vector<16xi32>
        %parallel_loop3A_641 = vector.bitcast %parallel_loop3A_640 : vector<16xi32> to vector<16xf32>
        %parallel_loop3A_642 = arith.index_cast %parallel_loop3A_630 : i32 to index
        %parallel_loop3A_643 = arith.constant 0 : index
        %parallel_loop3A_644 = tpu.vector_load %arg10[%parallel_loop3A_642, %parallel_loop3A_643] {strides = array<i32>} : memref<64x128xf32, #tpu.memory_space<vmem>>, vector<16xf32>,
        tpu.vector_store %arg10[%parallel_loop3A_642, %parallel_loop3A_643], %parallel_loop3A_637 {strides = array<i32>} : memref<64x128xf32, #tpu.memory_space<vmem>>, vector<16xf32>,
        %parallel_loop3A_645 = arith.index_cast %parallel_loop3A_630 : i32 to index
        %parallel_loop3A_646 = arith.constant 16 : index
        %parallel_loop3A_647 = tpu.vector_load %arg10[%parallel_loop3A_645, %parallel_loop3A_646] {strides = array<i32>} : memref<64x128xf32, #tpu.memory_space<vmem>>, vector<16xf32>,
        tpu.vector_store %arg10[%parallel_loop3A_645, %parallel_loop3A_646], %parallel_loop3A_641 {strides = array<i32>} : memref<64x128xf32, #tpu.memory_space<vmem>>, vector<16xf32>,
        %parallel_loop3A_648 = arith.index_cast %parallel_loop3A_630 : i32 to index
        %parallel_loop3A_649 = arith.constant 16 : index
        %parallel_loop3A_650 = tpu.vector_load %arg8[%parallel_loop3A_648, %parallel_loop3A_649] {strides = array<i32>} : memref<64x64xi32, #tpu.memory_space<vmem>>, vector<16xi32>,
        %parallel_loop3A_651 = arith.constant 16 : i32
        %parallel_loop3A_652 = vector.broadcast %parallel_loop3A_651 : i32 to vector<16xi32>
        %parallel_loop3A_653 = arith.shli %parallel_loop3A_650, %parallel_loop3A_652 : vector<16xi32>
        %parallel_loop3A_654 = vector.bitcast %parallel_loop3A_653 : vector<16xi32> to vector<16xf32>
        %parallel_loop3A_655 = arith.constant -65536 : i32
        %parallel_loop3A_656 = vector.broadcast %parallel_loop3A_655 : i32 to vector<16xi32>
        %parallel_loop3A_657 = arith.andi %parallel_loop3A_650, %parallel_loop3A_656 : vector<16xi32>
        %parallel_loop3A_658 = vector.bitcast %parallel_loop3A_657 : vector<16xi32> to vector<16xf32>
        %parallel_loop3A_659 = arith.index_cast %parallel_loop3A_630 : i32 to index
        %parallel_loop3A_660 = arith.constant 32 : index
        %parallel_loop3A_661 = tpu.vector_load %arg10[%parallel_loop3A_659, %parallel_loop3A_660] {strides = array<i32>} : memref<64x128xf32, #tpu.memory_space<vmem>>, vector<16xf32>,
        tpu.vector_store %arg10[%parallel_loop3A_659, %parallel_loop3A_660], %parallel_loop3A_654 {strides = array<i32>} : memref<64x128xf32, #tpu.memory_space<vmem>>, vector<16xf32>,
        %parallel_loop3A_662 = arith.index_cast %parallel_loop3A_630 : i32 to index
        %parallel_loop3A_663 = arith.constant 48 : index
        %parallel_loop3A_664 = tpu.vector_load %arg10[%parallel_loop3A_662, %parallel_loop3A_663] {strides = array<i32>} : memref<64x128xf32, #tpu.memory_space<vmem>>, vector<16xf32>,
        tpu.vector_store %arg10[%parallel_loop3A_662, %parallel_loop3A_663], %parallel_loop3A_658 {strides = array<i32>} : memref<64x128xf32, #tpu.memory_space<vmem>>, vector<16xf32>,
        %parallel_loop3A_665 = arith.index_cast %parallel_loop3A_630 : i32 to index
        %parallel_loop3A_666 = arith.constant 32 : index
        %parallel_loop3A_667 = tpu.vector_load %arg8[%parallel_loop3A_665, %parallel_loop3A_666] {strides = array<i32>} : memref<64x64xi32, #tpu.memory_space<vmem>>, vector<16xi32>,
        %parallel_loop3A_668 = arith.constant 16 : i32
        %parallel_loop3A_669 = vector.broadcast %parallel_loop3A_668 : i32 to vector<16xi32>
        %parallel_loop3A_670 = arith.shli %parallel_loop3A_667, %parallel_loop3A_669 : vector<16xi32>
        %parallel_loop3A_671 = vector.bitcast %parallel_loop3A_670 : vector<16xi32> to vector<16xf32>
        %parallel_loop3A_672 = arith.constant -65536 : i32
        %parallel_loop3A_673 = vector.broadcast %parallel_loop3A_672 : i32 to vector<16xi32>
        %parallel_loop3A_674 = arith.andi %parallel_loop3A_667, %parallel_loop3A_673 : vector<16xi32>
        %parallel_loop3A_675 = vector.bitcast %parallel_loop3A_674 : vector<16xi32> to vector<16xf32>
        %parallel_loop3A_676 = arith.index_cast %parallel_loop3A_630 : i32 to index
        %parallel_loop3A_677 = arith.constant 64 : index
        %parallel_loop3A_678 = tpu.vector_load %arg10[%parallel_loop3A_676, %parallel_loop3A_677] {strides = array<i32>} : memref<64x128xf32, #tpu.memory_space<vmem>>, vector<16xf32>,
        tpu.vector_store %arg10[%parallel_loop3A_676, %parallel_loop3A_677], %parallel_loop3A_671 {strides = array<i32>} : memref<64x128xf32, #tpu.memory_space<vmem>>, vector<16xf32>,
        %parallel_loop3A_679 = arith.index_cast %parallel_loop3A_630 : i32 to index
        %parallel_loop3A_680 = arith.constant 80 : index
        %parallel_loop3A_681 = tpu.vector_load %arg10[%parallel_loop3A_679, %parallel_loop3A_680] {strides = array<i32>} : memref<64x128xf32, #tpu.memory_space<vmem>>, vector<16xf32>,
        tpu.vector_store %arg10[%parallel_loop3A_679, %parallel_loop3A_680], %parallel_loop3A_675 {strides = array<i32>} : memref<64x128xf32, #tpu.memory_space<vmem>>, vector<16xf32>,
        %parallel_loop3A_682 = arith.index_cast %parallel_loop3A_630 : i32 to index
        %parallel_loop3A_683 = arith.constant 48 : index
        %parallel_loop3A_684 = tpu.vector_load %arg8[%parallel_loop3A_682, %parallel_loop3A_683] {strides = array<i32>} : memref<64x64xi32, #tpu.memory_space<vmem>>, vector<16xi32>,
        %parallel_loop3A_685 = arith.constant 16 : i32
        %parallel_loop3A_686 = vector.broadcast %parallel_loop3A_685 : i32 to vector<16xi32>
        %parallel_loop3A_687 = arith.shli %parallel_loop3A_684, %parallel_loop3A_686 : vector<16xi32>
        %parallel_loop3A_688 = vector.bitcast %parallel_loop3A_687 : vector<16xi32> to vector<16xf32>
        %parallel_loop3A_689 = arith.constant -65536 : i32
        %parallel_loop3A_690 = vector.broadcast %parallel_loop3A_689 : i32 to vector<16xi32>
        %parallel_loop3A_691 = arith.andi %parallel_loop3A_684, %parallel_loop3A_690 : vector<16xi32>
        %parallel_loop3A_692 = vector.bitcast %parallel_loop3A_691 : vector<16xi32> to vector<16xf32>
        %parallel_loop3A_693 = arith.index_cast %parallel_loop3A_630 : i32 to index
        %parallel_loop3A_694 = arith.constant 96 : index
        %parallel_loop3A_695 = tpu.vector_load %arg10[%parallel_loop3A_693, %parallel_loop3A_694] {strides = array<i32>} : memref<64x128xf32, #tpu.memory_space<vmem>>, vector<16xf32>,
        tpu.vector_store %arg10[%parallel_loop3A_693, %parallel_loop3A_694], %parallel_loop3A_688 {strides = array<i32>} : memref<64x128xf32, #tpu.memory_space<vmem>>, vector<16xf32>,
        %parallel_loop3A_696 = arith.index_cast %parallel_loop3A_630 : i32 to index
        %parallel_loop3A_697 = arith.constant 112 : index
        %parallel_loop3A_698 = tpu.vector_load %arg10[%parallel_loop3A_696, %parallel_loop3A_697] {strides = array<i32>} : memref<64x128xf32, #tpu.memory_space<vmem>>, vector<16xf32>,
        tpu.vector_store %arg10[%parallel_loop3A_696, %parallel_loop3A_697], %parallel_loop3A_692 {strides = array<i32>} : memref<64x128xf32, #tpu.memory_space<vmem>>, vector<16xf32>,
      } {sc.loop_unroll_factor = 4 : i64, sc.parallel_access}
      %add3A_344 = arith.constant 2 : i32
      %add3A_345 = arith.addi %add3A_325, %add3A_344 : i32
      %lt3A_346 = arith.cmpi slt, %add3A_345, %min3A_6 : i32
      %convert_element_type3A_347 = arith.extui %lt3A_346 : i1 to i32
      %cond3A_348 = arith.constant 0 : i32
      %cond3A_349 = arith.cmpi ne, %convert_element_type3A_347, %cond3A_348 : i32
      scf.if %cond3A_349 {
        %dma_wait3A_630 = arith.constant 0 : i32
        %dma_wait3A_631 = arith.constant 2 : i32
        %dma_wait3A_632 = arith.constant 0 : i32
        %dma_wait3A_633 = tpu.memref_slice %arg6[%dma_wait3A_631, %dma_wait3A_632] : memref<8x64xi32, #tpu.memory_space<vmem>> -> memref<1x64xi32, #tpu.memory_space<vmem>>
        %dma_wait3A_634 = tpu.memref_squeeze %dma_wait3A_633 : memref<1x64xi32, #tpu.memory_space<vmem>> -> memref<64xi32, #tpu.memory_space<vmem>>
        %dma_wait3A_635 = arith.constant 0 : i32
        %dma_wait3A_636 = tpu.memref_slice %arg3[%dma_wait3A_630, %dma_wait3A_635] : memref<2x320000xi32, #tpu.memory_space<hbm>> -> memref<1x64xi32, #tpu.memory_space<hbm>>
        %dma_wait3A_637 = tpu.memref_squeeze %dma_wait3A_636 : memref<1x64xi32, #tpu.memory_space<hbm>> -> memref<64xi32, #tpu.memory_space<hbm>>
        %dma_wait3A_638 = arith.constant 0 : i32
        %dma_wait3A_639 = tpu.memref_slice %arg6[%dma_wait3A_631, %dma_wait3A_638] : memref<8x64xi32, #tpu.memory_space<vmem>> -> memref<1x64xi32, #tpu.memory_space<vmem>>
        %dma_wait3A_640 = tpu.memref_squeeze %dma_wait3A_639 : memref<1x64xi32, #tpu.memory_space<vmem>> -> memref<64xi32, #tpu.memory_space<vmem>>
        %dma_wait3A_641 = arith.constant 0 : i32
        %dma_wait3A_642 = tpu.memref_slice %arg3[%dma_wait3A_630, %dma_wait3A_641] : memref<2x320000xi32, #tpu.memory_space<hbm>> -> memref<1x64xi32, #tpu.memory_space<hbm>>
        %dma_wait3A_643 = tpu.memref_squeeze %dma_wait3A_642 : memref<1x64xi32, #tpu.memory_space<hbm>> -> memref<64xi32, #tpu.memory_space<hbm>>
        tpu.wait_dma2 semaphore(%arg19 : memref<!tpu.dma_semaphore, #tpu.memory_space<semaphore_mem>>) src(%dma_wait3A_643 : memref<64xi32, #tpu.memory_space<hbm>>) dst(%dma_wait3A_640 : memref<64xi32, #tpu.memory_space<vmem>>)
        %dma_wait3A_644 = arith.constant 0 : i32
        %dma_wait3A_645 = arith.constant 2 : i32
        %dma_wait3A_646 = arith.constant 0 : i32
        %dma_wait3A_647 = tpu.memref_slice %arg7[%dma_wait3A_645, %dma_wait3A_646] : memref<8x64xi32, #tpu.memory_space<vmem>> -> memref<1x64xi32, #tpu.memory_space<vmem>>
        %dma_wait3A_648 = tpu.memref_squeeze %dma_wait3A_647 : memref<1x64xi32, #tpu.memory_space<vmem>> -> memref<64xi32, #tpu.memory_space<vmem>>
        %dma_wait3A_649 = arith.constant 0 : i32
        %dma_wait3A_650 = tpu.memref_slice %arg3[%dma_wait3A_644, %dma_wait3A_649] : memref<2x320000xi32, #tpu.memory_space<hbm>> -> memref<1x64xi32, #tpu.memory_space<hbm>>
        %dma_wait3A_651 = tpu.memref_squeeze %dma_wait3A_650 : memref<1x64xi32, #tpu.memory_space<hbm>> -> memref<64xi32, #tpu.memory_space<hbm>>
        %dma_wait3A_652 = arith.constant 0 : i32
        %dma_wait3A_653 = tpu.memref_slice %arg7[%dma_wait3A_645, %dma_wait3A_652] : memref<8x64xi32, #tpu.memory_space<vmem>> -> memref<1x64xi32, #tpu.memory_space<vmem>>
        %dma_wait3A_654 = tpu.memref_squeeze %dma_wait3A_653 : memref<1x64xi32, #tpu.memory_space<vmem>> -> memref<64xi32, #tpu.memory_space<vmem>>
        %dma_wait3A_655 = arith.constant 0 : i32
        %dma_wait3A_656 = tpu.memref_slice %arg3[%dma_wait3A_644, %dma_wait3A_655] : memref<2x320000xi32, #tpu.memory_space<hbm>> -> memref<1x64xi32, #tpu.memory_space<hbm>>
        %dma_wait3A_657 = tpu.memref_squeeze %dma_wait3A_656 : memref<1x64xi32, #tpu.memory_space<hbm>> -> memref<64xi32, #tpu.memory_space<hbm>>
        tpu.wait_dma2 semaphore(%arg19 : memref<!tpu.dma_semaphore, #tpu.memory_space<semaphore_mem>>) src(%dma_wait3A_657 : memref<64xi32, #tpu.memory_space<hbm>>) dst(%dma_wait3A_654 : memref<64xi32, #tpu.memory_space<vmem>>)
        %dma_start3A_658 = arith.constant 2 : i32
        %dma_start3A_659 = arith.constant 0 : i32
        %dma_start3A_660 = tpu.memref_slice %arg6[%dma_start3A_658, %dma_start3A_659] : memref<8x64xi32, #tpu.memory_space<vmem>> -> memref<1x64xi32, #tpu.memory_space<vmem>>
        %dma_start3A_661 = tpu.memref_squeeze %dma_start3A_660 : memref<1x64xi32, #tpu.memory_space<vmem>> -> memref<64xi32, #tpu.memory_space<vmem>>
        %dma_start3A_662 = arith.constant 0 : i32
        %dma_start3A_663 = arith.constant 0 : i32
        %dma_start3A_664 = tpu.memref_slice %arg2[%dma_start3A_662, %dma_start3A_663] : memref<10240x64xi32, #tpu.memory_space<hbm>> -> memref<10240x64xi32, #tpu.memory_space<hbm>>
        tpu.enqueue_indirect_dma source(%dma_start3A_664 : memref<10240x64xi32, #tpu.memory_space<hbm>>) target(%arg8 : memref<64x64xi32, #tpu.memory_space<vmem>>) offsets(%dma_start3A_661 : memref<64xi32, #tpu.memory_space<vmem>>) semaphore(%arg12 : memref<!tpu.dma_semaphore, #tpu.memory_space<semaphore_mem>>)
      } else {
      }
      %dma_start3A_350 = arith.constant 0 : i32
      %dma_start3A_351 = arith.constant 0 : i32
      %dma_start3A_352 = tpu.memref_slice %arg7[%dma_start3A_350, %dma_start3A_351] : memref<8x64xi32, #tpu.memory_space<vmem>> -> memref<1x64xi32, #tpu.memory_space<vmem>>
      %dma_start3A_353 = tpu.memref_squeeze %dma_start3A_352 : memref<1x64xi32, #tpu.memory_space<vmem>> -> memref<64xi32, #tpu.memory_space<vmem>>
      %dma_start3A_354 = arith.constant 0 : i32
      %dma_start3A_355 = arith.constant 0 : i32
      %dma_start3A_356 = tpu.memref_slice %arg16[%dma_start3A_354, %dma_start3A_355] : memref<10112x128xf32, #tpu.memory_space<vmem_shared>> -> memref<10112x128xf32, #tpu.memory_space<vmem_shared>>
      tpu.enqueue_indirect_dma source(%arg10 : memref<64x128xf32, #tpu.memory_space<vmem>>) target(%dma_start3A_356 : memref<10112x128xf32, #tpu.memory_space<vmem_shared>>) offsets(%dma_start3A_353 : memref<64xi32, #tpu.memory_space<vmem>>) semaphore(%arg14 : memref<!tpu.dma_semaphore, #tpu.memory_space<semaphore_mem>>) {add = true}
      %add3A_357 = arith.constant 1 : i32
      %add3A_358 = arith.addi %add3A_323, %add3A_357 : i32
      %dma_wait3A_359 = arith.constant 1 : i32
      %dma_wait3A_360 = arith.constant 0 : i32
      %dma_wait3A_361 = tpu.memref_slice %arg6[%dma_wait3A_359, %dma_wait3A_360] : memref<8x64xi32, #tpu.memory_space<vmem>> -> memref<1x64xi32, #tpu.memory_space<vmem>>
      %dma_wait3A_362 = tpu.memref_squeeze %dma_wait3A_361 : memref<1x64xi32, #tpu.memory_space<vmem>> -> memref<64xi32, #tpu.memory_space<vmem>>
      %dma_wait3A_363 = arith.constant 0 : i32
      %dma_wait3A_364 = arith.constant 0 : i32
      %dma_wait3A_365 = tpu.memref_slice %arg2[%dma_wait3A_363, %dma_wait3A_364] : memref<10240x64xi32, #tpu.memory_space<hbm>> -> memref<10240x64xi32, #tpu.memory_space<hbm>>
      tpu.wait_indirect_dma semaphore(%arg13 : memref<!tpu.dma_semaphore, #tpu.memory_space<semaphore_mem>>) src(%dma_wait3A_365 : memref<10240x64xi32, #tpu.memory_space<hbm>>) dst(%arg9 : memref<64x64xi32, #tpu.memory_space<vmem>>)
      %ge3A_366 = arith.constant 2 : i32
      %ge3A_367 = arith.cmpi sge, %add3A_358, %ge3A_366 : i32
      %convert_element_type3A_368 = arith.extui %ge3A_367 : i1 to i32
      %cond3A_369 = arith.constant 0 : i32
      %cond3A_370 = arith.cmpi ne, %convert_element_type3A_368, %cond3A_369 : i32
      scf.if %cond3A_370 {
        %dma_wait3A_630 = arith.constant 7 : i32
        %dma_wait3A_631 = arith.constant 0 : i32
        %dma_wait3A_632 = tpu.memref_slice %arg7[%dma_wait3A_630, %dma_wait3A_631] : memref<8x64xi32, #tpu.memory_space<vmem>> -> memref<1x64xi32, #tpu.memory_space<vmem>>
        %dma_wait3A_633 = tpu.memref_squeeze %dma_wait3A_632 : memref<1x64xi32, #tpu.memory_space<vmem>> -> memref<64xi32, #tpu.memory_space<vmem>>
        %dma_wait3A_634 = arith.constant 0 : i32
        %dma_wait3A_635 = arith.constant 0 : i32
        %dma_wait3A_636 = tpu.memref_slice %arg16[%dma_wait3A_634, %dma_wait3A_635] : memref<10112x128xf32, #tpu.memory_space<vmem_shared>> -> memref<10112x128xf32, #tpu.memory_space<vmem_shared>>
        tpu.wait_indirect_dma semaphore(%arg15 : memref<!tpu.dma_semaphore, #tpu.memory_space<semaphore_mem>>) src(%arg11 : memref<64x128xf32, #tpu.memory_space<vmem>>) dst(%dma_wait3A_636 : memref<10112x128xf32, #tpu.memory_space<vmem_shared>>)
      } else {
      }
      %ge3A_371 = arith.constant 2 : i32
      %ge3A_372 = arith.cmpi sge, %add3A_358, %ge3A_371 : i32
      %add3A_373 = arith.constant 6 : i32
      %add3A_374 = arith.addi %add3A_358, %add3A_373 : i32
      %lt3A_375 = arith.cmpi slt, %add3A_374, %min3A_6 : i32
      %and3A_376 = arith.andi %ge3A_372, %lt3A_375 : i1
      %convert_element_type3A_377 = arith.extui %and3A_376 : i1 to i32
      %cond3A_378 = arith.constant 0 : i32
      %cond3A_379 = arith.cmpi ne, %convert_element_type3A_377, %cond3A_378 : i32
      scf.if %cond3A_379 {
        %add3A_630 = arith.constant 6 : i32
        %add3A_631 = arith.addi %add3A_358, %add3A_630 : i32
        %mul3A_632 = arith.constant 64 : i32
        %mul3A_633 = arith.muli %add3A_631, %mul3A_632 : i32
        %add3A_634 = arith.addi %mul3A_2, %mul3A_633 : i32
        %dma_start3A_635 = arith.constant 0 : i32
        %dma_start3A_636 = arith.constant 7 : i32
        %dma_start3A_637 = arith.constant 0 : i32
        %dma_start3A_638 = tpu.memref_slice %arg6[%dma_start3A_636, %dma_start3A_637] : memref<8x64xi32, #tpu.memory_space<vmem>> -> memref<1x64xi32, #tpu.memory_space<vmem>>
        %dma_start3A_639 = tpu.memref_squeeze %dma_start3A_638 : memref<1x64xi32, #tpu.memory_space<vmem>> -> memref<64xi32, #tpu.memory_space<vmem>>
        %dma_start3A_640 = tpu.memref_slice %arg3[%dma_start3A_635, %add3A_634] : memref<2x320000xi32, #tpu.memory_space<hbm>> -> memref<1x64xi32, #tpu.memory_space<hbm>>
        %dma_start3A_641 = tpu.memref_squeeze %dma_start3A_640 : memref<1x64xi32, #tpu.memory_space<hbm>> -> memref<64xi32, #tpu.memory_space<hbm>>
        %dma_start3A_642 = arith.constant 0 : i32
        %dma_start3A_643 = tpu.memref_slice %arg6[%dma_start3A_636, %dma_start3A_642] : memref<8x64xi32, #tpu.memory_space<vmem>> -> memref<1x64xi32, #tpu.memory_space<vmem>>
        %dma_start3A_644 = tpu.memref_squeeze %dma_start3A_643 : memref<1x64xi32, #tpu.memory_space<vmem>> -> memref<64xi32, #tpu.memory_space<vmem>>
        %dma_start3A_645 = tpu.memref_slice %arg3[%dma_start3A_635, %add3A_634] : memref<2x320000xi32, #tpu.memory_space<hbm>> -> memref<1x64xi32, #tpu.memory_space<hbm>>
        %dma_start3A_646 = tpu.memref_squeeze %dma_start3A_645 : memref<1x64xi32, #tpu.memory_space<hbm>> -> memref<64xi32, #tpu.memory_space<hbm>>
        tpu.enqueue_dma source(%dma_start3A_646 : memref<64xi32, #tpu.memory_space<hbm>>) target(%dma_start3A_644 : memref<64xi32, #tpu.memory_space<vmem>>) target_semaphore(%arg24 : memref<!tpu.dma_semaphore, #tpu.memory_space<semaphore_mem>>)
        %dma_start3A_647 = arith.constant 1 : i32
        %dma_start3A_648 = arith.constant 7 : i32
        %dma_start3A_649 = arith.constant 0 : i32
        %dma_start3A_650 = tpu.memref_slice %arg7[%dma_start3A_648, %dma_start3A_649] : memref<8x64xi32, #tpu.memory_space<vmem>> -> memref<1x64xi32, #tpu.memory_space<vmem>>
        %dma_start3A_651 = tpu.memref_squeeze %dma_start3A_650 : memref<1x64xi32, #tpu.memory_space<vmem>> -> memref<64xi32, #tpu.memory_space<vmem>>
        %dma_start3A_652 = tpu.memref_slice %arg3[%dma_start3A_647, %add3A_634] : memref<2x320000xi32, #tpu.memory_space<hbm>> -> memref<1x64xi32, #tpu.memory_space<hbm>>
        %dma_start3A_653 = tpu.memref_squeeze %dma_start3A_652 : memref<1x64xi32, #tpu.memory_space<hbm>> -> memref<64xi32, #tpu.memory_space<hbm>>
        %dma_start3A_654 = arith.constant 0 : i32
        %dma_start3A_655 = tpu.memref_slice %arg7[%dma_start3A_648, %dma_start3A_654] : memref<8x64xi32, #tpu.memory_space<vmem>> -> memref<1x64xi32, #tpu.memory_space<vmem>>
        %dma_start3A_656 = tpu.memref_squeeze %dma_start3A_655 : memref<1x64xi32, #tpu.memory_space<vmem>> -> memref<64xi32, #tpu.memory_space<vmem>>
        %dma_start3A_657 = tpu.memref_slice %arg3[%dma_start3A_647, %add3A_634] : memref<2x320000xi32, #tpu.memory_space<hbm>> -> memref<1x64xi32, #tpu.memory_space<hbm>>
        %dma_start3A_658 = tpu.memref_squeeze %dma_start3A_657 : memref<1x64xi32, #tpu.memory_space<hbm>> -> memref<64xi32, #tpu.memory_space<hbm>>
        tpu.enqueue_dma source(%dma_start3A_658 : memref<64xi32, #tpu.memory_space<hbm>>) target(%dma_start3A_656 : memref<64xi32, #tpu.memory_space<vmem>>) target_semaphore(%arg24 : memref<!tpu.dma_semaphore, #tpu.memory_space<semaphore_mem>>)
      } else {
      }
      %parallel_loop3A_380 = arith.constant 0 : i32
      %parallel_loop3A_381 = arith.constant 64 : i32
      %parallel_loop3A_382 = arith.constant 1 : i32
      scf.for %parallel_loop3A_630 = %parallel_loop3A_380 to %parallel_loop3A_381 step %parallel_loop3A_382  : i32 {
        %parallel_loop3A_631 = arith.index_cast %parallel_loop3A_630 : i32 to index
        %parallel_loop3A_632 = arith.constant 0 : index
        %parallel_loop3A_633 = tpu.vector_load %arg9[%parallel_loop3A_631, %parallel_loop3A_632] {strides = array<i32>} : memref<64x64xi32, #tpu.memory_space<vmem>>, vector<16xi32>,
        %parallel_loop3A_634 = arith.constant 16 : i32
        %parallel_loop3A_635 = vector.broadcast %parallel_loop3A_634 : i32 to vector<16xi32>
        %parallel_loop3A_636 = arith.shli %parallel_loop3A_633, %parallel_loop3A_635 : vector<16xi32>
        %parallel_loop3A_637 = vector.bitcast %parallel_loop3A_636 : vector<16xi32> to vector<16xf32>
        %parallel_loop3A_638 = arith.constant -65536 : i32
        %parallel_loop3A_639 = vector.broadcast %parallel_loop3A_638 : i32 to vector<16xi32>
        %parallel_loop3A_640 = arith.andi %parallel_loop3A_633, %parallel_loop3A_639 : vector<16xi32>
        %parallel_loop3A_641 = vector.bitcast %parallel_loop3A_640 : vector<16xi32> to vector<16xf32>
        %parallel_loop3A_642 = arith.index_cast %parallel_loop3A_630 : i32 to index
        %parallel_loop3A_643 = arith.constant 0 : index
        %parallel_loop3A_644 = tpu.vector_load %arg11[%parallel_loop3A_642, %parallel_loop3A_643] {strides = array<i32>} : memref<64x128xf32, #tpu.memory_space<vmem>>, vector<16xf32>,
        tpu.vector_store %arg11[%parallel_loop3A_642, %parallel_loop3A_643], %parallel_loop3A_637 {strides = array<i32>} : memref<64x128xf32, #tpu.memory_space<vmem>>, vector<16xf32>,
        %parallel_loop3A_645 = arith.index_cast %parallel_loop3A_630 : i32 to index
        %parallel_loop3A_646 = arith.constant 16 : index
        %parallel_loop3A_647 = tpu.vector_load %arg11[%parallel_loop3A_645, %parallel_loop3A_646] {strides = array<i32>} : memref<64x128xf32, #tpu.memory_space<vmem>>, vector<16xf32>,
        tpu.vector_store %arg11[%parallel_loop3A_645, %parallel_loop3A_646], %parallel_loop3A_641 {strides = array<i32>} : memref<64x128xf32, #tpu.memory_space<vmem>>, vector<16xf32>,
        %parallel_loop3A_648 = arith.index_cast %parallel_loop3A_630 : i32 to index
        %parallel_loop3A_649 = arith.constant 16 : index
        %parallel_loop3A_650 = tpu.vector_load %arg9[%parallel_loop3A_648, %parallel_loop3A_649] {strides = array<i32>} : memref<64x64xi32, #tpu.memory_space<vmem>>, vector<16xi32>,
        %parallel_loop3A_651 = arith.constant 16 : i32
        %parallel_loop3A_652 = vector.broadcast %parallel_loop3A_651 : i32 to vector<16xi32>
        %parallel_loop3A_653 = arith.shli %parallel_loop3A_650, %parallel_loop3A_652 : vector<16xi32>
        %parallel_loop3A_654 = vector.bitcast %parallel_loop3A_653 : vector<16xi32> to vector<16xf32>
        %parallel_loop3A_655 = arith.constant -65536 : i32
        %parallel_loop3A_656 = vector.broadcast %parallel_loop3A_655 : i32 to vector<16xi32>
        %parallel_loop3A_657 = arith.andi %parallel_loop3A_650, %parallel_loop3A_656 : vector<16xi32>
        %parallel_loop3A_658 = vector.bitcast %parallel_loop3A_657 : vector<16xi32> to vector<16xf32>
        %parallel_loop3A_659 = arith.index_cast %parallel_loop3A_630 : i32 to index
        %parallel_loop3A_660 = arith.constant 32 : index
        %parallel_loop3A_661 = tpu.vector_load %arg11[%parallel_loop3A_659, %parallel_loop3A_660] {strides = array<i32>} : memref<64x128xf32, #tpu.memory_space<vmem>>, vector<16xf32>,
        tpu.vector_store %arg11[%parallel_loop3A_659, %parallel_loop3A_660], %parallel_loop3A_654 {strides = array<i32>} : memref<64x128xf32, #tpu.memory_space<vmem>>, vector<16xf32>,
        %parallel_loop3A_662 = arith.index_cast %parallel_loop3A_630 : i32 to index
        %parallel_loop3A_663 = arith.constant 48 : index
        %parallel_loop3A_664 = tpu.vector_load %arg11[%parallel_loop3A_662, %parallel_loop3A_663] {strides = array<i32>} : memref<64x128xf32, #tpu.memory_space<vmem>>, vector<16xf32>,
        tpu.vector_store %arg11[%parallel_loop3A_662, %parallel_loop3A_663], %parallel_loop3A_658 {strides = array<i32>} : memref<64x128xf32, #tpu.memory_space<vmem>>, vector<16xf32>,
        %parallel_loop3A_665 = arith.index_cast %parallel_loop3A_630 : i32 to index
        %parallel_loop3A_666 = arith.constant 32 : index
        %parallel_loop3A_667 = tpu.vector_load %arg9[%parallel_loop3A_665, %parallel_loop3A_666] {strides = array<i32>} : memref<64x64xi32, #tpu.memory_space<vmem>>, vector<16xi32>,
        %parallel_loop3A_668 = arith.constant 16 : i32
        %parallel_loop3A_669 = vector.broadcast %parallel_loop3A_668 : i32 to vector<16xi32>
        %parallel_loop3A_670 = arith.shli %parallel_loop3A_667, %parallel_loop3A_669 : vector<16xi32>
        %parallel_loop3A_671 = vector.bitcast %parallel_loop3A_670 : vector<16xi32> to vector<16xf32>
        %parallel_loop3A_672 = arith.constant -65536 : i32
        %parallel_loop3A_673 = vector.broadcast %parallel_loop3A_672 : i32 to vector<16xi32>
        %parallel_loop3A_674 = arith.andi %parallel_loop3A_667, %parallel_loop3A_673 : vector<16xi32>
        %parallel_loop3A_675 = vector.bitcast %parallel_loop3A_674 : vector<16xi32> to vector<16xf32>
        %parallel_loop3A_676 = arith.index_cast %parallel_loop3A_630 : i32 to index
        %parallel_loop3A_677 = arith.constant 64 : index
        %parallel_loop3A_678 = tpu.vector_load %arg11[%parallel_loop3A_676, %parallel_loop3A_677] {strides = array<i32>} : memref<64x128xf32, #tpu.memory_space<vmem>>, vector<16xf32>,
        tpu.vector_store %arg11[%parallel_loop3A_676, %parallel_loop3A_677], %parallel_loop3A_671 {strides = array<i32>} : memref<64x128xf32, #tpu.memory_space<vmem>>, vector<16xf32>,
        %parallel_loop3A_679 = arith.index_cast %parallel_loop3A_630 : i32 to index
        %parallel_loop3A_680 = arith.constant 80 : index
        %parallel_loop3A_681 = tpu.vector_load %arg11[%parallel_loop3A_679, %parallel_loop3A_680] {strides = array<i32>} : memref<64x128xf32, #tpu.memory_space<vmem>>, vector<16xf32>,
        tpu.vector_store %arg11[%parallel_loop3A_679, %parallel_loop3A_680], %parallel_loop3A_675 {strides = array<i32>} : memref<64x128xf32, #tpu.memory_space<vmem>>, vector<16xf32>,
        %parallel_loop3A_682 = arith.index_cast %parallel_loop3A_630 : i32 to index
        %parallel_loop3A_683 = arith.constant 48 : index
        %parallel_loop3A_684 = tpu.vector_load %arg9[%parallel_loop3A_682, %parallel_loop3A_683] {strides = array<i32>} : memref<64x64xi32, #tpu.memory_space<vmem>>, vector<16xi32>,
        %parallel_loop3A_685 = arith.constant 16 : i32
        %parallel_loop3A_686 = vector.broadcast %parallel_loop3A_685 : i32 to vector<16xi32>
        %parallel_loop3A_687 = arith.shli %parallel_loop3A_684, %parallel_loop3A_686 : vector<16xi32>
        %parallel_loop3A_688 = vector.bitcast %parallel_loop3A_687 : vector<16xi32> to vector<16xf32>
        %parallel_loop3A_689 = arith.constant -65536 : i32
        %parallel_loop3A_690 = vector.broadcast %parallel_loop3A_689 : i32 to vector<16xi32>
        %parallel_loop3A_691 = arith.andi %parallel_loop3A_684, %parallel_loop3A_690 : vector<16xi32>
        %parallel_loop3A_692 = vector.bitcast %parallel_loop3A_691 : vector<16xi32> to vector<16xf32>
        %parallel_loop3A_693 = arith.index_cast %parallel_loop3A_630 : i32 to index
        %parallel_loop3A_694 = arith.constant 96 : index
        %parallel_loop3A_695 = tpu.vector_load %arg11[%parallel_loop3A_693, %parallel_loop3A_694] {strides = array<i32>} : memref<64x128xf32, #tpu.memory_space<vmem>>, vector<16xf32>,
        tpu.vector_store %arg11[%parallel_loop3A_693, %parallel_loop3A_694], %parallel_loop3A_688 {strides = array<i32>} : memref<64x128xf32, #tpu.memory_space<vmem>>, vector<16xf32>,
        %parallel_loop3A_696 = arith.index_cast %parallel_loop3A_630 : i32 to index
        %parallel_loop3A_697 = arith.constant 112 : index
        %parallel_loop3A_698 = tpu.vector_load %arg11[%parallel_loop3A_696, %parallel_loop3A_697] {strides = array<i32>} : memref<64x128xf32, #tpu.memory_space<vmem>>, vector<16xf32>,
        tpu.vector_store %arg11[%parallel_loop3A_696, %parallel_loop3A_697], %parallel_loop3A_692 {strides = array<i32>} : memref<64x128xf32, #tpu.memory_space<vmem>>, vector<16xf32>,
      } {sc.loop_unroll_factor = 4 : i64, sc.parallel_access}
      %add3A_383 = arith.constant 2 : i32
      %add3A_384 = arith.addi %add3A_358, %add3A_383 : i32
      %lt3A_385 = arith.cmpi slt, %add3A_384, %min3A_6 : i32
      %convert_element_type3A_386 = arith.extui %lt3A_385 : i1 to i32
      %cond3A_387 = arith.constant 0 : i32
      %cond3A_388 = arith.cmpi ne, %convert_element_type3A_386, %cond3A_387 : i32
      scf.if %cond3A_388 {
        %dma_wait3A_630 = arith.constant 0 : i32
        %dma_wait3A_631 = arith.constant 3 : i32
        %dma_wait3A_632 = arith.constant 0 : i32
        %dma_wait3A_633 = tpu.memref_slice %arg6[%dma_wait3A_631, %dma_wait3A_632] : memref<8x64xi32, #tpu.memory_space<vmem>> -> memref<1x64xi32, #tpu.memory_space<vmem>>
        %dma_wait3A_634 = tpu.memref_squeeze %dma_wait3A_633 : memref<1x64xi32, #tpu.memory_space<vmem>> -> memref<64xi32, #tpu.memory_space<vmem>>
        %dma_wait3A_635 = arith.constant 0 : i32
        %dma_wait3A_636 = tpu.memref_slice %arg3[%dma_wait3A_630, %dma_wait3A_635] : memref<2x320000xi32, #tpu.memory_space<hbm>> -> memref<1x64xi32, #tpu.memory_space<hbm>>
        %dma_wait3A_637 = tpu.memref_squeeze %dma_wait3A_636 : memref<1x64xi32, #tpu.memory_space<hbm>> -> memref<64xi32, #tpu.memory_space<hbm>>
        %dma_wait3A_638 = arith.constant 0 : i32
        %dma_wait3A_639 = tpu.memref_slice %arg6[%dma_wait3A_631, %dma_wait3A_638] : memref<8x64xi32, #tpu.memory_space<vmem>> -> memref<1x64xi32, #tpu.memory_space<vmem>>
        %dma_wait3A_640 = tpu.memref_squeeze %dma_wait3A_639 : memref<1x64xi32, #tpu.memory_space<vmem>> -> memref<64xi32, #tpu.memory_space<vmem>>
        %dma_wait3A_641 = arith.constant 0 : i32
        %dma_wait3A_642 = tpu.memref_slice %arg3[%dma_wait3A_630, %dma_wait3A_641] : memref<2x320000xi32, #tpu.memory_space<hbm>> -> memref<1x64xi32, #tpu.memory_space<hbm>>
        %dma_wait3A_643 = tpu.memref_squeeze %dma_wait3A_642 : memref<1x64xi32, #tpu.memory_space<hbm>> -> memref<64xi32, #tpu.memory_space<hbm>>
        tpu.wait_dma2 semaphore(%arg20 : memref<!tpu.dma_semaphore, #tpu.memory_space<semaphore_mem>>) src(%dma_wait3A_643 : memref<64xi32, #tpu.memory_space<hbm>>) dst(%dma_wait3A_640 : memref<64xi32, #tpu.memory_space<vmem>>)
        %dma_wait3A_644 = arith.constant 0 : i32
        %dma_wait3A_645 = arith.constant 3 : i32
        %dma_wait3A_646 = arith.constant 0 : i32
        %dma_wait3A_647 = tpu.memref_slice %arg7[%dma_wait3A_645, %dma_wait3A_646] : memref<8x64xi32, #tpu.memory_space<vmem>> -> memref<1x64xi32, #tpu.memory_space<vmem>>
        %dma_wait3A_648 = tpu.memref_squeeze %dma_wait3A_647 : memref<1x64xi32, #tpu.memory_space<vmem>> -> memref<64xi32, #tpu.memory_space<vmem>>
        %dma_wait3A_649 = arith.constant 0 : i32
        %dma_wait3A_650 = tpu.memref_slice %arg3[%dma_wait3A_644, %dma_wait3A_649] : memref<2x320000xi32, #tpu.memory_space<hbm>> -> memref<1x64xi32, #tpu.memory_space<hbm>>
        %dma_wait3A_651 = tpu.memref_squeeze %dma_wait3A_650 : memref<1x64xi32, #tpu.memory_space<hbm>> -> memref<64xi32, #tpu.memory_space<hbm>>
        %dma_wait3A_652 = arith.constant 0 : i32
        %dma_wait3A_653 = tpu.memref_slice %arg7[%dma_wait3A_645, %dma_wait3A_652] : memref<8x64xi32, #tpu.memory_space<vmem>> -> memref<1x64xi32, #tpu.memory_space<vmem>>
        %dma_wait3A_654 = tpu.memref_squeeze %dma_wait3A_653 : memref<1x64xi32, #tpu.memory_space<vmem>> -> memref<64xi32, #tpu.memory_space<vmem>>
        %dma_wait3A_655 = arith.constant 0 : i32
        %dma_wait3A_656 = tpu.memref_slice %arg3[%dma_wait3A_644, %dma_wait3A_655] : memref<2x320000xi32, #tpu.memory_space<hbm>> -> memref<1x64xi32, #tpu.memory_space<hbm>>
        %dma_wait3A_657 = tpu.memref_squeeze %dma_wait3A_656 : memref<1x64xi32, #tpu.memory_space<hbm>> -> memref<64xi32, #tpu.memory_space<hbm>>
        tpu.wait_dma2 semaphore(%arg20 : memref<!tpu.dma_semaphore, #tpu.memory_space<semaphore_mem>>) src(%dma_wait3A_657 : memref<64xi32, #tpu.memory_space<hbm>>) dst(%dma_wait3A_654 : memref<64xi32, #tpu.memory_space<vmem>>)
        %dma_start3A_658 = arith.constant 3 : i32
        %dma_start3A_659 = arith.constant 0 : i32
        %dma_start3A_660 = tpu.memref_slice %arg6[%dma_start3A_658, %dma_start3A_659] : memref<8x64xi32, #tpu.memory_space<vmem>> -> memref<1x64xi32, #tpu.memory_space<vmem>>
        %dma_start3A_661 = tpu.memref_squeeze %dma_start3A_660 : memref<1x64xi32, #tpu.memory_space<vmem>> -> memref<64xi32, #tpu.memory_space<vmem>>
        %dma_start3A_662 = arith.constant 0 : i32
        %dma_start3A_663 = arith.constant 0 : i32
        %dma_start3A_664 = tpu.memref_slice %arg2[%dma_start3A_662, %dma_start3A_663] : memref<10240x64xi32, #tpu.memory_space<hbm>> -> memref<10240x64xi32, #tpu.memory_space<hbm>>
        tpu.enqueue_indirect_dma source(%dma_start3A_664 : memref<10240x64xi32, #tpu.memory_space<hbm>>) target(%arg9 : memref<64x64xi32, #tpu.memory_space<vmem>>) offsets(%dma_start3A_661 : memref<64xi32, #tpu.memory_space<vmem>>) semaphore(%arg13 : memref<!tpu.dma_semaphore, #tpu.memory_space<semaphore_mem>>)
      } else {
      }
      %dma_start3A_389 = arith.constant 1 : i32
      %dma_start3A_390 = arith.constant 0 : i32
      %dma_start3A_391 = tpu.memref_slice %arg7[%dma_start3A_389, %dma_start3A_390] : memref<8x64xi32, #tpu.memory_space<vmem>> -> memref<1x64xi32, #tpu.memory_space<vmem>>
      %dma_start3A_392 = tpu.memref_squeeze %dma_start3A_391 : memref<1x64xi32, #tpu.memory_space<vmem>> -> memref<64xi32, #tpu.memory_space<vmem>>
      %dma_start3A_393 = arith.constant 0 : i32
      %dma_start3A_394 = arith.constant 0 : i32
      %dma_start3A_395 = tpu.memref_slice %arg16[%dma_start3A_393, %dma_start3A_394] : memref<10112x128xf32, #tpu.memory_space<vmem_shared>> -> memref<10112x128xf32, #tpu.memory_space<vmem_shared>>
      tpu.enqueue_indirect_dma source(%arg11 : memref<64x128xf32, #tpu.memory_space<vmem>>) target(%dma_start3A_395 : memref<10112x128xf32, #tpu.memory_space<vmem_shared>>) offsets(%dma_start3A_392 : memref<64xi32, #tpu.memory_space<vmem>>) semaphore(%arg15 : memref<!tpu.dma_semaphore, #tpu.memory_space<semaphore_mem>>) {add = true}
      %add3A_396 = arith.constant 2 : i32
      %add3A_397 = arith.addi %add3A_323, %add3A_396 : i32
      %dma_wait3A_398 = arith.constant 2 : i32
      %dma_wait3A_399 = arith.constant 0 : i32
      %dma_wait3A_400 = tpu.memref_slice %arg6[%dma_wait3A_398, %dma_wait3A_399] : memref<8x64xi32, #tpu.memory_space<vmem>> -> memref<1x64xi32, #tpu.memory_space<vmem>>
      %dma_wait3A_401 = tpu.memref_squeeze %dma_wait3A_400 : memref<1x64xi32, #tpu.memory_space<vmem>> -> memref<64xi32, #tpu.memory_space<vmem>>
      %dma_wait3A_402 = arith.constant 0 : i32
      %dma_wait3A_403 = arith.constant 0 : i32
      %dma_wait3A_404 = tpu.memref_slice %arg2[%dma_wait3A_402, %dma_wait3A_403] : memref<10240x64xi32, #tpu.memory_space<hbm>> -> memref<10240x64xi32, #tpu.memory_space<hbm>>
      tpu.wait_indirect_dma semaphore(%arg12 : memref<!tpu.dma_semaphore, #tpu.memory_space<semaphore_mem>>) src(%dma_wait3A_404 : memref<10240x64xi32, #tpu.memory_space<hbm>>) dst(%arg8 : memref<64x64xi32, #tpu.memory_space<vmem>>)
      %ge3A_405 = arith.constant 2 : i32
      %ge3A_406 = arith.cmpi sge, %add3A_397, %ge3A_405 : i32
      %convert_element_type3A_407 = arith.extui %ge3A_406 : i1 to i32
      %cond3A_408 = arith.constant 0 : i32
      %cond3A_409 = arith.cmpi ne, %convert_element_type3A_407, %cond3A_408 : i32
      scf.if %cond3A_409 {
        %dma_wait3A_630 = arith.constant 0 : i32
        %dma_wait3A_631 = arith.constant 0 : i32
        %dma_wait3A_632 = tpu.memref_slice %arg7[%dma_wait3A_630, %dma_wait3A_631] : memref<8x64xi32, #tpu.memory_space<vmem>> -> memref<1x64xi32, #tpu.memory_space<vmem>>
        %dma_wait3A_633 = tpu.memref_squeeze %dma_wait3A_632 : memref<1x64xi32, #tpu.memory_space<vmem>> -> memref<64xi32, #tpu.memory_space<vmem>>
        %dma_wait3A_634 = arith.constant 0 : i32
        %dma_wait3A_635 = arith.constant 0 : i32
        %dma_wait3A_636 = tpu.memref_slice %arg16[%dma_wait3A_634, %dma_wait3A_635] : memref<10112x128xf32, #tpu.memory_space<vmem_shared>> -> memref<10112x128xf32, #tpu.memory_space<vmem_shared>>
        tpu.wait_indirect_dma semaphore(%arg14 : memref<!tpu.dma_semaphore, #tpu.memory_space<semaphore_mem>>) src(%arg10 : memref<64x128xf32, #tpu.memory_space<vmem>>) dst(%dma_wait3A_636 : memref<10112x128xf32, #tpu.memory_space<vmem_shared>>)
      } else {
      }
      %ge3A_410 = arith.constant 2 : i32
      %ge3A_411 = arith.cmpi sge, %add3A_397, %ge3A_410 : i32
      %add3A_412 = arith.constant 6 : i32
      %add3A_413 = arith.addi %add3A_397, %add3A_412 : i32
      %lt3A_414 = arith.cmpi slt, %add3A_413, %min3A_6 : i32
      %and3A_415 = arith.andi %ge3A_411, %lt3A_414 : i1
      %convert_element_type3A_416 = arith.extui %and3A_415 : i1 to i32
      %cond3A_417 = arith.constant 0 : i32
      %cond3A_418 = arith.cmpi ne, %convert_element_type3A_416, %cond3A_417 : i32
      scf.if %cond3A_418 {
        %add3A_630 = arith.constant 6 : i32
        %add3A_631 = arith.addi %add3A_397, %add3A_630 : i32
        %mul3A_632 = arith.constant 64 : i32
        %mul3A_633 = arith.muli %add3A_631, %mul3A_632 : i32
        %add3A_634 = arith.addi %mul3A_2, %mul3A_633 : i32
        %dma_start3A_635 = arith.constant 0 : i32
        %dma_start3A_636 = arith.constant 0 : i32
        %dma_start3A_637 = arith.constant 0 : i32
        %dma_start3A_638 = tpu.memref_slice %arg6[%dma_start3A_636, %dma_start3A_637] : memref<8x64xi32, #tpu.memory_space<vmem>> -> memref<1x64xi32, #tpu.memory_space<vmem>>
        %dma_start3A_639 = tpu.memref_squeeze %dma_start3A_638 : memref<1x64xi32, #tpu.memory_space<vmem>> -> memref<64xi32, #tpu.memory_space<vmem>>
        %dma_start3A_640 = tpu.memref_slice %arg3[%dma_start3A_635, %add3A_634] : memref<2x320000xi32, #tpu.memory_space<hbm>> -> memref<1x64xi32, #tpu.memory_space<hbm>>
        %dma_start3A_641 = tpu.memref_squeeze %dma_start3A_640 : memref<1x64xi32, #tpu.memory_space<hbm>> -> memref<64xi32, #tpu.memory_space<hbm>>
        %dma_start3A_642 = arith.constant 0 : i32
        %dma_start3A_643 = tpu.memref_slice %arg6[%dma_start3A_636, %dma_start3A_642] : memref<8x64xi32, #tpu.memory_space<vmem>> -> memref<1x64xi32, #tpu.memory_space<vmem>>
        %dma_start3A_644 = tpu.memref_squeeze %dma_start3A_643 : memref<1x64xi32, #tpu.memory_space<vmem>> -> memref<64xi32, #tpu.memory_space<vmem>>
        %dma_start3A_645 = tpu.memref_slice %arg3[%dma_start3A_635, %add3A_634] : memref<2x320000xi32, #tpu.memory_space<hbm>> -> memref<1x64xi32, #tpu.memory_space<hbm>>
        %dma_start3A_646 = tpu.memref_squeeze %dma_start3A_645 : memref<1x64xi32, #tpu.memory_space<hbm>> -> memref<64xi32, #tpu.memory_space<hbm>>
        tpu.enqueue_dma source(%dma_start3A_646 : memref<64xi32, #tpu.memory_space<hbm>>) target(%dma_start3A_644 : memref<64xi32, #tpu.memory_space<vmem>>) target_semaphore(%arg17 : memref<!tpu.dma_semaphore, #tpu.memory_space<semaphore_mem>>)
        %dma_start3A_647 = arith.constant 1 : i32
        %dma_start3A_648 = arith.constant 0 : i32
        %dma_start3A_649 = arith.constant 0 : i32
        %dma_start3A_650 = tpu.memref_slice %arg7[%dma_start3A_648, %dma_start3A_649] : memref<8x64xi32, #tpu.memory_space<vmem>> -> memref<1x64xi32, #tpu.memory_space<vmem>>
        %dma_start3A_651 = tpu.memref_squeeze %dma_start3A_650 : memref<1x64xi32, #tpu.memory_space<vmem>> -> memref<64xi32, #tpu.memory_space<vmem>>
        %dma_start3A_652 = tpu.memref_slice %arg3[%dma_start3A_647, %add3A_634] : memref<2x320000xi32, #tpu.memory_space<hbm>> -> memref<1x64xi32, #tpu.memory_space<hbm>>
        %dma_start3A_653 = tpu.memref_squeeze %dma_start3A_652 : memref<1x64xi32, #tpu.memory_space<hbm>> -> memref<64xi32, #tpu.memory_space<hbm>>
        %dma_start3A_654 = arith.constant 0 : i32
        %dma_start3A_655 = tpu.memref_slice %arg7[%dma_start3A_648, %dma_start3A_654] : memref<8x64xi32, #tpu.memory_space<vmem>> -> memref<1x64xi32, #tpu.memory_space<vmem>>
        %dma_start3A_656 = tpu.memref_squeeze %dma_start3A_655 : memref<1x64xi32, #tpu.memory_space<vmem>> -> memref<64xi32, #tpu.memory_space<vmem>>
        %dma_start3A_657 = tpu.memref_slice %arg3[%dma_start3A_647, %add3A_634] : memref<2x320000xi32, #tpu.memory_space<hbm>> -> memref<1x64xi32, #tpu.memory_space<hbm>>
        %dma_start3A_658 = tpu.memref_squeeze %dma_start3A_657 : memref<1x64xi32, #tpu.memory_space<hbm>> -> memref<64xi32, #tpu.memory_space<hbm>>
        tpu.enqueue_dma source(%dma_start3A_658 : memref<64xi32, #tpu.memory_space<hbm>>) target(%dma_start3A_656 : memref<64xi32, #tpu.memory_space<vmem>>) target_semaphore(%arg17 : memref<!tpu.dma_semaphore, #tpu.memory_space<semaphore_mem>>)
      } else {
      }
      %parallel_loop3A_419 = arith.constant 0 : i32
      %parallel_loop3A_420 = arith.constant 64 : i32
      %parallel_loop3A_421 = arith.constant 1 : i32
      scf.for %parallel_loop3A_630 = %parallel_loop3A_419 to %parallel_loop3A_420 step %parallel_loop3A_421  : i32 {
        %parallel_loop3A_631 = arith.index_cast %parallel_loop3A_630 : i32 to index
        %parallel_loop3A_632 = arith.constant 0 : index
        %parallel_loop3A_633 = tpu.vector_load %arg8[%parallel_loop3A_631, %parallel_loop3A_632] {strides = array<i32>} : memref<64x64xi32, #tpu.memory_space<vmem>>, vector<16xi32>,
        %parallel_loop3A_634 = arith.constant 16 : i32
        %parallel_loop3A_635 = vector.broadcast %parallel_loop3A_634 : i32 to vector<16xi32>
        %parallel_loop3A_636 = arith.shli %parallel_loop3A_633, %parallel_loop3A_635 : vector<16xi32>
        %parallel_loop3A_637 = vector.bitcast %parallel_loop3A_636 : vector<16xi32> to vector<16xf32>
        %parallel_loop3A_638 = arith.constant -65536 : i32
        %parallel_loop3A_639 = vector.broadcast %parallel_loop3A_638 : i32 to vector<16xi32>
        %parallel_loop3A_640 = arith.andi %parallel_loop3A_633, %parallel_loop3A_639 : vector<16xi32>
        %parallel_loop3A_641 = vector.bitcast %parallel_loop3A_640 : vector<16xi32> to vector<16xf32>
        %parallel_loop3A_642 = arith.index_cast %parallel_loop3A_630 : i32 to index
        %parallel_loop3A_643 = arith.constant 0 : index
        %parallel_loop3A_644 = tpu.vector_load %arg10[%parallel_loop3A_642, %parallel_loop3A_643] {strides = array<i32>} : memref<64x128xf32, #tpu.memory_space<vmem>>, vector<16xf32>,
        tpu.vector_store %arg10[%parallel_loop3A_642, %parallel_loop3A_643], %parallel_loop3A_637 {strides = array<i32>} : memref<64x128xf32, #tpu.memory_space<vmem>>, vector<16xf32>,
        %parallel_loop3A_645 = arith.index_cast %parallel_loop3A_630 : i32 to index
        %parallel_loop3A_646 = arith.constant 16 : index
        %parallel_loop3A_647 = tpu.vector_load %arg10[%parallel_loop3A_645, %parallel_loop3A_646] {strides = array<i32>} : memref<64x128xf32, #tpu.memory_space<vmem>>, vector<16xf32>,
        tpu.vector_store %arg10[%parallel_loop3A_645, %parallel_loop3A_646], %parallel_loop3A_641 {strides = array<i32>} : memref<64x128xf32, #tpu.memory_space<vmem>>, vector<16xf32>,
        %parallel_loop3A_648 = arith.index_cast %parallel_loop3A_630 : i32 to index
        %parallel_loop3A_649 = arith.constant 16 : index
        %parallel_loop3A_650 = tpu.vector_load %arg8[%parallel_loop3A_648, %parallel_loop3A_649] {strides = array<i32>} : memref<64x64xi32, #tpu.memory_space<vmem>>, vector<16xi32>,
        %parallel_loop3A_651 = arith.constant 16 : i32
        %parallel_loop3A_652 = vector.broadcast %parallel_loop3A_651 : i32 to vector<16xi32>
        %parallel_loop3A_653 = arith.shli %parallel_loop3A_650, %parallel_loop3A_652 : vector<16xi32>
        %parallel_loop3A_654 = vector.bitcast %parallel_loop3A_653 : vector<16xi32> to vector<16xf32>
        %parallel_loop3A_655 = arith.constant -65536 : i32
        %parallel_loop3A_656 = vector.broadcast %parallel_loop3A_655 : i32 to vector<16xi32>
        %parallel_loop3A_657 = arith.andi %parallel_loop3A_650, %parallel_loop3A_656 : vector<16xi32>
        %parallel_loop3A_658 = vector.bitcast %parallel_loop3A_657 : vector<16xi32> to vector<16xf32>
        %parallel_loop3A_659 = arith.index_cast %parallel_loop3A_630 : i32 to index
        %parallel_loop3A_660 = arith.constant 32 : index
        %parallel_loop3A_661 = tpu.vector_load %arg10[%parallel_loop3A_659, %parallel_loop3A_660] {strides = array<i32>} : memref<64x128xf32, #tpu.memory_space<vmem>>, vector<16xf32>,
        tpu.vector_store %arg10[%parallel_loop3A_659, %parallel_loop3A_660], %parallel_loop3A_654 {strides = array<i32>} : memref<64x128xf32, #tpu.memory_space<vmem>>, vector<16xf32>,
        %parallel_loop3A_662 = arith.index_cast %parallel_loop3A_630 : i32 to index
        %parallel_loop3A_663 = arith.constant 48 : index
        %parallel_loop3A_664 = tpu.vector_load %arg10[%parallel_loop3A_662, %parallel_loop3A_663] {strides = array<i32>} : memref<64x128xf32, #tpu.memory_space<vmem>>, vector<16xf32>,
        tpu.vector_store %arg10[%parallel_loop3A_662, %parallel_loop3A_663], %parallel_loop3A_658 {strides = array<i32>} : memref<64x128xf32, #tpu.memory_space<vmem>>, vector<16xf32>,
        %parallel_loop3A_665 = arith.index_cast %parallel_loop3A_630 : i32 to index
        %parallel_loop3A_666 = arith.constant 32 : index
        %parallel_loop3A_667 = tpu.vector_load %arg8[%parallel_loop3A_665, %parallel_loop3A_666] {strides = array<i32>} : memref<64x64xi32, #tpu.memory_space<vmem>>, vector<16xi32>,
        %parallel_loop3A_668 = arith.constant 16 : i32
        %parallel_loop3A_669 = vector.broadcast %parallel_loop3A_668 : i32 to vector<16xi32>
        %parallel_loop3A_670 = arith.shli %parallel_loop3A_667, %parallel_loop3A_669 : vector<16xi32>
        %parallel_loop3A_671 = vector.bitcast %parallel_loop3A_670 : vector<16xi32> to vector<16xf32>
        %parallel_loop3A_672 = arith.constant -65536 : i32
        %parallel_loop3A_673 = vector.broadcast %parallel_loop3A_672 : i32 to vector<16xi32>
        %parallel_loop3A_674 = arith.andi %parallel_loop3A_667, %parallel_loop3A_673 : vector<16xi32>
        %parallel_loop3A_675 = vector.bitcast %parallel_loop3A_674 : vector<16xi32> to vector<16xf32>
        %parallel_loop3A_676 = arith.index_cast %parallel_loop3A_630 : i32 to index
        %parallel_loop3A_677 = arith.constant 64 : index
        %parallel_loop3A_678 = tpu.vector_load %arg10[%parallel_loop3A_676, %parallel_loop3A_677] {strides = array<i32>} : memref<64x128xf32, #tpu.memory_space<vmem>>, vector<16xf32>,
        tpu.vector_store %arg10[%parallel_loop3A_676, %parallel_loop3A_677], %parallel_loop3A_671 {strides = array<i32>} : memref<64x128xf32, #tpu.memory_space<vmem>>, vector<16xf32>,
        %parallel_loop3A_679 = arith.index_cast %parallel_loop3A_630 : i32 to index
        %parallel_loop3A_680 = arith.constant 80 : index
        %parallel_loop3A_681 = tpu.vector_load %arg10[%parallel_loop3A_679, %parallel_loop3A_680] {strides = array<i32>} : memref<64x128xf32, #tpu.memory_space<vmem>>, vector<16xf32>,
        tpu.vector_store %arg10[%parallel_loop3A_679, %parallel_loop3A_680], %parallel_loop3A_675 {strides = array<i32>} : memref<64x128xf32, #tpu.memory_space<vmem>>, vector<16xf32>,
        %parallel_loop3A_682 = arith.index_cast %parallel_loop3A_630 : i32 to index
        %parallel_loop3A_683 = arith.constant 48 : index
        %parallel_loop3A_684 = tpu.vector_load %arg8[%parallel_loop3A_682, %parallel_loop3A_683] {strides = array<i32>} : memref<64x64xi32, #tpu.memory_space<vmem>>, vector<16xi32>,
        %parallel_loop3A_685 = arith.constant 16 : i32
        %parallel_loop3A_686 = vector.broadcast %parallel_loop3A_685 : i32 to vector<16xi32>
        %parallel_loop3A_687 = arith.shli %parallel_loop3A_684, %parallel_loop3A_686 : vector<16xi32>
        %parallel_loop3A_688 = vector.bitcast %parallel_loop3A_687 : vector<16xi32> to vector<16xf32>
        %parallel_loop3A_689 = arith.constant -65536 : i32
        %parallel_loop3A_690 = vector.broadcast %parallel_loop3A_689 : i32 to vector<16xi32>
        %parallel_loop3A_691 = arith.andi %parallel_loop3A_684, %parallel_loop3A_690 : vector<16xi32>
        %parallel_loop3A_692 = vector.bitcast %parallel_loop3A_691 : vector<16xi32> to vector<16xf32>
        %parallel_loop3A_693 = arith.index_cast %parallel_loop3A_630 : i32 to index
        %parallel_loop3A_694 = arith.constant 96 : index
        %parallel_loop3A_695 = tpu.vector_load %arg10[%parallel_loop3A_693, %parallel_loop3A_694] {strides = array<i32>} : memref<64x128xf32, #tpu.memory_space<vmem>>, vector<16xf32>,
        tpu.vector_store %arg10[%parallel_loop3A_693, %parallel_loop3A_694], %parallel_loop3A_688 {strides = array<i32>} : memref<64x128xf32, #tpu.memory_space<vmem>>, vector<16xf32>,
        %parallel_loop3A_696 = arith.index_cast %parallel_loop3A_630 : i32 to index
        %parallel_loop3A_697 = arith.constant 112 : index
        %parallel_loop3A_698 = tpu.vector_load %arg10[%parallel_loop3A_696, %parallel_loop3A_697] {strides = array<i32>} : memref<64x128xf32, #tpu.memory_space<vmem>>, vector<16xf32>,
        tpu.vector_store %arg10[%parallel_loop3A_696, %parallel_loop3A_697], %parallel_loop3A_692 {strides = array<i32>} : memref<64x128xf32, #tpu.memory_space<vmem>>, vector<16xf32>,
      } {sc.loop_unroll_factor = 4 : i64, sc.parallel_access}
      %add3A_422 = arith.constant 2 : i32
      %add3A_423 = arith.addi %add3A_397, %add3A_422 : i32
      %lt3A_424 = arith.cmpi slt, %add3A_423, %min3A_6 : i32
      %convert_element_type3A_425 = arith.extui %lt3A_424 : i1 to i32
      %cond3A_426 = arith.constant 0 : i32
      %cond3A_427 = arith.cmpi ne, %convert_element_type3A_425, %cond3A_426 : i32
      scf.if %cond3A_427 {
        %dma_wait3A_630 = arith.constant 0 : i32
        %dma_wait3A_631 = arith.constant 4 : i32
        %dma_wait3A_632 = arith.constant 0 : i32
        %dma_wait3A_633 = tpu.memref_slice %arg6[%dma_wait3A_631, %dma_wait3A_632] : memref<8x64xi32, #tpu.memory_space<vmem>> -> memref<1x64xi32, #tpu.memory_space<vmem>>
        %dma_wait3A_634 = tpu.memref_squeeze %dma_wait3A_633 : memref<1x64xi32, #tpu.memory_space<vmem>> -> memref<64xi32, #tpu.memory_space<vmem>>
        %dma_wait3A_635 = arith.constant 0 : i32
        %dma_wait3A_636 = tpu.memref_slice %arg3[%dma_wait3A_630, %dma_wait3A_635] : memref<2x320000xi32, #tpu.memory_space<hbm>> -> memref<1x64xi32, #tpu.memory_space<hbm>>
        %dma_wait3A_637 = tpu.memref_squeeze %dma_wait3A_636 : memref<1x64xi32, #tpu.memory_space<hbm>> -> memref<64xi32, #tpu.memory_space<hbm>>
        %dma_wait3A_638 = arith.constant 0 : i32
        %dma_wait3A_639 = tpu.memref_slice %arg6[%dma_wait3A_631, %dma_wait3A_638] : memref<8x64xi32, #tpu.memory_space<vmem>> -> memref<1x64xi32, #tpu.memory_space<vmem>>
        %dma_wait3A_640 = tpu.memref_squeeze %dma_wait3A_639 : memref<1x64xi32, #tpu.memory_space<vmem>> -> memref<64xi32, #tpu.memory_space<vmem>>
        %dma_wait3A_641 = arith.constant 0 : i32
        %dma_wait3A_642 = tpu.memref_slice %arg3[%dma_wait3A_630, %dma_wait3A_641] : memref<2x320000xi32, #tpu.memory_space<hbm>> -> memref<1x64xi32, #tpu.memory_space<hbm>>
        %dma_wait3A_643 = tpu.memref_squeeze %dma_wait3A_642 : memref<1x64xi32, #tpu.memory_space<hbm>> -> memref<64xi32, #tpu.memory_space<hbm>>
        tpu.wait_dma2 semaphore(%arg21 : memref<!tpu.dma_semaphore, #tpu.memory_space<semaphore_mem>>) src(%dma_wait3A_643 : memref<64xi32, #tpu.memory_space<hbm>>) dst(%dma_wait3A_640 : memref<64xi32, #tpu.memory_space<vmem>>)
        %dma_wait3A_644 = arith.constant 0 : i32
        %dma_wait3A_645 = arith.constant 4 : i32
        %dma_wait3A_646 = arith.constant 0 : i32
        %dma_wait3A_647 = tpu.memref_slice %arg7[%dma_wait3A_645, %dma_wait3A_646] : memref<8x64xi32, #tpu.memory_space<vmem>> -> memref<1x64xi32, #tpu.memory_space<vmem>>
        %dma_wait3A_648 = tpu.memref_squeeze %dma_wait3A_647 : memref<1x64xi32, #tpu.memory_space<vmem>> -> memref<64xi32, #tpu.memory_space<vmem>>
        %dma_wait3A_649 = arith.constant 0 : i32
        %dma_wait3A_650 = tpu.memref_slice %arg3[%dma_wait3A_644, %dma_wait3A_649] : memref<2x320000xi32, #tpu.memory_space<hbm>> -> memref<1x64xi32, #tpu.memory_space<hbm>>
        %dma_wait3A_651 = tpu.memref_squeeze %dma_wait3A_650 : memref<1x64xi32, #tpu.memory_space<hbm>> -> memref<64xi32, #tpu.memory_space<hbm>>
        %dma_wait3A_652 = arith.constant 0 : i32
        %dma_wait3A_653 = tpu.memref_slice %arg7[%dma_wait3A_645, %dma_wait3A_652] : memref<8x64xi32, #tpu.memory_space<vmem>> -> memref<1x64xi32, #tpu.memory_space<vmem>>
        %dma_wait3A_654 = tpu.memref_squeeze %dma_wait3A_653 : memref<1x64xi32, #tpu.memory_space<vmem>> -> memref<64xi32, #tpu.memory_space<vmem>>
        %dma_wait3A_655 = arith.constant 0 : i32
        %dma_wait3A_656 = tpu.memref_slice %arg3[%dma_wait3A_644, %dma_wait3A_655] : memref<2x320000xi32, #tpu.memory_space<hbm>> -> memref<1x64xi32, #tpu.memory_space<hbm>>
        %dma_wait3A_657 = tpu.memref_squeeze %dma_wait3A_656 : memref<1x64xi32, #tpu.memory_space<hbm>> -> memref<64xi32, #tpu.memory_space<hbm>>
        tpu.wait_dma2 semaphore(%arg21 : memref<!tpu.dma_semaphore, #tpu.memory_space<semaphore_mem>>) src(%dma_wait3A_657 : memref<64xi32, #tpu.memory_space<hbm>>) dst(%dma_wait3A_654 : memref<64xi32, #tpu.memory_space<vmem>>)
        %dma_start3A_658 = arith.constant 4 : i32
        %dma_start3A_659 = arith.constant 0 : i32
        %dma_start3A_660 = tpu.memref_slice %arg6[%dma_start3A_658, %dma_start3A_659] : memref<8x64xi32, #tpu.memory_space<vmem>> -> memref<1x64xi32, #tpu.memory_space<vmem>>
        %dma_start3A_661 = tpu.memref_squeeze %dma_start3A_660 : memref<1x64xi32, #tpu.memory_space<vmem>> -> memref<64xi32, #tpu.memory_space<vmem>>
        %dma_start3A_662 = arith.constant 0 : i32
        %dma_start3A_663 = arith.constant 0 : i32
        %dma_start3A_664 = tpu.memref_slice %arg2[%dma_start3A_662, %dma_start3A_663] : memref<10240x64xi32, #tpu.memory_space<hbm>> -> memref<10240x64xi32, #tpu.memory_space<hbm>>
        tpu.enqueue_indirect_dma source(%dma_start3A_664 : memref<10240x64xi32, #tpu.memory_space<hbm>>) target(%arg8 : memref<64x64xi32, #tpu.memory_space<vmem>>) offsets(%dma_start3A_661 : memref<64xi32, #tpu.memory_space<vmem>>) semaphore(%arg12 : memref<!tpu.dma_semaphore, #tpu.memory_space<semaphore_mem>>)
      } else {
      }
      %dma_start3A_428 = arith.constant 2 : i32
      %dma_start3A_429 = arith.constant 0 : i32
      %dma_start3A_430 = tpu.memref_slice %arg7[%dma_start3A_428, %dma_start3A_429] : memref<8x64xi32, #tpu.memory_space<vmem>> -> memref<1x64xi32, #tpu.memory_space<vmem>>
      %dma_start3A_431 = tpu.memref_squeeze %dma_start3A_430 : memref<1x64xi32, #tpu.memory_space<vmem>> -> memref<64xi32, #tpu.memory_space<vmem>>
      %dma_start3A_432 = arith.constant 0 : i32
      %dma_start3A_433 = arith.constant 0 : i32
      %dma_start3A_434 = tpu.memref_slice %arg16[%dma_start3A_432, %dma_start3A_433] : memref<10112x128xf32, #tpu.memory_space<vmem_shared>> -> memref<10112x128xf32, #tpu.memory_space<vmem_shared>>
      tpu.enqueue_indirect_dma source(%arg10 : memref<64x128xf32, #tpu.memory_space<vmem>>) target(%dma_start3A_434 : memref<10112x128xf32, #tpu.memory_space<vmem_shared>>) offsets(%dma_start3A_431 : memref<64xi32, #tpu.memory_space<vmem>>) semaphore(%arg14 : memref<!tpu.dma_semaphore, #tpu.memory_space<semaphore_mem>>) {add = true}
      %add3A_435 = arith.constant 3 : i32
      %add3A_436 = arith.addi %add3A_323, %add3A_435 : i32
      %dma_wait3A_437 = arith.constant 3 : i32
      %dma_wait3A_438 = arith.constant 0 : i32
      %dma_wait3A_439 = tpu.memref_slice %arg6[%dma_wait3A_437, %dma_wait3A_438] : memref<8x64xi32, #tpu.memory_space<vmem>> -> memref<1x64xi32, #tpu.memory_space<vmem>>
      %dma_wait3A_440 = tpu.memref_squeeze %dma_wait3A_439 : memref<1x64xi32, #tpu.memory_space<vmem>> -> memref<64xi32, #tpu.memory_space<vmem>>
      %dma_wait3A_441 = arith.constant 0 : i32
      %dma_wait3A_442 = arith.constant 0 : i32
      %dma_wait3A_443 = tpu.memref_slice %arg2[%dma_wait3A_441, %dma_wait3A_442] : memref<10240x64xi32, #tpu.memory_space<hbm>> -> memref<10240x64xi32, #tpu.memory_space<hbm>>
      tpu.wait_indirect_dma semaphore(%arg13 : memref<!tpu.dma_semaphore, #tpu.memory_space<semaphore_mem>>) src(%dma_wait3A_443 : memref<10240x64xi32, #tpu.memory_space<hbm>>) dst(%arg9 : memref<64x64xi32, #tpu.memory_space<vmem>>)
      %ge3A_444 = arith.constant 2 : i32
      %ge3A_445 = arith.cmpi sge, %add3A_436, %ge3A_444 : i32
      %convert_element_type3A_446 = arith.extui %ge3A_445 : i1 to i32
      %cond3A_447 = arith.constant 0 : i32
      %cond3A_448 = arith.cmpi ne, %convert_element_type3A_446, %cond3A_447 : i32
      scf.if %cond3A_448 {
        %dma_wait3A_630 = arith.constant 1 : i32
        %dma_wait3A_631 = arith.constant 0 : i32
        %dma_wait3A_632 = tpu.memref_slice %arg7[%dma_wait3A_630, %dma_wait3A_631] : memref<8x64xi32, #tpu.memory_space<vmem>> -> memref<1x64xi32, #tpu.memory_space<vmem>>
        %dma_wait3A_633 = tpu.memref_squeeze %dma_wait3A_632 : memref<1x64xi32, #tpu.memory_space<vmem>> -> memref<64xi32, #tpu.memory_space<vmem>>
        %dma_wait3A_634 = arith.constant 0 : i32
        %dma_wait3A_635 = arith.constant 0 : i32
        %dma_wait3A_636 = tpu.memref_slice %arg16[%dma_wait3A_634, %dma_wait3A_635] : memref<10112x128xf32, #tpu.memory_space<vmem_shared>> -> memref<10112x128xf32, #tpu.memory_space<vmem_shared>>
        tpu.wait_indirect_dma semaphore(%arg15 : memref<!tpu.dma_semaphore, #tpu.memory_space<semaphore_mem>>) src(%arg11 : memref<64x128xf32, #tpu.memory_space<vmem>>) dst(%dma_wait3A_636 : memref<10112x128xf32, #tpu.memory_space<vmem_shared>>)
      } else {
      }
      %ge3A_449 = arith.constant 2 : i32
      %ge3A_450 = arith.cmpi sge, %add3A_436, %ge3A_449 : i32
      %add3A_451 = arith.constant 6 : i32
      %add3A_452 = arith.addi %add3A_436, %add3A_451 : i32
      %lt3A_453 = arith.cmpi slt, %add3A_452, %min3A_6 : i32
      %and3A_454 = arith.andi %ge3A_450, %lt3A_453 : i1
      %convert_element_type3A_455 = arith.extui %and3A_454 : i1 to i32
      %cond3A_456 = arith.constant 0 : i32
      %cond3A_457 = arith.cmpi ne, %convert_element_type3A_455, %cond3A_456 : i32
      scf.if %cond3A_457 {
        %add3A_630 = arith.constant 6 : i32
        %add3A_631 = arith.addi %add3A_436, %add3A_630 : i32
        %mul3A_632 = arith.constant 64 : i32
        %mul3A_633 = arith.muli %add3A_631, %mul3A_632 : i32
        %add3A_634 = arith.addi %mul3A_2, %mul3A_633 : i32
        %dma_start3A_635 = arith.constant 0 : i32
        %dma_start3A_636 = arith.constant 1 : i32
        %dma_start3A_637 = arith.constant 0 : i32
        %dma_start3A_638 = tpu.memref_slice %arg6[%dma_start3A_636, %dma_start3A_637] : memref<8x64xi32, #tpu.memory_space<vmem>> -> memref<1x64xi32, #tpu.memory_space<vmem>>
        %dma_start3A_639 = tpu.memref_squeeze %dma_start3A_638 : memref<1x64xi32, #tpu.memory_space<vmem>> -> memref<64xi32, #tpu.memory_space<vmem>>
        %dma_start3A_640 = tpu.memref_slice %arg3[%dma_start3A_635, %add3A_634] : memref<2x320000xi32, #tpu.memory_space<hbm>> -> memref<1x64xi32, #tpu.memory_space<hbm>>
        %dma_start3A_641 = tpu.memref_squeeze %dma_start3A_640 : memref<1x64xi32, #tpu.memory_space<hbm>> -> memref<64xi32, #tpu.memory_space<hbm>>
        %dma_start3A_642 = arith.constant 0 : i32
        %dma_start3A_643 = tpu.memref_slice %arg6[%dma_start3A_636, %dma_start3A_642] : memref<8x64xi32, #tpu.memory_space<vmem>> -> memref<1x64xi32, #tpu.memory_space<vmem>>
        %dma_start3A_644 = tpu.memref_squeeze %dma_start3A_643 : memref<1x64xi32, #tpu.memory_space<vmem>> -> memref<64xi32, #tpu.memory_space<vmem>>
        %dma_start3A_645 = tpu.memref_slice %arg3[%dma_start3A_635, %add3A_634] : memref<2x320000xi32, #tpu.memory_space<hbm>> -> memref<1x64xi32, #tpu.memory_space<hbm>>
        %dma_start3A_646 = tpu.memref_squeeze %dma_start3A_645 : memref<1x64xi32, #tpu.memory_space<hbm>> -> memref<64xi32, #tpu.memory_space<hbm>>
        tpu.enqueue_dma source(%dma_start3A_646 : memref<64xi32, #tpu.memory_space<hbm>>) target(%dma_start3A_644 : memref<64xi32, #tpu.memory_space<vmem>>) target_semaphore(%arg18 : memref<!tpu.dma_semaphore, #tpu.memory_space<semaphore_mem>>)
        %dma_start3A_647 = arith.constant 1 : i32
        %dma_start3A_648 = arith.constant 1 : i32
        %dma_start3A_649 = arith.constant 0 : i32
        %dma_start3A_650 = tpu.memref_slice %arg7[%dma_start3A_648, %dma_start3A_649] : memref<8x64xi32, #tpu.memory_space<vmem>> -> memref<1x64xi32, #tpu.memory_space<vmem>>
        %dma_start3A_651 = tpu.memref_squeeze %dma_start3A_650 : memref<1x64xi32, #tpu.memory_space<vmem>> -> memref<64xi32, #tpu.memory_space<vmem>>
        %dma_start3A_652 = tpu.memref_slice %arg3[%dma_start3A_647, %add3A_634] : memref<2x320000xi32, #tpu.memory_space<hbm>> -> memref<1x64xi32, #tpu.memory_space<hbm>>
        %dma_start3A_653 = tpu.memref_squeeze %dma_start3A_652 : memref<1x64xi32, #tpu.memory_space<hbm>> -> memref<64xi32, #tpu.memory_space<hbm>>
        %dma_start3A_654 = arith.constant 0 : i32
        %dma_start3A_655 = tpu.memref_slice %arg7[%dma_start3A_648, %dma_start3A_654] : memref<8x64xi32, #tpu.memory_space<vmem>> -> memref<1x64xi32, #tpu.memory_space<vmem>>
        %dma_start3A_656 = tpu.memref_squeeze %dma_start3A_655 : memref<1x64xi32, #tpu.memory_space<vmem>> -> memref<64xi32, #tpu.memory_space<vmem>>
        %dma_start3A_657 = tpu.memref_slice %arg3[%dma_start3A_647, %add3A_634] : memref<2x320000xi32, #tpu.memory_space<hbm>> -> memref<1x64xi32, #tpu.memory_space<hbm>>
        %dma_start3A_658 = tpu.memref_squeeze %dma_start3A_657 : memref<1x64xi32, #tpu.memory_space<hbm>> -> memref<64xi32, #tpu.memory_space<hbm>>
        tpu.enqueue_dma source(%dma_start3A_658 : memref<64xi32, #tpu.memory_space<hbm>>) target(%dma_start3A_656 : memref<64xi32, #tpu.memory_space<vmem>>) target_semaphore(%arg18 : memref<!tpu.dma_semaphore, #tpu.memory_space<semaphore_mem>>)
      } else {
      }
      %parallel_loop3A_458 = arith.constant 0 : i32
      %parallel_loop3A_459 = arith.constant 64 : i32
      %parallel_loop3A_460 = arith.constant 1 : i32
      scf.for %parallel_loop3A_630 = %parallel_loop3A_458 to %parallel_loop3A_459 step %parallel_loop3A_460  : i32 {
        %parallel_loop3A_631 = arith.index_cast %parallel_loop3A_630 : i32 to index
        %parallel_loop3A_632 = arith.constant 0 : index
        %parallel_loop3A_633 = tpu.vector_load %arg9[%parallel_loop3A_631, %parallel_loop3A_632] {strides = array<i32>} : memref<64x64xi32, #tpu.memory_space<vmem>>, vector<16xi32>,
        %parallel_loop3A_634 = arith.constant 16 : i32
        %parallel_loop3A_635 = vector.broadcast %parallel_loop3A_634 : i32 to vector<16xi32>
        %parallel_loop3A_636 = arith.shli %parallel_loop3A_633, %parallel_loop3A_635 : vector<16xi32>
        %parallel_loop3A_637 = vector.bitcast %parallel_loop3A_636 : vector<16xi32> to vector<16xf32>
        %parallel_loop3A_638 = arith.constant -65536 : i32
        %parallel_loop3A_639 = vector.broadcast %parallel_loop3A_638 : i32 to vector<16xi32>
        %parallel_loop3A_640 = arith.andi %parallel_loop3A_633, %parallel_loop3A_639 : vector<16xi32>
        %parallel_loop3A_641 = vector.bitcast %parallel_loop3A_640 : vector<16xi32> to vector<16xf32>
        %parallel_loop3A_642 = arith.index_cast %parallel_loop3A_630 : i32 to index
        %parallel_loop3A_643 = arith.constant 0 : index
        %parallel_loop3A_644 = tpu.vector_load %arg11[%parallel_loop3A_642, %parallel_loop3A_643] {strides = array<i32>} : memref<64x128xf32, #tpu.memory_space<vmem>>, vector<16xf32>,
        tpu.vector_store %arg11[%parallel_loop3A_642, %parallel_loop3A_643], %parallel_loop3A_637 {strides = array<i32>} : memref<64x128xf32, #tpu.memory_space<vmem>>, vector<16xf32>,
        %parallel_loop3A_645 = arith.index_cast %parallel_loop3A_630 : i32 to index
        %parallel_loop3A_646 = arith.constant 16 : index
        %parallel_loop3A_647 = tpu.vector_load %arg11[%parallel_loop3A_645, %parallel_loop3A_646] {strides = array<i32>} : memref<64x128xf32, #tpu.memory_space<vmem>>, vector<16xf32>,
        tpu.vector_store %arg11[%parallel_loop3A_645, %parallel_loop3A_646], %parallel_loop3A_641 {strides = array<i32>} : memref<64x128xf32, #tpu.memory_space<vmem>>, vector<16xf32>,
        %parallel_loop3A_648 = arith.index_cast %parallel_loop3A_630 : i32 to index
        %parallel_loop3A_649 = arith.constant 16 : index
        %parallel_loop3A_650 = tpu.vector_load %arg9[%parallel_loop3A_648, %parallel_loop3A_649] {strides = array<i32>} : memref<64x64xi32, #tpu.memory_space<vmem>>, vector<16xi32>,
        %parallel_loop3A_651 = arith.constant 16 : i32
        %parallel_loop3A_652 = vector.broadcast %parallel_loop3A_651 : i32 to vector<16xi32>
        %parallel_loop3A_653 = arith.shli %parallel_loop3A_650, %parallel_loop3A_652 : vector<16xi32>
        %parallel_loop3A_654 = vector.bitcast %parallel_loop3A_653 : vector<16xi32> to vector<16xf32>
        %parallel_loop3A_655 = arith.constant -65536 : i32
        %parallel_loop3A_656 = vector.broadcast %parallel_loop3A_655 : i32 to vector<16xi32>
        %parallel_loop3A_657 = arith.andi %parallel_loop3A_650, %parallel_loop3A_656 : vector<16xi32>
        %parallel_loop3A_658 = vector.bitcast %parallel_loop3A_657 : vector<16xi32> to vector<16xf32>
        %parallel_loop3A_659 = arith.index_cast %parallel_loop3A_630 : i32 to index
        %parallel_loop3A_660 = arith.constant 32 : index
        %parallel_loop3A_661 = tpu.vector_load %arg11[%parallel_loop3A_659, %parallel_loop3A_660] {strides = array<i32>} : memref<64x128xf32, #tpu.memory_space<vmem>>, vector<16xf32>,
        tpu.vector_store %arg11[%parallel_loop3A_659, %parallel_loop3A_660], %parallel_loop3A_654 {strides = array<i32>} : memref<64x128xf32, #tpu.memory_space<vmem>>, vector<16xf32>,
        %parallel_loop3A_662 = arith.index_cast %parallel_loop3A_630 : i32 to index
        %parallel_loop3A_663 = arith.constant 48 : index
        %parallel_loop3A_664 = tpu.vector_load %arg11[%parallel_loop3A_662, %parallel_loop3A_663] {strides = array<i32>} : memref<64x128xf32, #tpu.memory_space<vmem>>, vector<16xf32>,
        tpu.vector_store %arg11[%parallel_loop3A_662, %parallel_loop3A_663], %parallel_loop3A_658 {strides = array<i32>} : memref<64x128xf32, #tpu.memory_space<vmem>>, vector<16xf32>,
        %parallel_loop3A_665 = arith.index_cast %parallel_loop3A_630 : i32 to index
        %parallel_loop3A_666 = arith.constant 32 : index
        %parallel_loop3A_667 = tpu.vector_load %arg9[%parallel_loop3A_665, %parallel_loop3A_666] {strides = array<i32>} : memref<64x64xi32, #tpu.memory_space<vmem>>, vector<16xi32>,
        %parallel_loop3A_668 = arith.constant 16 : i32
        %parallel_loop3A_669 = vector.broadcast %parallel_loop3A_668 : i32 to vector<16xi32>
        %parallel_loop3A_670 = arith.shli %parallel_loop3A_667, %parallel_loop3A_669 : vector<16xi32>
        %parallel_loop3A_671 = vector.bitcast %parallel_loop3A_670 : vector<16xi32> to vector<16xf32>
        %parallel_loop3A_672 = arith.constant -65536 : i32
        %parallel_loop3A_673 = vector.broadcast %parallel_loop3A_672 : i32 to vector<16xi32>
        %parallel_loop3A_674 = arith.andi %parallel_loop3A_667, %parallel_loop3A_673 : vector<16xi32>
        %parallel_loop3A_675 = vector.bitcast %parallel_loop3A_674 : vector<16xi32> to vector<16xf32>
        %parallel_loop3A_676 = arith.index_cast %parallel_loop3A_630 : i32 to index
        %parallel_loop3A_677 = arith.constant 64 : index
        %parallel_loop3A_678 = tpu.vector_load %arg11[%parallel_loop3A_676, %parallel_loop3A_677] {strides = array<i32>} : memref<64x128xf32, #tpu.memory_space<vmem>>, vector<16xf32>,
        tpu.vector_store %arg11[%parallel_loop3A_676, %parallel_loop3A_677], %parallel_loop3A_671 {strides = array<i32>} : memref<64x128xf32, #tpu.memory_space<vmem>>, vector<16xf32>,
        %parallel_loop3A_679 = arith.index_cast %parallel_loop3A_630 : i32 to index
        %parallel_loop3A_680 = arith.constant 80 : index
        %parallel_loop3A_681 = tpu.vector_load %arg11[%parallel_loop3A_679, %parallel_loop3A_680] {strides = array<i32>} : memref<64x128xf32, #tpu.memory_space<vmem>>, vector<16xf32>,
        tpu.vector_store %arg11[%parallel_loop3A_679, %parallel_loop3A_680], %parallel_loop3A_675 {strides = array<i32>} : memref<64x128xf32, #tpu.memory_space<vmem>>, vector<16xf32>,
        %parallel_loop3A_682 = arith.index_cast %parallel_loop3A_630 : i32 to index
        %parallel_loop3A_683 = arith.constant 48 : index
        %parallel_loop3A_684 = tpu.vector_load %arg9[%parallel_loop3A_682, %parallel_loop3A_683] {strides = array<i32>} : memref<64x64xi32, #tpu.memory_space<vmem>>, vector<16xi32>,
        %parallel_loop3A_685 = arith.constant 16 : i32
        %parallel_loop3A_686 = vector.broadcast %parallel_loop3A_685 : i32 to vector<16xi32>
        %parallel_loop3A_687 = arith.shli %parallel_loop3A_684, %parallel_loop3A_686 : vector<16xi32>
        %parallel_loop3A_688 = vector.bitcast %parallel_loop3A_687 : vector<16xi32> to vector<16xf32>
        %parallel_loop3A_689 = arith.constant -65536 : i32
        %parallel_loop3A_690 = vector.broadcast %parallel_loop3A_689 : i32 to vector<16xi32>
        %parallel_loop3A_691 = arith.andi %parallel_loop3A_684, %parallel_loop3A_690 : vector<16xi32>
        %parallel_loop3A_692 = vector.bitcast %parallel_loop3A_691 : vector<16xi32> to vector<16xf32>
        %parallel_loop3A_693 = arith.index_cast %parallel_loop3A_630 : i32 to index
        %parallel_loop3A_694 = arith.constant 96 : index
        %parallel_loop3A_695 = tpu.vector_load %arg11[%parallel_loop3A_693, %parallel_loop3A_694] {strides = array<i32>} : memref<64x128xf32, #tpu.memory_space<vmem>>, vector<16xf32>,
        tpu.vector_store %arg11[%parallel_loop3A_693, %parallel_loop3A_694], %parallel_loop3A_688 {strides = array<i32>} : memref<64x128xf32, #tpu.memory_space<vmem>>, vector<16xf32>,
        %parallel_loop3A_696 = arith.index_cast %parallel_loop3A_630 : i32 to index
        %parallel_loop3A_697 = arith.constant 112 : index
        %parallel_loop3A_698 = tpu.vector_load %arg11[%parallel_loop3A_696, %parallel_loop3A_697] {strides = array<i32>} : memref<64x128xf32, #tpu.memory_space<vmem>>, vector<16xf32>,
        tpu.vector_store %arg11[%parallel_loop3A_696, %parallel_loop3A_697], %parallel_loop3A_692 {strides = array<i32>} : memref<64x128xf32, #tpu.memory_space<vmem>>, vector<16xf32>,
      } {sc.loop_unroll_factor = 4 : i64, sc.parallel_access}
      %add3A_461 = arith.constant 2 : i32
      %add3A_462 = arith.addi %add3A_436, %add3A_461 : i32
      %lt3A_463 = arith.cmpi slt, %add3A_462, %min3A_6 : i32
      %convert_element_type3A_464 = arith.extui %lt3A_463 : i1 to i32
      %cond3A_465 = arith.constant 0 : i32
      %cond3A_466 = arith.cmpi ne, %convert_element_type3A_464, %cond3A_465 : i32
      scf.if %cond3A_466 {
        %dma_wait3A_630 = arith.constant 0 : i32
        %dma_wait3A_631 = arith.constant 5 : i32
        %dma_wait3A_632 = arith.constant 0 : i32
        %dma_wait3A_633 = tpu.memref_slice %arg6[%dma_wait3A_631, %dma_wait3A_632] : memref<8x64xi32, #tpu.memory_space<vmem>> -> memref<1x64xi32, #tpu.memory_space<vmem>>
        %dma_wait3A_634 = tpu.memref_squeeze %dma_wait3A_633 : memref<1x64xi32, #tpu.memory_space<vmem>> -> memref<64xi32, #tpu.memory_space<vmem>>
        %dma_wait3A_635 = arith.constant 0 : i32
        %dma_wait3A_636 = tpu.memref_slice %arg3[%dma_wait3A_630, %dma_wait3A_635] : memref<2x320000xi32, #tpu.memory_space<hbm>> -> memref<1x64xi32, #tpu.memory_space<hbm>>
        %dma_wait3A_637 = tpu.memref_squeeze %dma_wait3A_636 : memref<1x64xi32, #tpu.memory_space<hbm>> -> memref<64xi32, #tpu.memory_space<hbm>>
        %dma_wait3A_638 = arith.constant 0 : i32
        %dma_wait3A_639 = tpu.memref_slice %arg6[%dma_wait3A_631, %dma_wait3A_638] : memref<8x64xi32, #tpu.memory_space<vmem>> -> memref<1x64xi32, #tpu.memory_space<vmem>>
        %dma_wait3A_640 = tpu.memref_squeeze %dma_wait3A_639 : memref<1x64xi32, #tpu.memory_space<vmem>> -> memref<64xi32, #tpu.memory_space<vmem>>
        %dma_wait3A_641 = arith.constant 0 : i32
        %dma_wait3A_642 = tpu.memref_slice %arg3[%dma_wait3A_630, %dma_wait3A_641] : memref<2x320000xi32, #tpu.memory_space<hbm>> -> memref<1x64xi32, #tpu.memory_space<hbm>>
        %dma_wait3A_643 = tpu.memref_squeeze %dma_wait3A_642 : memref<1x64xi32, #tpu.memory_space<hbm>> -> memref<64xi32, #tpu.memory_space<hbm>>
        tpu.wait_dma2 semaphore(%arg22 : memref<!tpu.dma_semaphore, #tpu.memory_space<semaphore_mem>>) src(%dma_wait3A_643 : memref<64xi32, #tpu.memory_space<hbm>>) dst(%dma_wait3A_640 : memref<64xi32, #tpu.memory_space<vmem>>)
        %dma_wait3A_644 = arith.constant 0 : i32
        %dma_wait3A_645 = arith.constant 5 : i32
        %dma_wait3A_646 = arith.constant 0 : i32
        %dma_wait3A_647 = tpu.memref_slice %arg7[%dma_wait3A_645, %dma_wait3A_646] : memref<8x64xi32, #tpu.memory_space<vmem>> -> memref<1x64xi32, #tpu.memory_space<vmem>>
        %dma_wait3A_648 = tpu.memref_squeeze %dma_wait3A_647 : memref<1x64xi32, #tpu.memory_space<vmem>> -> memref<64xi32, #tpu.memory_space<vmem>>
        %dma_wait3A_649 = arith.constant 0 : i32
        %dma_wait3A_650 = tpu.memref_slice %arg3[%dma_wait3A_644, %dma_wait3A_649] : memref<2x320000xi32, #tpu.memory_space<hbm>> -> memref<1x64xi32, #tpu.memory_space<hbm>>
        %dma_wait3A_651 = tpu.memref_squeeze %dma_wait3A_650 : memref<1x64xi32, #tpu.memory_space<hbm>> -> memref<64xi32, #tpu.memory_space<hbm>>
        %dma_wait3A_652 = arith.constant 0 : i32
        %dma_wait3A_653 = tpu.memref_slice %arg7[%dma_wait3A_645, %dma_wait3A_652] : memref<8x64xi32, #tpu.memory_space<vmem>> -> memref<1x64xi32, #tpu.memory_space<vmem>>
        %dma_wait3A_654 = tpu.memref_squeeze %dma_wait3A_653 : memref<1x64xi32, #tpu.memory_space<vmem>> -> memref<64xi32, #tpu.memory_space<vmem>>
        %dma_wait3A_655 = arith.constant 0 : i32
        %dma_wait3A_656 = tpu.memref_slice %arg3[%dma_wait3A_644, %dma_wait3A_655] : memref<2x320000xi32, #tpu.memory_space<hbm>> -> memref<1x64xi32, #tpu.memory_space<hbm>>
        %dma_wait3A_657 = tpu.memref_squeeze %dma_wait3A_656 : memref<1x64xi32, #tpu.memory_space<hbm>> -> memref<64xi32, #tpu.memory_space<hbm>>
        tpu.wait_dma2 semaphore(%arg22 : memref<!tpu.dma_semaphore, #tpu.memory_space<semaphore_mem>>) src(%dma_wait3A_657 : memref<64xi32, #tpu.memory_space<hbm>>) dst(%dma_wait3A_654 : memref<64xi32, #tpu.memory_space<vmem>>)
        %dma_start3A_658 = arith.constant 5 : i32
        %dma_start3A_659 = arith.constant 0 : i32
        %dma_start3A_660 = tpu.memref_slice %arg6[%dma_start3A_658, %dma_start3A_659] : memref<8x64xi32, #tpu.memory_space<vmem>> -> memref<1x64xi32, #tpu.memory_space<vmem>>
        %dma_start3A_661 = tpu.memref_squeeze %dma_start3A_660 : memref<1x64xi32, #tpu.memory_space<vmem>> -> memref<64xi32, #tpu.memory_space<vmem>>
        %dma_start3A_662 = arith.constant 0 : i32
        %dma_start3A_663 = arith.constant 0 : i32
        %dma_start3A_664 = tpu.memref_slice %arg2[%dma_start3A_662, %dma_start3A_663] : memref<10240x64xi32, #tpu.memory_space<hbm>> -> memref<10240x64xi32, #tpu.memory_space<hbm>>
        tpu.enqueue_indirect_dma source(%dma_start3A_664 : memref<10240x64xi32, #tpu.memory_space<hbm>>) target(%arg9 : memref<64x64xi32, #tpu.memory_space<vmem>>) offsets(%dma_start3A_661 : memref<64xi32, #tpu.memory_space<vmem>>) semaphore(%arg13 : memref<!tpu.dma_semaphore, #tpu.memory_space<semaphore_mem>>)
      } else {
      }
      %dma_start3A_467 = arith.constant 3 : i32
      %dma_start3A_468 = arith.constant 0 : i32
      %dma_start3A_469 = tpu.memref_slice %arg7[%dma_start3A_467, %dma_start3A_468] : memref<8x64xi32, #tpu.memory_space<vmem>> -> memref<1x64xi32, #tpu.memory_space<vmem>>
      %dma_start3A_470 = tpu.memref_squeeze %dma_start3A_469 : memref<1x64xi32, #tpu.memory_space<vmem>> -> memref<64xi32, #tpu.memory_space<vmem>>
      %dma_start3A_471 = arith.constant 0 : i32
      %dma_start3A_472 = arith.constant 0 : i32
      %dma_start3A_473 = tpu.memref_slice %arg16[%dma_start3A_471, %dma_start3A_472] : memref<10112x128xf32, #tpu.memory_space<vmem_shared>> -> memref<10112x128xf32, #tpu.memory_space<vmem_shared>>
      tpu.enqueue_indirect_dma source(%arg11 : memref<64x128xf32, #tpu.memory_space<vmem>>) target(%dma_start3A_473 : memref<10112x128xf32, #tpu.memory_space<vmem_shared>>) offsets(%dma_start3A_470 : memref<64xi32, #tpu.memory_space<vmem>>) semaphore(%arg15 : memref<!tpu.dma_semaphore, #tpu.memory_space<semaphore_mem>>) {add = true}
      %add3A_474 = arith.constant 4 : i32
      %add3A_475 = arith.addi %add3A_323, %add3A_474 : i32
      %dma_wait3A_476 = arith.constant 4 : i32
      %dma_wait3A_477 = arith.constant 0 : i32
      %dma_wait3A_478 = tpu.memref_slice %arg6[%dma_wait3A_476, %dma_wait3A_477] : memref<8x64xi32, #tpu.memory_space<vmem>> -> memref<1x64xi32, #tpu.memory_space<vmem>>
      %dma_wait3A_479 = tpu.memref_squeeze %dma_wait3A_478 : memref<1x64xi32, #tpu.memory_space<vmem>> -> memref<64xi32, #tpu.memory_space<vmem>>
      %dma_wait3A_480 = arith.constant 0 : i32
      %dma_wait3A_481 = arith.constant 0 : i32
      %dma_wait3A_482 = tpu.memref_slice %arg2[%dma_wait3A_480, %dma_wait3A_481] : memref<10240x64xi32, #tpu.memory_space<hbm>> -> memref<10240x64xi32, #tpu.memory_space<hbm>>
      tpu.wait_indirect_dma semaphore(%arg12 : memref<!tpu.dma_semaphore, #tpu.memory_space<semaphore_mem>>) src(%dma_wait3A_482 : memref<10240x64xi32, #tpu.memory_space<hbm>>) dst(%arg8 : memref<64x64xi32, #tpu.memory_space<vmem>>)
      %ge3A_483 = arith.constant 2 : i32
      %ge3A_484 = arith.cmpi sge, %add3A_475, %ge3A_483 : i32
      %convert_element_type3A_485 = arith.extui %ge3A_484 : i1 to i32
      %cond3A_486 = arith.constant 0 : i32
      %cond3A_487 = arith.cmpi ne, %convert_element_type3A_485, %cond3A_486 : i32
      scf.if %cond3A_487 {
        %dma_wait3A_630 = arith.constant 2 : i32
        %dma_wait3A_631 = arith.constant 0 : i32
        %dma_wait3A_632 = tpu.memref_slice %arg7[%dma_wait3A_630, %dma_wait3A_631] : memref<8x64xi32, #tpu.memory_space<vmem>> -> memref<1x64xi32, #tpu.memory_space<vmem>>
        %dma_wait3A_633 = tpu.memref_squeeze %dma_wait3A_632 : memref<1x64xi32, #tpu.memory_space<vmem>> -> memref<64xi32, #tpu.memory_space<vmem>>
        %dma_wait3A_634 = arith.constant 0 : i32
        %dma_wait3A_635 = arith.constant 0 : i32
        %dma_wait3A_636 = tpu.memref_slice %arg16[%dma_wait3A_634, %dma_wait3A_635] : memref<10112x128xf32, #tpu.memory_space<vmem_shared>> -> memref<10112x128xf32, #tpu.memory_space<vmem_shared>>
        tpu.wait_indirect_dma semaphore(%arg14 : memref<!tpu.dma_semaphore, #tpu.memory_space<semaphore_mem>>) src(%arg10 : memref<64x128xf32, #tpu.memory_space<vmem>>) dst(%dma_wait3A_636 : memref<10112x128xf32, #tpu.memory_space<vmem_shared>>)
      } else {
      }
      %ge3A_488 = arith.constant 2 : i32
      %ge3A_489 = arith.cmpi sge, %add3A_475, %ge3A_488 : i32
      %add3A_490 = arith.constant 6 : i32
      %add3A_491 = arith.addi %add3A_475, %add3A_490 : i32
      %lt3A_492 = arith.cmpi slt, %add3A_491, %min3A_6 : i32
      %and3A_493 = arith.andi %ge3A_489, %lt3A_492 : i1
      %convert_element_type3A_494 = arith.extui %and3A_493 : i1 to i32
      %cond3A_495 = arith.constant 0 : i32
      %cond3A_496 = arith.cmpi ne, %convert_element_type3A_494, %cond3A_495 : i32
      scf.if %cond3A_496 {
        %add3A_630 = arith.constant 6 : i32
        %add3A_631 = arith.addi %add3A_475, %add3A_630 : i32
        %mul3A_632 = arith.constant 64 : i32
        %mul3A_633 = arith.muli %add3A_631, %mul3A_632 : i32
        %add3A_634 = arith.addi %mul3A_2, %mul3A_633 : i32
        %dma_start3A_635 = arith.constant 0 : i32
        %dma_start3A_636 = arith.constant 2 : i32
        %dma_start3A_637 = arith.constant 0 : i32
        %dma_start3A_638 = tpu.memref_slice %arg6[%dma_start3A_636, %dma_start3A_637] : memref<8x64xi32, #tpu.memory_space<vmem>> -> memref<1x64xi32, #tpu.memory_space<vmem>>
        %dma_start3A_639 = tpu.memref_squeeze %dma_start3A_638 : memref<1x64xi32, #tpu.memory_space<vmem>> -> memref<64xi32, #tpu.memory_space<vmem>>
        %dma_start3A_640 = tpu.memref_slice %arg3[%dma_start3A_635, %add3A_634] : memref<2x320000xi32, #tpu.memory_space<hbm>> -> memref<1x64xi32, #tpu.memory_space<hbm>>
        %dma_start3A_641 = tpu.memref_squeeze %dma_start3A_640 : memref<1x64xi32, #tpu.memory_space<hbm>> -> memref<64xi32, #tpu.memory_space<hbm>>
        %dma_start3A_642 = arith.constant 0 : i32
        %dma_start3A_643 = tpu.memref_slice %arg6[%dma_start3A_636, %dma_start3A_642] : memref<8x64xi32, #tpu.memory_space<vmem>> -> memref<1x64xi32, #tpu.memory_space<vmem>>
        %dma_start3A_644 = tpu.memref_squeeze %dma_start3A_643 : memref<1x64xi32, #tpu.memory_space<vmem>> -> memref<64xi32, #tpu.memory_space<vmem>>
        %dma_start3A_645 = tpu.memref_slice %arg3[%dma_start3A_635, %add3A_634] : memref<2x320000xi32, #tpu.memory_space<hbm>> -> memref<1x64xi32, #tpu.memory_space<hbm>>
        %dma_start3A_646 = tpu.memref_squeeze %dma_start3A_645 : memref<1x64xi32, #tpu.memory_space<hbm>> -> memref<64xi32, #tpu.memory_space<hbm>>
        tpu.enqueue_dma source(%dma_start3A_646 : memref<64xi32, #tpu.memory_space<hbm>>) target(%dma_start3A_644 : memref<64xi32, #tpu.memory_space<vmem>>) target_semaphore(%arg19 : memref<!tpu.dma_semaphore, #tpu.memory_space<semaphore_mem>>)
        %dma_start3A_647 = arith.constant 1 : i32
        %dma_start3A_648 = arith.constant 2 : i32
        %dma_start3A_649 = arith.constant 0 : i32
        %dma_start3A_650 = tpu.memref_slice %arg7[%dma_start3A_648, %dma_start3A_649] : memref<8x64xi32, #tpu.memory_space<vmem>> -> memref<1x64xi32, #tpu.memory_space<vmem>>
        %dma_start3A_651 = tpu.memref_squeeze %dma_start3A_650 : memref<1x64xi32, #tpu.memory_space<vmem>> -> memref<64xi32, #tpu.memory_space<vmem>>
        %dma_start3A_652 = tpu.memref_slice %arg3[%dma_start3A_647, %add3A_634] : memref<2x320000xi32, #tpu.memory_space<hbm>> -> memref<1x64xi32, #tpu.memory_space<hbm>>
        %dma_start3A_653 = tpu.memref_squeeze %dma_start3A_652 : memref<1x64xi32, #tpu.memory_space<hbm>> -> memref<64xi32, #tpu.memory_space<hbm>>
        %dma_start3A_654 = arith.constant 0 : i32
        %dma_start3A_655 = tpu.memref_slice %arg7[%dma_start3A_648, %dma_start3A_654] : memref<8x64xi32, #tpu.memory_space<vmem>> -> memref<1x64xi32, #tpu.memory_space<vmem>>
        %dma_start3A_656 = tpu.memref_squeeze %dma_start3A_655 : memref<1x64xi32, #tpu.memory_space<vmem>> -> memref<64xi32, #tpu.memory_space<vmem>>
        %dma_start3A_657 = tpu.memref_slice %arg3[%dma_start3A_647, %add3A_634] : memref<2x320000xi32, #tpu.memory_space<hbm>> -> memref<1x64xi32, #tpu.memory_space<hbm>>
        %dma_start3A_658 = tpu.memref_squeeze %dma_start3A_657 : memref<1x64xi32, #tpu.memory_space<hbm>> -> memref<64xi32, #tpu.memory_space<hbm>>
        tpu.enqueue_dma source(%dma_start3A_658 : memref<64xi32, #tpu.memory_space<hbm>>) target(%dma_start3A_656 : memref<64xi32, #tpu.memory_space<vmem>>) target_semaphore(%arg19 : memref<!tpu.dma_semaphore, #tpu.memory_space<semaphore_mem>>)
      } else {
      }
      %parallel_loop3A_497 = arith.constant 0 : i32
      %parallel_loop3A_498 = arith.constant 64 : i32
      %parallel_loop3A_499 = arith.constant 1 : i32
      scf.for %parallel_loop3A_630 = %parallel_loop3A_497 to %parallel_loop3A_498 step %parallel_loop3A_499  : i32 {
        %parallel_loop3A_631 = arith.index_cast %parallel_loop3A_630 : i32 to index
        %parallel_loop3A_632 = arith.constant 0 : index
        %parallel_loop3A_633 = tpu.vector_load %arg8[%parallel_loop3A_631, %parallel_loop3A_632] {strides = array<i32>} : memref<64x64xi32, #tpu.memory_space<vmem>>, vector<16xi32>,
        %parallel_loop3A_634 = arith.constant 16 : i32
        %parallel_loop3A_635 = vector.broadcast %parallel_loop3A_634 : i32 to vector<16xi32>
        %parallel_loop3A_636 = arith.shli %parallel_loop3A_633, %parallel_loop3A_635 : vector<16xi32>
        %parallel_loop3A_637 = vector.bitcast %parallel_loop3A_636 : vector<16xi32> to vector<16xf32>
        %parallel_loop3A_638 = arith.constant -65536 : i32
        %parallel_loop3A_639 = vector.broadcast %parallel_loop3A_638 : i32 to vector<16xi32>
        %parallel_loop3A_640 = arith.andi %parallel_loop3A_633, %parallel_loop3A_639 : vector<16xi32>
        %parallel_loop3A_641 = vector.bitcast %parallel_loop3A_640 : vector<16xi32> to vector<16xf32>
        %parallel_loop3A_642 = arith.index_cast %parallel_loop3A_630 : i32 to index
        %parallel_loop3A_643 = arith.constant 0 : index
        %parallel_loop3A_644 = tpu.vector_load %arg10[%parallel_loop3A_642, %parallel_loop3A_643] {strides = array<i32>} : memref<64x128xf32, #tpu.memory_space<vmem>>, vector<16xf32>,
        tpu.vector_store %arg10[%parallel_loop3A_642, %parallel_loop3A_643], %parallel_loop3A_637 {strides = array<i32>} : memref<64x128xf32, #tpu.memory_space<vmem>>, vector<16xf32>,
        %parallel_loop3A_645 = arith.index_cast %parallel_loop3A_630 : i32 to index
        %parallel_loop3A_646 = arith.constant 16 : index
        %parallel_loop3A_647 = tpu.vector_load %arg10[%parallel_loop3A_645, %parallel_loop3A_646] {strides = array<i32>} : memref<64x128xf32, #tpu.memory_space<vmem>>, vector<16xf32>,
        tpu.vector_store %arg10[%parallel_loop3A_645, %parallel_loop3A_646], %parallel_loop3A_641 {strides = array<i32>} : memref<64x128xf32, #tpu.memory_space<vmem>>, vector<16xf32>,
        %parallel_loop3A_648 = arith.index_cast %parallel_loop3A_630 : i32 to index
        %parallel_loop3A_649 = arith.constant 16 : index
        %parallel_loop3A_650 = tpu.vector_load %arg8[%parallel_loop3A_648, %parallel_loop3A_649] {strides = array<i32>} : memref<64x64xi32, #tpu.memory_space<vmem>>, vector<16xi32>,
        %parallel_loop3A_651 = arith.constant 16 : i32
        %parallel_loop3A_652 = vector.broadcast %parallel_loop3A_651 : i32 to vector<16xi32>
        %parallel_loop3A_653 = arith.shli %parallel_loop3A_650, %parallel_loop3A_652 : vector<16xi32>
        %parallel_loop3A_654 = vector.bitcast %parallel_loop3A_653 : vector<16xi32> to vector<16xf32>
        %parallel_loop3A_655 = arith.constant -65536 : i32
        %parallel_loop3A_656 = vector.broadcast %parallel_loop3A_655 : i32 to vector<16xi32>
        %parallel_loop3A_657 = arith.andi %parallel_loop3A_650, %parallel_loop3A_656 : vector<16xi32>
        %parallel_loop3A_658 = vector.bitcast %parallel_loop3A_657 : vector<16xi32> to vector<16xf32>
        %parallel_loop3A_659 = arith.index_cast %parallel_loop3A_630 : i32 to index
        %parallel_loop3A_660 = arith.constant 32 : index
        %parallel_loop3A_661 = tpu.vector_load %arg10[%parallel_loop3A_659, %parallel_loop3A_660] {strides = array<i32>} : memref<64x128xf32, #tpu.memory_space<vmem>>, vector<16xf32>,
        tpu.vector_store %arg10[%parallel_loop3A_659, %parallel_loop3A_660], %parallel_loop3A_654 {strides = array<i32>} : memref<64x128xf32, #tpu.memory_space<vmem>>, vector<16xf32>,
        %parallel_loop3A_662 = arith.index_cast %parallel_loop3A_630 : i32 to index
        %parallel_loop3A_663 = arith.constant 48 : index
        %parallel_loop3A_664 = tpu.vector_load %arg10[%parallel_loop3A_662, %parallel_loop3A_663] {strides = array<i32>} : memref<64x128xf32, #tpu.memory_space<vmem>>, vector<16xf32>,
        tpu.vector_store %arg10[%parallel_loop3A_662, %parallel_loop3A_663], %parallel_loop3A_658 {strides = array<i32>} : memref<64x128xf32, #tpu.memory_space<vmem>>, vector<16xf32>,
        %parallel_loop3A_665 = arith.index_cast %parallel_loop3A_630 : i32 to index
        %parallel_loop3A_666 = arith.constant 32 : index
        %parallel_loop3A_667 = tpu.vector_load %arg8[%parallel_loop3A_665, %parallel_loop3A_666] {strides = array<i32>} : memref<64x64xi32, #tpu.memory_space<vmem>>, vector<16xi32>,
        %parallel_loop3A_668 = arith.constant 16 : i32
        %parallel_loop3A_669 = vector.broadcast %parallel_loop3A_668 : i32 to vector<16xi32>
        %parallel_loop3A_670 = arith.shli %parallel_loop3A_667, %parallel_loop3A_669 : vector<16xi32>
        %parallel_loop3A_671 = vector.bitcast %parallel_loop3A_670 : vector<16xi32> to vector<16xf32>
        %parallel_loop3A_672 = arith.constant -65536 : i32
        %parallel_loop3A_673 = vector.broadcast %parallel_loop3A_672 : i32 to vector<16xi32>
        %parallel_loop3A_674 = arith.andi %parallel_loop3A_667, %parallel_loop3A_673 : vector<16xi32>
        %parallel_loop3A_675 = vector.bitcast %parallel_loop3A_674 : vector<16xi32> to vector<16xf32>
        %parallel_loop3A_676 = arith.index_cast %parallel_loop3A_630 : i32 to index
        %parallel_loop3A_677 = arith.constant 64 : index
        %parallel_loop3A_678 = tpu.vector_load %arg10[%parallel_loop3A_676, %parallel_loop3A_677] {strides = array<i32>} : memref<64x128xf32, #tpu.memory_space<vmem>>, vector<16xf32>,
        tpu.vector_store %arg10[%parallel_loop3A_676, %parallel_loop3A_677], %parallel_loop3A_671 {strides = array<i32>} : memref<64x128xf32, #tpu.memory_space<vmem>>, vector<16xf32>,
        %parallel_loop3A_679 = arith.index_cast %parallel_loop3A_630 : i32 to index
        %parallel_loop3A_680 = arith.constant 80 : index
        %parallel_loop3A_681 = tpu.vector_load %arg10[%parallel_loop3A_679, %parallel_loop3A_680] {strides = array<i32>} : memref<64x128xf32, #tpu.memory_space<vmem>>, vector<16xf32>,
        tpu.vector_store %arg10[%parallel_loop3A_679, %parallel_loop3A_680], %parallel_loop3A_675 {strides = array<i32>} : memref<64x128xf32, #tpu.memory_space<vmem>>, vector<16xf32>,
        %parallel_loop3A_682 = arith.index_cast %parallel_loop3A_630 : i32 to index
        %parallel_loop3A_683 = arith.constant 48 : index
        %parallel_loop3A_684 = tpu.vector_load %arg8[%parallel_loop3A_682, %parallel_loop3A_683] {strides = array<i32>} : memref<64x64xi32, #tpu.memory_space<vmem>>, vector<16xi32>,
        %parallel_loop3A_685 = arith.constant 16 : i32
        %parallel_loop3A_686 = vector.broadcast %parallel_loop3A_685 : i32 to vector<16xi32>
        %parallel_loop3A_687 = arith.shli %parallel_loop3A_684, %parallel_loop3A_686 : vector<16xi32>
        %parallel_loop3A_688 = vector.bitcast %parallel_loop3A_687 : vector<16xi32> to vector<16xf32>
        %parallel_loop3A_689 = arith.constant -65536 : i32
        %parallel_loop3A_690 = vector.broadcast %parallel_loop3A_689 : i32 to vector<16xi32>
        %parallel_loop3A_691 = arith.andi %parallel_loop3A_684, %parallel_loop3A_690 : vector<16xi32>
        %parallel_loop3A_692 = vector.bitcast %parallel_loop3A_691 : vector<16xi32> to vector<16xf32>
        %parallel_loop3A_693 = arith.index_cast %parallel_loop3A_630 : i32 to index
        %parallel_loop3A_694 = arith.constant 96 : index
        %parallel_loop3A_695 = tpu.vector_load %arg10[%parallel_loop3A_693, %parallel_loop3A_694] {strides = array<i32>} : memref<64x128xf32, #tpu.memory_space<vmem>>, vector<16xf32>,
        tpu.vector_store %arg10[%parallel_loop3A_693, %parallel_loop3A_694], %parallel_loop3A_688 {strides = array<i32>} : memref<64x128xf32, #tpu.memory_space<vmem>>, vector<16xf32>,
        %parallel_loop3A_696 = arith.index_cast %parallel_loop3A_630 : i32 to index
        %parallel_loop3A_697 = arith.constant 112 : index
        %parallel_loop3A_698 = tpu.vector_load %arg10[%parallel_loop3A_696, %parallel_loop3A_697] {strides = array<i32>} : memref<64x128xf32, #tpu.memory_space<vmem>>, vector<16xf32>,
        tpu.vector_store %arg10[%parallel_loop3A_696, %parallel_loop3A_697], %parallel_loop3A_692 {strides = array<i32>} : memref<64x128xf32, #tpu.memory_space<vmem>>, vector<16xf32>,
      } {sc.loop_unroll_factor = 4 : i64, sc.parallel_access}
      %add3A_500 = arith.constant 2 : i32
      %add3A_501 = arith.addi %add3A_475, %add3A_500 : i32
      %lt3A_502 = arith.cmpi slt, %add3A_501, %min3A_6 : i32
      %convert_element_type3A_503 = arith.extui %lt3A_502 : i1 to i32
      %cond3A_504 = arith.constant 0 : i32
      %cond3A_505 = arith.cmpi ne, %convert_element_type3A_503, %cond3A_504 : i32
      scf.if %cond3A_505 {
        %dma_wait3A_630 = arith.constant 0 : i32
        %dma_wait3A_631 = arith.constant 6 : i32
        %dma_wait3A_632 = arith.constant 0 : i32
        %dma_wait3A_633 = tpu.memref_slice %arg6[%dma_wait3A_631, %dma_wait3A_632] : memref<8x64xi32, #tpu.memory_space<vmem>> -> memref<1x64xi32, #tpu.memory_space<vmem>>
        %dma_wait3A_634 = tpu.memref_squeeze %dma_wait3A_633 : memref<1x64xi32, #tpu.memory_space<vmem>> -> memref<64xi32, #tpu.memory_space<vmem>>
        %dma_wait3A_635 = arith.constant 0 : i32
        %dma_wait3A_636 = tpu.memref_slice %arg3[%dma_wait3A_630, %dma_wait3A_635] : memref<2x320000xi32, #tpu.memory_space<hbm>> -> memref<1x64xi32, #tpu.memory_space<hbm>>
        %dma_wait3A_637 = tpu.memref_squeeze %dma_wait3A_636 : memref<1x64xi32, #tpu.memory_space<hbm>> -> memref<64xi32, #tpu.memory_space<hbm>>
        %dma_wait3A_638 = arith.constant 0 : i32
        %dma_wait3A_639 = tpu.memref_slice %arg6[%dma_wait3A_631, %dma_wait3A_638] : memref<8x64xi32, #tpu.memory_space<vmem>> -> memref<1x64xi32, #tpu.memory_space<vmem>>
        %dma_wait3A_640 = tpu.memref_squeeze %dma_wait3A_639 : memref<1x64xi32, #tpu.memory_space<vmem>> -> memref<64xi32, #tpu.memory_space<vmem>>
        %dma_wait3A_641 = arith.constant 0 : i32
        %dma_wait3A_642 = tpu.memref_slice %arg3[%dma_wait3A_630, %dma_wait3A_641] : memref<2x320000xi32, #tpu.memory_space<hbm>> -> memref<1x64xi32, #tpu.memory_space<hbm>>
        %dma_wait3A_643 = tpu.memref_squeeze %dma_wait3A_642 : memref<1x64xi32, #tpu.memory_space<hbm>> -> memref<64xi32, #tpu.memory_space<hbm>>
        tpu.wait_dma2 semaphore(%arg23 : memref<!tpu.dma_semaphore, #tpu.memory_space<semaphore_mem>>) src(%dma_wait3A_643 : memref<64xi32, #tpu.memory_space<hbm>>) dst(%dma_wait3A_640 : memref<64xi32, #tpu.memory_space<vmem>>)
        %dma_wait3A_644 = arith.constant 0 : i32
        %dma_wait3A_645 = arith.constant 6 : i32
        %dma_wait3A_646 = arith.constant 0 : i32
        %dma_wait3A_647 = tpu.memref_slice %arg7[%dma_wait3A_645, %dma_wait3A_646] : memref<8x64xi32, #tpu.memory_space<vmem>> -> memref<1x64xi32, #tpu.memory_space<vmem>>
        %dma_wait3A_648 = tpu.memref_squeeze %dma_wait3A_647 : memref<1x64xi32, #tpu.memory_space<vmem>> -> memref<64xi32, #tpu.memory_space<vmem>>
        %dma_wait3A_649 = arith.constant 0 : i32
        %dma_wait3A_650 = tpu.memref_slice %arg3[%dma_wait3A_644, %dma_wait3A_649] : memref<2x320000xi32, #tpu.memory_space<hbm>> -> memref<1x64xi32, #tpu.memory_space<hbm>>
        %dma_wait3A_651 = tpu.memref_squeeze %dma_wait3A_650 : memref<1x64xi32, #tpu.memory_space<hbm>> -> memref<64xi32, #tpu.memory_space<hbm>>
        %dma_wait3A_652 = arith.constant 0 : i32
        %dma_wait3A_653 = tpu.memref_slice %arg7[%dma_wait3A_645, %dma_wait3A_652] : memref<8x64xi32, #tpu.memory_space<vmem>> -> memref<1x64xi32, #tpu.memory_space<vmem>>
        %dma_wait3A_654 = tpu.memref_squeeze %dma_wait3A_653 : memref<1x64xi32, #tpu.memory_space<vmem>> -> memref<64xi32, #tpu.memory_space<vmem>>
        %dma_wait3A_655 = arith.constant 0 : i32
        %dma_wait3A_656 = tpu.memref_slice %arg3[%dma_wait3A_644, %dma_wait3A_655] : memref<2x320000xi32, #tpu.memory_space<hbm>> -> memref<1x64xi32, #tpu.memory_space<hbm>>
        %dma_wait3A_657 = tpu.memref_squeeze %dma_wait3A_656 : memref<1x64xi32, #tpu.memory_space<hbm>> -> memref<64xi32, #tpu.memory_space<hbm>>
        tpu.wait_dma2 semaphore(%arg23 : memref<!tpu.dma_semaphore, #tpu.memory_space<semaphore_mem>>) src(%dma_wait3A_657 : memref<64xi32, #tpu.memory_space<hbm>>) dst(%dma_wait3A_654 : memref<64xi32, #tpu.memory_space<vmem>>)
        %dma_start3A_658 = arith.constant 6 : i32
        %dma_start3A_659 = arith.constant 0 : i32
        %dma_start3A_660 = tpu.memref_slice %arg6[%dma_start3A_658, %dma_start3A_659] : memref<8x64xi32, #tpu.memory_space<vmem>> -> memref<1x64xi32, #tpu.memory_space<vmem>>
        %dma_start3A_661 = tpu.memref_squeeze %dma_start3A_660 : memref<1x64xi32, #tpu.memory_space<vmem>> -> memref<64xi32, #tpu.memory_space<vmem>>
        %dma_start3A_662 = arith.constant 0 : i32
        %dma_start3A_663 = arith.constant 0 : i32
        %dma_start3A_664 = tpu.memref_slice %arg2[%dma_start3A_662, %dma_start3A_663] : memref<10240x64xi32, #tpu.memory_space<hbm>> -> memref<10240x64xi32, #tpu.memory_space<hbm>>
        tpu.enqueue_indirect_dma source(%dma_start3A_664 : memref<10240x64xi32, #tpu.memory_space<hbm>>) target(%arg8 : memref<64x64xi32, #tpu.memory_space<vmem>>) offsets(%dma_start3A_661 : memref<64xi32, #tpu.memory_space<vmem>>) semaphore(%arg12 : memref<!tpu.dma_semaphore, #tpu.memory_space<semaphore_mem>>)
      } else {
      }
      %dma_start3A_506 = arith.constant 4 : i32
      %dma_start3A_507 = arith.constant 0 : i32
      %dma_start3A_508 = tpu.memref_slice %arg7[%dma_start3A_506, %dma_start3A_507] : memref<8x64xi32, #tpu.memory_space<vmem>> -> memref<1x64xi32, #tpu.memory_space<vmem>>
      %dma_start3A_509 = tpu.memref_squeeze %dma_start3A_508 : memref<1x64xi32, #tpu.memory_space<vmem>> -> memref<64xi32, #tpu.memory_space<vmem>>
      %dma_start3A_510 = arith.constant 0 : i32
      %dma_start3A_511 = arith.constant 0 : i32
      %dma_start3A_512 = tpu.memref_slice %arg16[%dma_start3A_510, %dma_start3A_511] : memref<10112x128xf32, #tpu.memory_space<vmem_shared>> -> memref<10112x128xf32, #tpu.memory_space<vmem_shared>>
      tpu.enqueue_indirect_dma source(%arg10 : memref<64x128xf32, #tpu.memory_space<vmem>>) target(%dma_start3A_512 : memref<10112x128xf32, #tpu.memory_space<vmem_shared>>) offsets(%dma_start3A_509 : memref<64xi32, #tpu.memory_space<vmem>>) semaphore(%arg14 : memref<!tpu.dma_semaphore, #tpu.memory_space<semaphore_mem>>) {add = true}
      %add3A_513 = arith.constant 5 : i32
      %add3A_514 = arith.addi %add3A_323, %add3A_513 : i32
      %dma_wait3A_515 = arith.constant 5 : i32
      %dma_wait3A_516 = arith.constant 0 : i32
      %dma_wait3A_517 = tpu.memref_slice %arg6[%dma_wait3A_515, %dma_wait3A_516] : memref<8x64xi32, #tpu.memory_space<vmem>> -> memref<1x64xi32, #tpu.memory_space<vmem>>
      %dma_wait3A_518 = tpu.memref_squeeze %dma_wait3A_517 : memref<1x64xi32, #tpu.memory_space<vmem>> -> memref<64xi32, #tpu.memory_space<vmem>>
      %dma_wait3A_519 = arith.constant 0 : i32
      %dma_wait3A_520 = arith.constant 0 : i32
      %dma_wait3A_521 = tpu.memref_slice %arg2[%dma_wait3A_519, %dma_wait3A_520] : memref<10240x64xi32, #tpu.memory_space<hbm>> -> memref<10240x64xi32, #tpu.memory_space<hbm>>
      tpu.wait_indirect_dma semaphore(%arg13 : memref<!tpu.dma_semaphore, #tpu.memory_space<semaphore_mem>>) src(%dma_wait3A_521 : memref<10240x64xi32, #tpu.memory_space<hbm>>) dst(%arg9 : memref<64x64xi32, #tpu.memory_space<vmem>>)
      %ge3A_522 = arith.constant 2 : i32
      %ge3A_523 = arith.cmpi sge, %add3A_514, %ge3A_522 : i32
      %convert_element_type3A_524 = arith.extui %ge3A_523 : i1 to i32
      %cond3A_525 = arith.constant 0 : i32
      %cond3A_526 = arith.cmpi ne, %convert_element_type3A_524, %cond3A_525 : i32
      scf.if %cond3A_526 {
        %dma_wait3A_630 = arith.constant 3 : i32
        %dma_wait3A_631 = arith.constant 0 : i32
        %dma_wait3A_632 = tpu.memref_slice %arg7[%dma_wait3A_630, %dma_wait3A_631] : memref<8x64xi32, #tpu.memory_space<vmem>> -> memref<1x64xi32, #tpu.memory_space<vmem>>
        %dma_wait3A_633 = tpu.memref_squeeze %dma_wait3A_632 : memref<1x64xi32, #tpu.memory_space<vmem>> -> memref<64xi32, #tpu.memory_space<vmem>>
        %dma_wait3A_634 = arith.constant 0 : i32
        %dma_wait3A_635 = arith.constant 0 : i32
        %dma_wait3A_636 = tpu.memref_slice %arg16[%dma_wait3A_634, %dma_wait3A_635] : memref<10112x128xf32, #tpu.memory_space<vmem_shared>> -> memref<10112x128xf32, #tpu.memory_space<vmem_shared>>
        tpu.wait_indirect_dma semaphore(%arg15 : memref<!tpu.dma_semaphore, #tpu.memory_space<semaphore_mem>>) src(%arg11 : memref<64x128xf32, #tpu.memory_space<vmem>>) dst(%dma_wait3A_636 : memref<10112x128xf32, #tpu.memory_space<vmem_shared>>)
      } else {
      }
      %ge3A_527 = arith.constant 2 : i32
      %ge3A_528 = arith.cmpi sge, %add3A_514, %ge3A_527 : i32
      %add3A_529 = arith.constant 6 : i32
      %add3A_530 = arith.addi %add3A_514, %add3A_529 : i32
      %lt3A_531 = arith.cmpi slt, %add3A_530, %min3A_6 : i32
      %and3A_532 = arith.andi %ge3A_528, %lt3A_531 : i1
      %convert_element_type3A_533 = arith.extui %and3A_532 : i1 to i32
      %cond3A_534 = arith.constant 0 : i32
      %cond3A_535 = arith.cmpi ne, %convert_element_type3A_533, %cond3A_534 : i32
      scf.if %cond3A_535 {
        %add3A_630 = arith.constant 6 : i32
        %add3A_631 = arith.addi %add3A_514, %add3A_630 : i32
        %mul3A_632 = arith.constant 64 : i32
        %mul3A_633 = arith.muli %add3A_631, %mul3A_632 : i32
        %add3A_634 = arith.addi %mul3A_2, %mul3A_633 : i32
        %dma_start3A_635 = arith.constant 0 : i32
        %dma_start3A_636 = arith.constant 3 : i32
        %dma_start3A_637 = arith.constant 0 : i32
        %dma_start3A_638 = tpu.memref_slice %arg6[%dma_start3A_636, %dma_start3A_637] : memref<8x64xi32, #tpu.memory_space<vmem>> -> memref<1x64xi32, #tpu.memory_space<vmem>>
        %dma_start3A_639 = tpu.memref_squeeze %dma_start3A_638 : memref<1x64xi32, #tpu.memory_space<vmem>> -> memref<64xi32, #tpu.memory_space<vmem>>
        %dma_start3A_640 = tpu.memref_slice %arg3[%dma_start3A_635, %add3A_634] : memref<2x320000xi32, #tpu.memory_space<hbm>> -> memref<1x64xi32, #tpu.memory_space<hbm>>
        %dma_start3A_641 = tpu.memref_squeeze %dma_start3A_640 : memref<1x64xi32, #tpu.memory_space<hbm>> -> memref<64xi32, #tpu.memory_space<hbm>>
        %dma_start3A_642 = arith.constant 0 : i32
        %dma_start3A_643 = tpu.memref_slice %arg6[%dma_start3A_636, %dma_start3A_642] : memref<8x64xi32, #tpu.memory_space<vmem>> -> memref<1x64xi32, #tpu.memory_space<vmem>>
        %dma_start3A_644 = tpu.memref_squeeze %dma_start3A_643 : memref<1x64xi32, #tpu.memory_space<vmem>> -> memref<64xi32, #tpu.memory_space<vmem>>
        %dma_start3A_645 = tpu.memref_slice %arg3[%dma_start3A_635, %add3A_634] : memref<2x320000xi32, #tpu.memory_space<hbm>> -> memref<1x64xi32, #tpu.memory_space<hbm>>
        %dma_start3A_646 = tpu.memref_squeeze %dma_start3A_645 : memref<1x64xi32, #tpu.memory_space<hbm>> -> memref<64xi32, #tpu.memory_space<hbm>>
        tpu.enqueue_dma source(%dma_start3A_646 : memref<64xi32, #tpu.memory_space<hbm>>) target(%dma_start3A_644 : memref<64xi32, #tpu.memory_space<vmem>>) target_semaphore(%arg20 : memref<!tpu.dma_semaphore, #tpu.memory_space<semaphore_mem>>)
        %dma_start3A_647 = arith.constant 1 : i32
        %dma_start3A_648 = arith.constant 3 : i32
        %dma_start3A_649 = arith.constant 0 : i32
        %dma_start3A_650 = tpu.memref_slice %arg7[%dma_start3A_648, %dma_start3A_649] : memref<8x64xi32, #tpu.memory_space<vmem>> -> memref<1x64xi32, #tpu.memory_space<vmem>>
        %dma_start3A_651 = tpu.memref_squeeze %dma_start3A_650 : memref<1x64xi32, #tpu.memory_space<vmem>> -> memref<64xi32, #tpu.memory_space<vmem>>
        %dma_start3A_652 = tpu.memref_slice %arg3[%dma_start3A_647, %add3A_634] : memref<2x320000xi32, #tpu.memory_space<hbm>> -> memref<1x64xi32, #tpu.memory_space<hbm>>
        %dma_start3A_653 = tpu.memref_squeeze %dma_start3A_652 : memref<1x64xi32, #tpu.memory_space<hbm>> -> memref<64xi32, #tpu.memory_space<hbm>>
        %dma_start3A_654 = arith.constant 0 : i32
        %dma_start3A_655 = tpu.memref_slice %arg7[%dma_start3A_648, %dma_start3A_654] : memref<8x64xi32, #tpu.memory_space<vmem>> -> memref<1x64xi32, #tpu.memory_space<vmem>>
        %dma_start3A_656 = tpu.memref_squeeze %dma_start3A_655 : memref<1x64xi32, #tpu.memory_space<vmem>> -> memref<64xi32, #tpu.memory_space<vmem>>
        %dma_start3A_657 = tpu.memref_slice %arg3[%dma_start3A_647, %add3A_634] : memref<2x320000xi32, #tpu.memory_space<hbm>> -> memref<1x64xi32, #tpu.memory_space<hbm>>
        %dma_start3A_658 = tpu.memref_squeeze %dma_start3A_657 : memref<1x64xi32, #tpu.memory_space<hbm>> -> memref<64xi32, #tpu.memory_space<hbm>>
        tpu.enqueue_dma source(%dma_start3A_658 : memref<64xi32, #tpu.memory_space<hbm>>) target(%dma_start3A_656 : memref<64xi32, #tpu.memory_space<vmem>>) target_semaphore(%arg20 : memref<!tpu.dma_semaphore, #tpu.memory_space<semaphore_mem>>)
      } else {
      }
      %parallel_loop3A_536 = arith.constant 0 : i32
      %parallel_loop3A_537 = arith.constant 64 : i32
      %parallel_loop3A_538 = arith.constant 1 : i32
      scf.for %parallel_loop3A_630 = %parallel_loop3A_536 to %parallel_loop3A_537 step %parallel_loop3A_538  : i32 {
        %parallel_loop3A_631 = arith.index_cast %parallel_loop3A_630 : i32 to index
        %parallel_loop3A_632 = arith.constant 0 : index
        %parallel_loop3A_633 = tpu.vector_load %arg9[%parallel_loop3A_631, %parallel_loop3A_632] {strides = array<i32>} : memref<64x64xi32, #tpu.memory_space<vmem>>, vector<16xi32>,
        %parallel_loop3A_634 = arith.constant 16 : i32
        %parallel_loop3A_635 = vector.broadcast %parallel_loop3A_634 : i32 to vector<16xi32>
        %parallel_loop3A_636 = arith.shli %parallel_loop3A_633, %parallel_loop3A_635 : vector<16xi32>
        %parallel_loop3A_637 = vector.bitcast %parallel_loop3A_636 : vector<16xi32> to vector<16xf32>
        %parallel_loop3A_638 = arith.constant -65536 : i32
        %parallel_loop3A_639 = vector.broadcast %parallel_loop3A_638 : i32 to vector<16xi32>
        %parallel_loop3A_640 = arith.andi %parallel_loop3A_633, %parallel_loop3A_639 : vector<16xi32>
        %parallel_loop3A_641 = vector.bitcast %parallel_loop3A_640 : vector<16xi32> to vector<16xf32>
        %parallel_loop3A_642 = arith.index_cast %parallel_loop3A_630 : i32 to index
        %parallel_loop3A_643 = arith.constant 0 : index
        %parallel_loop3A_644 = tpu.vector_load %arg11[%parallel_loop3A_642, %parallel_loop3A_643] {strides = array<i32>} : memref<64x128xf32, #tpu.memory_space<vmem>>, vector<16xf32>,
        tpu.vector_store %arg11[%parallel_loop3A_642, %parallel_loop3A_643], %parallel_loop3A_637 {strides = array<i32>} : memref<64x128xf32, #tpu.memory_space<vmem>>, vector<16xf32>,
        %parallel_loop3A_645 = arith.index_cast %parallel_loop3A_630 : i32 to index
        %parallel_loop3A_646 = arith.constant 16 : index
        %parallel_loop3A_647 = tpu.vector_load %arg11[%parallel_loop3A_645, %parallel_loop3A_646] {strides = array<i32>} : memref<64x128xf32, #tpu.memory_space<vmem>>, vector<16xf32>,
        tpu.vector_store %arg11[%parallel_loop3A_645, %parallel_loop3A_646], %parallel_loop3A_641 {strides = array<i32>} : memref<64x128xf32, #tpu.memory_space<vmem>>, vector<16xf32>,
        %parallel_loop3A_648 = arith.index_cast %parallel_loop3A_630 : i32 to index
        %parallel_loop3A_649 = arith.constant 16 : index
        %parallel_loop3A_650 = tpu.vector_load %arg9[%parallel_loop3A_648, %parallel_loop3A_649] {strides = array<i32>} : memref<64x64xi32, #tpu.memory_space<vmem>>, vector<16xi32>,
        %parallel_loop3A_651 = arith.constant 16 : i32
        %parallel_loop3A_652 = vector.broadcast %parallel_loop3A_651 : i32 to vector<16xi32>
        %parallel_loop3A_653 = arith.shli %parallel_loop3A_650, %parallel_loop3A_652 : vector<16xi32>
        %parallel_loop3A_654 = vector.bitcast %parallel_loop3A_653 : vector<16xi32> to vector<16xf32>
        %parallel_loop3A_655 = arith.constant -65536 : i32
        %parallel_loop3A_656 = vector.broadcast %parallel_loop3A_655 : i32 to vector<16xi32>
        %parallel_loop3A_657 = arith.andi %parallel_loop3A_650, %parallel_loop3A_656 : vector<16xi32>
        %parallel_loop3A_658 = vector.bitcast %parallel_loop3A_657 : vector<16xi32> to vector<16xf32>
        %parallel_loop3A_659 = arith.index_cast %parallel_loop3A_630 : i32 to index
        %parallel_loop3A_660 = arith.constant 32 : index
        %parallel_loop3A_661 = tpu.vector_load %arg11[%parallel_loop3A_659, %parallel_loop3A_660] {strides = array<i32>} : memref<64x128xf32, #tpu.memory_space<vmem>>, vector<16xf32>,
        tpu.vector_store %arg11[%parallel_loop3A_659, %parallel_loop3A_660], %parallel_loop3A_654 {strides = array<i32>} : memref<64x128xf32, #tpu.memory_space<vmem>>, vector<16xf32>,
        %parallel_loop3A_662 = arith.index_cast %parallel_loop3A_630 : i32 to index
        %parallel_loop3A_663 = arith.constant 48 : index
        %parallel_loop3A_664 = tpu.vector_load %arg11[%parallel_loop3A_662, %parallel_loop3A_663] {strides = array<i32>} : memref<64x128xf32, #tpu.memory_space<vmem>>, vector<16xf32>,
        tpu.vector_store %arg11[%parallel_loop3A_662, %parallel_loop3A_663], %parallel_loop3A_658 {strides = array<i32>} : memref<64x128xf32, #tpu.memory_space<vmem>>, vector<16xf32>,
        %parallel_loop3A_665 = arith.index_cast %parallel_loop3A_630 : i32 to index
        %parallel_loop3A_666 = arith.constant 32 : index
        %parallel_loop3A_667 = tpu.vector_load %arg9[%parallel_loop3A_665, %parallel_loop3A_666] {strides = array<i32>} : memref<64x64xi32, #tpu.memory_space<vmem>>, vector<16xi32>,
        %parallel_loop3A_668 = arith.constant 16 : i32
        %parallel_loop3A_669 = vector.broadcast %parallel_loop3A_668 : i32 to vector<16xi32>
        %parallel_loop3A_670 = arith.shli %parallel_loop3A_667, %parallel_loop3A_669 : vector<16xi32>
        %parallel_loop3A_671 = vector.bitcast %parallel_loop3A_670 : vector<16xi32> to vector<16xf32>
        %parallel_loop3A_672 = arith.constant -65536 : i32
        %parallel_loop3A_673 = vector.broadcast %parallel_loop3A_672 : i32 to vector<16xi32>
        %parallel_loop3A_674 = arith.andi %parallel_loop3A_667, %parallel_loop3A_673 : vector<16xi32>
        %parallel_loop3A_675 = vector.bitcast %parallel_loop3A_674 : vector<16xi32> to vector<16xf32>
        %parallel_loop3A_676 = arith.index_cast %parallel_loop3A_630 : i32 to index
        %parallel_loop3A_677 = arith.constant 64 : index
        %parallel_loop3A_678 = tpu.vector_load %arg11[%parallel_loop3A_676, %parallel_loop3A_677] {strides = array<i32>} : memref<64x128xf32, #tpu.memory_space<vmem>>, vector<16xf32>,
        tpu.vector_store %arg11[%parallel_loop3A_676, %parallel_loop3A_677], %parallel_loop3A_671 {strides = array<i32>} : memref<64x128xf32, #tpu.memory_space<vmem>>, vector<16xf32>,
        %parallel_loop3A_679 = arith.index_cast %parallel_loop3A_630 : i32 to index
        %parallel_loop3A_680 = arith.constant 80 : index
        %parallel_loop3A_681 = tpu.vector_load %arg11[%parallel_loop3A_679, %parallel_loop3A_680] {strides = array<i32>} : memref<64x128xf32, #tpu.memory_space<vmem>>, vector<16xf32>,
        tpu.vector_store %arg11[%parallel_loop3A_679, %parallel_loop3A_680], %parallel_loop3A_675 {strides = array<i32>} : memref<64x128xf32, #tpu.memory_space<vmem>>, vector<16xf32>,
        %parallel_loop3A_682 = arith.index_cast %parallel_loop3A_630 : i32 to index
        %parallel_loop3A_683 = arith.constant 48 : index
        %parallel_loop3A_684 = tpu.vector_load %arg9[%parallel_loop3A_682, %parallel_loop3A_683] {strides = array<i32>} : memref<64x64xi32, #tpu.memory_space<vmem>>, vector<16xi32>,
        %parallel_loop3A_685 = arith.constant 16 : i32
        %parallel_loop3A_686 = vector.broadcast %parallel_loop3A_685 : i32 to vector<16xi32>
        %parallel_loop3A_687 = arith.shli %parallel_loop3A_684, %parallel_loop3A_686 : vector<16xi32>
        %parallel_loop3A_688 = vector.bitcast %parallel_loop3A_687 : vector<16xi32> to vector<16xf32>
        %parallel_loop3A_689 = arith.constant -65536 : i32
        %parallel_loop3A_690 = vector.broadcast %parallel_loop3A_689 : i32 to vector<16xi32>
        %parallel_loop3A_691 = arith.andi %parallel_loop3A_684, %parallel_loop3A_690 : vector<16xi32>
        %parallel_loop3A_692 = vector.bitcast %parallel_loop3A_691 : vector<16xi32> to vector<16xf32>
        %parallel_loop3A_693 = arith.index_cast %parallel_loop3A_630 : i32 to index
        %parallel_loop3A_694 = arith.constant 96 : index
        %parallel_loop3A_695 = tpu.vector_load %arg11[%parallel_loop3A_693, %parallel_loop3A_694] {strides = array<i32>} : memref<64x128xf32, #tpu.memory_space<vmem>>, vector<16xf32>,
        tpu.vector_store %arg11[%parallel_loop3A_693, %parallel_loop3A_694], %parallel_loop3A_688 {strides = array<i32>} : memref<64x128xf32, #tpu.memory_space<vmem>>, vector<16xf32>,
        %parallel_loop3A_696 = arith.index_cast %parallel_loop3A_630 : i32 to index
        %parallel_loop3A_697 = arith.constant 112 : index
        %parallel_loop3A_698 = tpu.vector_load %arg11[%parallel_loop3A_696, %parallel_loop3A_697] {strides = array<i32>} : memref<64x128xf32, #tpu.memory_space<vmem>>, vector<16xf32>,
        tpu.vector_store %arg11[%parallel_loop3A_696, %parallel_loop3A_697], %parallel_loop3A_692 {strides = array<i32>} : memref<64x128xf32, #tpu.memory_space<vmem>>, vector<16xf32>,
      } {sc.loop_unroll_factor = 4 : i64, sc.parallel_access}
      %add3A_539 = arith.constant 2 : i32
      %add3A_540 = arith.addi %add3A_514, %add3A_539 : i32
      %lt3A_541 = arith.cmpi slt, %add3A_540, %min3A_6 : i32
      %convert_element_type3A_542 = arith.extui %lt3A_541 : i1 to i32
      %cond3A_543 = arith.constant 0 : i32
      %cond3A_544 = arith.cmpi ne, %convert_element_type3A_542, %cond3A_543 : i32
      scf.if %cond3A_544 {
        %dma_wait3A_630 = arith.constant 0 : i32
        %dma_wait3A_631 = arith.constant 7 : i32
        %dma_wait3A_632 = arith.constant 0 : i32
        %dma_wait3A_633 = tpu.memref_slice %arg6[%dma_wait3A_631, %dma_wait3A_632] : memref<8x64xi32, #tpu.memory_space<vmem>> -> memref<1x64xi32, #tpu.memory_space<vmem>>
        %dma_wait3A_634 = tpu.memref_squeeze %dma_wait3A_633 : memref<1x64xi32, #tpu.memory_space<vmem>> -> memref<64xi32, #tpu.memory_space<vmem>>
        %dma_wait3A_635 = arith.constant 0 : i32
        %dma_wait3A_636 = tpu.memref_slice %arg3[%dma_wait3A_630, %dma_wait3A_635] : memref<2x320000xi32, #tpu.memory_space<hbm>> -> memref<1x64xi32, #tpu.memory_space<hbm>>
        %dma_wait3A_637 = tpu.memref_squeeze %dma_wait3A_636 : memref<1x64xi32, #tpu.memory_space<hbm>> -> memref<64xi32, #tpu.memory_space<hbm>>
        %dma_wait3A_638 = arith.constant 0 : i32
        %dma_wait3A_639 = tpu.memref_slice %arg6[%dma_wait3A_631, %dma_wait3A_638] : memref<8x64xi32, #tpu.memory_space<vmem>> -> memref<1x64xi32, #tpu.memory_space<vmem>>
        %dma_wait3A_640 = tpu.memref_squeeze %dma_wait3A_639 : memref<1x64xi32, #tpu.memory_space<vmem>> -> memref<64xi32, #tpu.memory_space<vmem>>
        %dma_wait3A_641 = arith.constant 0 : i32
        %dma_wait3A_642 = tpu.memref_slice %arg3[%dma_wait3A_630, %dma_wait3A_641] : memref<2x320000xi32, #tpu.memory_space<hbm>> -> memref<1x64xi32, #tpu.memory_space<hbm>>
        %dma_wait3A_643 = tpu.memref_squeeze %dma_wait3A_642 : memref<1x64xi32, #tpu.memory_space<hbm>> -> memref<64xi32, #tpu.memory_space<hbm>>
        tpu.wait_dma2 semaphore(%arg24 : memref<!tpu.dma_semaphore, #tpu.memory_space<semaphore_mem>>) src(%dma_wait3A_643 : memref<64xi32, #tpu.memory_space<hbm>>) dst(%dma_wait3A_640 : memref<64xi32, #tpu.memory_space<vmem>>)
        %dma_wait3A_644 = arith.constant 0 : i32
        %dma_wait3A_645 = arith.constant 7 : i32
        %dma_wait3A_646 = arith.constant 0 : i32
        %dma_wait3A_647 = tpu.memref_slice %arg7[%dma_wait3A_645, %dma_wait3A_646] : memref<8x64xi32, #tpu.memory_space<vmem>> -> memref<1x64xi32, #tpu.memory_space<vmem>>
        %dma_wait3A_648 = tpu.memref_squeeze %dma_wait3A_647 : memref<1x64xi32, #tpu.memory_space<vmem>> -> memref<64xi32, #tpu.memory_space<vmem>>
        %dma_wait3A_649 = arith.constant 0 : i32
        %dma_wait3A_650 = tpu.memref_slice %arg3[%dma_wait3A_644, %dma_wait3A_649] : memref<2x320000xi32, #tpu.memory_space<hbm>> -> memref<1x64xi32, #tpu.memory_space<hbm>>
        %dma_wait3A_651 = tpu.memref_squeeze %dma_wait3A_650 : memref<1x64xi32, #tpu.memory_space<hbm>> -> memref<64xi32, #tpu.memory_space<hbm>>
        %dma_wait3A_652 = arith.constant 0 : i32
        %dma_wait3A_653 = tpu.memref_slice %arg7[%dma_wait3A_645, %dma_wait3A_652] : memref<8x64xi32, #tpu.memory_space<vmem>> -> memref<1x64xi32, #tpu.memory_space<vmem>>
        %dma_wait3A_654 = tpu.memref_squeeze %dma_wait3A_653 : memref<1x64xi32, #tpu.memory_space<vmem>> -> memref<64xi32, #tpu.memory_space<vmem>>
        %dma_wait3A_655 = arith.constant 0 : i32
        %dma_wait3A_656 = tpu.memref_slice %arg3[%dma_wait3A_644, %dma_wait3A_655] : memref<2x320000xi32, #tpu.memory_space<hbm>> -> memref<1x64xi32, #tpu.memory_space<hbm>>
        %dma_wait3A_657 = tpu.memref_squeeze %dma_wait3A_656 : memref<1x64xi32, #tpu.memory_space<hbm>> -> memref<64xi32, #tpu.memory_space<hbm>>
        tpu.wait_dma2 semaphore(%arg24 : memref<!tpu.dma_semaphore, #tpu.memory_space<semaphore_mem>>) src(%dma_wait3A_657 : memref<64xi32, #tpu.memory_space<hbm>>) dst(%dma_wait3A_654 : memref<64xi32, #tpu.memory_space<vmem>>)
        %dma_start3A_658 = arith.constant 7 : i32
        %dma_start3A_659 = arith.constant 0 : i32
        %dma_start3A_660 = tpu.memref_slice %arg6[%dma_start3A_658, %dma_start3A_659] : memref<8x64xi32, #tpu.memory_space<vmem>> -> memref<1x64xi32, #tpu.memory_space<vmem>>
        %dma_start3A_661 = tpu.memref_squeeze %dma_start3A_660 : memref<1x64xi32, #tpu.memory_space<vmem>> -> memref<64xi32, #tpu.memory_space<vmem>>
        %dma_start3A_662 = arith.constant 0 : i32
        %dma_start3A_663 = arith.constant 0 : i32
        %dma_start3A_664 = tpu.memref_slice %arg2[%dma_start3A_662, %dma_start3A_663] : memref<10240x64xi32, #tpu.memory_space<hbm>> -> memref<10240x64xi32, #tpu.memory_space<hbm>>
        tpu.enqueue_indirect_dma source(%dma_start3A_664 : memref<10240x64xi32, #tpu.memory_space<hbm>>) target(%arg9 : memref<64x64xi32, #tpu.memory_space<vmem>>) offsets(%dma_start3A_661 : memref<64xi32, #tpu.memory_space<vmem>>) semaphore(%arg13 : memref<!tpu.dma_semaphore, #tpu.memory_space<semaphore_mem>>)
      } else {
      }
      %dma_start3A_545 = arith.constant 5 : i32
      %dma_start3A_546 = arith.constant 0 : i32
      %dma_start3A_547 = tpu.memref_slice %arg7[%dma_start3A_545, %dma_start3A_546] : memref<8x64xi32, #tpu.memory_space<vmem>> -> memref<1x64xi32, #tpu.memory_space<vmem>>
      %dma_start3A_548 = tpu.memref_squeeze %dma_start3A_547 : memref<1x64xi32, #tpu.memory_space<vmem>> -> memref<64xi32, #tpu.memory_space<vmem>>
      %dma_start3A_549 = arith.constant 0 : i32
      %dma_start3A_550 = arith.constant 0 : i32
      %dma_start3A_551 = tpu.memref_slice %arg16[%dma_start3A_549, %dma_start3A_550] : memref<10112x128xf32, #tpu.memory_space<vmem_shared>> -> memref<10112x128xf32, #tpu.memory_space<vmem_shared>>
      tpu.enqueue_indirect_dma source(%arg11 : memref<64x128xf32, #tpu.memory_space<vmem>>) target(%dma_start3A_551 : memref<10112x128xf32, #tpu.memory_space<vmem_shared>>) offsets(%dma_start3A_548 : memref<64xi32, #tpu.memory_space<vmem>>) semaphore(%arg15 : memref<!tpu.dma_semaphore, #tpu.memory_space<semaphore_mem>>) {add = true}
      %add3A_552 = arith.constant 6 : i32
      %add3A_553 = arith.addi %add3A_323, %add3A_552 : i32
      %dma_wait3A_554 = arith.constant 6 : i32
      %dma_wait3A_555 = arith.constant 0 : i32
      %dma_wait3A_556 = tpu.memref_slice %arg6[%dma_wait3A_554, %dma_wait3A_555] : memref<8x64xi32, #tpu.memory_space<vmem>> -> memref<1x64xi32, #tpu.memory_space<vmem>>
      %dma_wait3A_557 = tpu.memref_squeeze %dma_wait3A_556 : memref<1x64xi32, #tpu.memory_space<vmem>> -> memref<64xi32, #tpu.memory_space<vmem>>
      %dma_wait3A_558 = arith.constant 0 : i32
      %dma_wait3A_559 = arith.constant 0 : i32
      %dma_wait3A_560 = tpu.memref_slice %arg2[%dma_wait3A_558, %dma_wait3A_559] : memref<10240x64xi32, #tpu.memory_space<hbm>> -> memref<10240x64xi32, #tpu.memory_space<hbm>>
      tpu.wait_indirect_dma semaphore(%arg12 : memref<!tpu.dma_semaphore, #tpu.memory_space<semaphore_mem>>) src(%dma_wait3A_560 : memref<10240x64xi32, #tpu.memory_space<hbm>>) dst(%arg8 : memref<64x64xi32, #tpu.memory_space<vmem>>)
      %ge3A_561 = arith.constant 2 : i32
      %ge3A_562 = arith.cmpi sge, %add3A_553, %ge3A_561 : i32
      %convert_element_type3A_563 = arith.extui %ge3A_562 : i1 to i32
      %cond3A_564 = arith.constant 0 : i32
      %cond3A_565 = arith.cmpi ne, %convert_element_type3A_563, %cond3A_564 : i32
      scf.if %cond3A_565 {
        %dma_wait3A_630 = arith.constant 4 : i32
        %dma_wait3A_631 = arith.constant 0 : i32
        %dma_wait3A_632 = tpu.memref_slice %arg7[%dma_wait3A_630, %dma_wait3A_631] : memref<8x64xi32, #tpu.memory_space<vmem>> -> memref<1x64xi32, #tpu.memory_space<vmem>>
        %dma_wait3A_633 = tpu.memref_squeeze %dma_wait3A_632 : memref<1x64xi32, #tpu.memory_space<vmem>> -> memref<64xi32, #tpu.memory_space<vmem>>
        %dma_wait3A_634 = arith.constant 0 : i32
        %dma_wait3A_635 = arith.constant 0 : i32
        %dma_wait3A_636 = tpu.memref_slice %arg16[%dma_wait3A_634, %dma_wait3A_635] : memref<10112x128xf32, #tpu.memory_space<vmem_shared>> -> memref<10112x128xf32, #tpu.memory_space<vmem_shared>>
        tpu.wait_indirect_dma semaphore(%arg14 : memref<!tpu.dma_semaphore, #tpu.memory_space<semaphore_mem>>) src(%arg10 : memref<64x128xf32, #tpu.memory_space<vmem>>) dst(%dma_wait3A_636 : memref<10112x128xf32, #tpu.memory_space<vmem_shared>>)
      } else {
      }
      %ge3A_566 = arith.constant 2 : i32
      %ge3A_567 = arith.cmpi sge, %add3A_553, %ge3A_566 : i32
      %add3A_568 = arith.constant 6 : i32
      %add3A_569 = arith.addi %add3A_553, %add3A_568 : i32
      %lt3A_570 = arith.cmpi slt, %add3A_569, %min3A_6 : i32
      %and3A_571 = arith.andi %ge3A_567, %lt3A_570 : i1
      %convert_element_type3A_572 = arith.extui %and3A_571 : i1 to i32
      %cond3A_573 = arith.constant 0 : i32
      %cond3A_574 = arith.cmpi ne, %convert_element_type3A_572, %cond3A_573 : i32
      scf.if %cond3A_574 {
        %add3A_630 = arith.constant 6 : i32
        %add3A_631 = arith.addi %add3A_553, %add3A_630 : i32
        %mul3A_632 = arith.constant 64 : i32
        %mul3A_633 = arith.muli %add3A_631, %mul3A_632 : i32
        %add3A_634 = arith.addi %mul3A_2, %mul3A_633 : i32
        %dma_start3A_635 = arith.constant 0 : i32
        %dma_start3A_636 = arith.constant 4 : i32
        %dma_start3A_637 = arith.constant 0 : i32
        %dma_start3A_638 = tpu.memref_slice %arg6[%dma_start3A_636, %dma_start3A_637] : memref<8x64xi32, #tpu.memory_space<vmem>> -> memref<1x64xi32, #tpu.memory_space<vmem>>
        %dma_start3A_639 = tpu.memref_squeeze %dma_start3A_638 : memref<1x64xi32, #tpu.memory_space<vmem>> -> memref<64xi32, #tpu.memory_space<vmem>>
        %dma_start3A_640 = tpu.memref_slice %arg3[%dma_start3A_635, %add3A_634] : memref<2x320000xi32, #tpu.memory_space<hbm>> -> memref<1x64xi32, #tpu.memory_space<hbm>>
        %dma_start3A_641 = tpu.memref_squeeze %dma_start3A_640 : memref<1x64xi32, #tpu.memory_space<hbm>> -> memref<64xi32, #tpu.memory_space<hbm>>
        %dma_start3A_642 = arith.constant 0 : i32
        %dma_start3A_643 = tpu.memref_slice %arg6[%dma_start3A_636, %dma_start3A_642] : memref<8x64xi32, #tpu.memory_space<vmem>> -> memref<1x64xi32, #tpu.memory_space<vmem>>
        %dma_start3A_644 = tpu.memref_squeeze %dma_start3A_643 : memref<1x64xi32, #tpu.memory_space<vmem>> -> memref<64xi32, #tpu.memory_space<vmem>>
        %dma_start3A_645 = tpu.memref_slice %arg3[%dma_start3A_635, %add3A_634] : memref<2x320000xi32, #tpu.memory_space<hbm>> -> memref<1x64xi32, #tpu.memory_space<hbm>>
        %dma_start3A_646 = tpu.memref_squeeze %dma_start3A_645 : memref<1x64xi32, #tpu.memory_space<hbm>> -> memref<64xi32, #tpu.memory_space<hbm>>
        tpu.enqueue_dma source(%dma_start3A_646 : memref<64xi32, #tpu.memory_space<hbm>>) target(%dma_start3A_644 : memref<64xi32, #tpu.memory_space<vmem>>) target_semaphore(%arg21 : memref<!tpu.dma_semaphore, #tpu.memory_space<semaphore_mem>>)
        %dma_start3A_647 = arith.constant 1 : i32
        %dma_start3A_648 = arith.constant 4 : i32
        %dma_start3A_649 = arith.constant 0 : i32
        %dma_start3A_650 = tpu.memref_slice %arg7[%dma_start3A_648, %dma_start3A_649] : memref<8x64xi32, #tpu.memory_space<vmem>> -> memref<1x64xi32, #tpu.memory_space<vmem>>
        %dma_start3A_651 = tpu.memref_squeeze %dma_start3A_650 : memref<1x64xi32, #tpu.memory_space<vmem>> -> memref<64xi32, #tpu.memory_space<vmem>>
        %dma_start3A_652 = tpu.memref_slice %arg3[%dma_start3A_647, %add3A_634] : memref<2x320000xi32, #tpu.memory_space<hbm>> -> memref<1x64xi32, #tpu.memory_space<hbm>>
        %dma_start3A_653 = tpu.memref_squeeze %dma_start3A_652 : memref<1x64xi32, #tpu.memory_space<hbm>> -> memref<64xi32, #tpu.memory_space<hbm>>
        %dma_start3A_654 = arith.constant 0 : i32
        %dma_start3A_655 = tpu.memref_slice %arg7[%dma_start3A_648, %dma_start3A_654] : memref<8x64xi32, #tpu.memory_space<vmem>> -> memref<1x64xi32, #tpu.memory_space<vmem>>
        %dma_start3A_656 = tpu.memref_squeeze %dma_start3A_655 : memref<1x64xi32, #tpu.memory_space<vmem>> -> memref<64xi32, #tpu.memory_space<vmem>>
        %dma_start3A_657 = tpu.memref_slice %arg3[%dma_start3A_647, %add3A_634] : memref<2x320000xi32, #tpu.memory_space<hbm>> -> memref<1x64xi32, #tpu.memory_space<hbm>>
        %dma_start3A_658 = tpu.memref_squeeze %dma_start3A_657 : memref<1x64xi32, #tpu.memory_space<hbm>> -> memref<64xi32, #tpu.memory_space<hbm>>
        tpu.enqueue_dma source(%dma_start3A_658 : memref<64xi32, #tpu.memory_space<hbm>>) target(%dma_start3A_656 : memref<64xi32, #tpu.memory_space<vmem>>) target_semaphore(%arg21 : memref<!tpu.dma_semaphore, #tpu.memory_space<semaphore_mem>>)
      } else {
      }
      %parallel_loop3A_575 = arith.constant 0 : i32
      %parallel_loop3A_576 = arith.constant 64 : i32
      %parallel_loop3A_577 = arith.constant 1 : i32
      scf.for %parallel_loop3A_630 = %parallel_loop3A_575 to %parallel_loop3A_576 step %parallel_loop3A_577  : i32 {
        %parallel_loop3A_631 = arith.index_cast %parallel_loop3A_630 : i32 to index
        %parallel_loop3A_632 = arith.constant 0 : index
        %parallel_loop3A_633 = tpu.vector_load %arg8[%parallel_loop3A_631, %parallel_loop3A_632] {strides = array<i32>} : memref<64x64xi32, #tpu.memory_space<vmem>>, vector<16xi32>,
        %parallel_loop3A_634 = arith.constant 16 : i32
        %parallel_loop3A_635 = vector.broadcast %parallel_loop3A_634 : i32 to vector<16xi32>
        %parallel_loop3A_636 = arith.shli %parallel_loop3A_633, %parallel_loop3A_635 : vector<16xi32>
        %parallel_loop3A_637 = vector.bitcast %parallel_loop3A_636 : vector<16xi32> to vector<16xf32>
        %parallel_loop3A_638 = arith.constant -65536 : i32
        %parallel_loop3A_639 = vector.broadcast %parallel_loop3A_638 : i32 to vector<16xi32>
        %parallel_loop3A_640 = arith.andi %parallel_loop3A_633, %parallel_loop3A_639 : vector<16xi32>
        %parallel_loop3A_641 = vector.bitcast %parallel_loop3A_640 : vector<16xi32> to vector<16xf32>
        %parallel_loop3A_642 = arith.index_cast %parallel_loop3A_630 : i32 to index
        %parallel_loop3A_643 = arith.constant 0 : index
        %parallel_loop3A_644 = tpu.vector_load %arg10[%parallel_loop3A_642, %parallel_loop3A_643] {strides = array<i32>} : memref<64x128xf32, #tpu.memory_space<vmem>>, vector<16xf32>,
        tpu.vector_store %arg10[%parallel_loop3A_642, %parallel_loop3A_643], %parallel_loop3A_637 {strides = array<i32>} : memref<64x128xf32, #tpu.memory_space<vmem>>, vector<16xf32>,
        %parallel_loop3A_645 = arith.index_cast %parallel_loop3A_630 : i32 to index
        %parallel_loop3A_646 = arith.constant 16 : index
        %parallel_loop3A_647 = tpu.vector_load %arg10[%parallel_loop3A_645, %parallel_loop3A_646] {strides = array<i32>} : memref<64x128xf32, #tpu.memory_space<vmem>>, vector<16xf32>,
        tpu.vector_store %arg10[%parallel_loop3A_645, %parallel_loop3A_646], %parallel_loop3A_641 {strides = array<i32>} : memref<64x128xf32, #tpu.memory_space<vmem>>, vector<16xf32>,
        %parallel_loop3A_648 = arith.index_cast %parallel_loop3A_630 : i32 to index
        %parallel_loop3A_649 = arith.constant 16 : index
        %parallel_loop3A_650 = tpu.vector_load %arg8[%parallel_loop3A_648, %parallel_loop3A_649] {strides = array<i32>} : memref<64x64xi32, #tpu.memory_space<vmem>>, vector<16xi32>,
        %parallel_loop3A_651 = arith.constant 16 : i32
        %parallel_loop3A_652 = vector.broadcast %parallel_loop3A_651 : i32 to vector<16xi32>
        %parallel_loop3A_653 = arith.shli %parallel_loop3A_650, %parallel_loop3A_652 : vector<16xi32>
        %parallel_loop3A_654 = vector.bitcast %parallel_loop3A_653 : vector<16xi32> to vector<16xf32>
        %parallel_loop3A_655 = arith.constant -65536 : i32
        %parallel_loop3A_656 = vector.broadcast %parallel_loop3A_655 : i32 to vector<16xi32>
        %parallel_loop3A_657 = arith.andi %parallel_loop3A_650, %parallel_loop3A_656 : vector<16xi32>
        %parallel_loop3A_658 = vector.bitcast %parallel_loop3A_657 : vector<16xi32> to vector<16xf32>
        %parallel_loop3A_659 = arith.index_cast %parallel_loop3A_630 : i32 to index
        %parallel_loop3A_660 = arith.constant 32 : index
        %parallel_loop3A_661 = tpu.vector_load %arg10[%parallel_loop3A_659, %parallel_loop3A_660] {strides = array<i32>} : memref<64x128xf32, #tpu.memory_space<vmem>>, vector<16xf32>,
        tpu.vector_store %arg10[%parallel_loop3A_659, %parallel_loop3A_660], %parallel_loop3A_654 {strides = array<i32>} : memref<64x128xf32, #tpu.memory_space<vmem>>, vector<16xf32>,
        %parallel_loop3A_662 = arith.index_cast %parallel_loop3A_630 : i32 to index
        %parallel_loop3A_663 = arith.constant 48 : index
        %parallel_loop3A_664 = tpu.vector_load %arg10[%parallel_loop3A_662, %parallel_loop3A_663] {strides = array<i32>} : memref<64x128xf32, #tpu.memory_space<vmem>>, vector<16xf32>,
        tpu.vector_store %arg10[%parallel_loop3A_662, %parallel_loop3A_663], %parallel_loop3A_658 {strides = array<i32>} : memref<64x128xf32, #tpu.memory_space<vmem>>, vector<16xf32>,
        %parallel_loop3A_665 = arith.index_cast %parallel_loop3A_630 : i32 to index
        %parallel_loop3A_666 = arith.constant 32 : index
        %parallel_loop3A_667 = tpu.vector_load %arg8[%parallel_loop3A_665, %parallel_loop3A_666] {strides = array<i32>} : memref<64x64xi32, #tpu.memory_space<vmem>>, vector<16xi32>,
        %parallel_loop3A_668 = arith.constant 16 : i32
        %parallel_loop3A_669 = vector.broadcast %parallel_loop3A_668 : i32 to vector<16xi32>
        %parallel_loop3A_670 = arith.shli %parallel_loop3A_667, %parallel_loop3A_669 : vector<16xi32>
        %parallel_loop3A_671 = vector.bitcast %parallel_loop3A_670 : vector<16xi32> to vector<16xf32>
        %parallel_loop3A_672 = arith.constant -65536 : i32
        %parallel_loop3A_673 = vector.broadcast %parallel_loop3A_672 : i32 to vector<16xi32>
        %parallel_loop3A_674 = arith.andi %parallel_loop3A_667, %parallel_loop3A_673 : vector<16xi32>
        %parallel_loop3A_675 = vector.bitcast %parallel_loop3A_674 : vector<16xi32> to vector<16xf32>
        %parallel_loop3A_676 = arith.index_cast %parallel_loop3A_630 : i32 to index
        %parallel_loop3A_677 = arith.constant 64 : index
        %parallel_loop3A_678 = tpu.vector_load %arg10[%parallel_loop3A_676, %parallel_loop3A_677] {strides = array<i32>} : memref<64x128xf32, #tpu.memory_space<vmem>>, vector<16xf32>,
        tpu.vector_store %arg10[%parallel_loop3A_676, %parallel_loop3A_677], %parallel_loop3A_671 {strides = array<i32>} : memref<64x128xf32, #tpu.memory_space<vmem>>, vector<16xf32>,
        %parallel_loop3A_679 = arith.index_cast %parallel_loop3A_630 : i32 to index
        %parallel_loop3A_680 = arith.constant 80 : index
        %parallel_loop3A_681 = tpu.vector_load %arg10[%parallel_loop3A_679, %parallel_loop3A_680] {strides = array<i32>} : memref<64x128xf32, #tpu.memory_space<vmem>>, vector<16xf32>,
        tpu.vector_store %arg10[%parallel_loop3A_679, %parallel_loop3A_680], %parallel_loop3A_675 {strides = array<i32>} : memref<64x128xf32, #tpu.memory_space<vmem>>, vector<16xf32>,
        %parallel_loop3A_682 = arith.index_cast %parallel_loop3A_630 : i32 to index
        %parallel_loop3A_683 = arith.constant 48 : index
        %parallel_loop3A_684 = tpu.vector_load %arg8[%parallel_loop3A_682, %parallel_loop3A_683] {strides = array<i32>} : memref<64x64xi32, #tpu.memory_space<vmem>>, vector<16xi32>,
        %parallel_loop3A_685 = arith.constant 16 : i32
        %parallel_loop3A_686 = vector.broadcast %parallel_loop3A_685 : i32 to vector<16xi32>
        %parallel_loop3A_687 = arith.shli %parallel_loop3A_684, %parallel_loop3A_686 : vector<16xi32>
        %parallel_loop3A_688 = vector.bitcast %parallel_loop3A_687 : vector<16xi32> to vector<16xf32>
        %parallel_loop3A_689 = arith.constant -65536 : i32
        %parallel_loop3A_690 = vector.broadcast %parallel_loop3A_689 : i32 to vector<16xi32>
        %parallel_loop3A_691 = arith.andi %parallel_loop3A_684, %parallel_loop3A_690 : vector<16xi32>
        %parallel_loop3A_692 = vector.bitcast %parallel_loop3A_691 : vector<16xi32> to vector<16xf32>
        %parallel_loop3A_693 = arith.index_cast %parallel_loop3A_630 : i32 to index
        %parallel_loop3A_694 = arith.constant 96 : index
        %parallel_loop3A_695 = tpu.vector_load %arg10[%parallel_loop3A_693, %parallel_loop3A_694] {strides = array<i32>} : memref<64x128xf32, #tpu.memory_space<vmem>>, vector<16xf32>,
        tpu.vector_store %arg10[%parallel_loop3A_693, %parallel_loop3A_694], %parallel_loop3A_688 {strides = array<i32>} : memref<64x128xf32, #tpu.memory_space<vmem>>, vector<16xf32>,
        %parallel_loop3A_696 = arith.index_cast %parallel_loop3A_630 : i32 to index
        %parallel_loop3A_697 = arith.constant 112 : index
        %parallel_loop3A_698 = tpu.vector_load %arg10[%parallel_loop3A_696, %parallel_loop3A_697] {strides = array<i32>} : memref<64x128xf32, #tpu.memory_space<vmem>>, vector<16xf32>,
        tpu.vector_store %arg10[%parallel_loop3A_696, %parallel_loop3A_697], %parallel_loop3A_692 {strides = array<i32>} : memref<64x128xf32, #tpu.memory_space<vmem>>, vector<16xf32>,
      } {sc.loop_unroll_factor = 4 : i64, sc.parallel_access}
      %add3A_578 = arith.constant 2 : i32
      %add3A_579 = arith.addi %add3A_553, %add3A_578 : i32
      %lt3A_580 = arith.cmpi slt, %add3A_579, %min3A_6 : i32
      %convert_element_type3A_581 = arith.extui %lt3A_580 : i1 to i32
      %cond3A_582 = arith.constant 0 : i32
      %cond3A_583 = arith.cmpi ne, %convert_element_type3A_581, %cond3A_582 : i32
      scf.if %cond3A_583 {
        %dma_wait3A_630 = arith.constant 0 : i32
        %dma_wait3A_631 = arith.constant 0 : i32
        %dma_wait3A_632 = arith.constant 0 : i32
        %dma_wait3A_633 = tpu.memref_slice %arg6[%dma_wait3A_631, %dma_wait3A_632] : memref<8x64xi32, #tpu.memory_space<vmem>> -> memref<1x64xi32, #tpu.memory_space<vmem>>
        %dma_wait3A_634 = tpu.memref_squeeze %dma_wait3A_633 : memref<1x64xi32, #tpu.memory_space<vmem>> -> memref<64xi32, #tpu.memory_space<vmem>>
        %dma_wait3A_635 = arith.constant 0 : i32
        %dma_wait3A_636 = tpu.memref_slice %arg3[%dma_wait3A_630, %dma_wait3A_635] : memref<2x320000xi32, #tpu.memory_space<hbm>> -> memref<1x64xi32, #tpu.memory_space<hbm>>
        %dma_wait3A_637 = tpu.memref_squeeze %dma_wait3A_636 : memref<1x64xi32, #tpu.memory_space<hbm>> -> memref<64xi32, #tpu.memory_space<hbm>>
        %dma_wait3A_638 = arith.constant 0 : i32
        %dma_wait3A_639 = tpu.memref_slice %arg6[%dma_wait3A_631, %dma_wait3A_638] : memref<8x64xi32, #tpu.memory_space<vmem>> -> memref<1x64xi32, #tpu.memory_space<vmem>>
        %dma_wait3A_640 = tpu.memref_squeeze %dma_wait3A_639 : memref<1x64xi32, #tpu.memory_space<vmem>> -> memref<64xi32, #tpu.memory_space<vmem>>
        %dma_wait3A_641 = arith.constant 0 : i32
        %dma_wait3A_642 = tpu.memref_slice %arg3[%dma_wait3A_630, %dma_wait3A_641] : memref<2x320000xi32, #tpu.memory_space<hbm>> -> memref<1x64xi32, #tpu.memory_space<hbm>>
        %dma_wait3A_643 = tpu.memref_squeeze %dma_wait3A_642 : memref<1x64xi32, #tpu.memory_space<hbm>> -> memref<64xi32, #tpu.memory_space<hbm>>
        tpu.wait_dma2 semaphore(%arg17 : memref<!tpu.dma_semaphore, #tpu.memory_space<semaphore_mem>>) src(%dma_wait3A_643 : memref<64xi32, #tpu.memory_space<hbm>>) dst(%dma_wait3A_640 : memref<64xi32, #tpu.memory_space<vmem>>)
        %dma_wait3A_644 = arith.constant 0 : i32
        %dma_wait3A_645 = arith.constant 0 : i32
        %dma_wait3A_646 = arith.constant 0 : i32
        %dma_wait3A_647 = tpu.memref_slice %arg7[%dma_wait3A_645, %dma_wait3A_646] : memref<8x64xi32, #tpu.memory_space<vmem>> -> memref<1x64xi32, #tpu.memory_space<vmem>>
        %dma_wait3A_648 = tpu.memref_squeeze %dma_wait3A_647 : memref<1x64xi32, #tpu.memory_space<vmem>> -> memref<64xi32, #tpu.memory_space<vmem>>
        %dma_wait3A_649 = arith.constant 0 : i32
        %dma_wait3A_650 = tpu.memref_slice %arg3[%dma_wait3A_644, %dma_wait3A_649] : memref<2x320000xi32, #tpu.memory_space<hbm>> -> memref<1x64xi32, #tpu.memory_space<hbm>>
        %dma_wait3A_651 = tpu.memref_squeeze %dma_wait3A_650 : memref<1x64xi32, #tpu.memory_space<hbm>> -> memref<64xi32, #tpu.memory_space<hbm>>
        %dma_wait3A_652 = arith.constant 0 : i32
        %dma_wait3A_653 = tpu.memref_slice %arg7[%dma_wait3A_645, %dma_wait3A_652] : memref<8x64xi32, #tpu.memory_space<vmem>> -> memref<1x64xi32, #tpu.memory_space<vmem>>
        %dma_wait3A_654 = tpu.memref_squeeze %dma_wait3A_653 : memref<1x64xi32, #tpu.memory_space<vmem>> -> memref<64xi32, #tpu.memory_space<vmem>>
        %dma_wait3A_655 = arith.constant 0 : i32
        %dma_wait3A_656 = tpu.memref_slice %arg3[%dma_wait3A_644, %dma_wait3A_655] : memref<2x320000xi32, #tpu.memory_space<hbm>> -> memref<1x64xi32, #tpu.memory_space<hbm>>
        %dma_wait3A_657 = tpu.memref_squeeze %dma_wait3A_656 : memref<1x64xi32, #tpu.memory_space<hbm>> -> memref<64xi32, #tpu.memory_space<hbm>>
        tpu.wait_dma2 semaphore(%arg17 : memref<!tpu.dma_semaphore, #tpu.memory_space<semaphore_mem>>) src(%dma_wait3A_657 : memref<64xi32, #tpu.memory_space<hbm>>) dst(%dma_wait3A_654 : memref<64xi32, #tpu.memory_space<vmem>>)
        %dma_start3A_658 = arith.constant 0 : i32
        %dma_start3A_659 = arith.constant 0 : i32
        %dma_start3A_660 = tpu.memref_slice %arg6[%dma_start3A_658, %dma_start3A_659] : memref<8x64xi32, #tpu.memory_space<vmem>> -> memref<1x64xi32, #tpu.memory_space<vmem>>
        %dma_start3A_661 = tpu.memref_squeeze %dma_start3A_660 : memref<1x64xi32, #tpu.memory_space<vmem>> -> memref<64xi32, #tpu.memory_space<vmem>>
        %dma_start3A_662 = arith.constant 0 : i32
        %dma_start3A_663 = arith.constant 0 : i32
        %dma_start3A_664 = tpu.memref_slice %arg2[%dma_start3A_662, %dma_start3A_663] : memref<10240x64xi32, #tpu.memory_space<hbm>> -> memref<10240x64xi32, #tpu.memory_space<hbm>>
        tpu.enqueue_indirect_dma source(%dma_start3A_664 : memref<10240x64xi32, #tpu.memory_space<hbm>>) target(%arg8 : memref<64x64xi32, #tpu.memory_space<vmem>>) offsets(%dma_start3A_661 : memref<64xi32, #tpu.memory_space<vmem>>) semaphore(%arg12 : memref<!tpu.dma_semaphore, #tpu.memory_space<semaphore_mem>>)
      } else {
      }
      %dma_start3A_584 = arith.constant 6 : i32
      %dma_start3A_585 = arith.constant 0 : i32
      %dma_start3A_586 = tpu.memref_slice %arg7[%dma_start3A_584, %dma_start3A_585] : memref<8x64xi32, #tpu.memory_space<vmem>> -> memref<1x64xi32, #tpu.memory_space<vmem>>
      %dma_start3A_587 = tpu.memref_squeeze %dma_start3A_586 : memref<1x64xi32, #tpu.memory_space<vmem>> -> memref<64xi32, #tpu.memory_space<vmem>>
      %dma_start3A_588 = arith.constant 0 : i32
      %dma_start3A_589 = arith.constant 0 : i32
      %dma_start3A_590 = tpu.memref_slice %arg16[%dma_start3A_588, %dma_start3A_589] : memref<10112x128xf32, #tpu.memory_space<vmem_shared>> -> memref<10112x128xf32, #tpu.memory_space<vmem_shared>>
      tpu.enqueue_indirect_dma source(%arg10 : memref<64x128xf32, #tpu.memory_space<vmem>>) target(%dma_start3A_590 : memref<10112x128xf32, #tpu.memory_space<vmem_shared>>) offsets(%dma_start3A_587 : memref<64xi32, #tpu.memory_space<vmem>>) semaphore(%arg14 : memref<!tpu.dma_semaphore, #tpu.memory_space<semaphore_mem>>) {add = true}
      %add3A_591 = arith.constant 7 : i32
      %add3A_592 = arith.addi %add3A_323, %add3A_591 : i32
      %dma_wait3A_593 = arith.constant 7 : i32
      %dma_wait3A_594 = arith.constant 0 : i32
      %dma_wait3A_595 = tpu.memref_slice %arg6[%dma_wait3A_593, %dma_wait3A_594] : memref<8x64xi32, #tpu.memory_space<vmem>> -> memref<1x64xi32, #tpu.memory_space<vmem>>
      %dma_wait3A_596 = tpu.memref_squeeze %dma_wait3A_595 : memref<1x64xi32, #tpu.memory_space<vmem>> -> memref<64xi32, #tpu.memory_space<vmem>>
      %dma_wait3A_597 = arith.constant 0 : i32
      %dma_wait3A_598 = arith.constant 0 : i32
      %dma_wait3A_599 = tpu.memref_slice %arg2[%dma_wait3A_597, %dma_wait3A_598] : memref<10240x64xi32, #tpu.memory_space<hbm>> -> memref<10240x64xi32, #tpu.memory_space<hbm>>
      tpu.wait_indirect_dma semaphore(%arg13 : memref<!tpu.dma_semaphore, #tpu.memory_space<semaphore_mem>>) src(%dma_wait3A_599 : memref<10240x64xi32, #tpu.memory_space<hbm>>) dst(%arg9 : memref<64x64xi32, #tpu.memory_space<vmem>>)
      %ge3A_600 = arith.constant 2 : i32
      %ge3A_601 = arith.cmpi sge, %add3A_592, %ge3A_600 : i32
      %convert_element_type3A_602 = arith.extui %ge3A_601 : i1 to i32
      %cond3A_603 = arith.constant 0 : i32
      %cond3A_604 = arith.cmpi ne, %convert_element_type3A_602, %cond3A_603 : i32
      scf.if %cond3A_604 {
        %dma_wait3A_630 = arith.constant 5 : i32
        %dma_wait3A_631 = arith.constant 0 : i32
        %dma_wait3A_632 = tpu.memref_slice %arg7[%dma_wait3A_630, %dma_wait3A_631] : memref<8x64xi32, #tpu.memory_space<vmem>> -> memref<1x64xi32, #tpu.memory_space<vmem>>
        %dma_wait3A_633 = tpu.memref_squeeze %dma_wait3A_632 : memref<1x64xi32, #tpu.memory_space<vmem>> -> memref<64xi32, #tpu.memory_space<vmem>>
        %dma_wait3A_634 = arith.constant 0 : i32
        %dma_wait3A_635 = arith.constant 0 : i32
        %dma_wait3A_636 = tpu.memref_slice %arg16[%dma_wait3A_634, %dma_wait3A_635] : memref<10112x128xf32, #tpu.memory_space<vmem_shared>> -> memref<10112x128xf32, #tpu.memory_space<vmem_shared>>
        tpu.wait_indirect_dma semaphore(%arg15 : memref<!tpu.dma_semaphore, #tpu.memory_space<semaphore_mem>>) src(%arg11 : memref<64x128xf32, #tpu.memory_space<vmem>>) dst(%dma_wait3A_636 : memref<10112x128xf32, #tpu.memory_space<vmem_shared>>)
      } else {
      }
      %ge3A_605 = arith.constant 2 : i32
      %ge3A_606 = arith.cmpi sge, %add3A_592, %ge3A_605 : i32
      %add3A_607 = arith.constant 6 : i32
      %add3A_608 = arith.addi %add3A_592, %add3A_607 : i32
      %lt3A_609 = arith.cmpi slt, %add3A_608, %min3A_6 : i32
      %and3A_610 = arith.andi %ge3A_606, %lt3A_609 : i1
      %convert_element_type3A_611 = arith.extui %and3A_610 : i1 to i32
      %cond3A_612 = arith.constant 0 : i32
      %cond3A_613 = arith.cmpi ne, %convert_element_type3A_611, %cond3A_612 : i32
      scf.if %cond3A_613 {
        %add3A_630 = arith.constant 6 : i32
        %add3A_631 = arith.addi %add3A_592, %add3A_630 : i32
        %mul3A_632 = arith.constant 64 : i32
        %mul3A_633 = arith.muli %add3A_631, %mul3A_632 : i32
        %add3A_634 = arith.addi %mul3A_2, %mul3A_633 : i32
        %dma_start3A_635 = arith.constant 0 : i32
        %dma_start3A_636 = arith.constant 5 : i32
        %dma_start3A_637 = arith.constant 0 : i32
        %dma_start3A_638 = tpu.memref_slice %arg6[%dma_start3A_636, %dma_start3A_637] : memref<8x64xi32, #tpu.memory_space<vmem>> -> memref<1x64xi32, #tpu.memory_space<vmem>>
        %dma_start3A_639 = tpu.memref_squeeze %dma_start3A_638 : memref<1x64xi32, #tpu.memory_space<vmem>> -> memref<64xi32, #tpu.memory_space<vmem>>
        %dma_start3A_640 = tpu.memref_slice %arg3[%dma_start3A_635, %add3A_634] : memref<2x320000xi32, #tpu.memory_space<hbm>> -> memref<1x64xi32, #tpu.memory_space<hbm>>
        %dma_start3A_641 = tpu.memref_squeeze %dma_start3A_640 : memref<1x64xi32, #tpu.memory_space<hbm>> -> memref<64xi32, #tpu.memory_space<hbm>>
        %dma_start3A_642 = arith.constant 0 : i32
        %dma_start3A_643 = tpu.memref_slice %arg6[%dma_start3A_636, %dma_start3A_642] : memref<8x64xi32, #tpu.memory_space<vmem>> -> memref<1x64xi32, #tpu.memory_space<vmem>>
        %dma_start3A_644 = tpu.memref_squeeze %dma_start3A_643 : memref<1x64xi32, #tpu.memory_space<vmem>> -> memref<64xi32, #tpu.memory_space<vmem>>
        %dma_start3A_645 = tpu.memref_slice %arg3[%dma_start3A_635, %add3A_634] : memref<2x320000xi32, #tpu.memory_space<hbm>> -> memref<1x64xi32, #tpu.memory_space<hbm>>
        %dma_start3A_646 = tpu.memref_squeeze %dma_start3A_645 : memref<1x64xi32, #tpu.memory_space<hbm>> -> memref<64xi32, #tpu.memory_space<hbm>>
        tpu.enqueue_dma source(%dma_start3A_646 : memref<64xi32, #tpu.memory_space<hbm>>) target(%dma_start3A_644 : memref<64xi32, #tpu.memory_space<vmem>>) target_semaphore(%arg22 : memref<!tpu.dma_semaphore, #tpu.memory_space<semaphore_mem>>)
        %dma_start3A_647 = arith.constant 1 : i32
        %dma_start3A_648 = arith.constant 5 : i32
        %dma_start3A_649 = arith.constant 0 : i32
        %dma_start3A_650 = tpu.memref_slice %arg7[%dma_start3A_648, %dma_start3A_649] : memref<8x64xi32, #tpu.memory_space<vmem>> -> memref<1x64xi32, #tpu.memory_space<vmem>>
        %dma_start3A_651 = tpu.memref_squeeze %dma_start3A_650 : memref<1x64xi32, #tpu.memory_space<vmem>> -> memref<64xi32, #tpu.memory_space<vmem>>
        %dma_start3A_652 = tpu.memref_slice %arg3[%dma_start3A_647, %add3A_634] : memref<2x320000xi32, #tpu.memory_space<hbm>> -> memref<1x64xi32, #tpu.memory_space<hbm>>
        %dma_start3A_653 = tpu.memref_squeeze %dma_start3A_652 : memref<1x64xi32, #tpu.memory_space<hbm>> -> memref<64xi32, #tpu.memory_space<hbm>>
        %dma_start3A_654 = arith.constant 0 : i32
        %dma_start3A_655 = tpu.memref_slice %arg7[%dma_start3A_648, %dma_start3A_654] : memref<8x64xi32, #tpu.memory_space<vmem>> -> memref<1x64xi32, #tpu.memory_space<vmem>>
        %dma_start3A_656 = tpu.memref_squeeze %dma_start3A_655 : memref<1x64xi32, #tpu.memory_space<vmem>> -> memref<64xi32, #tpu.memory_space<vmem>>
        %dma_start3A_657 = tpu.memref_slice %arg3[%dma_start3A_647, %add3A_634] : memref<2x320000xi32, #tpu.memory_space<hbm>> -> memref<1x64xi32, #tpu.memory_space<hbm>>
        %dma_start3A_658 = tpu.memref_squeeze %dma_start3A_657 : memref<1x64xi32, #tpu.memory_space<hbm>> -> memref<64xi32, #tpu.memory_space<hbm>>
        tpu.enqueue_dma source(%dma_start3A_658 : memref<64xi32, #tpu.memory_space<hbm>>) target(%dma_start3A_656 : memref<64xi32, #tpu.memory_space<vmem>>) target_semaphore(%arg22 : memref<!tpu.dma_semaphore, #tpu.memory_space<semaphore_mem>>)
      } else {
      }
      %parallel_loop3A_614 = arith.constant 0 : i32
      %parallel_loop3A_615 = arith.constant 64 : i32
      %parallel_loop3A_616 = arith.constant 1 : i32
      scf.for %parallel_loop3A_630 = %parallel_loop3A_614 to %parallel_loop3A_615 step %parallel_loop3A_616  : i32 {
        %parallel_loop3A_631 = arith.index_cast %parallel_loop3A_630 : i32 to index
        %parallel_loop3A_632 = arith.constant 0 : index
        %parallel_loop3A_633 = tpu.vector_load %arg9[%parallel_loop3A_631, %parallel_loop3A_632] {strides = array<i32>} : memref<64x64xi32, #tpu.memory_space<vmem>>, vector<16xi32>,
        %parallel_loop3A_634 = arith.constant 16 : i32
        %parallel_loop3A_635 = vector.broadcast %parallel_loop3A_634 : i32 to vector<16xi32>
        %parallel_loop3A_636 = arith.shli %parallel_loop3A_633, %parallel_loop3A_635 : vector<16xi32>
        %parallel_loop3A_637 = vector.bitcast %parallel_loop3A_636 : vector<16xi32> to vector<16xf32>
        %parallel_loop3A_638 = arith.constant -65536 : i32
        %parallel_loop3A_639 = vector.broadcast %parallel_loop3A_638 : i32 to vector<16xi32>
        %parallel_loop3A_640 = arith.andi %parallel_loop3A_633, %parallel_loop3A_639 : vector<16xi32>
        %parallel_loop3A_641 = vector.bitcast %parallel_loop3A_640 : vector<16xi32> to vector<16xf32>
        %parallel_loop3A_642 = arith.index_cast %parallel_loop3A_630 : i32 to index
        %parallel_loop3A_643 = arith.constant 0 : index
        %parallel_loop3A_644 = tpu.vector_load %arg11[%parallel_loop3A_642, %parallel_loop3A_643] {strides = array<i32>} : memref<64x128xf32, #tpu.memory_space<vmem>>, vector<16xf32>,
        tpu.vector_store %arg11[%parallel_loop3A_642, %parallel_loop3A_643], %parallel_loop3A_637 {strides = array<i32>} : memref<64x128xf32, #tpu.memory_space<vmem>>, vector<16xf32>,
        %parallel_loop3A_645 = arith.index_cast %parallel_loop3A_630 : i32 to index
        %parallel_loop3A_646 = arith.constant 16 : index
        %parallel_loop3A_647 = tpu.vector_load %arg11[%parallel_loop3A_645, %parallel_loop3A_646] {strides = array<i32>} : memref<64x128xf32, #tpu.memory_space<vmem>>, vector<16xf32>,
        tpu.vector_store %arg11[%parallel_loop3A_645, %parallel_loop3A_646], %parallel_loop3A_641 {strides = array<i32>} : memref<64x128xf32, #tpu.memory_space<vmem>>, vector<16xf32>,
        %parallel_loop3A_648 = arith.index_cast %parallel_loop3A_630 : i32 to index
        %parallel_loop3A_649 = arith.constant 16 : index
        %parallel_loop3A_650 = tpu.vector_load %arg9[%parallel_loop3A_648, %parallel_loop3A_649] {strides = array<i32>} : memref<64x64xi32, #tpu.memory_space<vmem>>, vector<16xi32>,
        %parallel_loop3A_651 = arith.constant 16 : i32
        %parallel_loop3A_652 = vector.broadcast %parallel_loop3A_651 : i32 to vector<16xi32>
        %parallel_loop3A_653 = arith.shli %parallel_loop3A_650, %parallel_loop3A_652 : vector<16xi32>
        %parallel_loop3A_654 = vector.bitcast %parallel_loop3A_653 : vector<16xi32> to vector<16xf32>
        %parallel_loop3A_655 = arith.constant -65536 : i32
        %parallel_loop3A_656 = vector.broadcast %parallel_loop3A_655 : i32 to vector<16xi32>
        %parallel_loop3A_657 = arith.andi %parallel_loop3A_650, %parallel_loop3A_656 : vector<16xi32>
        %parallel_loop3A_658 = vector.bitcast %parallel_loop3A_657 : vector<16xi32> to vector<16xf32>
        %parallel_loop3A_659 = arith.index_cast %parallel_loop3A_630 : i32 to index
        %parallel_loop3A_660 = arith.constant 32 : index
        %parallel_loop3A_661 = tpu.vector_load %arg11[%parallel_loop3A_659, %parallel_loop3A_660] {strides = array<i32>} : memref<64x128xf32, #tpu.memory_space<vmem>>, vector<16xf32>,
        tpu.vector_store %arg11[%parallel_loop3A_659, %parallel_loop3A_660], %parallel_loop3A_654 {strides = array<i32>} : memref<64x128xf32, #tpu.memory_space<vmem>>, vector<16xf32>,
        %parallel_loop3A_662 = arith.index_cast %parallel_loop3A_630 : i32 to index
        %parallel_loop3A_663 = arith.constant 48 : index
        %parallel_loop3A_664 = tpu.vector_load %arg11[%parallel_loop3A_662, %parallel_loop3A_663] {strides = array<i32>} : memref<64x128xf32, #tpu.memory_space<vmem>>, vector<16xf32>,
        tpu.vector_store %arg11[%parallel_loop3A_662, %parallel_loop3A_663], %parallel_loop3A_658 {strides = array<i32>} : memref<64x128xf32, #tpu.memory_space<vmem>>, vector<16xf32>,
        %parallel_loop3A_665 = arith.index_cast %parallel_loop3A_630 : i32 to index
        %parallel_loop3A_666 = arith.constant 32 : index
        %parallel_loop3A_667 = tpu.vector_load %arg9[%parallel_loop3A_665, %parallel_loop3A_666] {strides = array<i32>} : memref<64x64xi32, #tpu.memory_space<vmem>>, vector<16xi32>,
        %parallel_loop3A_668 = arith.constant 16 : i32
        %parallel_loop3A_669 = vector.broadcast %parallel_loop3A_668 : i32 to vector<16xi32>
        %parallel_loop3A_670 = arith.shli %parallel_loop3A_667, %parallel_loop3A_669 : vector<16xi32>
        %parallel_loop3A_671 = vector.bitcast %parallel_loop3A_670 : vector<16xi32> to vector<16xf32>
        %parallel_loop3A_672 = arith.constant -65536 : i32
        %parallel_loop3A_673 = vector.broadcast %parallel_loop3A_672 : i32 to vector<16xi32>
        %parallel_loop3A_674 = arith.andi %parallel_loop3A_667, %parallel_loop3A_673 : vector<16xi32>
        %parallel_loop3A_675 = vector.bitcast %parallel_loop3A_674 : vector<16xi32> to vector<16xf32>
        %parallel_loop3A_676 = arith.index_cast %parallel_loop3A_630 : i32 to index
        %parallel_loop3A_677 = arith.constant 64 : index
        %parallel_loop3A_678 = tpu.vector_load %arg11[%parallel_loop3A_676, %parallel_loop3A_677] {strides = array<i32>} : memref<64x128xf32, #tpu.memory_space<vmem>>, vector<16xf32>,
        tpu.vector_store %arg11[%parallel_loop3A_676, %parallel_loop3A_677], %parallel_loop3A_671 {strides = array<i32>} : memref<64x128xf32, #tpu.memory_space<vmem>>, vector<16xf32>,
        %parallel_loop3A_679 = arith.index_cast %parallel_loop3A_630 : i32 to index
        %parallel_loop3A_680 = arith.constant 80 : index
        %parallel_loop3A_681 = tpu.vector_load %arg11[%parallel_loop3A_679, %parallel_loop3A_680] {strides = array<i32>} : memref<64x128xf32, #tpu.memory_space<vmem>>, vector<16xf32>,
        tpu.vector_store %arg11[%parallel_loop3A_679, %parallel_loop3A_680], %parallel_loop3A_675 {strides = array<i32>} : memref<64x128xf32, #tpu.memory_space<vmem>>, vector<16xf32>,
        %parallel_loop3A_682 = arith.index_cast %parallel_loop3A_630 : i32 to index
        %parallel_loop3A_683 = arith.constant 48 : index
        %parallel_loop3A_684 = tpu.vector_load %arg9[%parallel_loop3A_682, %parallel_loop3A_683] {strides = array<i32>} : memref<64x64xi32, #tpu.memory_space<vmem>>, vector<16xi32>,
        %parallel_loop3A_685 = arith.constant 16 : i32
        %parallel_loop3A_686 = vector.broadcast %parallel_loop3A_685 : i32 to vector<16xi32>
        %parallel_loop3A_687 = arith.shli %parallel_loop3A_684, %parallel_loop3A_686 : vector<16xi32>
        %parallel_loop3A_688 = vector.bitcast %parallel_loop3A_687 : vector<16xi32> to vector<16xf32>
        %parallel_loop3A_689 = arith.constant -65536 : i32
        %parallel_loop3A_690 = vector.broadcast %parallel_loop3A_689 : i32 to vector<16xi32>
        %parallel_loop3A_691 = arith.andi %parallel_loop3A_684, %parallel_loop3A_690 : vector<16xi32>
        %parallel_loop3A_692 = vector.bitcast %parallel_loop3A_691 : vector<16xi32> to vector<16xf32>
        %parallel_loop3A_693 = arith.index_cast %parallel_loop3A_630 : i32 to index
        %parallel_loop3A_694 = arith.constant 96 : index
        %parallel_loop3A_695 = tpu.vector_load %arg11[%parallel_loop3A_693, %parallel_loop3A_694] {strides = array<i32>} : memref<64x128xf32, #tpu.memory_space<vmem>>, vector<16xf32>,
        tpu.vector_store %arg11[%parallel_loop3A_693, %parallel_loop3A_694], %parallel_loop3A_688 {strides = array<i32>} : memref<64x128xf32, #tpu.memory_space<vmem>>, vector<16xf32>,
        %parallel_loop3A_696 = arith.index_cast %parallel_loop3A_630 : i32 to index
        %parallel_loop3A_697 = arith.constant 112 : index
        %parallel_loop3A_698 = tpu.vector_load %arg11[%parallel_loop3A_696, %parallel_loop3A_697] {strides = array<i32>} : memref<64x128xf32, #tpu.memory_space<vmem>>, vector<16xf32>,
        tpu.vector_store %arg11[%parallel_loop3A_696, %parallel_loop3A_697], %parallel_loop3A_692 {strides = array<i32>} : memref<64x128xf32, #tpu.memory_space<vmem>>, vector<16xf32>,
      } {sc.loop_unroll_factor = 4 : i64, sc.parallel_access}
      %add3A_617 = arith.constant 2 : i32
      %add3A_618 = arith.addi %add3A_592, %add3A_617 : i32
      %lt3A_619 = arith.cmpi slt, %add3A_618, %min3A_6 : i32
      %convert_element_type3A_620 = arith.extui %lt3A_619 : i1 to i32
      %cond3A_621 = arith.constant 0 : i32
      %cond3A_622 = arith.cmpi ne, %convert_element_type3A_620, %cond3A_621 : i32
      scf.if %cond3A_622 {
        %dma_wait3A_630 = arith.constant 0 : i32
        %dma_wait3A_631 = arith.constant 1 : i32
        %dma_wait3A_632 = arith.constant 0 : i32
        %dma_wait3A_633 = tpu.memref_slice %arg6[%dma_wait3A_631, %dma_wait3A_632] : memref<8x64xi32, #tpu.memory_space<vmem>> -> memref<1x64xi32, #tpu.memory_space<vmem>>
        %dma_wait3A_634 = tpu.memref_squeeze %dma_wait3A_633 : memref<1x64xi32, #tpu.memory_space<vmem>> -> memref<64xi32, #tpu.memory_space<vmem>>
        %dma_wait3A_635 = arith.constant 0 : i32
        %dma_wait3A_636 = tpu.memref_slice %arg3[%dma_wait3A_630, %dma_wait3A_635] : memref<2x320000xi32, #tpu.memory_space<hbm>> -> memref<1x64xi32, #tpu.memory_space<hbm>>
        %dma_wait3A_637 = tpu.memref_squeeze %dma_wait3A_636 : memref<1x64xi32, #tpu.memory_space<hbm>> -> memref<64xi32, #tpu.memory_space<hbm>>
        %dma_wait3A_638 = arith.constant 0 : i32
        %dma_wait3A_639 = tpu.memref_slice %arg6[%dma_wait3A_631, %dma_wait3A_638] : memref<8x64xi32, #tpu.memory_space<vmem>> -> memref<1x64xi32, #tpu.memory_space<vmem>>
        %dma_wait3A_640 = tpu.memref_squeeze %dma_wait3A_639 : memref<1x64xi32, #tpu.memory_space<vmem>> -> memref<64xi32, #tpu.memory_space<vmem>>
        %dma_wait3A_641 = arith.constant 0 : i32
        %dma_wait3A_642 = tpu.memref_slice %arg3[%dma_wait3A_630, %dma_wait3A_641] : memref<2x320000xi32, #tpu.memory_space<hbm>> -> memref<1x64xi32, #tpu.memory_space<hbm>>
        %dma_wait3A_643 = tpu.memref_squeeze %dma_wait3A_642 : memref<1x64xi32, #tpu.memory_space<hbm>> -> memref<64xi32, #tpu.memory_space<hbm>>
        tpu.wait_dma2 semaphore(%arg18 : memref<!tpu.dma_semaphore, #tpu.memory_space<semaphore_mem>>) src(%dma_wait3A_643 : memref<64xi32, #tpu.memory_space<hbm>>) dst(%dma_wait3A_640 : memref<64xi32, #tpu.memory_space<vmem>>)
        %dma_wait3A_644 = arith.constant 0 : i32
        %dma_wait3A_645 = arith.constant 1 : i32
        %dma_wait3A_646 = arith.constant 0 : i32
        %dma_wait3A_647 = tpu.memref_slice %arg7[%dma_wait3A_645, %dma_wait3A_646] : memref<8x64xi32, #tpu.memory_space<vmem>> -> memref<1x64xi32, #tpu.memory_space<vmem>>
        %dma_wait3A_648 = tpu.memref_squeeze %dma_wait3A_647 : memref<1x64xi32, #tpu.memory_space<vmem>> -> memref<64xi32, #tpu.memory_space<vmem>>
        %dma_wait3A_649 = arith.constant 0 : i32
        %dma_wait3A_650 = tpu.memref_slice %arg3[%dma_wait3A_644, %dma_wait3A_649] : memref<2x320000xi32, #tpu.memory_space<hbm>> -> memref<1x64xi32, #tpu.memory_space<hbm>>
        %dma_wait3A_651 = tpu.memref_squeeze %dma_wait3A_650 : memref<1x64xi32, #tpu.memory_space<hbm>> -> memref<64xi32, #tpu.memory_space<hbm>>
        %dma_wait3A_652 = arith.constant 0 : i32
        %dma_wait3A_653 = tpu.memref_slice %arg7[%dma_wait3A_645, %dma_wait3A_652] : memref<8x64xi32, #tpu.memory_space<vmem>> -> memref<1x64xi32, #tpu.memory_space<vmem>>
        %dma_wait3A_654 = tpu.memref_squeeze %dma_wait3A_653 : memref<1x64xi32, #tpu.memory_space<vmem>> -> memref<64xi32, #tpu.memory_space<vmem>>
        %dma_wait3A_655 = arith.constant 0 : i32
        %dma_wait3A_656 = tpu.memref_slice %arg3[%dma_wait3A_644, %dma_wait3A_655] : memref<2x320000xi32, #tpu.memory_space<hbm>> -> memref<1x64xi32, #tpu.memory_space<hbm>>
        %dma_wait3A_657 = tpu.memref_squeeze %dma_wait3A_656 : memref<1x64xi32, #tpu.memory_space<hbm>> -> memref<64xi32, #tpu.memory_space<hbm>>
        tpu.wait_dma2 semaphore(%arg18 : memref<!tpu.dma_semaphore, #tpu.memory_space<semaphore_mem>>) src(%dma_wait3A_657 : memref<64xi32, #tpu.memory_space<hbm>>) dst(%dma_wait3A_654 : memref<64xi32, #tpu.memory_space<vmem>>)
        %dma_start3A_658 = arith.constant 1 : i32
        %dma_start3A_659 = arith.constant 0 : i32
        %dma_start3A_660 = tpu.memref_slice %arg6[%dma_start3A_658, %dma_start3A_659] : memref<8x64xi32, #tpu.memory_space<vmem>> -> memref<1x64xi32, #tpu.memory_space<vmem>>
        %dma_start3A_661 = tpu.memref_squeeze %dma_start3A_660 : memref<1x64xi32, #tpu.memory_space<vmem>> -> memref<64xi32, #tpu.memory_space<vmem>>
        %dma_start3A_662 = arith.constant 0 : i32
        %dma_start3A_663 = arith.constant 0 : i32
        %dma_start3A_664 = tpu.memref_slice %arg2[%dma_start3A_662, %dma_start3A_663] : memref<10240x64xi32, #tpu.memory_space<hbm>> -> memref<10240x64xi32, #tpu.memory_space<hbm>>
        tpu.enqueue_indirect_dma source(%dma_start3A_664 : memref<10240x64xi32, #tpu.memory_space<hbm>>) target(%arg9 : memref<64x64xi32, #tpu.memory_space<vmem>>) offsets(%dma_start3A_661 : memref<64xi32, #tpu.memory_space<vmem>>) semaphore(%arg13 : memref<!tpu.dma_semaphore, #tpu.memory_space<semaphore_mem>>)
      } else {
      }
      %dma_start3A_623 = arith.constant 7 : i32
      %dma_start3A_624 = arith.constant 0 : i32
      %dma_start3A_625 = tpu.memref_slice %arg7[%dma_start3A_623, %dma_start3A_624] : memref<8x64xi32, #tpu.memory_space<vmem>> -> memref<1x64xi32, #tpu.memory_space<vmem>>
      %dma_start3A_626 = tpu.memref_squeeze %dma_start3A_625 : memref<1x64xi32, #tpu.memory_space<vmem>> -> memref<64xi32, #tpu.memory_space<vmem>>
      %dma_start3A_627 = arith.constant 0 : i32
      %dma_start3A_628 = arith.constant 0 : i32
      %dma_start3A_629 = tpu.memref_slice %arg16[%dma_start3A_627, %dma_start3A_628] : memref<10112x128xf32, #tpu.memory_space<vmem_shared>> -> memref<10112x128xf32, #tpu.memory_space<vmem_shared>>
      tpu.enqueue_indirect_dma source(%arg11 : memref<64x128xf32, #tpu.memory_space<vmem>>) target(%dma_start3A_629 : memref<10112x128xf32, #tpu.memory_space<vmem_shared>>) offsets(%dma_start3A_626 : memref<64xi32, #tpu.memory_space<vmem>>) semaphore(%arg15 : memref<!tpu.dma_semaphore, #tpu.memory_space<semaphore_mem>>) {add = true}
    }
    %dma_wait3A_302 = arith.constant 0 : i32
    %dma_wait3A_303 = arith.constant 0 : i32
    %dma_wait3A_304 = tpu.memref_slice %arg7[%dma_wait3A_302, %dma_wait3A_303] : memref<8x64xi32, #tpu.memory_space<vmem>> -> memref<1x64xi32, #tpu.memory_space<vmem>>
    %dma_wait3A_305 = tpu.memref_squeeze %dma_wait3A_304 : memref<1x64xi32, #tpu.memory_space<vmem>> -> memref<64xi32, #tpu.memory_space<vmem>>
    %dma_wait3A_306 = arith.constant 0 : i32
    %dma_wait3A_307 = arith.constant 0 : i32
    %dma_wait3A_308 = tpu.memref_slice %arg16[%dma_wait3A_306, %dma_wait3A_307] : memref<10112x128xf32, #tpu.memory_space<vmem_shared>> -> memref<10112x128xf32, #tpu.memory_space<vmem_shared>>
    tpu.wait_indirect_dma semaphore(%arg14 : memref<!tpu.dma_semaphore, #tpu.memory_space<semaphore_mem>>) src(%arg10 : memref<64x128xf32, #tpu.memory_space<vmem>>) dst(%dma_wait3A_308 : memref<10112x128xf32, #tpu.memory_space<vmem_shared>>)
    %dma_wait3A_309 = arith.constant 1 : i32
    %dma_wait3A_310 = arith.constant 0 : i32
    %dma_wait3A_311 = tpu.memref_slice %arg7[%dma_wait3A_309, %dma_wait3A_310] : memref<8x64xi32, #tpu.memory_space<vmem>> -> memref<1x64xi32, #tpu.memory_space<vmem>>
    %dma_wait3A_312 = tpu.memref_squeeze %dma_wait3A_311 : memref<1x64xi32, #tpu.memory_space<vmem>> -> memref<64xi32, #tpu.memory_space<vmem>>
    %dma_wait3A_313 = arith.constant 0 : i32
    %dma_wait3A_314 = arith.constant 0 : i32
    %dma_wait3A_315 = tpu.memref_slice %arg16[%dma_wait3A_313, %dma_wait3A_314] : memref<10112x128xf32, #tpu.memory_space<vmem_shared>> -> memref<10112x128xf32, #tpu.memory_space<vmem_shared>>
    tpu.wait_indirect_dma semaphore(%arg15 : memref<!tpu.dma_semaphore, #tpu.memory_space<semaphore_mem>>) src(%arg11 : memref<64x128xf32, #tpu.memory_space<vmem>>) dst(%dma_wait3A_315 : memref<10112x128xf32, #tpu.memory_space<vmem_shared>>)
    %barrier3A_316 = arith.constant 0 : index
    tpu.barrier barrier_id(%barrier3A_316)
    %mul3A_317 = arith.constant 632 : i32
    %mul3A_318 = arith.muli %arg1, %mul3A_317 : i32
    %mul3A_319 = arith.constant 632 : i32
    %mul3A_320 = arith.muli %arg1, %mul3A_319 : i32
    "tpu.region"() ({
      %run_scoped3A = tpu.sem_alloc : memref<!tpu.dma_semaphore, #tpu.memory_space<semaphore_mem>>
      %dma_start3A_321 = arith.constant 0 : i32
      %dma_start3A_322 = tpu.memref_slice %arg5[%arg0, %mul3A_320, %dma_start3A_321] : memref<2x10112x128xf32, #tpu.memory_space<hbm>> -> memref<1x632x128xf32, #tpu.memory_space<hbm>>
      %dma_start3A_323 = tpu.memref_squeeze %dma_start3A_322 : memref<1x632x128xf32, #tpu.memory_space<hbm>> -> memref<632x128xf32, #tpu.memory_space<hbm>>
      %dma_start3A_324 = arith.constant 0 : i32
      %dma_start3A_325 = tpu.memref_slice %arg16[%mul3A_318, %dma_start3A_324] : memref<10112x128xf32, #tpu.memory_space<vmem_shared>> -> memref<632x128xf32, #tpu.memory_space<vmem_shared>>
      tpu.enqueue_dma source(%dma_start3A_325 : memref<632x128xf32, #tpu.memory_space<vmem_shared>>) target(%dma_start3A_323 : memref<632x128xf32, #tpu.memory_space<hbm>>) target_semaphore(%run_scoped3A : memref<!tpu.dma_semaphore, #tpu.memory_space<semaphore_mem>>)
      %dma_wait3A_326 = arith.constant 0 : i32
      %dma_wait3A_327 = tpu.memref_slice %arg5[%arg0, %mul3A_320, %dma_wait3A_326] : memref<2x10112x128xf32, #tpu.memory_space<hbm>> -> memref<1x632x128xf32, #tpu.memory_space<hbm>>
      %dma_wait3A_328 = tpu.memref_squeeze %dma_wait3A_327 : memref<1x632x128xf32, #tpu.memory_space<hbm>> -> memref<632x128xf32, #tpu.memory_space<hbm>>
      %dma_wait3A_329 = arith.constant 0 : i32
      %dma_wait3A_330 = tpu.memref_slice %arg16[%mul3A_318, %dma_wait3A_329] : memref<10112x128xf32, #tpu.memory_space<vmem_shared>> -> memref<632x128xf32, #tpu.memory_space<vmem_shared>>
      tpu.wait_dma2 semaphore(%run_scoped3A : memref<!tpu.dma_semaphore, #tpu.memory_space<semaphore_mem>>) src(%dma_wait3A_330 : memref<632x128xf32, #tpu.memory_space<vmem_shared>>) dst(%dma_wait3A_328 : memref<632x128xf32, #tpu.memory_space<hbm>>)
      tpu.yield
    }) : () -> ()
    return
  }
}

module attributes {stable_mosaic.version = 14 : i64} {
  func.func @_proj_body(%arg0: i32, %arg1: memref<2048x128xf32, #tpu.memory_space<vmem>>, %arg2: memref<128x128xf32, #tpu.memory_space<vmem>>, %arg3: memref<1x128xf32, #tpu.memory_space<vmem>>, %arg4: memref<128x128xf32, #tpu.memory_space<vmem>>, %arg5: memref<32x2048xf32, #tpu.memory_space<vmem>>, %arg6: memref<2048x128xf32, #tpu.memory_space<vmem>>, %arg7: memref<2048x64xi32, #tpu.memory_space<vmem>>) attributes {dimension_semantics = [#tpu.dimension_semantics<arbitrary>], iteration_bounds = array<i64: 5>, scalar_prefetch = 0 : i64, scratch_operands = 0 : i64, tpu.core_type = #tpu.core_type<tc>, window_params = [{transform_indices = @transform_0, window_bounds = array<i64: 2048, 128>}, {pipeline_mode = #tpu.pipeline_mode<synchronous>, transform_indices = @transform_1, window_bounds = array<i64: 128, 128>}, {pipeline_mode = #tpu.pipeline_mode<synchronous>, transform_indices = @transform_2, window_bounds = array<i64: 1, 128>}, {pipeline_mode = #tpu.pipeline_mode<synchronous>, transform_indices = @transform_3, window_bounds = array<i64: 128, 128>}, {transform_indices = @transform_4, window_bounds = array<i64: 32, 2048>}, {transform_indices = @transform_5, window_bounds = array<i64: 2048, 128>}, {transform_indices = @transform_6, window_bounds = array<i64: 2048, 64>}]} {
    %get3A = arith.constant 0 : index
    %get3A_0 = arith.constant 0 : index
    %get3A_1 = vector.load %arg1[%get3A, %get3A_0] : memref<2048x128xf32, #tpu.memory_space<vmem>>, vector<2048x128xf32>
    %get3A_2 = arith.constant 0 : index
    %get3A_3 = arith.constant 0 : index
    %get3A_4 = vector.load %arg2[%get3A_2, %get3A_3] : memref<128x128xf32, #tpu.memory_space<vmem>>, vector<128x128xf32>
    %dot_general3A = arith.constant dense<0.000000e+00> : vector<2048x128xf32>
    %dot_general3A_5 = tpu.matmul %get3A_1, %get3A_4, %dot_general3A {dimension_numbers = #tpu.dot_dimension_numbers<[1], [1], [0], [0], [0, 0, 1, 0], [], []>, transpose_lhs_hint = false} : vector<2048x128xf32>, vector<128x128xf32>, vector<2048x128xf32> -> vector<2048x128xf32>
    %get3A_6 = arith.constant 0 : index
    %get3A_7 = arith.constant 0 : index
    %get3A_8 = vector.load %arg3[%get3A_6, %get3A_7] : memref<1x128xf32, #tpu.memory_space<vmem>>, vector<1x128xf32>
    %add3A = vector.broadcast %get3A_8 : vector<1x128xf32> to vector<2048x128xf32>
    %add3A_9 = arith.addf %dot_general3A_5, %add3A : vector<2048x128xf32>
    %get3A_10 = arith.constant 0 : index
    %get3A_11 = arith.constant 0 : index
    %get3A_12 = vector.load %arg4[%get3A_10, %get3A_11] : memref<128x128xf32, #tpu.memory_space<vmem>>, vector<128x128xf32>
    %dot_general3A_13 = arith.constant dense<0.000000e+00> : vector<2048x128xf32>
    %dot_general3A_14 = tpu.matmul %add3A_9, %get3A_12, %dot_general3A_13 {dimension_numbers = #tpu.dot_dimension_numbers<[1], [1], [0], [0], [0, 0, 1, 0], [], []>, transpose_lhs_hint = false} : vector<2048x128xf32>, vector<128x128xf32>, vector<2048x128xf32> -> vector<2048x128xf32>
    %get3A_15 = arith.constant 0 : index
    %get3A_16 = arith.constant 0 : index
    %get3A_17 = vector.load %arg5[%get3A_15, %get3A_16] : memref<32x2048xf32, #tpu.memory_space<vmem>>, vector<32x2048xf32>
    %reduce_sum3A = arith.constant dense<0.000000e+00> : vector<2048xf32>
    %reduce_sum3A_18 = vector.multi_reduction <add>, %get3A_17, %reduce_sum3A [0] : vector<32x2048xf32> to vector<2048xf32>
    %add3A_19 = arith.constant 1.000000e+00 : f32
    %add3A_20 = vector.broadcast %add3A_19 : f32 to vector<2048xf32>
    %add3A_21 = arith.addf %reduce_sum3A_18, %add3A_20 : vector<2048xf32>
    %rsqrt3A = math.rsqrt %add3A_21 : vector<2048xf32>
    %broadcast_in_dim3A = vector.shape_cast %rsqrt3A : vector<2048xf32> to vector<2048x1xf32>
    %mul3A = vector.broadcast %broadcast_in_dim3A : vector<2048x1xf32> to vector<2048x128xf32>
    %mul3A_22 = arith.mulf %dot_general3A_14, %mul3A : vector<2048x128xf32>
    %swap3A = arith.constant 0 : index
    %swap3A_23 = arith.constant 0 : index
    %swap3A_24 = vector.load %arg6[%swap3A, %swap3A_23] : memref<2048x128xf32, #tpu.memory_space<vmem>>, vector<2048x128xf32>
    tpu.vector_store %arg6[%swap3A, %swap3A_23], %mul3A_22 {strides = array<i32>} : memref<2048x128xf32, #tpu.memory_space<vmem>>, vector<2048x128xf32>,
    %bitcast_convert_type3A = tpu.bitcast %mul3A_22 : vector<2048x128xf32> -> vector<2048x128xi32>
    %slice3A = vector.extract_strided_slice %bitcast_convert_type3A {offsets = [0, 0], sizes = [2048, 16], strides = [1, 1]} : vector<2048x128xi32> to vector<2048x16xi32>
    %add3A_25 = arith.constant 32767 : i32
    %add3A_26 = vector.broadcast %add3A_25 : i32 to vector<2048x16xi32>
    %add3A_27 = arith.addi %slice3A, %add3A_26 : vector<2048x16xi32>
    %shift_right_arithmetic3A = arith.constant 16 : i32
    %shift_right_arithmetic3A_28 = vector.broadcast %shift_right_arithmetic3A : i32 to vector<2048x16xi32>
    %shift_right_arithmetic3A_29 = arith.shrsi %slice3A, %shift_right_arithmetic3A_28 : vector<2048x16xi32>
    %and3A = arith.constant 1 : i32
    %and3A_30 = vector.broadcast %and3A : i32 to vector<2048x16xi32>
    %and3A_31 = arith.andi %shift_right_arithmetic3A_29, %and3A_30 : vector<2048x16xi32>
    %add3A_32 = arith.addi %add3A_27, %and3A_31 : vector<2048x16xi32>
    %shift_right_arithmetic3A_33 = arith.constant 16 : i32
    %shift_right_arithmetic3A_34 = vector.broadcast %shift_right_arithmetic3A_33 : i32 to vector<2048x16xi32>
    %shift_right_arithmetic3A_35 = arith.shrsi %add3A_32, %shift_right_arithmetic3A_34 : vector<2048x16xi32>
    %and3A_36 = arith.constant 65535 : i32
    %and3A_37 = vector.broadcast %and3A_36 : i32 to vector<2048x16xi32>
    %and3A_38 = arith.andi %shift_right_arithmetic3A_35, %and3A_37 : vector<2048x16xi32>
    %slice3A_39 = vector.extract_strided_slice %bitcast_convert_type3A {offsets = [0, 16], sizes = [2048, 16], strides = [1, 1]} : vector<2048x128xi32> to vector<2048x16xi32>
    %add3A_40 = arith.constant 32767 : i32
    %add3A_41 = vector.broadcast %add3A_40 : i32 to vector<2048x16xi32>
    %add3A_42 = arith.addi %slice3A_39, %add3A_41 : vector<2048x16xi32>
    %shift_right_arithmetic3A_43 = arith.constant 16 : i32
    %shift_right_arithmetic3A_44 = vector.broadcast %shift_right_arithmetic3A_43 : i32 to vector<2048x16xi32>
    %shift_right_arithmetic3A_45 = arith.shrsi %slice3A_39, %shift_right_arithmetic3A_44 : vector<2048x16xi32>
    %and3A_46 = arith.constant 1 : i32
    %and3A_47 = vector.broadcast %and3A_46 : i32 to vector<2048x16xi32>
    %and3A_48 = arith.andi %shift_right_arithmetic3A_45, %and3A_47 : vector<2048x16xi32>
    %add3A_49 = arith.addi %add3A_42, %and3A_48 : vector<2048x16xi32>
    %shift_right_arithmetic3A_50 = arith.constant 16 : i32
    %shift_right_arithmetic3A_51 = vector.broadcast %shift_right_arithmetic3A_50 : i32 to vector<2048x16xi32>
    %shift_right_arithmetic3A_52 = arith.shrsi %add3A_49, %shift_right_arithmetic3A_51 : vector<2048x16xi32>
    %shift_left3A = arith.constant 16 : i32
    %shift_left3A_53 = vector.broadcast %shift_left3A : i32 to vector<2048x16xi32>
    %shift_left3A_54 = arith.shli %shift_right_arithmetic3A_52, %shift_left3A_53 : vector<2048x16xi32>
    %or3A = arith.ori %and3A_38, %shift_left3A_54 : vector<2048x16xi32>
    %slice3A_55 = vector.extract_strided_slice %bitcast_convert_type3A {offsets = [0, 32], sizes = [2048, 16], strides = [1, 1]} : vector<2048x128xi32> to vector<2048x16xi32>
    %add3A_56 = arith.constant 32767 : i32
    %add3A_57 = vector.broadcast %add3A_56 : i32 to vector<2048x16xi32>
    %add3A_58 = arith.addi %slice3A_55, %add3A_57 : vector<2048x16xi32>
    %shift_right_arithmetic3A_59 = arith.constant 16 : i32
    %shift_right_arithmetic3A_60 = vector.broadcast %shift_right_arithmetic3A_59 : i32 to vector<2048x16xi32>
    %shift_right_arithmetic3A_61 = arith.shrsi %slice3A_55, %shift_right_arithmetic3A_60 : vector<2048x16xi32>
    %and3A_62 = arith.constant 1 : i32
    %and3A_63 = vector.broadcast %and3A_62 : i32 to vector<2048x16xi32>
    %and3A_64 = arith.andi %shift_right_arithmetic3A_61, %and3A_63 : vector<2048x16xi32>
    %add3A_65 = arith.addi %add3A_58, %and3A_64 : vector<2048x16xi32>
    %shift_right_arithmetic3A_66 = arith.constant 16 : i32
    %shift_right_arithmetic3A_67 = vector.broadcast %shift_right_arithmetic3A_66 : i32 to vector<2048x16xi32>
    %shift_right_arithmetic3A_68 = arith.shrsi %add3A_65, %shift_right_arithmetic3A_67 : vector<2048x16xi32>
    %and3A_69 = arith.constant 65535 : i32
    %and3A_70 = vector.broadcast %and3A_69 : i32 to vector<2048x16xi32>
    %and3A_71 = arith.andi %shift_right_arithmetic3A_68, %and3A_70 : vector<2048x16xi32>
    %slice3A_72 = vector.extract_strided_slice %bitcast_convert_type3A {offsets = [0, 48], sizes = [2048, 16], strides = [1, 1]} : vector<2048x128xi32> to vector<2048x16xi32>
    %add3A_73 = arith.constant 32767 : i32
    %add3A_74 = vector.broadcast %add3A_73 : i32 to vector<2048x16xi32>
    %add3A_75 = arith.addi %slice3A_72, %add3A_74 : vector<2048x16xi32>
    %shift_right_arithmetic3A_76 = arith.constant 16 : i32
    %shift_right_arithmetic3A_77 = vector.broadcast %shift_right_arithmetic3A_76 : i32 to vector<2048x16xi32>
    %shift_right_arithmetic3A_78 = arith.shrsi %slice3A_72, %shift_right_arithmetic3A_77 : vector<2048x16xi32>
    %and3A_79 = arith.constant 1 : i32
    %and3A_80 = vector.broadcast %and3A_79 : i32 to vector<2048x16xi32>
    %and3A_81 = arith.andi %shift_right_arithmetic3A_78, %and3A_80 : vector<2048x16xi32>
    %add3A_82 = arith.addi %add3A_75, %and3A_81 : vector<2048x16xi32>
    %shift_right_arithmetic3A_83 = arith.constant 16 : i32
    %shift_right_arithmetic3A_84 = vector.broadcast %shift_right_arithmetic3A_83 : i32 to vector<2048x16xi32>
    %shift_right_arithmetic3A_85 = arith.shrsi %add3A_82, %shift_right_arithmetic3A_84 : vector<2048x16xi32>
    %shift_left3A_86 = arith.constant 16 : i32
    %shift_left3A_87 = vector.broadcast %shift_left3A_86 : i32 to vector<2048x16xi32>
    %shift_left3A_88 = arith.shli %shift_right_arithmetic3A_85, %shift_left3A_87 : vector<2048x16xi32>
    %or3A_89 = arith.ori %and3A_71, %shift_left3A_88 : vector<2048x16xi32>
    %slice3A_90 = vector.extract_strided_slice %bitcast_convert_type3A {offsets = [0, 64], sizes = [2048, 16], strides = [1, 1]} : vector<2048x128xi32> to vector<2048x16xi32>
    %add3A_91 = arith.constant 32767 : i32
    %add3A_92 = vector.broadcast %add3A_91 : i32 to vector<2048x16xi32>
    %add3A_93 = arith.addi %slice3A_90, %add3A_92 : vector<2048x16xi32>
    %shift_right_arithmetic3A_94 = arith.constant 16 : i32
    %shift_right_arithmetic3A_95 = vector.broadcast %shift_right_arithmetic3A_94 : i32 to vector<2048x16xi32>
    %shift_right_arithmetic3A_96 = arith.shrsi %slice3A_90, %shift_right_arithmetic3A_95 : vector<2048x16xi32>
    %and3A_97 = arith.constant 1 : i32
    %and3A_98 = vector.broadcast %and3A_97 : i32 to vector<2048x16xi32>
    %and3A_99 = arith.andi %shift_right_arithmetic3A_96, %and3A_98 : vector<2048x16xi32>
    %add3A_100 = arith.addi %add3A_93, %and3A_99 : vector<2048x16xi32>
    %shift_right_arithmetic3A_101 = arith.constant 16 : i32
    %shift_right_arithmetic3A_102 = vector.broadcast %shift_right_arithmetic3A_101 : i32 to vector<2048x16xi32>
    %shift_right_arithmetic3A_103 = arith.shrsi %add3A_100, %shift_right_arithmetic3A_102 : vector<2048x16xi32>
    %and3A_104 = arith.constant 65535 : i32
    %and3A_105 = vector.broadcast %and3A_104 : i32 to vector<2048x16xi32>
    %and3A_106 = arith.andi %shift_right_arithmetic3A_103, %and3A_105 : vector<2048x16xi32>
    %slice3A_107 = vector.extract_strided_slice %bitcast_convert_type3A {offsets = [0, 80], sizes = [2048, 16], strides = [1, 1]} : vector<2048x128xi32> to vector<2048x16xi32>
    %add3A_108 = arith.constant 32767 : i32
    %add3A_109 = vector.broadcast %add3A_108 : i32 to vector<2048x16xi32>
    %add3A_110 = arith.addi %slice3A_107, %add3A_109 : vector<2048x16xi32>
    %shift_right_arithmetic3A_111 = arith.constant 16 : i32
    %shift_right_arithmetic3A_112 = vector.broadcast %shift_right_arithmetic3A_111 : i32 to vector<2048x16xi32>
    %shift_right_arithmetic3A_113 = arith.shrsi %slice3A_107, %shift_right_arithmetic3A_112 : vector<2048x16xi32>
    %and3A_114 = arith.constant 1 : i32
    %and3A_115 = vector.broadcast %and3A_114 : i32 to vector<2048x16xi32>
    %and3A_116 = arith.andi %shift_right_arithmetic3A_113, %and3A_115 : vector<2048x16xi32>
    %add3A_117 = arith.addi %add3A_110, %and3A_116 : vector<2048x16xi32>
    %shift_right_arithmetic3A_118 = arith.constant 16 : i32
    %shift_right_arithmetic3A_119 = vector.broadcast %shift_right_arithmetic3A_118 : i32 to vector<2048x16xi32>
    %shift_right_arithmetic3A_120 = arith.shrsi %add3A_117, %shift_right_arithmetic3A_119 : vector<2048x16xi32>
    %shift_left3A_121 = arith.constant 16 : i32
    %shift_left3A_122 = vector.broadcast %shift_left3A_121 : i32 to vector<2048x16xi32>
    %shift_left3A_123 = arith.shli %shift_right_arithmetic3A_120, %shift_left3A_122 : vector<2048x16xi32>
    %or3A_124 = arith.ori %and3A_106, %shift_left3A_123 : vector<2048x16xi32>
    %slice3A_125 = vector.extract_strided_slice %bitcast_convert_type3A {offsets = [0, 96], sizes = [2048, 16], strides = [1, 1]} : vector<2048x128xi32> to vector<2048x16xi32>
    %add3A_126 = arith.constant 32767 : i32
    %add3A_127 = vector.broadcast %add3A_126 : i32 to vector<2048x16xi32>
    %add3A_128 = arith.addi %slice3A_125, %add3A_127 : vector<2048x16xi32>
    %shift_right_arithmetic3A_129 = arith.constant 16 : i32
    %shift_right_arithmetic3A_130 = vector.broadcast %shift_right_arithmetic3A_129 : i32 to vector<2048x16xi32>
    %shift_right_arithmetic3A_131 = arith.shrsi %slice3A_125, %shift_right_arithmetic3A_130 : vector<2048x16xi32>
    %and3A_132 = arith.constant 1 : i32
    %and3A_133 = vector.broadcast %and3A_132 : i32 to vector<2048x16xi32>
    %and3A_134 = arith.andi %shift_right_arithmetic3A_131, %and3A_133 : vector<2048x16xi32>
    %add3A_135 = arith.addi %add3A_128, %and3A_134 : vector<2048x16xi32>
    %shift_right_arithmetic3A_136 = arith.constant 16 : i32
    %shift_right_arithmetic3A_137 = vector.broadcast %shift_right_arithmetic3A_136 : i32 to vector<2048x16xi32>
    %shift_right_arithmetic3A_138 = arith.shrsi %add3A_135, %shift_right_arithmetic3A_137 : vector<2048x16xi32>
    %and3A_139 = arith.constant 65535 : i32
    %and3A_140 = vector.broadcast %and3A_139 : i32 to vector<2048x16xi32>
    %and3A_141 = arith.andi %shift_right_arithmetic3A_138, %and3A_140 : vector<2048x16xi32>
    %slice3A_142 = vector.extract_strided_slice %bitcast_convert_type3A {offsets = [0, 112], sizes = [2048, 16], strides = [1, 1]} : vector<2048x128xi32> to vector<2048x16xi32>
    %add3A_143 = arith.constant 32767 : i32
    %add3A_144 = vector.broadcast %add3A_143 : i32 to vector<2048x16xi32>
    %add3A_145 = arith.addi %slice3A_142, %add3A_144 : vector<2048x16xi32>
    %shift_right_arithmetic3A_146 = arith.constant 16 : i32
    %shift_right_arithmetic3A_147 = vector.broadcast %shift_right_arithmetic3A_146 : i32 to vector<2048x16xi32>
    %shift_right_arithmetic3A_148 = arith.shrsi %slice3A_142, %shift_right_arithmetic3A_147 : vector<2048x16xi32>
    %and3A_149 = arith.constant 1 : i32
    %and3A_150 = vector.broadcast %and3A_149 : i32 to vector<2048x16xi32>
    %and3A_151 = arith.andi %shift_right_arithmetic3A_148, %and3A_150 : vector<2048x16xi32>
    %add3A_152 = arith.addi %add3A_145, %and3A_151 : vector<2048x16xi32>
    %shift_right_arithmetic3A_153 = arith.constant 16 : i32
    %shift_right_arithmetic3A_154 = vector.broadcast %shift_right_arithmetic3A_153 : i32 to vector<2048x16xi32>
    %shift_right_arithmetic3A_155 = arith.shrsi %add3A_152, %shift_right_arithmetic3A_154 : vector<2048x16xi32>
    %shift_left3A_156 = arith.constant 16 : i32
    %shift_left3A_157 = vector.broadcast %shift_left3A_156 : i32 to vector<2048x16xi32>
    %shift_left3A_158 = arith.shli %shift_right_arithmetic3A_155, %shift_left3A_157 : vector<2048x16xi32>
    %or3A_159 = arith.ori %and3A_141, %shift_left3A_158 : vector<2048x16xi32>
    %concatenate3A = tpu.concatenate %or3A, %or3A_89, %or3A_124, %or3A_159 in 1 : vector<2048x16xi32>, vector<2048x16xi32>, vector<2048x16xi32>, vector<2048x16xi32> -> vector<2048x64xi32>
    %swap3A_160 = arith.constant 0 : index
    %swap3A_161 = arith.constant 0 : index
    %swap3A_162 = vector.load %arg7[%swap3A_160, %swap3A_161] : memref<2048x64xi32, #tpu.memory_space<vmem>>, vector<2048x64xi32>
    tpu.vector_store %arg7[%swap3A_160, %swap3A_161], %concatenate3A {strides = array<i32>} : memref<2048x64xi32, #tpu.memory_space<vmem>>, vector<2048x64xi32>,
    return
  }
  func.func @transform_0(%arg0: i32) -> (i32, i32) {
    %c0_i32 = arith.constant 0 : i32
    %c0_i32_0 = arith.constant 0 : i32
    return %arg0, %c0_i32 : i32, i32
  }
  func.func @transform_1(%arg0: i32) -> (i32, i32) {
    %c0_i32 = arith.constant 0 : i32
    %c0_i32_0 = arith.constant 0 : i32
    %c0_i32_1 = arith.constant 0 : i32
    return %c0_i32, %c0_i32_0 : i32, i32
  }
  func.func @transform_2(%arg0: i32) -> (i32, i32) {
    %c0_i32 = arith.constant 0 : i32
    %c0_i32_0 = arith.constant 0 : i32
    %c0_i32_1 = arith.constant 0 : i32
    return %c0_i32, %c0_i32_0 : i32, i32
  }
  func.func @transform_3(%arg0: i32) -> (i32, i32) {
    %c0_i32 = arith.constant 0 : i32
    %c0_i32_0 = arith.constant 0 : i32
    %c0_i32_1 = arith.constant 0 : i32
    return %c0_i32, %c0_i32_0 : i32, i32
  }
  func.func @transform_4(%arg0: i32) -> (i32, i32) {
    %c0_i32 = arith.constant 0 : i32
    %c0_i32_0 = arith.constant 0 : i32
    return %c0_i32, %arg0 : i32, i32
  }
  func.func @transform_5(%arg0: i32) -> (i32, i32) {
    %c0_i32 = arith.constant 0 : i32
    %c0_i32_0 = arith.constant 0 : i32
    return %arg0, %c0_i32 : i32, i32
  }
  func.func @transform_6(%arg0: i32) -> (i32, i32) {
    %c0_i32 = arith.constant 0 : i32
    %c0_i32_0 = arith.constant 0 : i32
    return %arg0, %c0_i32 : i32, i32
  }
}

module attributes {stable_mosaic.version = 14 : i64} {
  func.func @_combine_body(%arg0: i32, %arg1: memref<2x2048x128xf32, #tpu.memory_space<vmem>>, %arg2: memref<2048x128xf32, #tpu.memory_space<vmem>>, %arg3: memref<32x2048xf32, #tpu.memory_space<vmem>>, %arg4: memref<1x128xf32, #tpu.memory_space<vmem>>, %arg5: memref<2048x128xf32, #tpu.memory_space<vmem>>) attributes {dimension_semantics = [#tpu.dimension_semantics<arbitrary>], iteration_bounds = array<i64: 5>, scalar_prefetch = 0 : i64, scratch_operands = 0 : i64, tpu.core_type = #tpu.core_type<tc>, window_params = [{transform_indices = @transform_0, window_bounds = array<i64: 2, 2048, 128>}, {transform_indices = @transform_1, window_bounds = array<i64: 2048, 128>}, {transform_indices = @transform_2, window_bounds = array<i64: 32, 2048>}, {pipeline_mode = #tpu.pipeline_mode<synchronous>, transform_indices = @transform_3, window_bounds = array<i64: 1, 128>}, {transform_indices = @transform_4, window_bounds = array<i64: 2048, 128>}]} {
    %get3A = arith.constant 0 : index
    %get3A_0 = arith.constant 0 : index
    %get3A_1 = vector.load %arg3[%get3A, %get3A_0] : memref<32x2048xf32, #tpu.memory_space<vmem>>, vector<32x2048xf32>
    %reduce_sum3A = arith.constant dense<0.000000e+00> : vector<2048xf32>
    %reduce_sum3A_2 = vector.multi_reduction <add>, %get3A_1, %reduce_sum3A [0] : vector<32x2048xf32> to vector<2048xf32>
    %add3A = arith.constant 1.000000e+00 : f32
    %add3A_3 = vector.broadcast %add3A : f32 to vector<2048xf32>
    %add3A_4 = arith.addf %reduce_sum3A_2, %add3A_3 : vector<2048xf32>
    %rsqrt3A = math.rsqrt %add3A_4 : vector<2048xf32>
    %get3A_5 = arith.constant 0 : index
    %get3A_6 = arith.constant 0 : index
    %get3A_7 = arith.constant 0 : index
    %get3A_8 = vector.load %arg1[%get3A_5, %get3A_6, %get3A_7] : memref<2x2048x128xf32, #tpu.memory_space<vmem>>, vector<1x2048x128xf32>
    %get3A_9 = vector.shape_cast %get3A_8 : vector<1x2048x128xf32> to vector<2048x128xf32>
    %get3A_10 = arith.constant 1 : index
    %get3A_11 = arith.constant 0 : index
    %get3A_12 = arith.constant 0 : index
    %get3A_13 = vector.load %arg1[%get3A_10, %get3A_11, %get3A_12] : memref<2x2048x128xf32, #tpu.memory_space<vmem>>, vector<1x2048x128xf32>
    %get3A_14 = vector.shape_cast %get3A_13 : vector<1x2048x128xf32> to vector<2048x128xf32>
    %add3A_15 = arith.addf %get3A_9, %get3A_14 : vector<2048x128xf32>
    %get3A_16 = arith.constant 0 : index
    %get3A_17 = arith.constant 0 : index
    %get3A_18 = vector.load %arg2[%get3A_16, %get3A_17] : memref<2048x128xf32, #tpu.memory_space<vmem>>, vector<2048x128xf32>
    %add3A_19 = arith.addf %add3A_15, %get3A_18 : vector<2048x128xf32>
    %broadcast_in_dim3A = vector.shape_cast %rsqrt3A : vector<2048xf32> to vector<2048x1xf32>
    %mul3A = vector.broadcast %broadcast_in_dim3A : vector<2048x1xf32> to vector<2048x128xf32>
    %mul3A_20 = arith.mulf %add3A_19, %mul3A : vector<2048x128xf32>
    %get3A_21 = arith.constant 0 : index
    %get3A_22 = arith.constant 0 : index
    %get3A_23 = vector.load %arg4[%get3A_21, %get3A_22] : memref<1x128xf32, #tpu.memory_space<vmem>>, vector<1x128xf32>
    %add3A_24 = vector.broadcast %get3A_23 : vector<1x128xf32> to vector<2048x128xf32>
    %add3A_25 = arith.addf %mul3A_20, %add3A_24 : vector<2048x128xf32>
    %swap3A = arith.constant 0 : index
    %swap3A_26 = arith.constant 0 : index
    %swap3A_27 = vector.load %arg5[%swap3A, %swap3A_26] : memref<2048x128xf32, #tpu.memory_space<vmem>>, vector<2048x128xf32>
    tpu.vector_store %arg5[%swap3A, %swap3A_26], %add3A_25 {strides = array<i32>} : memref<2048x128xf32, #tpu.memory_space<vmem>>, vector<2048x128xf32>,
    return
  }
  func.func @transform_0(%arg0: i32) -> (i32, i32, i32) {
    %c0_i32 = arith.constant 0 : i32
    %c0_i32_0 = arith.constant 0 : i32
    %c0_i32_1 = arith.constant 0 : i32
    return %c0_i32, %arg0, %c0_i32_0 : i32, i32, i32
  }
  func.func @transform_1(%arg0: i32) -> (i32, i32) {
    %c0_i32 = arith.constant 0 : i32
    %c0_i32_0 = arith.constant 0 : i32
    return %arg0, %c0_i32 : i32, i32
  }
  func.func @transform_2(%arg0: i32) -> (i32, i32) {
    %c0_i32 = arith.constant 0 : i32
    %c0_i32_0 = arith.constant 0 : i32
    return %c0_i32, %arg0 : i32, i32
  }
  func.func @transform_3(%arg0: i32) -> (i32, i32) {
    %c0_i32 = arith.constant 0 : i32
    %c0_i32_0 = arith.constant 0 : i32
    %c0_i32_1 = arith.constant 0 : i32
    return %c0_i32, %c0_i32_0 : i32, i32
  }
  func.func @transform_4(%arg0: i32) -> (i32, i32) {
    %c0_i32 = arith.constant 0 : i32
    %c0_i32_0 = arith.constant 0 : i32
    return %arg0, %c0_i32 : i32, i32
  }
}

</mosaic_0001>

<sc_bundles>
// kernel: kernel.6.cloned.1.call-start
scs
__scs_entry_jumppad:
0x0: {  	(pc) =	sbr.rel $0x88, $3  }
0x1: {  	(tag) =	ssettag $0x0;
	lr =	simm.s32 $0x1  }
0x2: {  	[smem:$0x3F9B] =	sst lr;
	_ =	strace $0xD0000000  }
0x3: {  	_ = 	snop  }
0x4: {  	_ = 	snop  }
0x5: {  	_ = 	snop  }
0x6: {  	_ = 	snop  }
0x7: {  	_ = 	snop  }
__scs_overlays_trampoline_lowered:
0x8: {  	[smem:$0x3FAA] =	sst s0  }
0x9: {  	[smem:$0x3FAB] =	sst s1  }
0xa: {  	[smem:$0x3FAC] =	sst s2  }
0xb: {  	[smem:$0x3FAD] =	sst s3  }
0xc: {  	[smem:$0x3FAE] =	sst s4  }
0xd: {  	[smem:$0x3FAF] =	sst s5  }
0xe: {  	[smem:$0x3FB0] =	sst s6  }
0xf: {  	[smem:$0x3FB1] =	sst s7  }
0x10: {  	[smem:$0x3FB2] =	sst s8  }
0x11: {  	[smem:$0x3FB3] =	sst s9;
	s0 =	simm.s32 @!p0 $0x0  }
0x12: {  	s1 =	sld [smem:$0x3F99];
	s0 =	simm.s32 @p0 $0x1  }
0x13: {  	[smem:$0x3FB4] =	sst s0;
	s0 =	simm.s32 @!p1 $0x0  }
0x14: {  	s2 =	sld [smem:$0x3F98];
	s0 =	simm.s32 @p1 $0x1  }
0x15: {  	[smem:$0x3FB5] =	sst s0;
	s0 =	simm.s32 @!p2 $0x0  }
0x16: {  	s3 =	sld [smem:$0x3FDB];
	s0 =	simm.s32 @p2 $0x1  }
0x17: {  	s4 =	simm.s32 $0x1BF5;
	[smem:$0x3FB7] =	sst s0  }
0x18: {  	s0 =	sld [smem:$0x3F9A];
	_ =	swait.ge [sflag:s4], $0x0  }
0x19: {  	s7 =	sld [smem:$0x3F9B]  }
0x1a: {  	s8 =	sadd.s32 $0xFFFFE003, lr  }
0x1b: {  	s9 =	sadd.s32 $0xFFFFFEF7, lr;
	s5 =	simm.s32 $0xFFFFFFFF;
	p2 =	slt.u32 s8, $0xFFFFF086  }
0x1c: {  	p1 =	slt.u32 s9, $0xF7A;
	s5 =	simm.s32 @!p2 $0x0  }
0x1d: {  	s5 =	simm.s32 @p1 $0x1;
	p0 =	seq.s32 s7, s2  }
0x1e: {  	s7 =	smul.u32 @!p0 $0xF7A, s2;
	p2 =	seq.s32 @!p0 s5, $0x0  }
0x1f: {  	s9 =	smul.u32 $0xF7A, s1;
	s8 =	simm.s32 @!p0 $0x1BF5;
	p2 =	por !p2, p0  }
0x20: {  	[sflag:s8] =	ssyncset.s32 @!p0 $0xFFFFF086;
	s6 =	sadd.s32 @!p0 s3, s7;
	s7 =	simm.s32 @!p0 $0x108  }
0x21: {  	s3 =	sadd.s32 s3, s9;
	s6 =	sadd.s32 @!p0 $0x88, s6;
	s7 =	simm.s32 @p2 $0x1082  }
0x22: {  	[simem:s7], [sflag:s8] =	dma.local @!p0 [hbm:s6], $0xF7A  }
0x23: {  	s9 =	sor.u32 $0xD0000000, s2;
	s6 =	simm.s32 $0x108;
	_ =	swait.ge @!p0 [sflag:s8], $0x0  }
0x24: {  	s3 =	sadd.s32 $0x88, s3;
	s6 =	simm.s32 @!p1 $0x1082;
	[sflag:s4] =	ssyncset.s32 $0xFFFFF086  }
0x25: {  	[simem:s6], [sflag:s4] =	dma.local [hbm:s3], $0xF7A  }
0x26: {  	[smem:$0x3F9B] =	sst s1;
	(tag) =	ssettag s2;
	_ =	strace s9  }
0x27: {  	s1 =	sld [smem:$0x3FAB]  }
0x28: {  	s2 =	sld [smem:$0x3FAC]  }
0x29: {  	s4 =	sld [smem:$0x3FAE]  }
0x2a: {  	p0 =	seq.s32 s5, $0x0;
	s5 =	sld [smem:$0x3FAF]  }
0x2b: {  	s6 =	sld [smem:$0x3FB0]  }
0x2c: {  	s7 =	sld [smem:$0x3FB1]  }
0x2d: {  	s3 =	simm.s32 $0x108;
	s8 =	sld [smem:$0x3FB2]  }
0x2e: {  	s3 =	simm.s32 @!p0 $0x1082;
	s9 =	sld [smem:$0x3FB3]  }
0x2f: {  	lr =	sadd.s32 s0, s3;
	s0 =	sld [smem:$0x3FAA]  }
0x30: {  	s3 =	sld [smem:$0x3FAD]  }
0x31: {  	[smem:$0x3FB6] =	sst s10  }
0x32: {  	s10 =	sld [smem:$0x3FB4];
	_ =	sdelay $0x3  }
0x33: {  	p0 =	seq.s32 s10, $0x1;
	s10 =	sld [smem:$0x3FB6];
	_ =	sdelay $0x3  }
0x34: {  	[smem:$0x3FB6] =	sst s10  }
0x35: {  	s10 =	sld [smem:$0x3FB5];
	_ =	sdelay $0x3  }
0x36: {  	p1 =	seq.s32 s10, $0x1;
	s10 =	sld [smem:$0x3FB6];
	_ =	sdelay $0x3  }
0x37: {  	[smem:$0x3FB6] =	sst s10  }
0x38: {  	s10 =	sld [smem:$0x3FB7]  }
0x39: {  	_ = 	snop;
	(pc) =	sbr.ind lr, $3  }
0x3a: {  	_ = 	snop  }
0x3b: {  	_ = 	snop  }
0x3c: {  	p2 =	seq.s32 s10, $0x1;
	s10 =	sld [smem:$0x3FB6]  }
0x3d: {  	_ =	shalt  }
0x3e: {  	_ =	shalt  }
0x3f: {  	_ =	shalt  }
0x40: {  	_ =	shalt  }
0x41: {  	_ =	shalt  }
0x42: {  	_ =	shalt  }
0x43: {  	_ =	shalt  }
0x44: {  	_ =	shalt  }
0x45: {  	_ =	shalt  }
0x46: {  	_ =	shalt  }
0x47: {  	_ =	shalt  }
0x48: {  	_ =	shalt  }
0x49: {  	_ =	shalt  }
0x4a: {  	_ =	shalt  }
0x4b: {  	_ =	shalt  }
0x4c: {  	_ =	shalt  }
0x4d: {  	_ =	shalt  }
0x4e: {  	_ =	shalt  }
0x4f: {  	_ =	shalt  }
0x50: {  	_ =	shalt  }
0x51: {  	_ =	shalt  }
0x52: {  	_ =	shalt  }
0x53: {  	_ =	shalt  }
0x54: {  	_ =	shalt  }
0x55: {  	_ =	shalt  }
0x56: {  	_ =	shalt  }
0x57: {  	_ =	shalt  }
0x58: {  	_ =	shalt  }
0x59: {  	_ =	shalt  }
0x5a: {  	_ =	shalt  }
0x5b: {  	_ =	shalt  }
0x5c: {  	_ =	shalt  }
0x5d: {  	_ =	shalt  }
0x5e: {  	_ =	shalt  }
0x5f: {  	_ =	shalt  }
0x60: {  	_ =	shalt  }
0x61: {  	_ =	shalt  }
0x62: {  	_ =	shalt  }
0x63: {  	_ =	shalt  }
0x64: {  	_ =	shalt  }
0x65: {  	_ =	shalt  }
0x66: {  	_ =	shalt  }
0x67: {  	_ =	shalt  }
0x68: {  	_ =	shalt  }
0x69: {  	_ =	shalt  }
0x6a: {  	_ =	shalt  }
0x6b: {  	_ =	shalt  }
0x6c: {  	_ =	shalt  }
0x6d: {  	_ =	shalt  }
0x6e: {  	_ =	shalt  }
0x6f: {  	_ =	shalt  }
0x70: {  	_ =	shalt  }
0x71: {  	_ =	shalt  }
0x72: {  	_ =	shalt  }
0x73: {  	_ =	shalt  }
0x74: {  	_ =	shalt  }
0x75: {  	_ =	shalt  }
0x76: {  	_ =	shalt  }
0x77: {  	_ =	shalt  }
0x78: {  	_ =	shalt  }
0x79: {  	_ =	shalt  }
0x7a: {  	_ =	shalt  }
0x7b: {  	_ =	shalt  }
0x7c: {  	_ =	shalt  }
0x7d: {  	_ =	shalt  }
0x7e: {  	_ =	shalt  }
0x7f: {  	_ =	shalt  }
0x80: {  	_ =	shalt  }
0x81: {  	_ =	shalt  }
0x82: {  	_ =	shalt  }
0x83: {  	_ =	shalt  }
0x84: {  	_ =	shalt  }
0x85: {  	_ =	shalt  }
0x86: {  	_ =	shalt  }
0x87: {  	_ =	shalt  }
.Lfunc_end0:
.L_simem_size_0:
called_computation_lowered:
.L_overlay_start_0:
0x88: {  	s2 =	sld [smem:$0x3FD9]  }
0x89: {  	s3 =	sld [smem:$0x3FFE];
	_ =	sdelay $0x1  }
0x8a: {  	s1 =	srdreg.scid  }
0x8b: {  	s0 =	sand.u32 $0x1, s1  }
0x8c: {  	s17 =	sshll.u32 s0, $0xA;
	s2 =	sadd.s32 s3, s2  }
0x8d: {  	s2 =	sadd.s32 s2, s17  }
0x8e: {  	[smem:$0x3FC2] =	sst s2  }
0x8f: {  	_ = 	snop  }
0x90: {  	s2 =	sld [smem:$0x3FD0];
	(tm) =	ssettm $0x1  }
0x91: {  	s18 =	sld [smem:$0x3FFB];
	_ =	sdelay $0x3  }
0x92: {  	_ =	strace s18  }
0x93: {  	s3 =	sld [smem:$0x3FFC];
	_ =	sdelay $0x3  }
0x94: {  	_ =	strace s3  }
0x95: {  	s3 =	sld [smem:$0x3FFD];
	_ =	sdelay $0x3  }
0x96: {  	_ =	strace s3  }
0x97: {  	_ =	strace $0x8FFFFFFF  }
0x98: {  	s19 =	sld [smem:$0x3FDB];
	_ =	sdelay $0x1  }
0x99: {  	s4 =	simm.s32 $_scs_section_size  }
0x9a: {  	s5 =	simm.s32 $_size__tile_overlayer_lowered;
	s6 =	simm.s32 $_tile_overlayer_lowered  }
0x9b: {  	s22 =	simm.s32 $0x1BFF;
	s21 =	sshll.u32 s6, $0x1;
	s3 =	sadd.s32 s4, s19  }
0x9c: {  	s7 =	simm.s32 $0x0;
	s20 =	sshll.u32 s5, $0x1;
	s5 =	sadd.s32 s21, s3  }
0x9d: {  	[timem:s7], [sflag:s22] =	dma.local [hbm:s5], s20  }
0x9e: {  	_ =	swait.ge [sflag:s22], s20  }
0x9f: {  	s4 =	ssub.s32 $0x0, s20;
	[sflag:s22] =	ssyncset.done $0x0  }
0xa0: {  	[sflag:s22] =	ssyncadd.s32 s4;
	_ =	sdelay $0x1  }
0xa1: {  	s23 =	simm.s32 $0x1B8B  }
0xa2: {  	_ =	swait.ge [sflag:s23], $0x1  }
0xa3: {  	[sflag:s23] =	ssyncset.done $0x0  }
0xa4: {  	s25 =	simm.s32 $0x1B8E;
	s24 =	sld [smem:$0x3FFE];
	[sflag:s23] =	ssyncadd.s32 $0xFFFFFFFF  }
0xa5: {  	s26 =	simm.s32 $execute0_lowered;
	[smem:$0x3FD2] =	sst s25  }
0xa6: {  	s5 =	sshll.u32 s26, $0x1;
	_ =	strace $0x80000046;
	[dreg:$0x1] =	wrdreg $0xFFFFFFFF  }
0xa7: {  	s28 =	simm.s32 $_size_execute0_lowered;
	s3 =	sadd.s32 s3, s5;
	[dreg:$0x0] =	wrdreg $0x0  }
0xa8: {  	s5 =	sshll.u32 s28, $0x1;
	[dreg:$0x2] =	wrdreg s3  }
0xa9: {  	[dreg:$0x3] =	wrdreg s5  }
0xaa: {  	[dreg:$0x4] =	wrdreg $0xC0  }
0xab: {  	_ =	task [dreg:s7], $0x5FFFF  }
0xac: {  	[dreg:$0x1] =	wrdreg $0xFFFFFFFF  }
0xad: {  	[dreg:$0x0] =	wrdreg $0x60  }
0xae: {  	[dreg:$0x2] =	wrdreg s24  }
0xaf: {  	[dreg:$0x3] =	wrdreg s2  }
0xb0: {  	[dreg:$0x4] =	wrdreg $0x9  }
0xb1: {  	_ =	task.clear_ibuf [dreg:s7], $0x5FFFF;
	_ =	strace $0x90000046  }
0xb2: {  	s29 =	simm.s32 $0x9;
	_ =	strace $0x80000048  }
0xb3: {  	_ =	swait.ge [sflag:s29], $0x1  }
0xb4: {  	[sflag:s29] =	ssyncadd.s32 $0xFFFFFFFF  }
0xb5: {  	_ =	strace $0x90000048  }
0xb6: {  	_ =	sfence  }
0xb7: {  	s30 =	sld [smem:$0x0];
	_ =	sdelay $0x2  }
0xb8: {  	s31 =	sshll.u32 s1, $0xD;
	s1 =	sshrl.u32 s1, $0x2  }
0xb9: {  	s3 =	sand.u32 $0x4000, s31;
	s1 =	sadd.s32 s1, s30  }
0xba: {  	s0 =	sor.u32 s3, s0;
	s1 =	sshll.u32 s1, $0x11  }
0xbb: {  	s0 =	sor.u32 s1, s0  }
0xbc: {  	s0 =	sadd.s32 $0x8F2B, s0  }
0xbd: {  	[sflag:s0] =	ssyncadd.remote.s32 $0x1  }
0xbe: {  	_ =	sfence.sel $0xFFFF  }
0xbf: {  	[dreg:$0x0] =	wrdreg $0xFFFFFFFF;
	(pc) =	sbr.abs _section_cstart, $3  }
0xc0: {  	[dreg:$0x1] =	wrdreg $0xFFFFFFFF  }
0xc1: {  	_ =	task.clear_ibuf [dreg:s7], $0x2FFFF;
	_ =	strace $0x9FFFFFFF  }
0xc2: {  	(tm) =	ssettm $0x7FFFFFFF  }
0xc3: {  	_ =	shalt  }
tec
execute0_lowered:
.L_overlay_start_1:
0x0: {  	(tag) =	ssettag $0x1  }
0x1: {  	s1 =	srdreg.scid;
	s0 =	stileid.u32  }
0x2: {  	s4 =	sand.u32 $0x1, s1;
	s31 =	sshll.u32 s0, $0x1  }
0x3: {  	s3 =	rddreg [dreg:$0x0];
	s6 =	sor.u32 s4, s31  }
0x4: {  	s5 =	rddreg [dreg:$0x1];
	s2 =	simm.s32 $0x0;
	s7 =	smul.u32 $0x2710, s6  }
0x5: {  	[smem:$0x7FF] =	sst s2;
	s4 =	ssub.s32 $0x2, s4;
	s6 =	smul.u32 $0x500, s6  }
0x6: {  	s1 =	rddreg [dreg:$0x2];
	_ =	strace $0x80000047;
	s8 =	sshrl.u32 s4, $0x1  }
0x7: {  	s8 =	ssub.s32 s4, s8;
	s7 =	sshrl.u32 s7, $0x3;
	s4 =	sadd.s32 s5, s6  }
0x8: {  	s5 =	smax.u32 s8, $0x1;
	s6 =	simm.s32 $0x1;
	s3 =	sadd.s32 s3, s7  }
0x9: {  	v0 =	vimm.f32 $0.0e+00;
	v1 =	vimm.f32 $1.000000000e+00;
	s8 =	simm.s32 $0x0;
	s7 =	simm.s32 $0x2710;
	s3 =	sadd.s32 $0xB840, s3  }
.LBB2_1:
0xa: {  	[tilespmem:s2], [sflag:$0x1] =	stream.linear.gather [hbm4b:s3+s2], $0x2710, $0x38;
	[tilespmem:$0x4F10] =	vst v63  }
0xb: {  	_ =	swait.ge [sflag:s6], $0x2710  }
0xc: {  	[sflag:s6] =	ssyncset.done $0x0  }
0xd: {  	s9 =	simm.s32 $0x0;
	[sflag:s6] =	ssyncadd.s32 $0xFFFFD8F0  }
.LBB2_2:
0xe: {  	p0 =	sne.s32 s9, $0x9FC0  }
.Ltmp0:
0xf: {  	_ = 	snop;
	(pc) =	sbr.rel @p0 .LBB2_2-.Ltmp0, $3  }
0x10: {  	_ =	sdelay $0x1  }
0x11: {  	s10 =	sshra.s32 s9, $0x2  }
0x12: {  	s9 =	sadd.s32 $0x40, s9;
	[tilespmem:s10+$0x2710] =	vst v0  }
0x13: {  	s9 =	simm.s32 $0x20  }
0x14: {  	v5 =	vld [tilespmem:s9+$0x10];
	_ =	sdelay $0x4  }
0x15: {  	v4 =	vld [tilespmem:s9+$0xFFFFFFE0]  }
0x16: {  	v2 =	vld [tilespmem:s9+$0xFFFFFFF0]  }
0x17: {  	v3 =	vld [tilespmem:s9+$0x0]  }
0x18: {  	s10 =	simm.s32 $0x60;
	s9 =	simm.s32 $0x0;
	[tilespmem:v5+s7+$0x0] =	vst.idx.add.f32.msk $0xffff, v1  }
.LBB2_4:
0x19: {  	v5 =	vld [tilespmem:s10+$0x10];
	s9 =	sadd.s32 $0x4, s9  }
0x1a: {  	v6 =	vld [tilespmem:s10+$0xFFFFFFF0];
	p0 =	slt.u32 s9, $0x26C  }
0x1b: {  	v7 =	vld [tilespmem:s10+$0x0]  }
0x1c: {  	v8 =	vld [tilespmem:s10+$0xFFFFFFE0]  }
.Ltmp1:
0x1d: {  	[tilespmem:v4+s7+$0x0] =	vst.idx.add.f32.msk $0xffff, v1;
	(pc) =	sbr.rel @p0 .LBB2_4-.Ltmp1, $4  }
0x1e: {  	[tilespmem:v2+s7+$0x0] =	vst.idx.add.f32.msk $0xffff, v1  }
0x1f: {  	[tilespmem:v3+s7+$0x0] =	vst.idx.add.f32.msk $0xffff, v1;
	v2 =	vmov v6  }
0x20: {  	v3 =	vmov v7  }
0x21: {  	s10 =	sadd.s32 $0x40, s10;
	[tilespmem:v5+s7+$0x0] =	vst.idx.add.f32.msk $0xffff, v1;
	v4 =	vmov v8  }
0x22: {  	_ =	sdelay $0x3  }
0x23: {  	[tilespmem:v4+s7+$0x0] =	vst.idx.add.f32.msk $0xffff, v1  }
0x24: {  	[tilespmem:v2+s7+$0x0] =	vst.idx.add.f32.msk $0xffff, v1  }
0x25: {  	[tilespmem:v3+s7+$0x0] =	vst.idx.add.f32.msk $0xffff, v1  }
0x26: {  	v2 =	vld [tilespmem:$0x2700];
	_ =	sdelay $0x5  }
0x27: {  	s8 =	sadd.s32 $0x1, s8  }
0x28: {  	p0 =	sne.s32 s8, s5  }
.Ltmp2:
0x29: {  	[tilespmem:v2+s7+$0x0] =	vst.idx.add.f32.msk $0xffff, v1;
	(pc) =	sbr.rel @p0 .LBB2_1-.Ltmp2, $4  }
0x2a: {  	[hbm4b:s4+s2] =	stream.linear.scatter [tilespmem:s7], [sflag:$0x1], $0x2800, $0x38;
	[tilespmem:$0x4F10] =	vst v63  }
0x2b: {  	_ =	swait.ge [sflag:s6], $0x2800  }
0x2c: {  	[sflag:s6] =	ssyncset.done $0x0  }
0x2d: {  	[sflag:s6] =	ssyncadd.s32 $0xFFFFD800  }
0x2e: {  	_ =	sfence.sel $0x180000  }
0x2f: {  	[bflag:$0x0] =	sbarrier.arrive $0xFFFF  }
0x30: {  	p0 =	sne.s32 s0, $0x0;
	_ =	strace $0x90000047  }
0x31: {  	s0 =	sadd.s32 @!p0 $0x100000, s1;
	[bflag:$0x2] =	sbarrier.arrive $0xFFFF  }
0x32: {  	[sflag:s0] =	ssyncadd.tile.s32 @!p0 $0x1;
	_ =	shalt  }
.Lfunc_end2:
_tile_overlayer_lowered:
.L_overlay_start_2:
0x33: {  	(tag) =	ssettag $0x2  }
0x34: {  	s0 =	rddreg [dreg:$0x0];
	s2 =	stileid.u32  }
0x35: {  	s1 =	rddreg [dreg:$0x1];
	p0 =	sne.s32 s2, $0x0  }
0x36: {  	s3 =	rddreg [dreg:$0x2];
	[bflag:$0x3] =	sbarrier.arrive $0xFFFF;
	s2 =	simm.s32 @!p0 $0x1C01  }
0x37: {  	[timem:s3], [sflag:s2] =	dma.local @!p0 [hbm:s0], s1  }
0x38: {  	s0 =	simm.s32 @!p0 $0x1  }
0x39: {  	_ =	swait.ge @!p0 [sflag:s0], s1  }
0x3a: {  	s1 =	ssub.s32 @!p0 $0x0, s1;
	[sflag:s0] =	ssyncset.done @!p0 $0x0  }
0x3b: {  	[sflag:s0] =	ssyncadd.s32 @!p0 s1  }
0x3c: {  	[bflag:$0x3] =	sbarrier.arrive $0xFFFF  }
0x3d: {  	_ =	shalt  }

// kernel: kernel.9.cloned.1.call-start
scs
__scs_entry_jumppad:
0x0: {  	(pc) =	sbr.rel $0x88, $3  }
0x1: {  	(tag) =	ssettag $0x0;
	lr =	simm.s32 $0x1  }
0x2: {  	[smem:$0x3F9B] =	sst lr;
	_ =	strace $0xD0000000  }
0x3: {  	_ = 	snop  }
0x4: {  	_ = 	snop  }
0x5: {  	_ = 	snop  }
0x6: {  	_ = 	snop  }
0x7: {  	_ = 	snop  }
__scs_overlays_trampoline_lowered:
0x8: {  	[smem:$0x3FAA] =	sst s0  }
0x9: {  	[smem:$0x3FAB] =	sst s1  }
0xa: {  	[smem:$0x3FAC] =	sst s2  }
0xb: {  	[smem:$0x3FAD] =	sst s3  }
0xc: {  	[smem:$0x3FAE] =	sst s4  }
0xd: {  	[smem:$0x3FAF] =	sst s5  }
0xe: {  	[smem:$0x3FB0] =	sst s6  }
0xf: {  	[smem:$0x3FB1] =	sst s7  }
0x10: {  	[smem:$0x3FB2] =	sst s8  }
0x11: {  	[smem:$0x3FB3] =	sst s9;
	s0 =	simm.s32 @!p0 $0x0  }
0x12: {  	s1 =	sld [smem:$0x3F99];
	s0 =	simm.s32 @p0 $0x1  }
0x13: {  	[smem:$0x3FB4] =	sst s0;
	s0 =	simm.s32 @!p1 $0x0  }
0x14: {  	s2 =	sld [smem:$0x3F98];
	s0 =	simm.s32 @p1 $0x1  }
0x15: {  	[smem:$0x3FB5] =	sst s0;
	s0 =	simm.s32 @!p2 $0x0  }
0x16: {  	s3 =	sld [smem:$0x3FDB];
	s0 =	simm.s32 @p2 $0x1  }
0x17: {  	s4 =	simm.s32 $0x1BF5;
	[smem:$0x3FB7] =	sst s0  }
0x18: {  	s0 =	sld [smem:$0x3F9A];
	_ =	swait.ge [sflag:s4], $0x0  }
0x19: {  	s7 =	sld [smem:$0x3F9B]  }
0x1a: {  	s8 =	sadd.s32 $0xFFFFE003, lr  }
0x1b: {  	s9 =	sadd.s32 $0xFFFFFEF7, lr;
	s5 =	simm.s32 $0xFFFFFFFF;
	p2 =	slt.u32 s8, $0xFFFFF086  }
0x1c: {  	p1 =	slt.u32 s9, $0xF7A;
	s5 =	simm.s32 @!p2 $0x0  }
0x1d: {  	s5 =	simm.s32 @p1 $0x1;
	p0 =	seq.s32 s7, s2  }
0x1e: {  	s7 =	smul.u32 @!p0 $0xF7A, s2;
	p2 =	seq.s32 @!p0 s5, $0x0  }
0x1f: {  	s9 =	smul.u32 $0xF7A, s1;
	s8 =	simm.s32 @!p0 $0x1BF5;
	p2 =	por !p2, p0  }
0x20: {  	[sflag:s8] =	ssyncset.s32 @!p0 $0xFFFFF086;
	s6 =	sadd.s32 @!p0 s3, s7;
	s7 =	simm.s32 @!p0 $0x108  }
0x21: {  	s3 =	sadd.s32 s3, s9;
	s6 =	sadd.s32 @!p0 $0x88, s6;
	s7 =	simm.s32 @p2 $0x1082  }
0x22: {  	[simem:s7], [sflag:s8] =	dma.local @!p0 [hbm:s6], $0xF7A  }
0x23: {  	s9 =	sor.u32 $0xD0000000, s2;
	s6 =	simm.s32 $0x108;
	_ =	swait.ge @!p0 [sflag:s8], $0x0  }
0x24: {  	s3 =	sadd.s32 $0x88, s3;
	s6 =	simm.s32 @!p1 $0x1082;
	[sflag:s4] =	ssyncset.s32 $0xFFFFF086  }
0x25: {  	[simem:s6], [sflag:s4] =	dma.local [hbm:s3], $0xF7A  }
0x26: {  	[smem:$0x3F9B] =	sst s1;
	(tag) =	ssettag s2;
	_ =	strace s9  }
0x27: {  	s1 =	sld [smem:$0x3FAB]  }
0x28: {  	s2 =	sld [smem:$0x3FAC]  }
0x29: {  	s4 =	sld [smem:$0x3FAE]  }
0x2a: {  	p0 =	seq.s32 s5, $0x0;
	s5 =	sld [smem:$0x3FAF]  }
0x2b: {  	s6 =	sld [smem:$0x3FB0]  }
0x2c: {  	s7 =	sld [smem:$0x3FB1]  }
0x2d: {  	s3 =	simm.s32 $0x108;
	s8 =	sld [smem:$0x3FB2]  }
0x2e: {  	s3 =	simm.s32 @!p0 $0x1082;
	s9 =	sld [smem:$0x3FB3]  }
0x2f: {  	lr =	sadd.s32 s0, s3;
	s0 =	sld [smem:$0x3FAA]  }
0x30: {  	s3 =	sld [smem:$0x3FAD]  }
0x31: {  	[smem:$0x3FB6] =	sst s10  }
0x32: {  	s10 =	sld [smem:$0x3FB4];
	_ =	sdelay $0x3  }
0x33: {  	p0 =	seq.s32 s10, $0x1;
	s10 =	sld [smem:$0x3FB6];
	_ =	sdelay $0x3  }
0x34: {  	[smem:$0x3FB6] =	sst s10  }
0x35: {  	s10 =	sld [smem:$0x3FB5];
	_ =	sdelay $0x3  }
0x36: {  	p1 =	seq.s32 s10, $0x1;
	s10 =	sld [smem:$0x3FB6];
	_ =	sdelay $0x3  }
0x37: {  	[smem:$0x3FB6] =	sst s10  }
0x38: {  	s10 =	sld [smem:$0x3FB7]  }
0x39: {  	_ = 	snop;
	(pc) =	sbr.ind lr, $3  }
0x3a: {  	_ = 	snop  }
0x3b: {  	_ = 	snop  }
0x3c: {  	p2 =	seq.s32 s10, $0x1;
	s10 =	sld [smem:$0x3FB6]  }
0x3d: {  	_ =	shalt  }
0x3e: {  	_ =	shalt  }
0x3f: {  	_ =	shalt  }
0x40: {  	_ =	shalt  }
0x41: {  	_ =	shalt  }
0x42: {  	_ =	shalt  }
0x43: {  	_ =	shalt  }
0x44: {  	_ =	shalt  }
0x45: {  	_ =	shalt  }
0x46: {  	_ =	shalt  }
0x47: {  	_ =	shalt  }
0x48: {  	_ =	shalt  }
0x49: {  	_ =	shalt  }
0x4a: {  	_ =	shalt  }
0x4b: {  	_ =	shalt  }
0x4c: {  	_ =	shalt  }
0x4d: {  	_ =	shalt  }
0x4e: {  	_ =	shalt  }
0x4f: {  	_ =	shalt  }
0x50: {  	_ =	shalt  }
0x51: {  	_ =	shalt  }
0x52: {  	_ =	shalt  }
0x53: {  	_ =	shalt  }
0x54: {  	_ =	shalt  }
0x55: {  	_ =	shalt  }
0x56: {  	_ =	shalt  }
0x57: {  	_ =	shalt  }
0x58: {  	_ =	shalt  }
0x59: {  	_ =	shalt  }
0x5a: {  	_ =	shalt  }
0x5b: {  	_ =	shalt  }
0x5c: {  	_ =	shalt  }
0x5d: {  	_ =	shalt  }
0x5e: {  	_ =	shalt  }
0x5f: {  	_ =	shalt  }
0x60: {  	_ =	shalt  }
0x61: {  	_ =	shalt  }
0x62: {  	_ =	shalt  }
0x63: {  	_ =	shalt  }
0x64: {  	_ =	shalt  }
0x65: {  	_ =	shalt  }
0x66: {  	_ =	shalt  }
0x67: {  	_ =	shalt  }
0x68: {  	_ =	shalt  }
0x69: {  	_ =	shalt  }
0x6a: {  	_ =	shalt  }
0x6b: {  	_ =	shalt  }
0x6c: {  	_ =	shalt  }
0x6d: {  	_ =	shalt  }
0x6e: {  	_ =	shalt  }
0x6f: {  	_ =	shalt  }
0x70: {  	_ =	shalt  }
0x71: {  	_ =	shalt  }
0x72: {  	_ =	shalt  }
0x73: {  	_ =	shalt  }
0x74: {  	_ =	shalt  }
0x75: {  	_ =	shalt  }
0x76: {  	_ =	shalt  }
0x77: {  	_ =	shalt  }
0x78: {  	_ =	shalt  }
0x79: {  	_ =	shalt  }
0x7a: {  	_ =	shalt  }
0x7b: {  	_ =	shalt  }
0x7c: {  	_ =	shalt  }
0x7d: {  	_ =	shalt  }
0x7e: {  	_ =	shalt  }
0x7f: {  	_ =	shalt  }
0x80: {  	_ =	shalt  }
0x81: {  	_ =	shalt  }
0x82: {  	_ =	shalt  }
0x83: {  	_ =	shalt  }
0x84: {  	_ =	shalt  }
0x85: {  	_ =	shalt  }
0x86: {  	_ =	shalt  }
0x87: {  	_ =	shalt  }
.Lfunc_end0:
.L_simem_size_0:
called_computation.1_lowered:
.L_overlay_start_0:
0x88: {  	s2 =	sld [smem:$0x3FD9]  }
0x89: {  	s3 =	sld [smem:$0x3FFE];
	_ =	sdelay $0x1  }
0x8a: {  	s1 =	srdreg.scid  }
0x8b: {  	s0 =	sand.u32 $0x1, s1  }
0x8c: {  	s17 =	sshll.u32 s0, $0xA;
	s2 =	sadd.s32 s3, s2  }
0x8d: {  	s2 =	sadd.s32 s2, s17  }
0x8e: {  	[smem:$0x3FC2] =	sst s2  }
0x8f: {  	_ = 	snop  }
0x90: {  	s2 =	sld [smem:$0x3FD0];
	(tm) =	ssettm $0x1  }
0x91: {  	s18 =	sld [smem:$0x3FFB];
	_ =	sdelay $0x3  }
0x92: {  	_ =	strace s18  }
0x93: {  	s3 =	sld [smem:$0x3FFC];
	_ =	sdelay $0x3  }
0x94: {  	_ =	strace s3  }
0x95: {  	s3 =	sld [smem:$0x3FFD];
	_ =	sdelay $0x3  }
0x96: {  	_ =	strace s3  }
0x97: {  	_ =	strace $0x8FFFFFFF  }
0x98: {  	s19 =	sld [smem:$0x3FDB];
	_ =	sdelay $0x1  }
0x99: {  	s4 =	simm.s32 $_scs_section_size  }
0x9a: {  	s5 =	simm.s32 $_size__tile_overlayer_lowered;
	s6 =	simm.s32 $_tile_overlayer_lowered  }
0x9b: {  	s22 =	simm.s32 $0x1BFF;
	s21 =	sshll.u32 s6, $0x1;
	s3 =	sadd.s32 s4, s19  }
0x9c: {  	s7 =	simm.s32 $0x0;
	s20 =	sshll.u32 s5, $0x1;
	s5 =	sadd.s32 s21, s3  }
0x9d: {  	[timem:s7], [sflag:s22] =	dma.local [hbm:s5], s20  }
0x9e: {  	_ =	swait.ge [sflag:s22], s20  }
0x9f: {  	s4 =	ssub.s32 $0x0, s20;
	[sflag:s22] =	ssyncset.done $0x0  }
0xa0: {  	[sflag:s22] =	ssyncadd.s32 s4;
	_ =	sdelay $0x1  }
0xa1: {  	s23 =	simm.s32 $0x1B8B  }
0xa2: {  	_ =	swait.ge [sflag:s23], $0x1  }
0xa3: {  	[sflag:s23] =	ssyncset.done $0x0  }
0xa4: {  	s25 =	simm.s32 $0x1B8E;
	s24 =	sld [smem:$0x3FFE];
	[sflag:s23] =	ssyncadd.s32 $0xFFFFFFFF  }
0xa5: {  	s26 =	simm.s32 $execute0_lowered;
	[smem:$0x3FD2] =	sst s25  }
0xa6: {  	s5 =	sshll.u32 s26, $0x1;
	_ =	strace $0x80000049;
	[dreg:$0x1] =	wrdreg $0xFFFFFFFF  }
0xa7: {  	s28 =	simm.s32 $_size_execute0_lowered;
	s3 =	sadd.s32 s3, s5;
	[dreg:$0x0] =	wrdreg $0x0  }
0xa8: {  	s5 =	sshll.u32 s28, $0x1;
	[dreg:$0x2] =	wrdreg s3  }
0xa9: {  	[dreg:$0x3] =	wrdreg s5  }
0xaa: {  	[dreg:$0x4] =	wrdreg $0xC0  }
0xab: {  	_ =	task [dreg:s7], $0x5FFFF  }
0xac: {  	[dreg:$0x1] =	wrdreg $0xFFFFFFFF  }
0xad: {  	[dreg:$0x0] =	wrdreg $0x60  }
0xae: {  	[dreg:$0x2] =	wrdreg s2  }
0xaf: {  	[dreg:$0x3] =	wrdreg s24  }
0xb0: {  	[dreg:$0x4] =	wrdreg $0x64000  }
0xb1: {  	[dreg:$0x5] =	wrdreg $0x9  }
0xb2: {  	_ =	task.clear_ibuf [dreg:s7], $0x6FFFF;
	_ =	strace $0x90000049  }
0xb3: {  	s29 =	simm.s32 $0x9;
	_ =	strace $0x8000004B  }
0xb4: {  	_ =	swait.ge [sflag:s29], $0x1  }
0xb5: {  	[sflag:s29] =	ssyncadd.s32 $0xFFFFFFFF  }
0xb6: {  	_ =	strace $0x9000004B  }
0xb7: {  	_ =	sfence  }
0xb8: {  	s30 =	sld [smem:$0x0];
	_ =	sdelay $0x2  }
0xb9: {  	s31 =	sshll.u32 s1, $0xD;
	s1 =	sshrl.u32 s1, $0x2  }
0xba: {  	s3 =	sand.u32 $0x4000, s31;
	s1 =	sadd.s32 s1, s30  }
0xbb: {  	s0 =	sor.u32 s3, s0;
	s1 =	sshll.u32 s1, $0x11  }
0xbc: {  	s0 =	sor.u32 s1, s0  }
0xbd: {  	s0 =	sadd.s32 $0x8F2B, s0  }
0xbe: {  	[sflag:s0] =	ssyncadd.remote.s32 $0x1  }
0xbf: {  	_ =	sfence.sel $0xFFFF  }
0xc0: {  	[dreg:$0x0] =	wrdreg $0xFFFFFFFF;
	(pc) =	sbr.abs _section_cstart, $3  }
0xc1: {  	[dreg:$0x1] =	wrdreg $0xFFFFFFFF  }
0xc2: {  	_ =	task.clear_ibuf [dreg:s7], $0x2FFFF;
	_ =	strace $0x9FFFFFFF  }
0xc3: {  	(tm) =	ssettm $0x7FFFFFFF  }
tec
execute0_lowered:
.L_overlay_start_1:
0x0: {  	(tag) =	ssettag $0x1  }
0x1: {  	s1 =	rddreg [dreg:$0x0]  }
0x2: {  	s0 =	rddreg [dreg:$0x1]  }
0x3: {  	s3 =	rddreg [dreg:$0x2];
	s4 =	simm.s32 $0x0;
	s2 =	srdreg.scid  }
0x4: {  	s13 =	stileid.u32;
	s29 =	simm.s32 $0x1;
	s30 =	simm.s32 $0x2400  }
0x5: {  	s31 =	simm.s32 $0x2;
	s2 =	sand.u32 $0x1, s2;
	s6 =	smul.u32 $0x13C00, s13  }
0x6: {  	s5 =	sshll.u32 s13, $0x1;
	[smem:$0x7FF] =	sst s4;
	s21 =	smul.u32 $0xFFFFFEC0, s13  }
0x7: {  	s10 =	sadd.s32 $0x15600, s0;
	s20 =	sshll.u32 s13, $0x6;
	s7 =	smul.u32 $0x13C000, s2  }
0x8: {  	s8 =	sor.u32 s2, s5;
	_ =	strace $0x8000004A;
	s5 =	sadd.s32 $0x1C00, s0  }
0x9: {  	[dreg:$0x4] =	wrdreg s10;
	s11 =	ssub.s32 $0x2, s2;
	s2 =	smul.u32 $0xFFFFFF60, s2  }
0xa: {  	s9 =	smul.u32 $0xFFFFFF60, s8;
	s12 =	sshrl.u32 s11, $0x1;
	s7 =	sadd.s32 s6, s7  }
0xb: {  	s18 =	ssub.s32 s11, s12;
	s6 =	sadd.s32 s6, s3;
	s11 =	sor.u32 $0x1C0D, s20  }
0xc: {  	s2 =	sadd.s32 s2, s21;
	s17 =	sshrl.u32 s7, $0x3;
	p0 =	slt.s32 s9, $0xFFFFED18  }
0xd: {  	s7 =	smul.u32 $0x2800, s8;
	[dreg:$0x5] =	wrdreg s6;
	s14 =	smax.u32 s18, $0x1  }
0xe: {  	s6 =	simm.s32 $0xD;
	[dreg:$0x7] =	wrdreg s11;
	s0 =	sadd.s32 s17, s0  }
0xf: {  	[dreg:$0x10] =	wrdreg s14;
	s19 =	sshrl.u32 s7, $0x3;
	s0 =	sadd.s32 $0x17E00, s0  }
0x10: {  	s9 =	simm.s32 @!p0 $0xFFFFED18;
	s12 =	sadd.s32 s5, s19;
	[dreg:$0xf] =	wrdreg s0  }
0x11: {  	p0 =	slt.s32 s2, $0xFFFFED18;
	s22 =	sadd.s32 $0x9C40, s12;
	[dreg:$0x6] =	wrdreg s12  }
0x12: {  	s14 =	simm.s32 $0x240;
	s23 =	sadd.s32 $0x8, s12;
	[dreg:$0x8] =	wrdreg s22  }
0x13: {  	s8 =	sadd.s32 $0x1388, s9;
	s24 =	sadd.s32 $0x9C48, s12;
	[dreg:$0x9] =	wrdreg s23  }
0x14: {  	s2 =	simm.s32 @!p0 $0xFFFFED18;
	s25 =	sadd.s32 $0x10, s12;
	[dreg:$0xa] =	wrdreg s24  }
0x15: {  	s20 =	sadd.s32 $0x1385, s9;
	s26 =	sadd.s32 $0x9C50, s12;
	[dreg:$0xb] =	wrdreg s25  }
0x16: {  	s21 =	sadd.s32 $0x1384, s9;
	s28 =	sadd.s32 $0x18, s12;
	[dreg:$0xc] =	wrdreg s26  }
0x17: {  	s19 =	sadd.s32 $0x1386, s9;
	s13 =	sadd.s32 $0x9C58, s12;
	[dreg:$0xd] =	wrdreg s28  }
0x18: {  	s2 =	sadd.s32 $0x1388, s2;
	s15 =	sadd.s32 $0x20, s12;
	[dreg:$0xe] =	wrdreg s13  }
0x19: {  	s0 =	simm.s32 $0x4400;
	s16 =	sadd.s32 $0x9C60, s12;
	[dreg:$0x11] =	wrdreg s15  }
0x1a: {  	s17 =	sadd.s32 $0x28, s12;
	s18 =	sadd.s32 $0x9C68, s12;
	[dreg:$0x12] =	wrdreg s16  }
0x1b: {  	s22 =	sadd.s32 $0x1383, s9;
	s24 =	sshrl.u32 s2, $0x3;
	[dreg:$0x13] =	wrdreg s17  }
0x1c: {  	[dreg:$0x14] =	wrdreg s18;
	s23 =	sadd.s32 $0x30, s12;
	s25 =	sadd.s32 $0x9C70, s12  }
0x1d: {  	s26 =	sadd.s32 $0x38, s12;
	s28 =	sadd.s32 $0x9C78, s12;
	s12 =	simm.s32 $0x200  }
0x1e: {  	s13 =	simm.s32 $0x40;
	s15 =	simm.s32 $0x280;
	[dreg:$0x15] =	wrdreg s23  }
0x1f: {  	s16 =	simm.s32 $0x2C0;
	s17 =	simm.s32 $0x300;
	[dreg:$0x16] =	wrdreg s25  }
0x20: {  	s18 =	simm.s32 $0x340;
	s9 =	simm.s32 $0x0;
	[dreg:$0x17] =	wrdreg s26  }
0x21: {  	[dreg:$0x18] =	wrdreg s28;
	s23 =	simm.s32 $0x380;
	s25 =	simm.s32 $0x3C0  }
.LBB2_1:
0x22: {  	[dreg:$0x19] =	wrdreg s9  }
0x23: {  	s2 =	rddreg [dreg:$0x5]  }
0x24: {  	s10 =	rddreg [dreg:$0x4];
	s2 =	sshrl.u32 s2, $0x3  }
0x25: {  	[dreg:$0x1a] =	wrdreg s2  }
0x26: {  	[spmem:s2], [sflag:s11] =	dma.local [hbm:s10], $0x2780  }
0x27: {  	_ =	swait.ge [sflag:s6], $0x2780  }
0x28: {  	[sflag:s6] =	ssyncset.done $0x0  }
0x29: {  	s11 =	rddreg [dreg:$0x6];
	[sflag:s6] =	ssyncadd.s32 $0xFFFFD880  }
0x2a: {  	[tilespmem:s4], [sflag:$0x5] =	stream.linear.gather [hbm4b:s11+s4], $0x40, $0x38;
	[tilespmem:$0x1A000] =	vst v63  }
0x2b: {  	s26 =	rddreg [dreg:$0x8]  }
0x2c: {  	[tilespmem:s12], [sflag:$0x5] =	stream.linear.gather [hbm4b:s26+s4], $0x40, $0x38;
	[tilespmem:$0x1A000] =	vst v63  }
0x2d: {  	s28 =	rddreg [dreg:$0x9]  }
0x2e: {  	[tilespmem:s13], [sflag:$0x6] =	stream.linear.gather [hbm4b:s28+s4], $0x40, $0x38;
	[tilespmem:$0x1A000] =	vst v63  }
0x2f: {  	s6 =	rddreg [dreg:$0xa]  }
0x30: {  	[tilespmem:s14], [sflag:$0x6] =	stream.linear.gather [hbm4b:s6+s4], $0x40, $0x38;
	[tilespmem:$0x1A000] =	vst v63  }
0x31: {  	s10 =	simm.s32 $0x80;
	s9 =	rddreg [dreg:$0xb]  }
0x32: {  	[tilespmem:s10], [sflag:$0x7] =	stream.linear.gather [hbm4b:s9+s4], $0x40, $0x38;
	[tilespmem:$0x1A000] =	vst v63  }
0x33: {  	s11 =	rddreg [dreg:$0xc]  }
0x34: {  	[tilespmem:s15], [sflag:$0x7] =	stream.linear.gather [hbm4b:s11+s4], $0x40, $0x38;
	[tilespmem:$0x1A000] =	vst v63  }
0x35: {  	s26 =	rddreg [dreg:$0xd];
	s28 =	simm.s32 $0xC0  }
0x36: {  	[tilespmem:s28], [sflag:$0x8] =	stream.linear.gather [hbm4b:s26+s4], $0x40, $0x38;
	[tilespmem:$0x1A000] =	vst v63  }
0x37: {  	s6 =	rddreg [dreg:$0xe]  }
0x38: {  	[tilespmem:s16], [sflag:$0x8] =	stream.linear.gather [hbm4b:s6+s4], $0x40, $0x38;
	[tilespmem:$0x1A000] =	vst v63  }
0x39: {  	s9 =	rddreg [dreg:$0x11];
	s10 =	simm.s32 $0x100  }
0x3a: {  	[tilespmem:s10], [sflag:$0x9] =	stream.linear.gather [hbm4b:s9+s4], $0x40, $0x38;
	[tilespmem:$0x1A000] =	vst v63  }
0x3b: {  	s11 =	rddreg [dreg:$0x12]  }
0x3c: {  	[tilespmem:s17], [sflag:$0x9] =	stream.linear.gather [hbm4b:s11+s4], $0x40, $0x38;
	[tilespmem:$0x1A000] =	vst v63  }
0x3d: {  	s26 =	rddreg [dreg:$0x13];
	s28 =	simm.s32 $0x140  }
0x3e: {  	[tilespmem:s28], [sflag:$0xA] =	stream.linear.gather [hbm4b:s26+s4], $0x40, $0x38;
	[tilespmem:$0x1A000] =	vst v63  }
0x3f: {  	s6 =	rddreg [dreg:$0x14]  }
0x40: {  	[tilespmem:s18], [sflag:$0xA] =	stream.linear.gather [hbm4b:s6+s4], $0x40, $0x38;
	[tilespmem:$0x1A000] =	vst v63  }
0x41: {  	s9 =	rddreg [dreg:$0x15];
	s10 =	simm.s32 $0x180  }
0x42: {  	[tilespmem:s10], [sflag:$0xB] =	stream.linear.gather [hbm4b:s9+s4], $0x40, $0x38;
	[tilespmem:$0x1A000] =	vst v63  }
0x43: {  	s11 =	rddreg [dreg:$0x16]  }
0x44: {  	[tilespmem:s23], [sflag:$0xB] =	stream.linear.gather [hbm4b:s11+s4], $0x40, $0x38;
	[tilespmem:$0x1A000] =	vst v63  }
0x45: {  	s26 =	rddreg [dreg:$0x17];
	s28 =	simm.s32 $0x1C0  }
0x46: {  	[tilespmem:s28], [sflag:$0xC] =	stream.linear.gather [hbm4b:s26+s4], $0x40, $0x38;
	[tilespmem:$0x1A000] =	vst v63  }
0x47: {  	s9 =	rddreg [dreg:$0x18]  }
0x48: {  	[tilespmem:s25], [sflag:$0xC] =	stream.linear.gather [hbm4b:s9+s4], $0x40, $0x38;
	[tilespmem:$0x1A000] =	vst v63  }
0x49: {  	s10 =	simm.s32 $0x5;
	[bflag:$0x0] =	sbarrier.arrive $0xFFFF  }
0x4a: {  	_ =	swait.ge [sflag:s10], $0x40  }
0x4b: {  	[sflag:s10] =	ssyncset.done $0x0  }
0x4c: {  	[sflag:s10] =	ssyncadd.s32 $0xFFFFFFC0  }
0x4d: {  	_ =	swait.ge [sflag:s10], $0x40  }
0x4e: {  	[sflag:s10] =	ssyncset.done $0x0  }
0x4f: {  	s11 =	simm.s32 $0x6;
	[sflag:s10] =	ssyncadd.s32 $0xFFFFFFC0  }
0x50: {  	_ =	swait.ge [sflag:s11], $0x40  }
0x51: {  	[sflag:s11] =	ssyncset.done $0x0  }
0x52: {  	[sflag:s11] =	ssyncadd.s32 $0xFFFFFFC0  }
0x53: {  	_ =	swait.ge [sflag:s11], $0x40  }
0x54: {  	[sflag:s11] =	ssyncset.done $0x0  }
0x55: {  	s26 =	simm.s32 $0x400;
	[sflag:s11] =	ssyncadd.s32 $0xFFFFFFC0  }
0x56: {  	[tilespmem:s26], [sflag:$0x1] =	stream.indirect.gather [hbm4b:s1+s13], $0x40, s4, s13, $0xb8;
	[tilespmem:$0x1A000] =	vst v63  }
0x57: {  	s6 =	simm.s32 $0x0;
	s28 =	simm.s32 $0x1400  }
0x58: {  	[tilespmem:s28], [sflag:$0x2] =	stream.indirect.gather [hbm4b:s1+s13], $0x40, s13, s13, $0xb8;
	[tilespmem:$0x1A000] =	vst v63  }
.LBB2_2:
0x59: {  	s11 =	sshll.u32 s6, $0x3  }
0x5a: {  	p0 =	slt.s32 s11, $0x2  }
0x5b: {  	_ =	swait.ge [sflag:s29], $0x1000;
	s2 =	sor.u32 @!p0 $0x6, s11  }
0x5c: {  	[sflag:s29] =	ssyncset.done $0x0;
	p1 =	sge.s32 @!p0 s2, s8  }
0x5d: {  	[sflag:s29] =	ssyncadd.s32 $0xFFFFF000;
	s9 =	simm.s32 @!p0 $0x3;
	p2 =	por p1, p0  }
0x5e: {  	_ =	swait.ge @!p0 [sflag:s9], $0x2000;
	s2 =	sshll.u32 @!p2 s2, $0x6  }
0x5f: {  	[sflag:s9] =	ssyncset.done @!p0 $0x0;
	s2 =	sadd.s32 @!p2 s7, s2  }
0x60: {  	[sflag:s9] =	ssyncadd.s32 @!p0 $0xFFFFE000;
	s2 =	sshrl.u32 @!p2 s2, $0x3  }
0x61: {  	s9 =	simm.s32 @!p2 $0x0;
	s10 =	simm.s32 @!p2 $0x180;
	s2 =	sadd.s32 @!p2 s5, s2  }
0x62: {  	[tilespmem:s10], [sflag:$0xB] =	stream.linear.gather @!p2 [hbm4b:s2+s9], $0x40, $0x38;
	[tilespmem:$0x1A000] =	vst v63  }
0x63: {  	s26 =	simm.s32 $0x480;
	s2 =	sadd.s32 @!p2 $0x9C40, s2;
	s10 =	simm.s32 @!p2 $0x380  }
0x64: {  	[tilespmem:s10], [sflag:$0xB] =	stream.linear.gather @!p2 [hbm4b:s2+s9], $0x40, $0x38;
	[tilespmem:$0x1A000] =	vst v63  }
0x65: {  	v0 =	vld [tilespmem:s26+$0x40];
	_ =	sdelay $0x1  }
0x66: {  	v1 =	vld [tilespmem:s26+$0xFFFFFFC0]  }
0x67: {  	v2 =	vld [tilespmem:s26+$0xFFFFFF80];
	_ =	sdelay $0x1  }
0x68: {  	s9 =	simm.s32 $0x2500;
	v3 =	vshll.u32 v0, $0x10  }
0x69: {  	v4 =	vld [tilespmem:s26+$0x0];
	v0 =	vand.u32 $0xFFFF0000, v0;
	[tilespmem:s9+$0x80] =	vst v3  }
0x6a: {  	v3 =	vshll.u32 v1, $0x10;
	[tilespmem:s9+$0x90] =	vst v0  }
0x6b: {  	v0 =	vshll.u32 v2, $0x10;
	[tilespmem:s9+$0xFFFFFF80] =	vst v3;
	v3 =	vld [tilespmem:s26+$0x50]  }
0x6c: {  	v2 =	vand.u32 $0xFFFF0000, v2;
	[tilespmem:s9+$0xFFFFFF00] =	vst v0  }
0x6d: {  	v0 =	vand.u32 $0xFFFF0000, v1;
	[tilespmem:s9+$0xFFFFFF10] =	vst v2  }
0x6e: {  	v1 =	vshll.u32 v4, $0x10;
	v2 =	vld [tilespmem:s26+$0xFFFFFF90];
	[tilespmem:s9+$0xFFFFFF90] =	vst v0  }
0x6f: {  	v0 =	vand.u32 $0xFFFF0000, v4;
	[tilespmem:s9+$0x0] =	vst v1  }
0x70: {  	v1 =	vld [tilespmem:s26+$0xFFFFFFD0];
	[tilespmem:s9+$0x10] =	vst v0;
	v0 =	vshll.u32 v3, $0x10  }
0x71: {  	v3 =	vand.u32 $0xFFFF0000, v3;
	[tilespmem:s9+$0xA0] =	vst v0  }
0x72: {  	v0 =	vld [tilespmem:s26+$0x10];
	[tilespmem:s9+$0xB0] =	vst v3  }
0x73: {  	v3 =	vshll.u32 v2, $0x10;
	v4 =	vld [tilespmem:s26+$0x60]  }
0x74: {  	v2 =	vand.u32 $0xFFFF0000, v2;
	[tilespmem:s9+$0xFFFFFF20] =	vst v3  }
0x75: {  	v3 =	vshll.u32 v1, $0x10;
	[tilespmem:s9+$0xFFFFFF30] =	vst v2  }
0x76: {  	v1 =	vand.u32 $0xFFFF0000, v1;
	[tilespmem:s9+$0xFFFFFFA0] =	vst v3  }
0x77: {  	v2 =	vld [tilespmem:s26+$0xFFFFFFA0];
	[tilespmem:s9+$0xFFFFFFB0] =	vst v1;
	v3 =	vshll.u32 v0, $0x10  }
0x78: {  	[tilespmem:s9+$0x20] =	vst v3;
	v1 =	vshll.u32 v4, $0x10  }
0x79: {  	v3 =	vld [tilespmem:s26+$0xFFFFFFE0];
	v4 =	vand.u32 $0xFFFF0000, v4;
	[tilespmem:s9+$0xC0] =	vst v1  }
0x7a: {  	v0 =	vand.u32 $0xFFFF0000, v0;
	[tilespmem:s9+$0xD0] =	vst v4  }
0x7b: {  	[tilespmem:s9+$0x30] =	vst v0;
	v0 =	vld [tilespmem:s26+$0x70]  }
0x7c: {  	v1 =	vshll.u32 v2, $0x10  }
0x7d: {  	v4 =	vld [tilespmem:s26+$0x20];
	v2 =	vand.u32 $0xFFFF0000, v2;
	[tilespmem:s9+$0xFFFFFF40] =	vst v1  }
0x7e: {  	[tilespmem:s9+$0xFFFFFF50] =	vst v2;
	v2 =	vand.u32 $0xFFFF0000, v3  }
0x7f: {  	v1 =	vshll.u32 v3, $0x10;
	[tilespmem:s9+$0xFFFFFFD0] =	vst v2;
	v2 =	vld [tilespmem:s26+$0xFFFFFFB0]  }
0x80: {  	[tilespmem:s9+$0xFFFFFFC0] =	vst v1;
	v1 =	vand.u32 $0xFFFF0000, v0  }
0x81: {  	p3 =	por @!p0 $0x0, $0x0;
	p1 =	por !p1, p0;
	p2 =	por @!p2 $0x1, $0x1;
	[tilespmem:s9+$0xF0] =	vst v1;
	v1 =	vld [tilespmem:s26+$0xFFFFFFF0]  }
0x82: {  	s28 =	simm.s32 $0x2500;
	p2 =	por @!p1 p3, p3;
	p1 =	por $0x1, $0x1;
	v5 =	vshll.u32 v4, $0x10  }
0x83: {  	s2 =	simm.s32 $0x0;
	s10 =	simm.s32 $0x580;
	p1 =	por @!p0 p2, p2;
	v3 =	vand.u32 $0xFFFF0000, v4;
	v0 =	vshll.u32 v0, $0x10;
	[tilespmem:s9+$0x40] =	vst v5  }
.LBB2_3:
0x84: {  	v4 =	vld [tilespmem:s10+$0x40];
	v5 =	vshll.u32 v2, $0x10;
	v2 =	vand.u32 $0xFFFF0000, v2;
	[tilespmem:s9+$0x50] =	vst v3  }
0x85: {  	v3 =	vld [tilespmem:s10+$0xFFFFFFC0];
	[tilespmem:s9+$0xFFFFFF60] =	vst v5  }
0x86: {  	v5 =	vld [tilespmem:s10+$0x0];
	[tilespmem:s9+$0xFFFFFF70] =	vst v2;
	v2 =	vshll.u32 v1, $0x10;
	v1 =	vand.u32 $0xFFFF0000, v1  }
0x87: {  	s2 =	sadd.s32 $0x4, s2;
	v6 =	vld [tilespmem:s10+$0xFFFFFF80];
	[tilespmem:s9+$0xFFFFFFE0] =	vst v2  }
0x88: {  	p0 =	slt.u32 s2, $0x3C;
	[tilespmem:s9+$0xFFFFFFF0] =	vst v1;
	v1 =	vld [tilespmem:s26+$0x30];
	s26 =	smov.u32 s10  }
0x89: {  	s9 =	sadd.s32 $0x200, s9;
	v2 =	vshll.u32 v4, $0x10;
	[tilespmem:s28+$0xE0] =	vst v0  }
0x8a: {  	v4 =	vand.u32 $0xFFFF0000, v4;
	v0 =	vshll.u32 v3, $0x10;
	v3 =	vand.u32 $0xFFFF0000, v3;
	[tilespmem:s9+$0x80] =	vst v2  }
0x8b: {  	v2 =	vshll.u32 v5, $0x10;
	v5 =	vand.u32 $0xFFFF0000, v5;
	[tilespmem:s9+$0x90] =	vst v4  }
0x8c: {  	v4 =	vshll.u32 v6, $0x10;
	v6 =	vand.u32 $0xFFFF0000, v6;
	[tilespmem:s9+$0xFFFFFF80] =	vst v0;
	v0 =	vld [tilespmem:s10+$0x50]  }
0x8d: {  	[tilespmem:s9+$0xFFFFFF00] =	vst v4;
	v4 =	vshll.u32 v1, $0x10;
	v7 =	vand.u32 $0xFFFF0000, v1  }
0x8e: {  	[tilespmem:s9+$0xFFFFFF10] =	vst v6  }
0x8f: {  	v1 =	vld [tilespmem:s10+$0xFFFFFF90];
	[tilespmem:s9+$0xFFFFFF90] =	vst v3  }
0x90: {  	v3 =	vld [tilespmem:s10+$0xFFFFFFD0];
	[tilespmem:s9+$0x0] =	vst v2  }
0x91: {  	[tilespmem:s9+$0x10] =	vst v5;
	v2 =	vshll.u32 v0, $0x10  }
0x92: {  	v0 =	vand.u32 $0xFFFF0000, v0;
	v5 =	vld [tilespmem:s10+$0x10];
	[tilespmem:s9+$0xA0] =	vst v2  }
0x93: {  	[tilespmem:s9+$0xB0] =	vst v0  }
0x94: {  	v0 =	vshll.u32 v1, $0x10;
	v1 =	vand.u32 $0xFFFF0000, v1;
	v2 =	vld [tilespmem:s10+$0x60];
	[tilespmem:s28+$0x60] =	vst v4  }
0x95: {  	[tilespmem:s9+$0xFFFFFF20] =	vst v0;
	v0 =	vshll.u32 v3, $0x10;
	v3 =	vand.u32 $0xFFFF0000, v3  }
0x96: {  	[tilespmem:s9+$0xFFFFFF30] =	vst v1  }
0x97: {  	v1 =	vld [tilespmem:s10+$0xFFFFFFA0];
	[tilespmem:s9+$0xFFFFFFA0] =	vst v0;
	v0 =	vshll.u32 v5, $0x10;
	v4 =	vand.u32 $0xFFFF0000, v5  }
0x98: {  	[tilespmem:s9+$0xFFFFFFB0] =	vst v3  }
0x99: {  	v3 =	vld [tilespmem:s10+$0xFFFFFFE0];
	[tilespmem:s9+$0x20] =	vst v0;
	v0 =	vshll.u32 v2, $0x10  }
0x9a: {  	v2 =	vand.u32 $0xFFFF0000, v2;
	[tilespmem:s9+$0xC0] =	vst v0  }
0x9b: {  	[tilespmem:s9+$0xD0] =	vst v2  }
0x9c: {  	v0 =	vshll.u32 v1, $0x10;
	v1 =	vand.u32 $0xFFFF0000, v1;
	[tilespmem:s9+$0x30] =	vst v4;
	v4 =	vld [tilespmem:s10+$0x70]  }
0x9d: {  	[tilespmem:s9+$0xFFFFFF40] =	vst v0;
	v5 =	vld [tilespmem:s10+$0x20]  }
0x9e: {  	[tilespmem:s9+$0xFFFFFF50] =	vst v1;
	v0 =	vshll.u32 v3, $0x10;
	v1 =	vand.u32 $0xFFFF0000, v3  }
.Ltmp0:
0x9f: {  	v2 =	vld [tilespmem:s10+$0xFFFFFFB0];
	[tilespmem:s9+$0xFFFFFFC0] =	vst v0;
	(pc) =	sbr.rel @p0 .LBB2_3-.Ltmp0, $4  }
0xa0: {  	[tilespmem:s9+$0xFFFFFFD0] =	vst v1  }
0xa1: {  	v1 =	vld [tilespmem:s10+$0xFFFFFFF0];
	v0 =	vshll.u32 v4, $0x10;
	v4 =	vand.u32 $0xFFFF0000, v4;
	[tilespmem:s28+$0x70] =	vst v7;
	s28 =	smov.u32 s9  }
0xa2: {  	v6 =	vshll.u32 v5, $0x10;
	v3 =	vand.u32 $0xFFFF0000, v5;
	[tilespmem:s9+$0xF0] =	vst v4  }
0xa3: {  	s10 =	sadd.s32 $0x100, s10;
	[tilespmem:s9+$0x40] =	vst v6  }
0xa4: {  	[tilespmem:s9+$0x50] =	vst v3  }
0xa5: {  	v4 =	vld [tilespmem:s26+$0x30]  }
0xa6: {  	v3 =	vshll.u32 v2, $0x10;
	[tilespmem:s28+$0xE0] =	vst v0  }
0xa7: {  	v2 =	vand.u32 $0xFFFF0000, v2;
	[tilespmem:s9+$0xFFFFFF60] =	vst v3  }
0xa8: {  	[tilespmem:s9+$0xFFFFFF70] =	vst v2;
	v2 =	vshll.u32 v1, $0x10  }
0xa9: {  	v1 =	vand.u32 $0xFFFF0000, v1;
	[tilespmem:s9+$0xFFFFFFE0] =	vst v2  }
0xaa: {  	[tilespmem:s9+$0xFFFFFFF0] =	vst v1;
	v0 =	vshll.u32 v4, $0x10  }
0xab: {  	p0 =	sge.s32 s11, s19;
	v1 =	vand.u32 $0xFFFF0000, v4;
	[tilespmem:s28+$0x60] =	vst v0  }
0xac: {  	s2 =	simm.s32 @!p0 $0x7;
	[tilespmem:s28+$0x70] =	vst v1  }
0xad: {  	_ =	swait.ge @!p0 [sflag:s2], $0x40  }
0xae: {  	[sflag:s2] =	ssyncset.done @!p0 $0x0  }
0xaf: {  	[sflag:s2] =	ssyncadd.s32 @!p0 $0xFFFFFFC0  }
0xb0: {  	_ =	swait.ge @!p0 [sflag:s2], $0x40  }
0xb1: {  	s10 =	simm.s32 @!p0 $0x400;
	[sflag:s2] =	ssyncset.done @!p0 $0x0  }
0xb2: {  	s9 =	simm.s32 @!p0 $0x80;
	[sflag:s2] =	ssyncadd.s32 @!p0 $0xFFFFFFC0;
	s2 =	simm.s32 @!p0 $0x40  }
0xb3: {  	[tilespmem:s10], [sflag:$0x1] =	stream.indirect.gather @!p0 [hbm4b:s1+s2], $0x40, s9, s2, $0xb8;
	[tilespmem:$0x1A000] =	vst v63  }
0xb4: {  	p0 =	slt.s32 s11, $0x1  }
0xb5: {  	s2 =	sor.u32 @!p0 $0x7, s11  }
0xb6: {  	[spmem:s3] =	stream.indirect.scatter.add.f32 [tilespmem:s30], [sflag:$0x3], $0x80, s12, s13, $0xb8;
	[tilespmem:$0x1A000] =	vst v63  }
0xb7: {  	p2 =	sge.s32 @!p0 s2, s8;
	_ =	swait.ge [sflag:s31], $0x1000  }
0xb8: {  	p3 =	por p2, p0;
	[sflag:s31] =	ssyncset.done $0x0  }
0xb9: {  	s9 =	simm.s32 @!p0 $0x4;
	s2 =	sshll.u32 @!p3 s2, $0x6;
	[sflag:s31] =	ssyncadd.s32 $0xFFFFF000  }
0xba: {  	s2 =	sadd.s32 @!p3 s7, s2;
	_ =	swait.ge @!p0 [sflag:s9], $0x2000  }
0xbb: {  	s10 =	simm.s32 @!p3 $0x1C0;
	s2 =	sshrl.u32 @!p3 s2, $0x3;
	[sflag:s9] =	ssyncset.done @!p0 $0x0  }
0xbc: {  	s2 =	sadd.s32 @!p3 s5, s2;
	[sflag:s9] =	ssyncadd.s32 @!p0 $0xFFFFE000;
	s9 =	simm.s32 @!p3 $0x0  }
0xbd: {  	[tilespmem:s10], [sflag:$0xC] =	stream.linear.gather @!p3 [hbm4b:s2+s9], $0x40, $0x38;
	[tilespmem:$0x1A000] =	vst v63  }
0xbe: {  	s26 =	simm.s32 $0x1480;
	s2 =	sadd.s32 @!p3 $0x9C40, s2;
	s10 =	simm.s32 @!p3 $0x3C0  }
0xbf: {  	[tilespmem:s10], [sflag:$0xC] =	stream.linear.gather @!p3 [hbm4b:s2+s9], $0x40, $0x38;
	[tilespmem:$0x1A000] =	vst v63  }
0xc0: {  	v0 =	vld [tilespmem:s26+$0x40];
	_ =	sdelay $0x1  }
0xc1: {  	v1 =	vld [tilespmem:s26+$0xFFFFFFC0]  }
0xc2: {  	v2 =	vld [tilespmem:s26+$0xFFFFFF80];
	_ =	sdelay $0x1  }
0xc3: {  	s9 =	simm.s32 $0x4500;
	v3 =	vshll.u32 v0, $0x10  }
0xc4: {  	v4 =	vld [tilespmem:s26+$0x0];
	v0 =	vand.u32 $0xFFFF0000, v0;
	[tilespmem:s9+$0x80] =	vst v3  }
0xc5: {  	v3 =	vshll.u32 v1, $0x10;
	[tilespmem:s9+$0x90] =	vst v0  }
0xc6: {  	v0 =	vshll.u32 v2, $0x10;
	[tilespmem:s9+$0xFFFFFF80] =	vst v3;
	v3 =	vld [tilespmem:s26+$0x50]  }
0xc7: {  	v2 =	vand.u32 $0xFFFF0000, v2;
	[tilespmem:s9+$0xFFFFFF00] =	vst v0  }
0xc8: {  	v0 =	vand.u32 $0xFFFF0000, v1;
	[tilespmem:s9+$0xFFFFFF10] =	vst v2  }
0xc9: {  	v1 =	vshll.u32 v4, $0x10;
	v2 =	vld [tilespmem:s26+$0xFFFFFF90];
	[tilespmem:s9+$0xFFFFFF90] =	vst v0  }
0xca: {  	v0 =	vand.u32 $0xFFFF0000, v4;
	[tilespmem:s9+$0x0] =	vst v1  }
0xcb: {  	v1 =	vld [tilespmem:s26+$0xFFFFFFD0];
	[tilespmem:s9+$0x10] =	vst v0;
	v0 =	vshll.u32 v3, $0x10  }
0xcc: {  	v3 =	vand.u32 $0xFFFF0000, v3;
	[tilespmem:s9+$0xA0] =	vst v0  }
0xcd: {  	v0 =	vld [tilespmem:s26+$0x10];
	[tilespmem:s9+$0xB0] =	vst v3  }
0xce: {  	v3 =	vshll.u32 v2, $0x10;
	v4 =	vld [tilespmem:s26+$0x60]  }
0xcf: {  	v2 =	vand.u32 $0xFFFF0000, v2;
	[tilespmem:s9+$0xFFFFFF20] =	vst v3  }
0xd0: {  	v3 =	vshll.u32 v1, $0x10;
	[tilespmem:s9+$0xFFFFFF30] =	vst v2  }
0xd1: {  	v1 =	vand.u32 $0xFFFF0000, v1;
	[tilespmem:s9+$0xFFFFFFA0] =	vst v3  }
0xd2: {  	v2 =	vld [tilespmem:s26+$0xFFFFFFA0];
	[tilespmem:s9+$0xFFFFFFB0] =	vst v1;
	v3 =	vshll.u32 v0, $0x10  }
0xd3: {  	[tilespmem:s9+$0x20] =	vst v3;
	v1 =	vshll.u32 v4, $0x10  }
0xd4: {  	v3 =	vld [tilespmem:s26+$0xFFFFFFE0];
	v4 =	vand.u32 $0xFFFF0000, v4;
	[tilespmem:s9+$0xC0] =	vst v1  }
0xd5: {  	v0 =	vand.u32 $0xFFFF0000, v0;
	[tilespmem:s9+$0xD0] =	vst v4  }
0xd6: {  	[tilespmem:s9+$0x30] =	vst v0;
	v0 =	vld [tilespmem:s26+$0x70]  }
0xd7: {  	v1 =	vshll.u32 v2, $0x10  }
0xd8: {  	v4 =	vld [tilespmem:s26+$0x20];
	v2 =	vand.u32 $0xFFFF0000, v2;
	[tilespmem:s9+$0xFFFFFF40] =	vst v1  }
0xd9: {  	[tilespmem:s9+$0xFFFFFF50] =	vst v2;
	v2 =	vand.u32 $0xFFFF0000, v3  }
0xda: {  	v1 =	vshll.u32 v3, $0x10;
	[tilespmem:s9+$0xFFFFFFD0] =	vst v2;
	v2 =	vld [tilespmem:s26+$0xFFFFFFB0]  }
0xdb: {  	[tilespmem:s9+$0xFFFFFFC0] =	vst v1;
	v1 =	vand.u32 $0xFFFF0000, v0  }
0xdc: {  	p4 =	por @!p0 $0x0, $0x0;
	p2 =	por !p2, p0;
	p3 =	por @!p3 $0x1, $0x1;
	[tilespmem:s9+$0xF0] =	vst v1;
	v1 =	vld [tilespmem:s26+$0xFFFFFFF0]  }
0xdd: {  	s28 =	simm.s32 $0x4500;
	p3 =	por @!p2 p4, p4;
	p2 =	por $0x1, $0x1;
	v5 =	vshll.u32 v4, $0x10  }
0xde: {  	s2 =	simm.s32 $0x0;
	s10 =	simm.s32 $0x1580;
	p2 =	por @!p0 p3, p3;
	v3 =	vand.u32 $0xFFFF0000, v4;
	v0 =	vshll.u32 v0, $0x10;
	[tilespmem:s9+$0x40] =	vst v5  }
.LBB2_5:
0xdf: {  	v4 =	vld [tilespmem:s10+$0x40];
	v5 =	vshll.u32 v2, $0x10;
	v2 =	vand.u32 $0xFFFF0000, v2;
	[tilespmem:s9+$0x50] =	vst v3  }
0xe0: {  	v3 =	vld [tilespmem:s10+$0xFFFFFFC0];
	[tilespmem:s9+$0xFFFFFF60] =	vst v5  }
0xe1: {  	v5 =	vld [tilespmem:s10+$0x0];
	[tilespmem:s9+$0xFFFFFF70] =	vst v2;
	v2 =	vshll.u32 v1, $0x10;
	v1 =	vand.u32 $0xFFFF0000, v1  }
0xe2: {  	s2 =	sadd.s32 $0x4, s2;
	v6 =	vld [tilespmem:s10+$0xFFFFFF80];
	[tilespmem:s9+$0xFFFFFFE0] =	vst v2  }
0xe3: {  	p0 =	slt.u32 s2, $0x3C;
	[tilespmem:s9+$0xFFFFFFF0] =	vst v1;
	v1 =	vld [tilespmem:s26+$0x30];
	s26 =	smov.u32 s10  }
0xe4: {  	s9 =	sadd.s32 $0x200, s9;
	v2 =	vshll.u32 v4, $0x10;
	[tilespmem:s28+$0xE0] =	vst v0  }
0xe5: {  	v4 =	vand.u32 $0xFFFF0000, v4;
	v0 =	vshll.u32 v3, $0x10;
	v3 =	vand.u32 $0xFFFF0000, v3;
	[tilespmem:s9+$0x80] =	vst v2  }
0xe6: {  	v2 =	vshll.u32 v5, $0x10;
	v5 =	vand.u32 $0xFFFF0000, v5;
	[tilespmem:s9+$0x90] =	vst v4  }
0xe7: {  	v4 =	vshll.u32 v6, $0x10;
	v6 =	vand.u32 $0xFFFF0000, v6;
	[tilespmem:s9+$0xFFFFFF80] =	vst v0;
	v0 =	vld [tilespmem:s10+$0x50]  }
0xe8: {  	[tilespmem:s9+$0xFFFFFF00] =	vst v4;
	v4 =	vshll.u32 v1, $0x10;
	v7 =	vand.u32 $0xFFFF0000, v1  }
0xe9: {  	[tilespmem:s9+$0xFFFFFF10] =	vst v6  }
0xea: {  	v1 =	vld [tilespmem:s10+$0xFFFFFF90];
	[tilespmem:s9+$0xFFFFFF90] =	vst v3  }
0xeb: {  	v3 =	vld [tilespmem:s10+$0xFFFFFFD0];
	[tilespmem:s9+$0x0] =	vst v2  }
0xec: {  	[tilespmem:s9+$0x10] =	vst v5;
	v2 =	vshll.u32 v0, $0x10  }
0xed: {  	v0 =	vand.u32 $0xFFFF0000, v0;
	v5 =	vld [tilespmem:s10+$0x10];
	[tilespmem:s9+$0xA0] =	vst v2  }
0xee: {  	[tilespmem:s9+$0xB0] =	vst v0  }
0xef: {  	v0 =	vshll.u32 v1, $0x10;
	v1 =	vand.u32 $0xFFFF0000, v1;
	v2 =	vld [tilespmem:s10+$0x60];
	[tilespmem:s28+$0x60] =	vst v4  }
0xf0: {  	[tilespmem:s9+$0xFFFFFF20] =	vst v0;
	v0 =	vshll.u32 v3, $0x10;
	v3 =	vand.u32 $0xFFFF0000, v3  }
0xf1: {  	[tilespmem:s9+$0xFFFFFF30] =	vst v1  }
0xf2: {  	v1 =	vld [tilespmem:s10+$0xFFFFFFA0];
	[tilespmem:s9+$0xFFFFFFA0] =	vst v0;
	v0 =	vshll.u32 v5, $0x10;
	v4 =	vand.u32 $0xFFFF0000, v5  }
0xf3: {  	[tilespmem:s9+$0xFFFFFFB0] =	vst v3  }
0xf4: {  	v3 =	vld [tilespmem:s10+$0xFFFFFFE0];
	[tilespmem:s9+$0x20] =	vst v0;
	v0 =	vshll.u32 v2, $0x10  }
0xf5: {  	v2 =	vand.u32 $0xFFFF0000, v2;
	[tilespmem:s9+$0xC0] =	vst v0  }
0xf6: {  	[tilespmem:s9+$0xD0] =	vst v2  }
0xf7: {  	v0 =	vshll.u32 v1, $0x10;
	v1 =	vand.u32 $0xFFFF0000, v1;
	[tilespmem:s9+$0x30] =	vst v4;
	v4 =	vld [tilespmem:s10+$0x70]  }
0xf8: {  	[tilespmem:s9+$0xFFFFFF40] =	vst v0;
	v5 =	vld [tilespmem:s10+$0x20]  }
0xf9: {  	[tilespmem:s9+$0xFFFFFF50] =	vst v1;
	v0 =	vshll.u32 v3, $0x10;
	v1 =	vand.u32 $0xFFFF0000, v3  }
.Ltmp1:
0xfa: {  	v2 =	vld [tilespmem:s10+$0xFFFFFFB0];
	[tilespmem:s9+$0xFFFFFFC0] =	vst v0;
	(pc) =	sbr.rel @p0 .LBB2_5-.Ltmp1, $4  }
0xfb: {  	[tilespmem:s9+$0xFFFFFFD0] =	vst v1  }
0xfc: {  	v1 =	vld [tilespmem:s10+$0xFFFFFFF0];
	v0 =	vshll.u32 v4, $0x10;
	v4 =	vand.u32 $0xFFFF0000, v4;
	[tilespmem:s28+$0x70] =	vst v7;
	s28 =	smov.u32 s9  }
0xfd: {  	v6 =	vshll.u32 v5, $0x10;
	v3 =	vand.u32 $0xFFFF0000, v5;
	[tilespmem:s9+$0xF0] =	vst v4  }
0xfe: {  	s10 =	sadd.s32 $0x100, s10;
	[tilespmem:s9+$0x40] =	vst v6  }
0xff: {  	[tilespmem:s9+$0x50] =	vst v3  }
0x100: {  	v4 =	vld [tilespmem:s26+$0x30]  }
0x101: {  	v3 =	vshll.u32 v2, $0x10;
	[tilespmem:s28+$0xE0] =	vst v0  }
0x102: {  	v2 =	vand.u32 $0xFFFF0000, v2;
	[tilespmem:s9+$0xFFFFFF60] =	vst v3  }
0x103: {  	[tilespmem:s9+$0xFFFFFF70] =	vst v2;
	v2 =	vshll.u32 v1, $0x10  }
0x104: {  	v1 =	vand.u32 $0xFFFF0000, v1;
	[tilespmem:s9+$0xFFFFFFE0] =	vst v2  }
0x105: {  	[tilespmem:s9+$0xFFFFFFF0] =	vst v1;
	v0 =	vshll.u32 v4, $0x10  }
0x106: {  	p0 =	sge.s32 s11, s20;
	v1 =	vand.u32 $0xFFFF0000, v4;
	[tilespmem:s28+$0x60] =	vst v0  }
0x107: {  	s2 =	simm.s32 @!p0 $0x8;
	[tilespmem:s28+$0x70] =	vst v1  }
0x108: {  	_ =	swait.ge @!p0 [sflag:s2], $0x40  }
0x109: {  	[sflag:s2] =	ssyncset.done @!p0 $0x0  }
0x10a: {  	[sflag:s2] =	ssyncadd.s32 @!p0 $0xFFFFFFC0  }
0x10b: {  	_ =	swait.ge @!p0 [sflag:s2], $0x40  }
0x10c: {  	s10 =	simm.s32 @!p0 $0x1400;
	[sflag:s2] =	ssyncset.done @!p0 $0x0  }
0x10d: {  	s9 =	simm.s32 @!p0 $0xC0;
	[sflag:s2] =	ssyncadd.s32 @!p0 $0xFFFFFFC0;
	s2 =	simm.s32 @!p0 $0x40  }
0x10e: {  	[tilespmem:s10], [sflag:$0x2] =	stream.indirect.gather @!p0 [hbm4b:s1+s2], $0x40, s9, s2, $0xb8;
	[tilespmem:$0x1A000] =	vst v63  }
0x10f: {  	p0 =	slt.s32 s11, $0x0  }
0x110: {  	s2 =	sadd.s32 @!p0 $0x8, s11  }
0x111: {  	[spmem:s3] =	stream.indirect.scatter.add.f32 [tilespmem:s0], [sflag:$0x4], $0x80, s14, s13, $0xb8;
	[tilespmem:$0x1A000] =	vst v63  }
0x112: {  	p3 =	sge.s32 @!p0 s2, s8  }
0x113: {  	_ =	swait.ge [sflag:s29], $0x1000;
	p4 =	por p3, p0  }
0x114: {  	[sflag:s29] =	ssyncset.done $0x0;
	s2 =	sshll.u32 @!p4 s2, $0x6  }
0x115: {  	s9 =	simm.s32 @!p0 $0x3;
	[sflag:s29] =	ssyncadd.s32 $0xFFFFF000;
	s2 =	sadd.s32 @!p4 s7, s2  }
0x116: {  	_ =	swait.ge @!p0 [sflag:s9], $0x2000;
	s10 =	sshrl.u32 @!p4 s2, $0x3;
	s2 =	sadd.s32 @!p4 $0x4E200, s2  }
0x117: {  	[sflag:s9] =	ssyncset.done @!p0 $0x0;
	s2 =	sshrl.u32 @!p4 s2, $0x3  }
0x118: {  	[sflag:s9] =	ssyncadd.s32 @!p0 $0xFFFFE000;
	s9 =	sadd.s32 @!p4 s5, s10;
	s10 =	simm.s32 @!p4 $0x0  }
0x119: {  	[tilespmem:s10], [sflag:$0x5] =	stream.linear.gather @!p4 [hbm4b:s9+s10], $0x40, $0x38;
	[tilespmem:$0x1A000] =	vst v63  }
0x11a: {  	s26 =	simm.s32 $0x480;
	s2 =	sadd.s32 @!p4 s5, s2;
	s9 =	simm.s32 @!p4 $0x200  }
0x11b: {  	[tilespmem:s9], [sflag:$0x5] =	stream.linear.gather @!p4 [hbm4b:s2+s10], $0x40, $0x38;
	[tilespmem:$0x1A000] =	vst v63  }
0x11c: {  	v0 =	vld [tilespmem:s26+$0x40];
	_ =	sdelay $0x1  }
0x11d: {  	v1 =	vld [tilespmem:s26+$0xFFFFFFC0]  }
0x11e: {  	v2 =	vld [tilespmem:s26+$0xFFFFFF80];
	_ =	sdelay $0x1  }
0x11f: {  	s9 =	simm.s32 $0x2500;
	v3 =	vshll.u32 v0, $0x10  }
0x120: {  	v4 =	vld [tilespmem:s26+$0x0];
	v0 =	vand.u32 $0xFFFF0000, v0;
	[tilespmem:s9+$0x80] =	vst v3  }
0x121: {  	v3 =	vshll.u32 v1, $0x10;
	[tilespmem:s9+$0x90] =	vst v0  }
0x122: {  	v0 =	vshll.u32 v2, $0x10;
	[tilespmem:s9+$0xFFFFFF80] =	vst v3;
	v3 =	vld [tilespmem:s26+$0x50]  }
0x123: {  	v2 =	vand.u32 $0xFFFF0000, v2;
	[tilespmem:s9+$0xFFFFFF00] =	vst v0  }
0x124: {  	v0 =	vand.u32 $0xFFFF0000, v1;
	[tilespmem:s9+$0xFFFFFF10] =	vst v2  }
0x125: {  	v1 =	vshll.u32 v4, $0x10;
	v2 =	vld [tilespmem:s26+$0xFFFFFF90];
	[tilespmem:s9+$0xFFFFFF90] =	vst v0  }
0x126: {  	v0 =	vand.u32 $0xFFFF0000, v4;
	[tilespmem:s9+$0x0] =	vst v1  }
0x127: {  	v1 =	vld [tilespmem:s26+$0xFFFFFFD0];
	[tilespmem:s9+$0x10] =	vst v0;
	v0 =	vshll.u32 v3, $0x10  }
0x128: {  	v3 =	vand.u32 $0xFFFF0000, v3;
	[tilespmem:s9+$0xA0] =	vst v0  }
0x129: {  	v0 =	vld [tilespmem:s26+$0x10];
	[tilespmem:s9+$0xB0] =	vst v3  }
0x12a: {  	v3 =	vshll.u32 v2, $0x10;
	v4 =	vld [tilespmem:s26+$0x60]  }
0x12b: {  	v2 =	vand.u32 $0xFFFF0000, v2;
	[tilespmem:s9+$0xFFFFFF20] =	vst v3  }
0x12c: {  	v3 =	vshll.u32 v1, $0x10;
	[tilespmem:s9+$0xFFFFFF30] =	vst v2  }
0x12d: {  	v1 =	vand.u32 $0xFFFF0000, v1;
	[tilespmem:s9+$0xFFFFFFA0] =	vst v3  }
0x12e: {  	v2 =	vld [tilespmem:s26+$0xFFFFFFA0];
	[tilespmem:s9+$0xFFFFFFB0] =	vst v1;
	v3 =	vshll.u32 v0, $0x10  }
0x12f: {  	[tilespmem:s9+$0x20] =	vst v3;
	v1 =	vshll.u32 v4, $0x10  }
0x130: {  	v3 =	vld [tilespmem:s26+$0xFFFFFFE0];
	v4 =	vand.u32 $0xFFFF0000, v4;
	[tilespmem:s9+$0xC0] =	vst v1  }
0x131: {  	v0 =	vand.u32 $0xFFFF0000, v0;
	[tilespmem:s9+$0xD0] =	vst v4  }
0x132: {  	[tilespmem:s9+$0x30] =	vst v0;
	v0 =	vld [tilespmem:s26+$0x70]  }
0x133: {  	v1 =	vshll.u32 v2, $0x10  }
0x134: {  	v4 =	vld [tilespmem:s26+$0x20];
	v2 =	vand.u32 $0xFFFF0000, v2;
	[tilespmem:s9+$0xFFFFFF40] =	vst v1  }
0x135: {  	[tilespmem:s9+$0xFFFFFF50] =	vst v2;
	v2 =	vand.u32 $0xFFFF0000, v3  }
0x136: {  	v1 =	vshll.u32 v3, $0x10;
	[tilespmem:s9+$0xFFFFFFD0] =	vst v2;
	v2 =	vld [tilespmem:s26+$0xFFFFFFB0]  }
0x137: {  	[tilespmem:s9+$0xFFFFFFC0] =	vst v1;
	v1 =	vand.u32 $0xFFFF0000, v0  }
0x138: {  	p5 =	por @!p0 $0x0, $0x0;
	p3 =	por !p3, p0;
	p4 =	por @!p4 $0x1, $0x1;
	[tilespmem:s9+$0xF0] =	vst v1;
	v1 =	vld [tilespmem:s26+$0xFFFFFFF0]  }
0x139: {  	s28 =	simm.s32 $0x2500;
	p4 =	por @!p3 p5, p5;
	p3 =	por $0x1, $0x1;
	v5 =	vshll.u32 v4, $0x10  }
0x13a: {  	s2 =	simm.s32 $0x0;
	s10 =	simm.s32 $0x580;
	p3 =	por @!p0 p4, p4;
	v3 =	vand.u32 $0xFFFF0000, v4;
	v0 =	vshll.u32 v0, $0x10;
	[tilespmem:s9+$0x40] =	vst v5  }
.LBB2_7:
0x13b: {  	v4 =	vld [tilespmem:s10+$0x40];
	v5 =	vshll.u32 v2, $0x10;
	v2 =	vand.u32 $0xFFFF0000, v2;
	[tilespmem:s9+$0x50] =	vst v3  }
0x13c: {  	v3 =	vld [tilespmem:s10+$0xFFFFFFC0];
	[tilespmem:s9+$0xFFFFFF60] =	vst v5  }
0x13d: {  	v5 =	vld [tilespmem:s10+$0x0];
	[tilespmem:s9+$0xFFFFFF70] =	vst v2;
	v2 =	vshll.u32 v1, $0x10;
	v1 =	vand.u32 $0xFFFF0000, v1  }
0x13e: {  	s2 =	sadd.s32 $0x4, s2;
	v6 =	vld [tilespmem:s10+$0xFFFFFF80];
	[tilespmem:s9+$0xFFFFFFE0] =	vst v2  }
0x13f: {  	p4 =	slt.u32 s2, $0x3C;
	[tilespmem:s9+$0xFFFFFFF0] =	vst v1;
	v1 =	vld [tilespmem:s26+$0x30];
	s26 =	smov.u32 s10  }
0x140: {  	s9 =	sadd.s32 $0x200, s9;
	v2 =	vshll.u32 v4, $0x10;
	[tilespmem:s28+$0xE0] =	vst v0  }
0x141: {  	v4 =	vand.u32 $0xFFFF0000, v4;
	v0 =	vshll.u32 v3, $0x10;
	v3 =	vand.u32 $0xFFFF0000, v3;
	[tilespmem:s9+$0x80] =	vst v2  }
0x142: {  	v2 =	vshll.u32 v5, $0x10;
	v5 =	vand.u32 $0xFFFF0000, v5;
	[tilespmem:s9+$0x90] =	vst v4  }
0x143: {  	v4 =	vshll.u32 v6, $0x10;
	v6 =	vand.u32 $0xFFFF0000, v6;
	[tilespmem:s9+$0xFFFFFF80] =	vst v0;
	v0 =	vld [tilespmem:s10+$0x50]  }
0x144: {  	[tilespmem:s9+$0xFFFFFF00] =	vst v4;
	v4 =	vshll.u32 v1, $0x10;
	v7 =	vand.u32 $0xFFFF0000, v1  }
0x145: {  	[tilespmem:s9+$0xFFFFFF10] =	vst v6  }
0x146: {  	v1 =	vld [tilespmem:s10+$0xFFFFFF90];
	[tilespmem:s9+$0xFFFFFF90] =	vst v3  }
0x147: {  	v3 =	vld [tilespmem:s10+$0xFFFFFFD0];
	[tilespmem:s9+$0x0] =	vst v2  }
0x148: {  	[tilespmem:s9+$0x10] =	vst v5;
	v2 =	vshll.u32 v0, $0x10  }
0x149: {  	v0 =	vand.u32 $0xFFFF0000, v0;
	v5 =	vld [tilespmem:s10+$0x10];
	[tilespmem:s9+$0xA0] =	vst v2  }
0x14a: {  	[tilespmem:s9+$0xB0] =	vst v0  }
0x14b: {  	v0 =	vshll.u32 v1, $0x10;
	v1 =	vand.u32 $0xFFFF0000, v1;
	v2 =	vld [tilespmem:s10+$0x60];
	[tilespmem:s28+$0x60] =	vst v4  }
0x14c: {  	[tilespmem:s9+$0xFFFFFF20] =	vst v0;
	v0 =	vshll.u32 v3, $0x10;
	v3 =	vand.u32 $0xFFFF0000, v3  }
0x14d: {  	[tilespmem:s9+$0xFFFFFF30] =	vst v1  }
0x14e: {  	v1 =	vld [tilespmem:s10+$0xFFFFFFA0];
	[tilespmem:s9+$0xFFFFFFA0] =	vst v0;
	v0 =	vshll.u32 v5, $0x10;
	v4 =	vand.u32 $0xFFFF0000, v5  }
0x14f: {  	[tilespmem:s9+$0xFFFFFFB0] =	vst v3  }
0x150: {  	v3 =	vld [tilespmem:s10+$0xFFFFFFE0];
	[tilespmem:s9+$0x20] =	vst v0;
	v0 =	vshll.u32 v2, $0x10  }
0x151: {  	v2 =	vand.u32 $0xFFFF0000, v2;
	[tilespmem:s9+$0xC0] =	vst v0  }
0x152: {  	[tilespmem:s9+$0xD0] =	vst v2  }
0x153: {  	v0 =	vshll.u32 v1, $0x10;
	v1 =	vand.u32 $0xFFFF0000, v1;
	[tilespmem:s9+$0x30] =	vst v4;
	v4 =	vld [tilespmem:s10+$0x70]  }
0x154: {  	[tilespmem:s9+$0xFFFFFF40] =	vst v0;
	v5 =	vld [tilespmem:s10+$0x20]  }
0x155: {  	[tilespmem:s9+$0xFFFFFF50] =	vst v1;
	v0 =	vshll.u32 v3, $0x10;
	v1 =	vand.u32 $0xFFFF0000, v3  }
.Ltmp2:
0x156: {  	v2 =	vld [tilespmem:s10+$0xFFFFFFB0];
	[tilespmem:s9+$0xFFFFFFC0] =	vst v0;
	(pc) =	sbr.rel @p4 .LBB2_7-.Ltmp2, $4  }
0x157: {  	[tilespmem:s9+$0xFFFFFFD0] =	vst v1  }
0x158: {  	v1 =	vld [tilespmem:s10+$0xFFFFFFF0];
	v0 =	vshll.u32 v4, $0x10;
	v4 =	vand.u32 $0xFFFF0000, v4;
	[tilespmem:s28+$0x70] =	vst v7;
	s28 =	smov.u32 s9  }
0x159: {  	v6 =	vshll.u32 v5, $0x10;
	v3 =	vand.u32 $0xFFFF0000, v5;
	[tilespmem:s9+$0xF0] =	vst v4  }
0x15a: {  	s10 =	sadd.s32 $0x100, s10;
	[tilespmem:s9+$0x40] =	vst v6  }
0x15b: {  	[tilespmem:s9+$0x50] =	vst v3  }
0x15c: {  	v4 =	vld [tilespmem:s26+$0x30]  }
0x15d: {  	v3 =	vshll.u32 v2, $0x10;
	[tilespmem:s28+$0xE0] =	vst v0  }
0x15e: {  	v2 =	vand.u32 $0xFFFF0000, v2;
	[tilespmem:s9+$0xFFFFFF60] =	vst v3  }
0x15f: {  	[tilespmem:s9+$0xFFFFFF70] =	vst v2;
	v2 =	vshll.u32 v1, $0x10  }
0x160: {  	v1 =	vand.u32 $0xFFFF0000, v1;
	[tilespmem:s9+$0xFFFFFFE0] =	vst v2  }
0x161: {  	[tilespmem:s9+$0xFFFFFFF0] =	vst v1;
	v0 =	vshll.u32 v4, $0x10  }
0x162: {  	p4 =	sge.s32 s11, s21;
	v1 =	vand.u32 $0xFFFF0000, v4;
	[tilespmem:s28+$0x60] =	vst v0  }
0x163: {  	s2 =	simm.s32 @!p4 $0x9;
	[tilespmem:s28+$0x70] =	vst v1  }
0x164: {  	_ =	swait.ge @!p4 [sflag:s2], $0x40  }
0x165: {  	[sflag:s2] =	ssyncset.done @!p4 $0x0  }
0x166: {  	[sflag:s2] =	ssyncadd.s32 @!p4 $0xFFFFFFC0  }
0x167: {  	_ =	swait.ge @!p4 [sflag:s2], $0x40  }
0x168: {  	s10 =	simm.s32 @!p4 $0x400;
	[sflag:s2] =	ssyncset.done @!p4 $0x0  }
0x169: {  	s9 =	simm.s32 @!p4 $0x100;
	[sflag:s2] =	ssyncadd.s32 @!p4 $0xFFFFFFC0;
	s2 =	simm.s32 @!p4 $0x40  }
0x16a: {  	[tilespmem:s10], [sflag:$0x1] =	stream.indirect.gather @!p4 [hbm4b:s1+s2], $0x40, s9, s2, $0xb8;
	[tilespmem:$0x1A000] =	vst v63  }
0x16b: {  	_ = 	snop  }
0x16c: {  	[spmem:s3] =	stream.indirect.scatter.add.f32 [tilespmem:s30], [sflag:$0x3], $0x80, s15, s13, $0xb8;
	[tilespmem:$0x1A000] =	vst v63  }
0x16d: {  	s2 =	sadd.s32 @!p0 $0x9, s11;
	_ =	swait.ge [sflag:s31], $0x1000  }
0x16e: {  	p4 =	sge.s32 @!p0 s2, s8;
	[sflag:s31] =	ssyncset.done $0x0  }
0x16f: {  	s9 =	simm.s32 @!p0 $0x4;
	p5 =	por p4, p0;
	[sflag:s31] =	ssyncadd.s32 $0xFFFFF000  }
0x170: {  	s2 =	sshll.u32 @!p5 s2, $0x6;
	_ =	swait.ge @!p0 [sflag:s9], $0x2000  }
0x171: {  	s10 =	simm.s32 @!p5 $0x0;
	s2 =	sadd.s32 @!p5 s7, s2;
	[sflag:s9] =	ssyncset.done @!p0 $0x0  }
0x172: {  	[sflag:s9] =	ssyncadd.s32 @!p0 $0xFFFFE000;
	s9 =	sshrl.u32 @!p5 s2, $0x3;
	s2 =	sadd.s32 @!p5 $0x4E200, s2  }
0x173: {  	s26 =	simm.s32 @!p5 $0x40;
	s9 =	sadd.s32 @!p5 s5, s9;
	s2 =	sshrl.u32 @!p5 s2, $0x3  }
0x174: {  	[tilespmem:s26], [sflag:$0x6] =	stream.linear.gather @!p5 [hbm4b:s9+s10], $0x40, $0x38;
	[tilespmem:$0x1A000] =	vst v63  }
0x175: {  	s2 =	sadd.s32 @!p5 s5, s2;
	s9 =	simm.s32 @!p5 $0x240;
	s26 =	simm.s32 $0x1480  }
0x176: {  	[tilespmem:s9], [sflag:$0x6] =	stream.linear.gather @!p5 [hbm4b:s2+s10], $0x40, $0x38;
	[tilespmem:$0x1A000] =	vst v63  }
0x177: {  	v0 =	vld [tilespmem:s26+$0x40];
	_ =	sdelay $0x1  }
0x178: {  	v1 =	vld [tilespmem:s26+$0xFFFFFFC0]  }
0x179: {  	v2 =	vld [tilespmem:s26+$0xFFFFFF80];
	_ =	sdelay $0x1  }
0x17a: {  	s9 =	simm.s32 $0x4500;
	v3 =	vshll.u32 v0, $0x10  }
0x17b: {  	v4 =	vld [tilespmem:s26+$0x0];
	v0 =	vand.u32 $0xFFFF0000, v0;
	[tilespmem:s9+$0x80] =	vst v3  }
0x17c: {  	v3 =	vshll.u32 v1, $0x10;
	[tilespmem:s9+$0x90] =	vst v0  }
0x17d: {  	v0 =	vshll.u32 v2, $0x10;
	[tilespmem:s9+$0xFFFFFF80] =	vst v3;
	v3 =	vld [tilespmem:s26+$0x50]  }
0x17e: {  	v2 =	vand.u32 $0xFFFF0000, v2;
	[tilespmem:s9+$0xFFFFFF00] =	vst v0  }
0x17f: {  	v0 =	vand.u32 $0xFFFF0000, v1;
	[tilespmem:s9+$0xFFFFFF10] =	vst v2  }
0x180: {  	v1 =	vshll.u32 v4, $0x10;
	v2 =	vld [tilespmem:s26+$0xFFFFFF90];
	[tilespmem:s9+$0xFFFFFF90] =	vst v0  }
0x181: {  	v0 =	vand.u32 $0xFFFF0000, v4;
	[tilespmem:s9+$0x0] =	vst v1  }
0x182: {  	v1 =	vld [tilespmem:s26+$0xFFFFFFD0];
	[tilespmem:s9+$0x10] =	vst v0;
	v0 =	vshll.u32 v3, $0x10  }
0x183: {  	v3 =	vand.u32 $0xFFFF0000, v3;
	[tilespmem:s9+$0xA0] =	vst v0  }
0x184: {  	v0 =	vld [tilespmem:s26+$0x10];
	[tilespmem:s9+$0xB0] =	vst v3  }
0x185: {  	v3 =	vshll.u32 v2, $0x10;
	v4 =	vld [tilespmem:s26+$0x60]  }
0x186: {  	v2 =	vand.u32 $0xFFFF0000, v2;
	[tilespmem:s9+$0xFFFFFF20] =	vst v3  }
0x187: {  	v3 =	vshll.u32 v1, $0x10;
	[tilespmem:s9+$0xFFFFFF30] =	vst v2  }
0x188: {  	v1 =	vand.u32 $0xFFFF0000, v1;
	[tilespmem:s9+$0xFFFFFFA0] =	vst v3  }
0x189: {  	v2 =	vld [tilespmem:s26+$0xFFFFFFA0];
	[tilespmem:s9+$0xFFFFFFB0] =	vst v1;
	v3 =	vshll.u32 v0, $0x10  }
0x18a: {  	[tilespmem:s9+$0x20] =	vst v3;
	v1 =	vshll.u32 v4, $0x10  }
0x18b: {  	v3 =	vld [tilespmem:s26+$0xFFFFFFE0];
	v4 =	vand.u32 $0xFFFF0000, v4;
	[tilespmem:s9+$0xC0] =	vst v1  }
0x18c: {  	v0 =	vand.u32 $0xFFFF0000, v0;
	[tilespmem:s9+$0xD0] =	vst v4  }
0x18d: {  	[tilespmem:s9+$0x30] =	vst v0;
	v0 =	vld [tilespmem:s26+$0x70]  }
0x18e: {  	v1 =	vshll.u32 v2, $0x10  }
0x18f: {  	v4 =	vld [tilespmem:s26+$0x20];
	v2 =	vand.u32 $0xFFFF0000, v2;
	[tilespmem:s9+$0xFFFFFF40] =	vst v1  }
0x190: {  	[tilespmem:s9+$0xFFFFFF50] =	vst v2;
	v2 =	vand.u32 $0xFFFF0000, v3  }
0x191: {  	v1 =	vshll.u32 v3, $0x10;
	[tilespmem:s9+$0xFFFFFFD0] =	vst v2;
	v2 =	vld [tilespmem:s26+$0xFFFFFFB0]  }
0x192: {  	[tilespmem:s9+$0xFFFFFFC0] =	vst v1;
	v1 =	vand.u32 $0xFFFF0000, v0  }
0x193: {  	p6 =	por @!p0 $0x0, $0x0;
	p4 =	por !p4, p0;
	p5 =	por @!p5 $0x1, $0x1;
	[tilespmem:s9+$0xF0] =	vst v1;
	v1 =	vld [tilespmem:s26+$0xFFFFFFF0]  }
0x194: {  	s28 =	simm.s32 $0x4500;
	p5 =	por @!p4 p6, p6;
	p4 =	por $0x1, $0x1;
	v5 =	vshll.u32 v4, $0x10  }
0x195: {  	s2 =	simm.s32 $0x0;
	s10 =	simm.s32 $0x1580;
	p4 =	por @!p0 p5, p5;
	v3 =	vand.u32 $0xFFFF0000, v4;
	v0 =	vshll.u32 v0, $0x10;
	[tilespmem:s9+$0x40] =	vst v5  }
.LBB2_9:
0x196: {  	v4 =	vld [tilespmem:s10+$0x40];
	v5 =	vshll.u32 v2, $0x10;
	v2 =	vand.u32 $0xFFFF0000, v2;
	[tilespmem:s9+$0x50] =	vst v3  }
0x197: {  	v3 =	vld [tilespmem:s10+$0xFFFFFFC0];
	[tilespmem:s9+$0xFFFFFF60] =	vst v5  }
0x198: {  	v5 =	vld [tilespmem:s10+$0x0];
	[tilespmem:s9+$0xFFFFFF70] =	vst v2;
	v2 =	vshll.u32 v1, $0x10;
	v1 =	vand.u32 $0xFFFF0000, v1  }
0x199: {  	s2 =	sadd.s32 $0x4, s2;
	v6 =	vld [tilespmem:s10+$0xFFFFFF80];
	[tilespmem:s9+$0xFFFFFFE0] =	vst v2  }
0x19a: {  	p5 =	slt.u32 s2, $0x3C;
	[tilespmem:s9+$0xFFFFFFF0] =	vst v1;
	v1 =	vld [tilespmem:s26+$0x30];
	s26 =	smov.u32 s10  }
0x19b: {  	s9 =	sadd.s32 $0x200, s9;
	v2 =	vshll.u32 v4, $0x10;
	[tilespmem:s28+$0xE0] =	vst v0  }
0x19c: {  	v4 =	vand.u32 $0xFFFF0000, v4;
	v0 =	vshll.u32 v3, $0x10;
	v3 =	vand.u32 $0xFFFF0000, v3;
	[tilespmem:s9+$0x80] =	vst v2  }
0x19d: {  	v2 =	vshll.u32 v5, $0x10;
	v5 =	vand.u32 $0xFFFF0000, v5;
	[tilespmem:s9+$0x90] =	vst v4  }
0x19e: {  	v4 =	vshll.u32 v6, $0x10;
	v6 =	vand.u32 $0xFFFF0000, v6;
	[tilespmem:s9+$0xFFFFFF80] =	vst v0;
	v0 =	vld [tilespmem:s10+$0x50]  }
0x19f: {  	[tilespmem:s9+$0xFFFFFF00] =	vst v4;
	v4 =	vshll.u32 v1, $0x10;
	v7 =	vand.u32 $0xFFFF0000, v1  }
0x1a0: {  	[tilespmem:s9+$0xFFFFFF10] =	vst v6  }
0x1a1: {  	v1 =	vld [tilespmem:s10+$0xFFFFFF90];
	[tilespmem:s9+$0xFFFFFF90] =	vst v3  }
0x1a2: {  	v3 =	vld [tilespmem:s10+$0xFFFFFFD0];
	[tilespmem:s9+$0x0] =	vst v2  }
0x1a3: {  	[tilespmem:s9+$0x10] =	vst v5;
	v2 =	vshll.u32 v0, $0x10  }
0x1a4: {  	v0 =	vand.u32 $0xFFFF0000, v0;
	v5 =	vld [tilespmem:s10+$0x10];
	[tilespmem:s9+$0xA0] =	vst v2  }
0x1a5: {  	[tilespmem:s9+$0xB0] =	vst v0  }
0x1a6: {  	v0 =	vshll.u32 v1, $0x10;
	v1 =	vand.u32 $0xFFFF0000, v1;
	v2 =	vld [tilespmem:s10+$0x60];
	[tilespmem:s28+$0x60] =	vst v4  }
0x1a7: {  	[tilespmem:s9+$0xFFFFFF20] =	vst v0;
	v0 =	vshll.u32 v3, $0x10;
	v3 =	vand.u32 $0xFFFF0000, v3  }
0x1a8: {  	[tilespmem:s9+$0xFFFFFF30] =	vst v1  }
0x1a9: {  	v1 =	vld [tilespmem:s10+$0xFFFFFFA0];
	[tilespmem:s9+$0xFFFFFFA0] =	vst v0;
	v0 =	vshll.u32 v5, $0x10;
	v4 =	vand.u32 $0xFFFF0000, v5  }
0x1aa: {  	[tilespmem:s9+$0xFFFFFFB0] =	vst v3  }
0x1ab: {  	v3 =	vld [tilespmem:s10+$0xFFFFFFE0];
	[tilespmem:s9+$0x20] =	vst v0;
	v0 =	vshll.u32 v2, $0x10  }
0x1ac: {  	v2 =	vand.u32 $0xFFFF0000, v2;
	[tilespmem:s9+$0xC0] =	vst v0  }
0x1ad: {  	[tilespmem:s9+$0xD0] =	vst v2  }
0x1ae: {  	v0 =	vshll.u32 v1, $0x10;
	v1 =	vand.u32 $0xFFFF0000, v1;
	[tilespmem:s9+$0x30] =	vst v4;
	v4 =	vld [tilespmem:s10+$0x70]  }
0x1af: {  	[tilespmem:s9+$0xFFFFFF40] =	vst v0;
	v5 =	vld [tilespmem:s10+$0x20]  }
0x1b0: {  	[tilespmem:s9+$0xFFFFFF50] =	vst v1;
	v0 =	vshll.u32 v3, $0x10;
	v1 =	vand.u32 $0xFFFF0000, v3  }
.Ltmp3:
0x1b1: {  	v2 =	vld [tilespmem:s10+$0xFFFFFFB0];
	[tilespmem:s9+$0xFFFFFFC0] =	vst v0;
	(pc) =	sbr.rel @p5 .LBB2_9-.Ltmp3, $4  }
0x1b2: {  	[tilespmem:s9+$0xFFFFFFD0] =	vst v1  }
0x1b3: {  	v1 =	vld [tilespmem:s10+$0xFFFFFFF0];
	v0 =	vshll.u32 v4, $0x10;
	v4 =	vand.u32 $0xFFFF0000, v4;
	[tilespmem:s28+$0x70] =	vst v7;
	s28 =	smov.u32 s9  }
0x1b4: {  	v6 =	vshll.u32 v5, $0x10;
	v3 =	vand.u32 $0xFFFF0000, v5;
	[tilespmem:s9+$0xF0] =	vst v4  }
0x1b5: {  	s10 =	sadd.s32 $0x100, s10;
	[tilespmem:s9+$0x40] =	vst v6  }
0x1b6: {  	[tilespmem:s9+$0x50] =	vst v3  }
0x1b7: {  	v4 =	vld [tilespmem:s26+$0x30]  }
0x1b8: {  	v3 =	vshll.u32 v2, $0x10;
	[tilespmem:s28+$0xE0] =	vst v0  }
0x1b9: {  	v2 =	vand.u32 $0xFFFF0000, v2;
	[tilespmem:s9+$0xFFFFFF60] =	vst v3  }
0x1ba: {  	[tilespmem:s9+$0xFFFFFF70] =	vst v2;
	v2 =	vshll.u32 v1, $0x10  }
0x1bb: {  	v1 =	vand.u32 $0xFFFF0000, v1;
	[tilespmem:s9+$0xFFFFFFE0] =	vst v2  }
0x1bc: {  	[tilespmem:s9+$0xFFFFFFF0] =	vst v1;
	v0 =	vshll.u32 v4, $0x10  }
0x1bd: {  	p5 =	sge.s32 s11, s22;
	v1 =	vand.u32 $0xFFFF0000, v4;
	[tilespmem:s28+$0x60] =	vst v0  }
0x1be: {  	s2 =	simm.s32 @!p5 $0xA;
	[tilespmem:s28+$0x70] =	vst v1  }
0x1bf: {  	_ =	swait.ge @!p5 [sflag:s2], $0x40  }
0x1c0: {  	[sflag:s2] =	ssyncset.done @!p5 $0x0  }
0x1c1: {  	[sflag:s2] =	ssyncadd.s32 @!p5 $0xFFFFFFC0  }
0x1c2: {  	_ =	swait.ge @!p5 [sflag:s2], $0x40  }
0x1c3: {  	s10 =	simm.s32 @!p5 $0x1400;
	[sflag:s2] =	ssyncset.done @!p5 $0x0  }
0x1c4: {  	s9 =	simm.s32 @!p5 $0x140;
	[sflag:s2] =	ssyncadd.s32 @!p5 $0xFFFFFFC0;
	s2 =	simm.s32 @!p5 $0x40  }
0x1c5: {  	[tilespmem:s10], [sflag:$0x2] =	stream.indirect.gather @!p5 [hbm4b:s1+s2], $0x40, s9, s2, $0xb8;
	[tilespmem:$0x1A000] =	vst v63  }
0x1c6: {  	_ = 	snop  }
0x1c7: {  	[spmem:s3] =	stream.indirect.scatter.add.f32 [tilespmem:s0], [sflag:$0x4], $0x80, s16, s13, $0xb8;
	[tilespmem:$0x1A000] =	vst v63  }
0x1c8: {  	s2 =	sadd.s32 @!p0 $0xA, s11;
	_ =	swait.ge [sflag:s29], $0x1000  }
0x1c9: {  	p5 =	sge.s32 @!p0 s2, s8;
	[sflag:s29] =	ssyncset.done $0x0  }
0x1ca: {  	s9 =	simm.s32 @!p0 $0x3;
	p5 =	por p5, p0;
	[sflag:s29] =	ssyncadd.s32 $0xFFFFF000  }
0x1cb: {  	s2 =	sshll.u32 @!p5 s2, $0x6;
	_ =	swait.ge @!p0 [sflag:s9], $0x2000  }
0x1cc: {  	s10 =	simm.s32 @!p5 $0x0;
	s2 =	sadd.s32 @!p5 s7, s2;
	[sflag:s9] =	ssyncset.done @!p0 $0x0  }
0x1cd: {  	[sflag:s9] =	ssyncadd.s32 @!p0 $0xFFFFE000;
	s9 =	sshrl.u32 @!p5 s2, $0x3;
	s2 =	sadd.s32 @!p5 $0x4E200, s2  }
0x1ce: {  	s26 =	simm.s32 @!p5 $0x80;
	s9 =	sadd.s32 @!p5 s5, s9;
	s2 =	sshrl.u32 @!p5 s2, $0x3  }
0x1cf: {  	[tilespmem:s26], [sflag:$0x7] =	stream.linear.gather @!p5 [hbm4b:s9+s10], $0x40, $0x38;
	[tilespmem:$0x1A000] =	vst v63  }
0x1d0: {  	s2 =	sadd.s32 @!p5 s5, s2;
	s9 =	simm.s32 @!p5 $0x280;
	s26 =	simm.s32 $0x480  }
0x1d1: {  	[tilespmem:s9], [sflag:$0x7] =	stream.linear.gather @!p5 [hbm4b:s2+s10], $0x40, $0x38;
	[tilespmem:$0x1A000] =	vst v63  }
0x1d2: {  	v0 =	vld [tilespmem:s26+$0x40];
	_ =	sdelay $0x1  }
0x1d3: {  	v1 =	vld [tilespmem:s26+$0xFFFFFFC0]  }
0x1d4: {  	v2 =	vld [tilespmem:s26+$0xFFFFFF80];
	_ =	sdelay $0x1  }
0x1d5: {  	s9 =	simm.s32 $0x2500;
	v3 =	vshll.u32 v0, $0x10  }
0x1d6: {  	v4 =	vld [tilespmem:s26+$0x0];
	v0 =	vand.u32 $0xFFFF0000, v0;
	[tilespmem:s9+$0x80] =	vst v3  }
0x1d7: {  	v3 =	vshll.u32 v1, $0x10;
	[tilespmem:s9+$0x90] =	vst v0  }
0x1d8: {  	v0 =	vshll.u32 v2, $0x10;
	[tilespmem:s9+$0xFFFFFF80] =	vst v3;
	v3 =	vld [tilespmem:s26+$0x50]  }
0x1d9: {  	v2 =	vand.u32 $0xFFFF0000, v2;
	[tilespmem:s9+$0xFFFFFF00] =	vst v0  }
0x1da: {  	v0 =	vand.u32 $0xFFFF0000, v1;
	[tilespmem:s9+$0xFFFFFF10] =	vst v2  }
0x1db: {  	v1 =	vshll.u32 v4, $0x10;
	v2 =	vld [tilespmem:s26+$0xFFFFFF90];
	[tilespmem:s9+$0xFFFFFF90] =	vst v0  }
0x1dc: {  	v0 =	vand.u32 $0xFFFF0000, v4;
	[tilespmem:s9+$0x0] =	vst v1  }
0x1dd: {  	v1 =	vld [tilespmem:s26+$0xFFFFFFD0];
	[tilespmem:s9+$0x10] =	vst v0;
	v0 =	vshll.u32 v3, $0x10  }
0x1de: {  	v3 =	vand.u32 $0xFFFF0000, v3;
	[tilespmem:s9+$0xA0] =	vst v0  }
0x1df: {  	v0 =	vld [tilespmem:s26+$0x10];
	[tilespmem:s9+$0xB0] =	vst v3  }
0x1e0: {  	v3 =	vshll.u32 v2, $0x10;
	v4 =	vld [tilespmem:s26+$0x60]  }
0x1e1: {  	v2 =	vand.u32 $0xFFFF0000, v2;
	[tilespmem:s9+$0xFFFFFF20] =	vst v3  }
0x1e2: {  	v3 =	vshll.u32 v1, $0x10;
	[tilespmem:s9+$0xFFFFFF30] =	vst v2  }
0x1e3: {  	v1 =	vand.u32 $0xFFFF0000, v1;
	[tilespmem:s9+$0xFFFFFFA0] =	vst v3  }
0x1e4: {  	v2 =	vld [tilespmem:s26+$0xFFFFFFA0];
	[tilespmem:s9+$0xFFFFFFB0] =	vst v1;
	v3 =	vshll.u32 v0, $0x10  }
0x1e5: {  	[tilespmem:s9+$0x20] =	vst v3;
	v1 =	vshll.u32 v4, $0x10  }
0x1e6: {  	v3 =	vld [tilespmem:s26+$0xFFFFFFE0];
	v4 =	vand.u32 $0xFFFF0000, v4;
	[tilespmem:s9+$0xC0] =	vst v1  }
0x1e7: {  	v0 =	vand.u32 $0xFFFF0000, v0;
	[tilespmem:s9+$0xD0] =	vst v4  }
0x1e8: {  	[tilespmem:s9+$0x30] =	vst v0;
	v0 =	vld [tilespmem:s26+$0x70]  }
0x1e9: {  	v1 =	vshll.u32 v2, $0x10  }
0x1ea: {  	v4 =	vld [tilespmem:s26+$0x20];
	v2 =	vand.u32 $0xFFFF0000, v2;
	[tilespmem:s9+$0xFFFFFF40] =	vst v1  }
0x1eb: {  	[tilespmem:s9+$0xFFFFFF50] =	vst v2;
	v2 =	vand.u32 $0xFFFF0000, v3  }
0x1ec: {  	v1 =	vshll.u32 v3, $0x10;
	[tilespmem:s9+$0xFFFFFFD0] =	vst v2;
	v2 =	vld [tilespmem:s26+$0xFFFFFFB0]  }
0x1ed: {  	[tilespmem:s9+$0xFFFFFFC0] =	vst v1;
	v1 =	vand.u32 $0xFFFF0000, v0  }
0x1ee: {  	[tilespmem:s9+$0xF0] =	vst v1;
	v1 =	vld [tilespmem:s26+$0xFFFFFFF0]  }
0x1ef: {  	v5 =	vshll.u32 v4, $0x10  }
0x1f0: {  	s28 =	simm.s32 $0x2500;
	s2 =	simm.s32 $0x0;
	s10 =	simm.s32 $0x580;
	v3 =	vand.u32 $0xFFFF0000, v4;
	v0 =	vshll.u32 v0, $0x10;
	[tilespmem:s9+$0x40] =	vst v5  }
.LBB2_11:
0x1f1: {  	v4 =	vld [tilespmem:s10+$0x40];
	v5 =	vshll.u32 v2, $0x10;
	v2 =	vand.u32 $0xFFFF0000, v2;
	[tilespmem:s9+$0x50] =	vst v3  }
0x1f2: {  	v3 =	vld [tilespmem:s10+$0xFFFFFFC0];
	[tilespmem:s9+$0xFFFFFF60] =	vst v5  }
0x1f3: {  	v5 =	vld [tilespmem:s10+$0x0];
	[tilespmem:s9+$0xFFFFFF70] =	vst v2;
	v2 =	vshll.u32 v1, $0x10;
	v1 =	vand.u32 $0xFFFF0000, v1  }
0x1f4: {  	s2 =	sadd.s32 $0x4, s2;
	v6 =	vld [tilespmem:s10+$0xFFFFFF80];
	[tilespmem:s9+$0xFFFFFFE0] =	vst v2  }
0x1f5: {  	p5 =	slt.u32 s2, $0x3C;
	[tilespmem:s9+$0xFFFFFFF0] =	vst v1;
	v1 =	vld [tilespmem:s26+$0x30];
	s26 =	smov.u32 s10  }
0x1f6: {  	s9 =	sadd.s32 $0x200, s9;
	v2 =	vshll.u32 v4, $0x10;
	[tilespmem:s28+$0xE0] =	vst v0  }
0x1f7: {  	v4 =	vand.u32 $0xFFFF0000, v4;
	v0 =	vshll.u32 v3, $0x10;
	v3 =	vand.u32 $0xFFFF0000, v3;
	[tilespmem:s9+$0x80] =	vst v2  }
0x1f8: {  	v2 =	vshll.u32 v5, $0x10;
	v5 =	vand.u32 $0xFFFF0000, v5;
	[tilespmem:s9+$0x90] =	vst v4  }
0x1f9: {  	v4 =	vshll.u32 v6, $0x10;
	v6 =	vand.u32 $0xFFFF0000, v6;
	[tilespmem:s9+$0xFFFFFF80] =	vst v0;
	v0 =	vld [tilespmem:s10+$0x50]  }
0x1fa: {  	[tilespmem:s9+$0xFFFFFF00] =	vst v4;
	v4 =	vshll.u32 v1, $0x10;
	v7 =	vand.u32 $0xFFFF0000, v1  }
0x1fb: {  	[tilespmem:s9+$0xFFFFFF10] =	vst v6  }
0x1fc: {  	v1 =	vld [tilespmem:s10+$0xFFFFFF90];
	[tilespmem:s9+$0xFFFFFF90] =	vst v3  }
0x1fd: {  	v3 =	vld [tilespmem:s10+$0xFFFFFFD0];
	[tilespmem:s9+$0x0] =	vst v2  }
0x1fe: {  	[tilespmem:s9+$0x10] =	vst v5;
	v2 =	vshll.u32 v0, $0x10  }
0x1ff: {  	v0 =	vand.u32 $0xFFFF0000, v0;
	v5 =	vld [tilespmem:s10+$0x10];
	[tilespmem:s9+$0xA0] =	vst v2  }
0x200: {  	[tilespmem:s9+$0xB0] =	vst v0  }
0x201: {  	v0 =	vshll.u32 v1, $0x10;
	v1 =	vand.u32 $0xFFFF0000, v1;
	v2 =	vld [tilespmem:s10+$0x60];
	[tilespmem:s28+$0x60] =	vst v4  }
0x202: {  	[tilespmem:s9+$0xFFFFFF20] =	vst v0;
	v0 =	vshll.u32 v3, $0x10;
	v3 =	vand.u32 $0xFFFF0000, v3  }
0x203: {  	[tilespmem:s9+$0xFFFFFF30] =	vst v1  }
0x204: {  	v1 =	vld [tilespmem:s10+$0xFFFFFFA0];
	[tilespmem:s9+$0xFFFFFFA0] =	vst v0;
	v0 =	vshll.u32 v5, $0x10;
	v4 =	vand.u32 $0xFFFF0000, v5  }
0x205: {  	[tilespmem:s9+$0xFFFFFFB0] =	vst v3  }
0x206: {  	v3 =	vld [tilespmem:s10+$0xFFFFFFE0];
	[tilespmem:s9+$0x20] =	vst v0;
	v0 =	vshll.u32 v2, $0x10  }
0x207: {  	v2 =	vand.u32 $0xFFFF0000, v2;
	[tilespmem:s9+$0xC0] =	vst v0  }
0x208: {  	[tilespmem:s9+$0xD0] =	vst v2  }
0x209: {  	v0 =	vshll.u32 v1, $0x10;
	v1 =	vand.u32 $0xFFFF0000, v1;
	[tilespmem:s9+$0x30] =	vst v4;
	v4 =	vld [tilespmem:s10+$0x70]  }
0x20a: {  	[tilespmem:s9+$0xFFFFFF40] =	vst v0;
	v5 =	vld [tilespmem:s10+$0x20]  }
0x20b: {  	[tilespmem:s9+$0xFFFFFF50] =	vst v1;
	v0 =	vshll.u32 v3, $0x10;
	v1 =	vand.u32 $0xFFFF0000, v3  }
.Ltmp4:
0x20c: {  	v2 =	vld [tilespmem:s10+$0xFFFFFFB0];
	[tilespmem:s9+$0xFFFFFFC0] =	vst v0;
	(pc) =	sbr.rel @p5 .LBB2_11-.Ltmp4, $4  }
0x20d: {  	[tilespmem:s9+$0xFFFFFFD0] =	vst v1  }
0x20e: {  	v1 =	vld [tilespmem:s10+$0xFFFFFFF0];
	v0 =	vshll.u32 v4, $0x10;
	v4 =	vand.u32 $0xFFFF0000, v4;
	[tilespmem:s28+$0x70] =	vst v7;
	s28 =	smov.u32 s9  }
0x20f: {  	v6 =	vshll.u32 v5, $0x10;
	v3 =	vand.u32 $0xFFFF0000, v5;
	[tilespmem:s9+$0xF0] =	vst v4  }
0x210: {  	s10 =	sadd.s32 $0x100, s10;
	[tilespmem:s9+$0x40] =	vst v6  }
0x211: {  	[tilespmem:s9+$0x50] =	vst v3  }
0x212: {  	v4 =	vld [tilespmem:s26+$0x30]  }
0x213: {  	v3 =	vshll.u32 v2, $0x10;
	[tilespmem:s28+$0xE0] =	vst v0  }
0x214: {  	v2 =	vand.u32 $0xFFFF0000, v2;
	[tilespmem:s9+$0xFFFFFF60] =	vst v3  }
0x215: {  	[tilespmem:s9+$0xFFFFFF70] =	vst v2;
	v2 =	vshll.u32 v1, $0x10  }
0x216: {  	v1 =	vand.u32 $0xFFFF0000, v1;
	[tilespmem:s9+$0xFFFFFFE0] =	vst v2  }
0x217: {  	[tilespmem:s9+$0xFFFFFFF0] =	vst v1;
	v0 =	vshll.u32 v4, $0x10  }
0x218: {  	v1 =	vand.u32 $0xFFFF0000, v4;
	[tilespmem:s28+$0x60] =	vst v0  }
0x219: {  	s2 =	simm.s32 @p1 $0xB;
	[tilespmem:s28+$0x70] =	vst v1  }
0x21a: {  	_ =	swait.ge @p1 [sflag:s2], $0x40  }
0x21b: {  	[sflag:s2] =	ssyncset.done @p1 $0x0  }
0x21c: {  	[sflag:s2] =	ssyncadd.s32 @p1 $0xFFFFFFC0  }
0x21d: {  	_ =	swait.ge @p1 [sflag:s2], $0x40  }
0x21e: {  	s10 =	simm.s32 @p1 $0x400;
	[sflag:s2] =	ssyncset.done @p1 $0x0  }
0x21f: {  	s9 =	simm.s32 @p1 $0x180;
	[sflag:s2] =	ssyncadd.s32 @p1 $0xFFFFFFC0;
	s2 =	simm.s32 @p1 $0x40  }
0x220: {  	[tilespmem:s10], [sflag:$0x1] =	stream.indirect.gather @p1 [hbm4b:s1+s2], $0x40, s9, s2, $0xb8;
	[tilespmem:$0x1A000] =	vst v63  }
0x221: {  	_ = 	snop  }
0x222: {  	[spmem:s3] =	stream.indirect.scatter.add.f32 [tilespmem:s30], [sflag:$0x3], $0x80, s17, s13, $0xb8;
	[tilespmem:$0x1A000] =	vst v63  }
0x223: {  	s2 =	sadd.s32 @!p0 $0xB, s11;
	_ =	swait.ge [sflag:s31], $0x1000  }
0x224: {  	p1 =	sge.s32 @!p0 s2, s8;
	[sflag:s31] =	ssyncset.done $0x0  }
0x225: {  	s9 =	simm.s32 @!p0 $0x4;
	p1 =	por p1, p0;
	[sflag:s31] =	ssyncadd.s32 $0xFFFFF000  }
0x226: {  	s2 =	sshll.u32 @!p1 s2, $0x6;
	_ =	swait.ge @!p0 [sflag:s9], $0x2000  }
0x227: {  	s10 =	simm.s32 @!p1 $0x0;
	s2 =	sadd.s32 @!p1 s7, s2;
	[sflag:s9] =	ssyncset.done @!p0 $0x0  }
0x228: {  	[sflag:s9] =	ssyncadd.s32 @!p0 $0xFFFFE000;
	s9 =	sshrl.u32 @!p1 s2, $0x3;
	s2 =	sadd.s32 @!p1 $0x4E200, s2  }
0x229: {  	s26 =	simm.s32 @!p1 $0xC0;
	s9 =	sadd.s32 @!p1 s5, s9;
	s2 =	sshrl.u32 @!p1 s2, $0x3  }
0x22a: {  	[tilespmem:s26], [sflag:$0x8] =	stream.linear.gather @!p1 [hbm4b:s9+s10], $0x40, $0x38;
	[tilespmem:$0x1A000] =	vst v63  }
0x22b: {  	s2 =	sadd.s32 @!p1 s5, s2;
	s9 =	simm.s32 @!p1 $0x2C0;
	s26 =	simm.s32 $0x1480  }
0x22c: {  	[tilespmem:s9], [sflag:$0x8] =	stream.linear.gather @!p1 [hbm4b:s2+s10], $0x40, $0x38;
	[tilespmem:$0x1A000] =	vst v63  }
0x22d: {  	v0 =	vld [tilespmem:s26+$0x40];
	_ =	sdelay $0x1  }
0x22e: {  	v1 =	vld [tilespmem:s26+$0xFFFFFFC0]  }
0x22f: {  	v2 =	vld [tilespmem:s26+$0xFFFFFF80];
	_ =	sdelay $0x1  }
0x230: {  	s9 =	simm.s32 $0x4500;
	v3 =	vshll.u32 v0, $0x10  }
0x231: {  	v4 =	vld [tilespmem:s26+$0x0];
	v0 =	vand.u32 $0xFFFF0000, v0;
	[tilespmem:s9+$0x80] =	vst v3  }
0x232: {  	v3 =	vshll.u32 v1, $0x10;
	[tilespmem:s9+$0x90] =	vst v0  }
0x233: {  	v0 =	vshll.u32 v2, $0x10;
	[tilespmem:s9+$0xFFFFFF80] =	vst v3;
	v3 =	vld [tilespmem:s26+$0x50]  }
0x234: {  	v2 =	vand.u32 $0xFFFF0000, v2;
	[tilespmem:s9+$0xFFFFFF00] =	vst v0  }
0x235: {  	v0 =	vand.u32 $0xFFFF0000, v1;
	[tilespmem:s9+$0xFFFFFF10] =	vst v2  }
0x236: {  	v1 =	vshll.u32 v4, $0x10;
	v2 =	vld [tilespmem:s26+$0xFFFFFF90];
	[tilespmem:s9+$0xFFFFFF90] =	vst v0  }
0x237: {  	v0 =	vand.u32 $0xFFFF0000, v4;
	[tilespmem:s9+$0x0] =	vst v1  }
0x238: {  	v1 =	vld [tilespmem:s26+$0xFFFFFFD0];
	[tilespmem:s9+$0x10] =	vst v0;
	v0 =	vshll.u32 v3, $0x10  }
0x239: {  	v3 =	vand.u32 $0xFFFF0000, v3;
	[tilespmem:s9+$0xA0] =	vst v0  }
0x23a: {  	v0 =	vld [tilespmem:s26+$0x10];
	[tilespmem:s9+$0xB0] =	vst v3  }
0x23b: {  	v3 =	vshll.u32 v2, $0x10;
	v4 =	vld [tilespmem:s26+$0x60]  }
0x23c: {  	v2 =	vand.u32 $0xFFFF0000, v2;
	[tilespmem:s9+$0xFFFFFF20] =	vst v3  }
0x23d: {  	v3 =	vshll.u32 v1, $0x10;
	[tilespmem:s9+$0xFFFFFF30] =	vst v2  }
0x23e: {  	v1 =	vand.u32 $0xFFFF0000, v1;
	[tilespmem:s9+$0xFFFFFFA0] =	vst v3  }
0x23f: {  	v2 =	vld [tilespmem:s26+$0xFFFFFFA0];
	[tilespmem:s9+$0xFFFFFFB0] =	vst v1;
	v3 =	vshll.u32 v0, $0x10  }
0x240: {  	[tilespmem:s9+$0x20] =	vst v3;
	v1 =	vshll.u32 v4, $0x10  }
0x241: {  	v3 =	vld [tilespmem:s26+$0xFFFFFFE0];
	v4 =	vand.u32 $0xFFFF0000, v4;
	[tilespmem:s9+$0xC0] =	vst v1  }
0x242: {  	v0 =	vand.u32 $0xFFFF0000, v0;
	[tilespmem:s9+$0xD0] =	vst v4  }
0x243: {  	[tilespmem:s9+$0x30] =	vst v0;
	v0 =	vld [tilespmem:s26+$0x70]  }
0x244: {  	v1 =	vshll.u32 v2, $0x10  }
0x245: {  	v4 =	vld [tilespmem:s26+$0x20];
	v2 =	vand.u32 $0xFFFF0000, v2;
	[tilespmem:s9+$0xFFFFFF40] =	vst v1  }
0x246: {  	[tilespmem:s9+$0xFFFFFF50] =	vst v2;
	v2 =	vand.u32 $0xFFFF0000, v3  }
0x247: {  	v1 =	vshll.u32 v3, $0x10;
	[tilespmem:s9+$0xFFFFFFD0] =	vst v2;
	v2 =	vld [tilespmem:s26+$0xFFFFFFB0]  }
0x248: {  	[tilespmem:s9+$0xFFFFFFC0] =	vst v1;
	v1 =	vand.u32 $0xFFFF0000, v0  }
0x249: {  	[tilespmem:s9+$0xF0] =	vst v1;
	v1 =	vld [tilespmem:s26+$0xFFFFFFF0]  }
0x24a: {  	v5 =	vshll.u32 v4, $0x10  }
0x24b: {  	s28 =	simm.s32 $0x4500;
	s2 =	simm.s32 $0x0;
	s10 =	simm.s32 $0x1580;
	v3 =	vand.u32 $0xFFFF0000, v4;
	v0 =	vshll.u32 v0, $0x10;
	[tilespmem:s9+$0x40] =	vst v5  }
.LBB2_13:
0x24c: {  	v4 =	vld [tilespmem:s10+$0x40];
	v5 =	vshll.u32 v2, $0x10;
	v2 =	vand.u32 $0xFFFF0000, v2;
	[tilespmem:s9+$0x50] =	vst v3  }
0x24d: {  	v3 =	vld [tilespmem:s10+$0xFFFFFFC0];
	[tilespmem:s9+$0xFFFFFF60] =	vst v5  }
0x24e: {  	v5 =	vld [tilespmem:s10+$0x0];
	[tilespmem:s9+$0xFFFFFF70] =	vst v2;
	v2 =	vshll.u32 v1, $0x10;
	v1 =	vand.u32 $0xFFFF0000, v1  }
0x24f: {  	s2 =	sadd.s32 $0x4, s2;
	v6 =	vld [tilespmem:s10+$0xFFFFFF80];
	[tilespmem:s9+$0xFFFFFFE0] =	vst v2  }
0x250: {  	p1 =	slt.u32 s2, $0x3C;
	[tilespmem:s9+$0xFFFFFFF0] =	vst v1;
	v1 =	vld [tilespmem:s26+$0x30];
	s26 =	smov.u32 s10  }
0x251: {  	s9 =	sadd.s32 $0x200, s9;
	v2 =	vshll.u32 v4, $0x10;
	[tilespmem:s28+$0xE0] =	vst v0  }
0x252: {  	v4 =	vand.u32 $0xFFFF0000, v4;
	v0 =	vshll.u32 v3, $0x10;
	v3 =	vand.u32 $0xFFFF0000, v3;
	[tilespmem:s9+$0x80] =	vst v2  }
0x253: {  	v2 =	vshll.u32 v5, $0x10;
	v5 =	vand.u32 $0xFFFF0000, v5;
	[tilespmem:s9+$0x90] =	vst v4  }
0x254: {  	v4 =	vshll.u32 v6, $0x10;
	v6 =	vand.u32 $0xFFFF0000, v6;
	[tilespmem:s9+$0xFFFFFF80] =	vst v0;
	v0 =	vld [tilespmem:s10+$0x50]  }
0x255: {  	[tilespmem:s9+$0xFFFFFF00] =	vst v4;
	v4 =	vshll.u32 v1, $0x10;
	v7 =	vand.u32 $0xFFFF0000, v1  }
0x256: {  	[tilespmem:s9+$0xFFFFFF10] =	vst v6  }
0x257: {  	v1 =	vld [tilespmem:s10+$0xFFFFFF90];
	[tilespmem:s9+$0xFFFFFF90] =	vst v3  }
0x258: {  	v3 =	vld [tilespmem:s10+$0xFFFFFFD0];
	[tilespmem:s9+$0x0] =	vst v2  }
0x259: {  	[tilespmem:s9+$0x10] =	vst v5;
	v2 =	vshll.u32 v0, $0x10  }
0x25a: {  	v0 =	vand.u32 $0xFFFF0000, v0;
	v5 =	vld [tilespmem:s10+$0x10];
	[tilespmem:s9+$0xA0] =	vst v2  }
0x25b: {  	[tilespmem:s9+$0xB0] =	vst v0  }
0x25c: {  	v0 =	vshll.u32 v1, $0x10;
	v1 =	vand.u32 $0xFFFF0000, v1;
	v2 =	vld [tilespmem:s10+$0x60];
	[tilespmem:s28+$0x60] =	vst v4  }
0x25d: {  	[tilespmem:s9+$0xFFFFFF20] =	vst v0;
	v0 =	vshll.u32 v3, $0x10;
	v3 =	vand.u32 $0xFFFF0000, v3  }
0x25e: {  	[tilespmem:s9+$0xFFFFFF30] =	vst v1  }
0x25f: {  	v1 =	vld [tilespmem:s10+$0xFFFFFFA0];
	[tilespmem:s9+$0xFFFFFFA0] =	vst v0;
	v0 =	vshll.u32 v5, $0x10;
	v4 =	vand.u32 $0xFFFF0000, v5  }
0x260: {  	[tilespmem:s9+$0xFFFFFFB0] =	vst v3  }
0x261: {  	v3 =	vld [tilespmem:s10+$0xFFFFFFE0];
	[tilespmem:s9+$0x20] =	vst v0;
	v0 =	vshll.u32 v2, $0x10  }
0x262: {  	v2 =	vand.u32 $0xFFFF0000, v2;
	[tilespmem:s9+$0xC0] =	vst v0  }
0x263: {  	[tilespmem:s9+$0xD0] =	vst v2  }
0x264: {  	v0 =	vshll.u32 v1, $0x10;
	v1 =	vand.u32 $0xFFFF0000, v1;
	[tilespmem:s9+$0x30] =	vst v4;
	v4 =	vld [tilespmem:s10+$0x70]  }
0x265: {  	[tilespmem:s9+$0xFFFFFF40] =	vst v0;
	v5 =	vld [tilespmem:s10+$0x20]  }
0x266: {  	[tilespmem:s9+$0xFFFFFF50] =	vst v1;
	v0 =	vshll.u32 v3, $0x10;
	v1 =	vand.u32 $0xFFFF0000, v3  }
.Ltmp5:
0x267: {  	v2 =	vld [tilespmem:s10+$0xFFFFFFB0];
	[tilespmem:s9+$0xFFFFFFC0] =	vst v0;
	(pc) =	sbr.rel @p1 .LBB2_13-.Ltmp5, $4  }
0x268: {  	[tilespmem:s9+$0xFFFFFFD0] =	vst v1  }
0x269: {  	v1 =	vld [tilespmem:s10+$0xFFFFFFF0];
	v0 =	vshll.u32 v4, $0x10;
	v4 =	vand.u32 $0xFFFF0000, v4;
	[tilespmem:s28+$0x70] =	vst v7;
	s28 =	smov.u32 s9  }
0x26a: {  	v6 =	vshll.u32 v5, $0x10;
	v3 =	vand.u32 $0xFFFF0000, v5;
	[tilespmem:s9+$0xF0] =	vst v4  }
0x26b: {  	s10 =	sadd.s32 $0x100, s10;
	[tilespmem:s9+$0x40] =	vst v6  }
0x26c: {  	[tilespmem:s9+$0x50] =	vst v3  }
0x26d: {  	v4 =	vld [tilespmem:s26+$0x30]  }
0x26e: {  	v3 =	vshll.u32 v2, $0x10;
	[tilespmem:s28+$0xE0] =	vst v0  }
0x26f: {  	v2 =	vand.u32 $0xFFFF0000, v2;
	[tilespmem:s9+$0xFFFFFF60] =	vst v3  }
0x270: {  	[tilespmem:s9+$0xFFFFFF70] =	vst v2;
	v2 =	vshll.u32 v1, $0x10  }
0x271: {  	v1 =	vand.u32 $0xFFFF0000, v1;
	[tilespmem:s9+$0xFFFFFFE0] =	vst v2  }
0x272: {  	[tilespmem:s9+$0xFFFFFFF0] =	vst v1;
	v0 =	vshll.u32 v4, $0x10  }
0x273: {  	v1 =	vand.u32 $0xFFFF0000, v4;
	[tilespmem:s28+$0x60] =	vst v0  }
0x274: {  	s2 =	simm.s32 @p2 $0xC;
	[tilespmem:s28+$0x70] =	vst v1  }
0x275: {  	_ =	swait.ge @p2 [sflag:s2], $0x40  }
0x276: {  	[sflag:s2] =	ssyncset.done @p2 $0x0  }
0x277: {  	[sflag:s2] =	ssyncadd.s32 @p2 $0xFFFFFFC0  }
0x278: {  	_ =	swait.ge @p2 [sflag:s2], $0x40  }
0x279: {  	s10 =	simm.s32 @p2 $0x1400;
	[sflag:s2] =	ssyncset.done @p2 $0x0  }
0x27a: {  	s9 =	simm.s32 @p2 $0x1C0;
	[sflag:s2] =	ssyncadd.s32 @p2 $0xFFFFFFC0;
	s2 =	simm.s32 @p2 $0x40  }
0x27b: {  	[tilespmem:s10], [sflag:$0x2] =	stream.indirect.gather @p2 [hbm4b:s1+s2], $0x40, s9, s2, $0xb8;
	[tilespmem:$0x1A000] =	vst v63  }
0x27c: {  	_ = 	snop  }
0x27d: {  	[spmem:s3] =	stream.indirect.scatter.add.f32 [tilespmem:s0], [sflag:$0x4], $0x80, s18, s13, $0xb8;
	[tilespmem:$0x1A000] =	vst v63  }
0x27e: {  	s2 =	sadd.s32 @!p0 $0xC, s11;
	_ =	swait.ge [sflag:s29], $0x1000  }
0x27f: {  	p1 =	sge.s32 @!p0 s2, s8;
	[sflag:s29] =	ssyncset.done $0x0  }
0x280: {  	s9 =	simm.s32 @!p0 $0x3;
	p1 =	por p1, p0;
	[sflag:s29] =	ssyncadd.s32 $0xFFFFF000  }
0x281: {  	s2 =	sshll.u32 @!p1 s2, $0x6;
	_ =	swait.ge @!p0 [sflag:s9], $0x2000  }
0x282: {  	s10 =	simm.s32 @!p1 $0x0;
	s2 =	sadd.s32 @!p1 s7, s2;
	[sflag:s9] =	ssyncset.done @!p0 $0x0  }
0x283: {  	[sflag:s9] =	ssyncadd.s32 @!p0 $0xFFFFE000;
	s9 =	sshrl.u32 @!p1 s2, $0x3;
	s2 =	sadd.s32 @!p1 $0x4E200, s2  }
0x284: {  	s26 =	simm.s32 @!p1 $0x100;
	s9 =	sadd.s32 @!p1 s5, s9;
	s2 =	sshrl.u32 @!p1 s2, $0x3  }
0x285: {  	[tilespmem:s26], [sflag:$0x9] =	stream.linear.gather @!p1 [hbm4b:s9+s10], $0x40, $0x38;
	[tilespmem:$0x1A000] =	vst v63  }
0x286: {  	s2 =	sadd.s32 @!p1 s5, s2;
	s9 =	simm.s32 @!p1 $0x300;
	s26 =	simm.s32 $0x480  }
0x287: {  	[tilespmem:s9], [sflag:$0x9] =	stream.linear.gather @!p1 [hbm4b:s2+s10], $0x40, $0x38;
	[tilespmem:$0x1A000] =	vst v63  }
0x288: {  	v0 =	vld [tilespmem:s26+$0x40];
	_ =	sdelay $0x1  }
0x289: {  	v1 =	vld [tilespmem:s26+$0xFFFFFFC0]  }
0x28a: {  	v2 =	vld [tilespmem:s26+$0xFFFFFF80];
	_ =	sdelay $0x1  }
0x28b: {  	s9 =	simm.s32 $0x2500;
	v3 =	vshll.u32 v0, $0x10  }
0x28c: {  	v4 =	vld [tilespmem:s26+$0x0];
	v0 =	vand.u32 $0xFFFF0000, v0;
	[tilespmem:s9+$0x80] =	vst v3  }
0x28d: {  	v3 =	vshll.u32 v1, $0x10;
	[tilespmem:s9+$0x90] =	vst v0  }
0x28e: {  	v0 =	vshll.u32 v2, $0x10;
	[tilespmem:s9+$0xFFFFFF80] =	vst v3;
	v3 =	vld [tilespmem:s26+$0x50]  }
0x28f: {  	v2 =	vand.u32 $0xFFFF0000, v2;
	[tilespmem:s9+$0xFFFFFF00] =	vst v0  }
0x290: {  	v0 =	vand.u32 $0xFFFF0000, v1;
	[tilespmem:s9+$0xFFFFFF10] =	vst v2  }
0x291: {  	v1 =	vshll.u32 v4, $0x10;
	v2 =	vld [tilespmem:s26+$0xFFFFFF90];
	[tilespmem:s9+$0xFFFFFF90] =	vst v0  }
0x292: {  	v0 =	vand.u32 $0xFFFF0000, v4;
	[tilespmem:s9+$0x0] =	vst v1  }
0x293: {  	v1 =	vld [tilespmem:s26+$0xFFFFFFD0];
	[tilespmem:s9+$0x10] =	vst v0;
	v0 =	vshll.u32 v3, $0x10  }
0x294: {  	v3 =	vand.u32 $0xFFFF0000, v3;
	[tilespmem:s9+$0xA0] =	vst v0  }
0x295: {  	v0 =	vld [tilespmem:s26+$0x10];
	[tilespmem:s9+$0xB0] =	vst v3  }
0x296: {  	v3 =	vshll.u32 v2, $0x10;
	v4 =	vld [tilespmem:s26+$0x60]  }
0x297: {  	v2 =	vand.u32 $0xFFFF0000, v2;
	[tilespmem:s9+$0xFFFFFF20] =	vst v3  }
0x298: {  	v3 =	vshll.u32 v1, $0x10;
	[tilespmem:s9+$0xFFFFFF30] =	vst v2  }
0x299: {  	v1 =	vand.u32 $0xFFFF0000, v1;
	[tilespmem:s9+$0xFFFFFFA0] =	vst v3  }
0x29a: {  	v2 =	vld [tilespmem:s26+$0xFFFFFFA0];
	[tilespmem:s9+$0xFFFFFFB0] =	vst v1;
	v3 =	vshll.u32 v0, $0x10  }
0x29b: {  	[tilespmem:s9+$0x20] =	vst v3;
	v1 =	vshll.u32 v4, $0x10  }
0x29c: {  	v3 =	vld [tilespmem:s26+$0xFFFFFFE0];
	v4 =	vand.u32 $0xFFFF0000, v4;
	[tilespmem:s9+$0xC0] =	vst v1  }
0x29d: {  	v0 =	vand.u32 $0xFFFF0000, v0;
	[tilespmem:s9+$0xD0] =	vst v4  }
0x29e: {  	[tilespmem:s9+$0x30] =	vst v0;
	v0 =	vld [tilespmem:s26+$0x70]  }
0x29f: {  	v1 =	vshll.u32 v2, $0x10  }
0x2a0: {  	v4 =	vld [tilespmem:s26+$0x20];
	v2 =	vand.u32 $0xFFFF0000, v2;
	[tilespmem:s9+$0xFFFFFF40] =	vst v1  }
0x2a1: {  	[tilespmem:s9+$0xFFFFFF50] =	vst v2;
	v2 =	vand.u32 $0xFFFF0000, v3  }
0x2a2: {  	v1 =	vshll.u32 v3, $0x10;
	[tilespmem:s9+$0xFFFFFFD0] =	vst v2;
	v2 =	vld [tilespmem:s26+$0xFFFFFFB0]  }
0x2a3: {  	[tilespmem:s9+$0xFFFFFFC0] =	vst v1;
	v1 =	vand.u32 $0xFFFF0000, v0  }
0x2a4: {  	[tilespmem:s9+$0xF0] =	vst v1;
	v1 =	vld [tilespmem:s26+$0xFFFFFFF0]  }
0x2a5: {  	v5 =	vshll.u32 v4, $0x10  }
0x2a6: {  	s28 =	simm.s32 $0x2500;
	s2 =	simm.s32 $0x0;
	s10 =	simm.s32 $0x580;
	v3 =	vand.u32 $0xFFFF0000, v4;
	v0 =	vshll.u32 v0, $0x10;
	[tilespmem:s9+$0x40] =	vst v5  }
.LBB2_15:
0x2a7: {  	v4 =	vld [tilespmem:s10+$0x40];
	v5 =	vshll.u32 v2, $0x10;
	v2 =	vand.u32 $0xFFFF0000, v2;
	[tilespmem:s9+$0x50] =	vst v3  }
0x2a8: {  	v3 =	vld [tilespmem:s10+$0xFFFFFFC0];
	[tilespmem:s9+$0xFFFFFF60] =	vst v5  }
0x2a9: {  	v5 =	vld [tilespmem:s10+$0x0];
	[tilespmem:s9+$0xFFFFFF70] =	vst v2;
	v2 =	vshll.u32 v1, $0x10;
	v1 =	vand.u32 $0xFFFF0000, v1  }
0x2aa: {  	s2 =	sadd.s32 $0x4, s2;
	v6 =	vld [tilespmem:s10+$0xFFFFFF80];
	[tilespmem:s9+$0xFFFFFFE0] =	vst v2  }
0x2ab: {  	p1 =	slt.u32 s2, $0x3C;
	[tilespmem:s9+$0xFFFFFFF0] =	vst v1;
	v1 =	vld [tilespmem:s26+$0x30];
	s26 =	smov.u32 s10  }
0x2ac: {  	s9 =	sadd.s32 $0x200, s9;
	v2 =	vshll.u32 v4, $0x10;
	[tilespmem:s28+$0xE0] =	vst v0  }
0x2ad: {  	v4 =	vand.u32 $0xFFFF0000, v4;
	v0 =	vshll.u32 v3, $0x10;
	v3 =	vand.u32 $0xFFFF0000, v3;
	[tilespmem:s9+$0x80] =	vst v2  }
0x2ae: {  	v2 =	vshll.u32 v5, $0x10;
	v5 =	vand.u32 $0xFFFF0000, v5;
	[tilespmem:s9+$0x90] =	vst v4  }
0x2af: {  	v4 =	vshll.u32 v6, $0x10;
	v6 =	vand.u32 $0xFFFF0000, v6;
	[tilespmem:s9+$0xFFFFFF80] =	vst v0;
	v0 =	vld [tilespmem:s10+$0x50]  }
0x2b0: {  	[tilespmem:s9+$0xFFFFFF00] =	vst v4;
	v4 =	vshll.u32 v1, $0x10;
	v7 =	vand.u32 $0xFFFF0000, v1  }
0x2b1: {  	[tilespmem:s9+$0xFFFFFF10] =	vst v6  }
0x2b2: {  	v1 =	vld [tilespmem:s10+$0xFFFFFF90];
	[tilespmem:s9+$0xFFFFFF90] =	vst v3  }
0x2b3: {  	v3 =	vld [tilespmem:s10+$0xFFFFFFD0];
	[tilespmem:s9+$0x0] =	vst v2  }
0x2b4: {  	[tilespmem:s9+$0x10] =	vst v5;
	v2 =	vshll.u32 v0, $0x10  }
0x2b5: {  	v0 =	vand.u32 $0xFFFF0000, v0;
	v5 =	vld [tilespmem:s10+$0x10];
	[tilespmem:s9+$0xA0] =	vst v2  }
0x2b6: {  	[tilespmem:s9+$0xB0] =	vst v0  }
0x2b7: {  	v0 =	vshll.u32 v1, $0x10;
	v1 =	vand.u32 $0xFFFF0000, v1;
	v2 =	vld [tilespmem:s10+$0x60];
	[tilespmem:s28+$0x60] =	vst v4  }
0x2b8: {  	[tilespmem:s9+$0xFFFFFF20] =	vst v0;
	v0 =	vshll.u32 v3, $0x10;
	v3 =	vand.u32 $0xFFFF0000, v3  }
0x2b9: {  	[tilespmem:s9+$0xFFFFFF30] =	vst v1  }
0x2ba: {  	v1 =	vld [tilespmem:s10+$0xFFFFFFA0];
	[tilespmem:s9+$0xFFFFFFA0] =	vst v0;
	v0 =	vshll.u32 v5, $0x10;
	v4 =	vand.u32 $0xFFFF0000, v5  }
0x2bb: {  	[tilespmem:s9+$0xFFFFFFB0] =	vst v3  }
0x2bc: {  	v3 =	vld [tilespmem:s10+$0xFFFFFFE0];
	[tilespmem:s9+$0x20] =	vst v0;
	v0 =	vshll.u32 v2, $0x10  }
0x2bd: {  	v2 =	vand.u32 $0xFFFF0000, v2;
	[tilespmem:s9+$0xC0] =	vst v0  }
0x2be: {  	[tilespmem:s9+$0xD0] =	vst v2  }
0x2bf: {  	v0 =	vshll.u32 v1, $0x10;
	v1 =	vand.u32 $0xFFFF0000, v1;
	[tilespmem:s9+$0x30] =	vst v4;
	v4 =	vld [tilespmem:s10+$0x70]  }
0x2c0: {  	[tilespmem:s9+$0xFFFFFF40] =	vst v0;
	v5 =	vld [tilespmem:s10+$0x20]  }
0x2c1: {  	[tilespmem:s9+$0xFFFFFF50] =	vst v1;
	v0 =	vshll.u32 v3, $0x10;
	v1 =	vand.u32 $0xFFFF0000, v3  }
.Ltmp6:
0x2c2: {  	v2 =	vld [tilespmem:s10+$0xFFFFFFB0];
	[tilespmem:s9+$0xFFFFFFC0] =	vst v0;
	(pc) =	sbr.rel @p1 .LBB2_15-.Ltmp6, $4  }
0x2c3: {  	[tilespmem:s9+$0xFFFFFFD0] =	vst v1  }
0x2c4: {  	v1 =	vld [tilespmem:s10+$0xFFFFFFF0];
	v0 =	vshll.u32 v4, $0x10;
	v4 =	vand.u32 $0xFFFF0000, v4;
	[tilespmem:s28+$0x70] =	vst v7;
	s28 =	smov.u32 s9  }
0x2c5: {  	v6 =	vshll.u32 v5, $0x10;
	v3 =	vand.u32 $0xFFFF0000, v5;
	[tilespmem:s9+$0xF0] =	vst v4  }
0x2c6: {  	s10 =	sadd.s32 $0x100, s10;
	[tilespmem:s9+$0x40] =	vst v6  }
0x2c7: {  	[tilespmem:s9+$0x50] =	vst v3  }
0x2c8: {  	v4 =	vld [tilespmem:s26+$0x30]  }
0x2c9: {  	v3 =	vshll.u32 v2, $0x10;
	[tilespmem:s28+$0xE0] =	vst v0  }
0x2ca: {  	v2 =	vand.u32 $0xFFFF0000, v2;
	[tilespmem:s9+$0xFFFFFF60] =	vst v3  }
0x2cb: {  	[tilespmem:s9+$0xFFFFFF70] =	vst v2;
	v2 =	vshll.u32 v1, $0x10  }
0x2cc: {  	v1 =	vand.u32 $0xFFFF0000, v1;
	[tilespmem:s9+$0xFFFFFFE0] =	vst v2  }
0x2cd: {  	[tilespmem:s9+$0xFFFFFFF0] =	vst v1;
	v0 =	vshll.u32 v4, $0x10  }
0x2ce: {  	v1 =	vand.u32 $0xFFFF0000, v4;
	[tilespmem:s28+$0x60] =	vst v0  }
0x2cf: {  	s2 =	simm.s32 @p3 $0x5;
	[tilespmem:s28+$0x70] =	vst v1  }
0x2d0: {  	_ =	swait.ge @p3 [sflag:s2], $0x40  }
0x2d1: {  	[sflag:s2] =	ssyncset.done @p3 $0x0  }
0x2d2: {  	[sflag:s2] =	ssyncadd.s32 @p3 $0xFFFFFFC0  }
0x2d3: {  	_ =	swait.ge @p3 [sflag:s2], $0x40  }
0x2d4: {  	s10 =	simm.s32 @p3 $0x400;
	[sflag:s2] =	ssyncset.done @p3 $0x0  }
0x2d5: {  	s9 =	simm.s32 @p3 $0x0;
	[sflag:s2] =	ssyncadd.s32 @p3 $0xFFFFFFC0;
	s2 =	simm.s32 @p3 $0x40  }
0x2d6: {  	[tilespmem:s10], [sflag:$0x1] =	stream.indirect.gather @p3 [hbm4b:s1+s2], $0x40, s9, s2, $0xb8;
	[tilespmem:$0x1A000] =	vst v63  }
0x2d7: {  	_ = 	snop  }
0x2d8: {  	[spmem:s3] =	stream.indirect.scatter.add.f32 [tilespmem:s30], [sflag:$0x3], $0x80, s23, s13, $0xb8;
	[tilespmem:$0x1A000] =	vst v63  }
0x2d9: {  	s2 =	sadd.s32 @!p0 $0xD, s11;
	_ =	swait.ge [sflag:s31], $0x1000  }
0x2da: {  	p1 =	sge.s32 @!p0 s2, s8;
	[sflag:s31] =	ssyncset.done $0x0  }
0x2db: {  	s9 =	simm.s32 @!p0 $0x4;
	p1 =	por p1, p0;
	[sflag:s31] =	ssyncadd.s32 $0xFFFFF000  }
0x2dc: {  	s2 =	sshll.u32 @!p1 s2, $0x6;
	_ =	swait.ge @!p0 [sflag:s9], $0x2000  }
0x2dd: {  	s10 =	simm.s32 @!p1 $0x0;
	s2 =	sadd.s32 @!p1 s7, s2;
	[sflag:s9] =	ssyncset.done @!p0 $0x0  }
0x2de: {  	[sflag:s9] =	ssyncadd.s32 @!p0 $0xFFFFE000;
	s9 =	sshrl.u32 @!p1 s2, $0x3;
	s2 =	sadd.s32 @!p1 $0x4E200, s2  }
0x2df: {  	s11 =	simm.s32 @!p1 $0x140;
	s9 =	sadd.s32 @!p1 s5, s9;
	s2 =	sshrl.u32 @!p1 s2, $0x3  }
0x2e0: {  	[tilespmem:s11], [sflag:$0xA] =	stream.linear.gather @!p1 [hbm4b:s9+s10], $0x40, $0x38;
	[tilespmem:$0x1A000] =	vst v63  }
0x2e1: {  	s2 =	sadd.s32 @!p1 s5, s2;
	s9 =	simm.s32 @!p1 $0x340;
	s11 =	simm.s32 $0x1480  }
0x2e2: {  	[tilespmem:s9], [sflag:$0xA] =	stream.linear.gather @!p1 [hbm4b:s2+s10], $0x40, $0x38;
	[tilespmem:$0x1A000] =	vst v63  }
0x2e3: {  	v0 =	vld [tilespmem:s11+$0x40];
	_ =	sdelay $0x1  }
0x2e4: {  	v1 =	vld [tilespmem:s11+$0xFFFFFFC0]  }
0x2e5: {  	v2 =	vld [tilespmem:s11+$0xFFFFFF80];
	_ =	sdelay $0x1  }
0x2e6: {  	s9 =	simm.s32 $0x4500;
	v3 =	vshll.u32 v0, $0x10  }
0x2e7: {  	v4 =	vld [tilespmem:s11+$0x0];
	v0 =	vand.u32 $0xFFFF0000, v0;
	[tilespmem:s9+$0x80] =	vst v3  }
0x2e8: {  	v3 =	vshll.u32 v1, $0x10;
	[tilespmem:s9+$0x90] =	vst v0  }
0x2e9: {  	v0 =	vshll.u32 v2, $0x10;
	[tilespmem:s9+$0xFFFFFF80] =	vst v3;
	v3 =	vld [tilespmem:s11+$0x50]  }
0x2ea: {  	v2 =	vand.u32 $0xFFFF0000, v2;
	[tilespmem:s9+$0xFFFFFF00] =	vst v0  }
0x2eb: {  	v0 =	vand.u32 $0xFFFF0000, v1;
	[tilespmem:s9+$0xFFFFFF10] =	vst v2  }
0x2ec: {  	v1 =	vshll.u32 v4, $0x10;
	v2 =	vld [tilespmem:s11+$0xFFFFFF90];
	[tilespmem:s9+$0xFFFFFF90] =	vst v0  }
0x2ed: {  	v0 =	vand.u32 $0xFFFF0000, v4;
	[tilespmem:s9+$0x0] =	vst v1  }
0x2ee: {  	v1 =	vld [tilespmem:s11+$0xFFFFFFD0];
	[tilespmem:s9+$0x10] =	vst v0;
	v0 =	vshll.u32 v3, $0x10  }
0x2ef: {  	v3 =	vand.u32 $0xFFFF0000, v3;
	[tilespmem:s9+$0xA0] =	vst v0  }
0x2f0: {  	v0 =	vld [tilespmem:s11+$0x10];
	[tilespmem:s9+$0xB0] =	vst v3  }
0x2f1: {  	v3 =	vshll.u32 v2, $0x10;
	v4 =	vld [tilespmem:s11+$0x60]  }
0x2f2: {  	v2 =	vand.u32 $0xFFFF0000, v2;
	[tilespmem:s9+$0xFFFFFF20] =	vst v3  }
0x2f3: {  	v3 =	vshll.u32 v1, $0x10;
	[tilespmem:s9+$0xFFFFFF30] =	vst v2  }
0x2f4: {  	v1 =	vand.u32 $0xFFFF0000, v1;
	[tilespmem:s9+$0xFFFFFFA0] =	vst v3  }
0x2f5: {  	v2 =	vld [tilespmem:s11+$0xFFFFFFA0];
	[tilespmem:s9+$0xFFFFFFB0] =	vst v1;
	v3 =	vshll.u32 v0, $0x10  }
0x2f6: {  	[tilespmem:s9+$0x20] =	vst v3;
	v1 =	vshll.u32 v4, $0x10  }
0x2f7: {  	v3 =	vld [tilespmem:s11+$0xFFFFFFE0];
	v4 =	vand.u32 $0xFFFF0000, v4;
	[tilespmem:s9+$0xC0] =	vst v1  }
0x2f8: {  	v0 =	vand.u32 $0xFFFF0000, v0;
	[tilespmem:s9+$0xD0] =	vst v4  }
0x2f9: {  	[tilespmem:s9+$0x30] =	vst v0;
	v0 =	vld [tilespmem:s11+$0x70]  }
0x2fa: {  	v1 =	vshll.u32 v2, $0x10  }
0x2fb: {  	v4 =	vld [tilespmem:s11+$0x20];
	v2 =	vand.u32 $0xFFFF0000, v2;
	[tilespmem:s9+$0xFFFFFF40] =	vst v1  }
0x2fc: {  	[tilespmem:s9+$0xFFFFFF50] =	vst v2;
	v2 =	vand.u32 $0xFFFF0000, v3  }
0x2fd: {  	v1 =	vshll.u32 v3, $0x10;
	[tilespmem:s9+$0xFFFFFFD0] =	vst v2;
	v2 =	vld [tilespmem:s11+$0xFFFFFFB0]  }
0x2fe: {  	[tilespmem:s9+$0xFFFFFFC0] =	vst v1;
	v1 =	vand.u32 $0xFFFF0000, v0  }
0x2ff: {  	[tilespmem:s9+$0xF0] =	vst v1;
	v1 =	vld [tilespmem:s11+$0xFFFFFFF0]  }
0x300: {  	v5 =	vshll.u32 v4, $0x10  }
0x301: {  	s26 =	simm.s32 $0x4500;
	s2 =	simm.s32 $0x0;
	s10 =	simm.s32 $0x1580;
	v3 =	vand.u32 $0xFFFF0000, v4;
	v0 =	vshll.u32 v0, $0x10;
	[tilespmem:s9+$0x40] =	vst v5  }
.LBB2_17:
0x302: {  	v4 =	vld [tilespmem:s10+$0x40];
	v5 =	vshll.u32 v2, $0x10;
	v2 =	vand.u32 $0xFFFF0000, v2;
	[tilespmem:s9+$0x50] =	vst v3  }
0x303: {  	v3 =	vld [tilespmem:s10+$0xFFFFFFC0];
	[tilespmem:s9+$0xFFFFFF60] =	vst v5  }
0x304: {  	v5 =	vld [tilespmem:s10+$0x0];
	[tilespmem:s9+$0xFFFFFF70] =	vst v2;
	v2 =	vshll.u32 v1, $0x10;
	v1 =	vand.u32 $0xFFFF0000, v1  }
0x305: {  	s2 =	sadd.s32 $0x4, s2;
	v6 =	vld [tilespmem:s10+$0xFFFFFF80];
	[tilespmem:s9+$0xFFFFFFE0] =	vst v2  }
0x306: {  	p0 =	slt.u32 s2, $0x3C;
	[tilespmem:s9+$0xFFFFFFF0] =	vst v1;
	v1 =	vld [tilespmem:s11+$0x30];
	s11 =	smov.u32 s10  }
0x307: {  	s9 =	sadd.s32 $0x200, s9;
	v2 =	vshll.u32 v4, $0x10;
	[tilespmem:s26+$0xE0] =	vst v0  }
0x308: {  	v4 =	vand.u32 $0xFFFF0000, v4;
	v0 =	vshll.u32 v3, $0x10;
	v3 =	vand.u32 $0xFFFF0000, v3;
	[tilespmem:s9+$0x80] =	vst v2  }
0x309: {  	v2 =	vshll.u32 v5, $0x10;
	v5 =	vand.u32 $0xFFFF0000, v5;
	[tilespmem:s9+$0x90] =	vst v4  }
0x30a: {  	v4 =	vshll.u32 v6, $0x10;
	v6 =	vand.u32 $0xFFFF0000, v6;
	[tilespmem:s9+$0xFFFFFF80] =	vst v0;
	v0 =	vld [tilespmem:s10+$0x50]  }
0x30b: {  	[tilespmem:s9+$0xFFFFFF00] =	vst v4;
	v4 =	vshll.u32 v1, $0x10;
	v7 =	vand.u32 $0xFFFF0000, v1  }
0x30c: {  	[tilespmem:s9+$0xFFFFFF10] =	vst v6  }
0x30d: {  	v1 =	vld [tilespmem:s10+$0xFFFFFF90];
	[tilespmem:s9+$0xFFFFFF90] =	vst v3  }
0x30e: {  	v3 =	vld [tilespmem:s10+$0xFFFFFFD0];
	[tilespmem:s9+$0x0] =	vst v2  }
0x30f: {  	[tilespmem:s9+$0x10] =	vst v5;
	v2 =	vshll.u32 v0, $0x10  }
0x310: {  	v0 =	vand.u32 $0xFFFF0000, v0;
	v5 =	vld [tilespmem:s10+$0x10];
	[tilespmem:s9+$0xA0] =	vst v2  }
0x311: {  	[tilespmem:s9+$0xB0] =	vst v0  }
0x312: {  	v0 =	vshll.u32 v1, $0x10;
	v1 =	vand.u32 $0xFFFF0000, v1;
	v2 =	vld [tilespmem:s10+$0x60];
	[tilespmem:s26+$0x60] =	vst v4  }
0x313: {  	[tilespmem:s9+$0xFFFFFF20] =	vst v0;
	v0 =	vshll.u32 v3, $0x10;
	v3 =	vand.u32 $0xFFFF0000, v3  }
0x314: {  	[tilespmem:s9+$0xFFFFFF30] =	vst v1  }
0x315: {  	v1 =	vld [tilespmem:s10+$0xFFFFFFA0];
	[tilespmem:s9+$0xFFFFFFA0] =	vst v0;
	v0 =	vshll.u32 v5, $0x10;
	v4 =	vand.u32 $0xFFFF0000, v5  }
0x316: {  	[tilespmem:s9+$0xFFFFFFB0] =	vst v3  }
0x317: {  	v3 =	vld [tilespmem:s10+$0xFFFFFFE0];
	[tilespmem:s9+$0x20] =	vst v0;
	v0 =	vshll.u32 v2, $0x10  }
0x318: {  	v2 =	vand.u32 $0xFFFF0000, v2;
	[tilespmem:s9+$0xC0] =	vst v0  }
0x319: {  	[tilespmem:s9+$0xD0] =	vst v2  }
0x31a: {  	v0 =	vshll.u32 v1, $0x10;
	v1 =	vand.u32 $0xFFFF0000, v1;
	[tilespmem:s9+$0x30] =	vst v4;
	v4 =	vld [tilespmem:s10+$0x70]  }
0x31b: {  	[tilespmem:s9+$0xFFFFFF40] =	vst v0;
	v5 =	vld [tilespmem:s10+$0x20]  }
0x31c: {  	[tilespmem:s9+$0xFFFFFF50] =	vst v1;
	v0 =	vshll.u32 v3, $0x10;
	v1 =	vand.u32 $0xFFFF0000, v3  }
.Ltmp7:
0x31d: {  	v2 =	vld [tilespmem:s10+$0xFFFFFFB0];
	[tilespmem:s9+$0xFFFFFFC0] =	vst v0;
	(pc) =	sbr.rel @p0 .LBB2_17-.Ltmp7, $4  }
0x31e: {  	[tilespmem:s9+$0xFFFFFFD0] =	vst v1  }
0x31f: {  	v1 =	vld [tilespmem:s10+$0xFFFFFFF0];
	v0 =	vshll.u32 v4, $0x10;
	v4 =	vand.u32 $0xFFFF0000, v4;
	[tilespmem:s26+$0x70] =	vst v7;
	s26 =	smov.u32 s9  }
0x320: {  	v6 =	vshll.u32 v5, $0x10;
	v3 =	vand.u32 $0xFFFF0000, v5;
	[tilespmem:s9+$0xF0] =	vst v4  }
0x321: {  	s10 =	sadd.s32 $0x100, s10;
	[tilespmem:s9+$0x40] =	vst v6  }
0x322: {  	[tilespmem:s9+$0x50] =	vst v3  }
0x323: {  	v4 =	vld [tilespmem:s11+$0x30]  }
0x324: {  	v58 =	vshll.u32 v2, $0x10;
	[tilespmem:s26+$0xE0] =	vst v0  }
0x325: {  	v59 =	vand.u32 $0xFFFF0000, v2;
	[tilespmem:s9+$0xFFFFFF60] =	vst v58  }
0x326: {  	[tilespmem:s9+$0xFFFFFF70] =	vst v59;
	v60 =	vshll.u32 v1, $0x10  }
0x327: {  	v61 =	vand.u32 $0xFFFF0000, v1;
	[tilespmem:s9+$0xFFFFFFE0] =	vst v60  }
0x328: {  	[tilespmem:s9+$0xFFFFFFF0] =	vst v61;
	v62 =	vshll.u32 v4, $0x10  }
0x329: {  	v63 =	vand.u32 $0xFFFF0000, v4;
	[tilespmem:s26+$0x60] =	vst v62  }
0x32a: {  	s2 =	simm.s32 @p4 $0x6;
	[tilespmem:s26+$0x70] =	vst v63  }
0x32b: {  	_ =	swait.ge @p4 [sflag:s2], $0x40  }
0x32c: {  	[sflag:s2] =	ssyncset.done @p4 $0x0  }
0x32d: {  	s6 =	sadd.s32 $0x1, s6;
	[sflag:s2] =	ssyncadd.s32 @p4 $0xFFFFFFC0  }
0x32e: {  	p0 =	sne.s32 s6, s24;
	_ =	swait.ge @p4 [sflag:s2], $0x40  }
.Ltmp8:
0x32f: {  	[sflag:s2] =	ssyncset.done @p4 $0x0;
	(pc) =	sbr.rel @p0 .LBB2_2-.Ltmp8, $4  }
0x330: {  	s9 =	simm.s32 @p4 $0x1400;
	[sflag:s2] =	ssyncadd.s32 @p4 $0xFFFFFFC0;
	s2 =	simm.s32 @p4 $0x40  }
0x331: {  	[tilespmem:s9], [sflag:$0x2] =	stream.indirect.gather @p4 [hbm4b:s1+s2], $0x40, s2, s2, $0xb8;
	[tilespmem:$0x1A000] =	vst v63  }
0x332: {  	_ = 	snop  }
0x333: {  	[spmem:s3] =	stream.indirect.scatter.add.f32 [tilespmem:s0], [sflag:$0x4], $0x80, s25, s13, $0xb8;
	[tilespmem:$0x1A000] =	vst v63  }
0x334: {  	s2 =	simm.s32 $0x3  }
0x335: {  	_ =	swait.ge [sflag:s2], $0x2000  }
0x336: {  	[sflag:s2] =	ssyncset.done $0x0  }
0x337: {  	s11 =	simm.s32 $0x4;
	[sflag:s2] =	ssyncadd.s32 $0xFFFFE000  }
0x338: {  	_ =	swait.ge [sflag:s11], $0x2000  }
0x339: {  	[sflag:s11] =	ssyncset.done $0x0  }
0x33a: {  	[sflag:s11] =	ssyncadd.s32 $0xFFFFE000  }
0x33b: {  	[bflag:$0x0] =	sbarrier.arrive $0xFFFF  }
0x33c: {  	s11 =	rddreg [dreg:$0x7]  }
0x33d: {  	s26 =	rddreg [dreg:$0xf]  }
0x33e: {  	s6 =	rddreg [dreg:$0x1a]  }
0x33f: {  	[hbm:s26], [sflag:s11] =	dma.local [spmem:s6], $0x2780  }
0x340: {  	s6 =	simm.s32 $0xD  }
0x341: {  	_ =	swait.ge [sflag:s6], $0x2780  }
0x342: {  	s9 =	rddreg [dreg:$0x19]  }
0x343: {  	s28 =	rddreg [dreg:$0x10];
	s9 =	sadd.s32 $0x1, s9  }
0x344: {  	p0 =	sne.s32 s9, s28  }
.Ltmp9:
0x345: {  	_ = 	snop;
	(pc) =	sbr.rel @p0 .LBB2_1-.Ltmp9, $3  }
0x346: {  	_ =	sdelay $0x1  }
0x347: {  	[sflag:s6] =	ssyncset.done $0x0  }
0x348: {  	[sflag:s6] =	ssyncadd.s32 $0xFFFFD880  }
0x349: {  	_ =	sfence.sel $0x180000  }
0x34a: {  	[bflag:$0x0] =	sbarrier.arrive $0xFFFF  }
0x34b: {  	_ =	strace $0x9000004A  }
0x34c: {  	s0 =	stileid.u32;
	[bflag:$0x2] =	sbarrier.arrive $0xFFFF  }
0x34d: {  	p0 =	sne.s32 s0, $0x0;
	s0 =	rddreg [dreg:$0x3]  }
0x34e: {  	s0 =	sadd.s32 @!p0 $0x100000, s0  }
0x34f: {  	[sflag:s0] =	ssyncadd.tile.s32 @!p0 $0x1;
	_ =	shalt  }
.Lfunc_end2:
_tile_overlayer_lowered:
.L_overlay_start_2:
0x350: {  	(tag) =	ssettag $0x2  }
0x351: {  	s0 =	rddreg [dreg:$0x0];
	s2 =	stileid.u32  }
0x352: {  	s1 =	rddreg [dreg:$0x1];
	p0 =	sne.s32 s2, $0x0  }
0x353: {  	s3 =	rddreg [dreg:$0x2];
	[bflag:$0x3] =	sbarrier.arrive $0xFFFF;
	s2 =	simm.s32 @!p0 $0x1C0D  }
0x354: {  	[timem:s3], [sflag:s2] =	dma.local @!p0 [hbm:s0], s1  }
0x355: {  	s0 =	simm.s32 @!p0 $0xD  }
0x356: {  	_ =	swait.ge @!p0 [sflag:s0], s1  }
0x357: {  	s1 =	ssub.s32 @!p0 $0x0, s1;
	[sflag:s0] =	ssyncset.done @!p0 $0x0  }
0x358: {  	[sflag:s0] =	ssyncadd.s32 @!p0 s1  }
0x359: {  	[bflag:$0x3] =	sbarrier.arrive $0xFFFF  }
0x35a: {  	_ =	shalt  }

</sc_bundles>
